<compile_context>
chip_gen: v7x
topology: tpu7x:2x2x1
jax: 0.10.2.dev20260603
libtpu: 0.0.44.dev20260713+nightly
codegen_flags: <defaults>
</compile_context>

<pallas_src>
import functools

import jax
import jax.numpy as jnp
from jax import lax
from jax.experimental import pallas as pl
from jax.experimental.pallas import tpu as pltpu
from jax.experimental.pallas import tpu_sc as plsc

B, N, E, D, EDI = 8, 512, 5120, 128, 27
SLOPE = 0.01
C_W = 0.3
F_W = 0.3
EB = 5120
NEB = E // EB
TB = 2 * B
TOT_E = TB * E
NC, NS = 2, 16
NW = NC * NS
EPW = TOT_E // NW
GK = 128
CH = EPW // GK
F32 = jnp.float32


def _lrelu(x):
    return jnp.where(x >= 0, x, SLOPE * x)


def _ln(x, g, b, eps=1e-5):
    mu = jnp.mean(x, axis=-1, keepdims=True)
    var = jnp.mean((x - mu) * (x - mu), axis=-1, keepdims=True)
    return (x - mu) * jax.lax.rsqrt(var + eps) * g + b


def _dot(a, b):
    return jnp.dot(a, b, preferred_element_type=F32)


def _bdot(a, b):
    return jnp.dot(a.astype(jnp.bfloat16), b, preferred_element_type=F32)


def _prep_body(f, w1fr, w1fs, g1_o, g2_o):
    g1_o[0] = _dot(f[0], w1fr[...])
    g2_o[0] = _dot(f[0], w1fs[...])


def _make_sc_body(epw, ch):
    def _sc_gather_body(g1, g2, cx, cy, cz, ridx, sidx,
                        fr_o, fs_o, rx_o, ry_o, rz_o, d2_o,
                        idxr_v, idxs_v, b1, b2,
                        bxr, byr, bzr, bxs, bys, bzs, brel,
                        s1, s2, sc1, sc2):
        w = lax.axis_index("s") * NC + lax.axis_index("c")
        pltpu.sync_copy(ridx.at[w], idxr_v)
        pltpu.sync_copy(sidx.at[w], idxs_v)

        def chunk(j, carry):
            c1 = pltpu.async_copy(g1.at[idxr_v.at[j]], b1, s1)
            c2 = pltpu.async_copy(g2.at[idxs_v.at[j]], b2, s2)
            g_xr = pltpu.async_copy(cx.at[idxr_v.at[j]], bxr, sc1)
            g_yr = pltpu.async_copy(cy.at[idxr_v.at[j]], byr, sc1)
            g_zr = pltpu.async_copy(cz.at[idxr_v.at[j]], bzr, sc1)
            g_xs = pltpu.async_copy(cx.at[idxs_v.at[j]], bxs, sc2)
            g_ys = pltpu.async_copy(cy.at[idxs_v.at[j]], bys, sc2)
            g_zs = pltpu.async_copy(cz.at[idxs_v.at[j]], bzs, sc2)
            g_xr.wait()
            g_yr.wait()
            g_zr.wait()
            g_xs.wait()
            g_ys.wait()
            g_zs.wait()
            for g in range(GK // 16):
                sl = pl.ds(g * 16, 16)
                vx = bxr[sl] - bxs[sl]
                vy = byr[sl] - bys[sl]
                vz = bzr[sl] - bzs[sl]
                brel[0, sl] = vx
                brel[1, sl] = vy
                brel[2, sl] = vz
                brel[3, sl] = vx * vx + vy * vy + vz * vz
            base = w * epw + j * GK
            pltpu.sync_copy(brel.at[0], rx_o.at[pl.ds(base, GK)])
            pltpu.sync_copy(brel.at[1], ry_o.at[pl.ds(base, GK)])
            pltpu.sync_copy(brel.at[2], rz_o.at[pl.ds(base, GK)])
            pltpu.sync_copy(brel.at[3], d2_o.at[pl.ds(base, GK)])
            c1.wait()
            c2.wait()
            pltpu.sync_copy(b1, fr_o.at[pl.ds(base, GK)])
            pltpu.sync_copy(b2, fs_o.at[pl.ds(base, GK)])
            return carry

        lax.fori_loop(0, ch, chunk, 0)
    return _sc_gather_body


def _edge_body(r_row, r8, eye8, fr, fs, e32, w1d, w1e, invsig,
               b_e1, g_eln1, be_eln1, w_e2, b_e2, w_c1, b_c1, g_cln1, b_cln1,
               w_c2, b_c2p, out_msum, out_aux):
    eb = pl.program_id(1)
    idx_rr = r_row[0, 0, :, :]

    m8 = r8[0, 0]
    cols = lax.dot_general(m8, eye8[...], (((0,), (0,)), ((), ())),
                           preferred_element_type=F32)
    lane = lax.broadcasted_iota(jnp.int32, (EB, 8), 1)
    d2 = cols[:, 4:5]
    dist = jnp.exp(-d2 * invsig[...])

    x = fr[0] + fs[0] + _bdot(dist, w1d[...]) + _bdot(e32[0], w1e[...]) \
        + b_e1[...]
    x = _ln(_lrelu(x), g_eln1[...], be_eln1[...])
    msg = _bdot(x, w_e2[...]) + b_e2[...]

    cw = _ln(_lrelu(_bdot(msg, w_c1[...]) + b_c1[...]), g_cln1[...],
             b_cln1[...])
    coef = (_bdot(cw, w_c2[...]) + b_c2p[...])[:, 0:1]
    aux = cols * (coef * (lane < 3).astype(F32) + (lane == 3).astype(F32))

    iota_c = lax.broadcasted_iota(jnp.int32, (N, EB), 0)
    oh_n = (iota_c == idx_rr).astype(jnp.bfloat16)
    msum = jnp.dot(oh_n, msg.astype(jnp.bfloat16),
                   preferred_element_type=F32)
    asum = jnp.dot(oh_n, aux.astype(jnp.bfloat16),
                   preferred_element_type=F32)

    @pl.when(eb == 0)
    def _():
        out_msum[0] = msum
        out_aux[0] = asum

    @pl.when(eb != 0)
    def _():
        out_msum[0] += msum
        out_aux[0] += asum


def _att_body(fq, fk, wq, wk, wv, out):
    q = _lrelu(_dot(fq[0], wq[...]))
    k = _lrelu(_dot(fk[0], wk[...]))
    v = _dot(fk[0], wv[...])
    logits = lax.dot_general(q, k, (((1,), (1,)), ((), ())),
                             preferred_element_type=F32)
    a = logits - jnp.max(logits, axis=-1, keepdims=True)
    ea = jnp.exp(a)
    a = ea / jnp.sum(ea, axis=-1, keepdims=True)
    out[0] = _dot(a, v)


def _node_body(c8, f, of, m, cross, msum, aux, g_nln1, b_nln1, wn1_f, wn1_agg,
               wn1_cross, wn1_of, b_n1, g_nln2, b_nln2, w_n2, b_n2, g_nln3,
               b_nln3, out_c, out_f):
    cnt = aux[0][:, 3:4]
    denom = jnp.maximum(cnt, 1.0)
    agg = _ln(msum[0] / denom, g_nln1[...], b_nln1[...])
    trans = aux[0] / denom
    out_c[0] = (c8[0] + C_W * trans) * m[0]

    h = _lrelu(_dot(f[0], wn1_f[...]) + _dot(agg, wn1_agg[...]) +
               _dot(cross[0], wn1_cross[...]) + _dot(of[0], wn1_of[...]) +
               b_n1[...])
    h = _ln(h, g_nln2[...], b_nln2[...])
    h = _ln(_dot(h, w_n2[...]) + b_n2[...], g_nln3[...], b_nln3[...])
    out_f[0] = (F_W * h + (1.0 - F_W) * f[0]) * m[0]


def _full(i):
    return pl.BlockSpec(i.shape, lambda *_: (0,) * len(i.shape))


def kernel(key, is_training, c_rec, f_rec, oc_rec, of_rec, e_rec, s_rec,
           r_rec, m_rec, c_lig, f_lig, oc_lig, of_lig, e_lig, s_lig, r_lig,
           m_lig, W_e1, b_e1, g_eln1, be_eln1, W_e2, b_e2, W_Q, W_K, W_V,
           g_nln1, b_nln1, W_n1, b_n1, g_nln2, b_nln2, W_n2, b_n2, g_nln3,
           b_nln3, W_c1, b_c1, g_cln1, b_cln1, W_c2, b_c2):
    f_all = jnp.concatenate([f_rec, f_lig], axis=0)
    of_all = jnp.concatenate([of_rec, of_lig], axis=0)
    c_all = jnp.concatenate([c_rec, c_lig], axis=0)
    c8 = jnp.pad(c_all, ((0, 0), (0, 0), (0, 5)))
    e_all = jnp.concatenate([e_rec, e_lig], axis=0)
    e32 = jnp.pad(e_all, ((0, 0), (0, 0), (0, 32 - EDI)))
    r_all = jnp.concatenate([r_rec, r_lig], axis=0)
    s_all = jnp.concatenate([s_rec, s_lig], axis=0)
    m_all = jnp.concatenate([m_rec, m_lig], axis=0)[..., None]

    offs = (jnp.arange(TB, dtype=jnp.int32) * N)[:, None]
    r_glob = (r_all + offs).reshape(NW, CH, GK)
    s_glob = (s_all + offs).reshape(NW, CH, GK)
    r_row = r_all.reshape(TB, NEB, 1, EB)

    w1fr = W_e1[0:D]
    w1fs = W_e1[D:2 * D]
    w1d = jnp.pad(W_e1[2 * D:2 * D + 15], ((0, 1), (0, 0)))
    w1e = jnp.pad(W_e1[2 * D + 15:], ((0, 32 - EDI), (0, 0)))
    invsig = jnp.pad((1.0 / 1.5) ** jnp.arange(15, dtype=F32),
                     (0, 1)).reshape(1, 16)
    w_c2p = jnp.pad(W_c2, ((0, 0), (0, 7)))
    b_c2p = jnp.pad(b_c2, (0, 7)).reshape(1, 8)

    def row(v):
        return v.reshape(1, -1)

    prep = pl.pallas_call(
        _prep_body,
        grid=(TB,),
        in_specs=[pl.BlockSpec((1, N, D), lambda sb: (sb, 0, 0)),
                  _full(w1fr), _full(w1fs)],
        out_specs=[pl.BlockSpec((1, N, D), lambda sb: (sb, 0, 0)),
                   pl.BlockSpec((1, N, D), lambda sb: (sb, 0, 0))],
        out_shape=[jax.ShapeDtypeStruct((TB, N, D), F32),
                   jax.ShapeDtypeStruct((TB, N, D), F32)],
    )
    g1t, g2t = prep(f_all, w1fr, w1fs)

    H = TB // 4
    TOT_EH = TOT_E // 4
    EPW_H = TOT_EH // NW
    CH_H = EPW_H // GK
    sc_gather = functools.partial(
        pl.kernel,
        mesh=plsc.VectorSubcoreMesh(core_axis_name="c", subcore_axis_name="s"),
        out_type=[
            jax.ShapeDtypeStruct((TOT_EH, D), F32),
            jax.ShapeDtypeStruct((TOT_EH, D), F32),
            jax.ShapeDtypeStruct((TOT_EH,), F32),
            jax.ShapeDtypeStruct((TOT_EH,), F32),
            jax.ShapeDtypeStruct((TOT_EH,), F32),
            jax.ShapeDtypeStruct((TOT_EH,), F32),
        ],
        scratch_types=[
            pltpu.VMEM((CH_H, GK), jnp.int32),
            pltpu.VMEM((CH_H, GK), jnp.int32),
            pltpu.VMEM((GK, D), F32),
            pltpu.VMEM((GK, D), F32),
            pltpu.VMEM((GK,), F32),
            pltpu.VMEM((GK,), F32),
            pltpu.VMEM((GK,), F32),
            pltpu.VMEM((GK,), F32),
            pltpu.VMEM((GK,), F32),
            pltpu.VMEM((GK,), F32),
            pltpu.VMEM((4, GK), F32),
            pltpu.SemaphoreType.DMA,
            pltpu.SemaphoreType.DMA,
            pltpu.SemaphoreType.DMA,
            pltpu.SemaphoreType.DMA,
        ],
    )(_make_sc_body(EPW_H, CH_H))
    cflat = c_all.reshape(TB * N, 3)
    g1f = g1t.reshape(TB * N, D)
    g2f = g2t.reshape(TB * N, D)
    cxf = cflat[:, 0].ravel()
    cyf = cflat[:, 1].ravel()
    czf = cflat[:, 2].ravel()
    rg2 = r_glob.reshape(4, NW, CH_H, GK)
    sg2 = s_glob.reshape(4, NW, CH_H, GK)

    bf16 = jnp.bfloat16
    edge_weights = [w1d.astype(bf16), w1e.astype(bf16), invsig, row(b_e1),
                    row(g_eln1), row(be_eln1), W_e2.astype(bf16), row(b_e2),
                    W_c1.astype(bf16), row(b_c1), row(g_cln1), row(b_cln1),
                    w_c2p.astype(bf16), b_c2p]
    eye8 = jnp.eye(8, dtype=F32)
    edge = pl.pallas_call(
        _edge_body,
        grid=(H, NEB),
        in_specs=[
            pl.BlockSpec((1, 1, 1, EB), lambda sb, eb: (sb, eb, 0, 0)),
            pl.BlockSpec((1, 1, 8, EB), lambda sb, eb: (sb, eb, 0, 0)),
            _full(eye8),
            pl.BlockSpec((1, EB, D), lambda sb, eb: (sb, eb, 0)),
            pl.BlockSpec((1, EB, D), lambda sb, eb: (sb, eb, 0)),
            pl.BlockSpec((1, EB, 32), lambda sb, eb: (sb, eb, 0)),
        ] + [_full(w) for w in edge_weights],
        out_specs=[
            pl.BlockSpec((1, N, D), lambda sb, eb: (sb, 0, 0)),
            pl.BlockSpec((1, N, 8), lambda sb, eb: (sb, 0, 0)),
        ],
        out_shape=[
            jax.ShapeDtypeStruct((H, N, D), F32),
            jax.ShapeDtypeStruct((H, N, 8), F32),
        ],
    )
    msums, auxs = [], []
    ones_h = jnp.ones((TOT_EH,), F32)
    zed = jnp.zeros((TOT_EH,), F32)
    for h in range(4):
        fr_f, fs_f, rx_f, ry_f, rz_f, d2_f = sc_gather(
            g1f, g2f, cxf, cyf, czf, rg2[h], sg2[h])
        fr = fr_f.reshape(H, E, D)
        fs = fs_f.reshape(H, E, D)
        r8 = jnp.stack([rx_f, ry_f, rz_f, ones_h, d2_f, zed, zed, zed],
                       axis=0)
        r8 = r8.reshape(8, H, NEB, EB).transpose(1, 2, 0, 3)
        r_row_h = r_row[h * H:(h + 1) * H]
        e32_h = e32[h * H:(h + 1) * H]
        ms, ax = edge(r_row_h, r8, eye8, fr, fs, e32_h, *edge_weights)
        msums.append(ms)
        auxs.append(ax)
    msum = jnp.concatenate(msums, axis=0)
    aux = jnp.concatenate(auxs, axis=0)

    fk_all = jnp.concatenate([f_lig, f_rec], axis=0)
    att = pl.pallas_call(
        _att_body,
        grid=(TB,),
        in_specs=[
            pl.BlockSpec((1, N, D), lambda sb: (sb, 0, 0)),
            pl.BlockSpec((1, N, D), lambda sb: (sb, 0, 0)),
            _full(W_Q), _full(W_K), _full(W_V),
        ],
        out_specs=pl.BlockSpec((1, N, D), lambda sb: (sb, 0, 0)),
        out_shape=jax.ShapeDtypeStruct((TB, N, D), F32),
    )
    cross = att(f_all, fk_all, W_Q, W_K, W_V)

    wn1_f = W_n1[0:D]
    wn1_agg = W_n1[D:2 * D]
    wn1_cross = W_n1[2 * D:3 * D]
    wn1_of = W_n1[3 * D:4 * D]
    node_weights = [row(g_nln1), row(b_nln1), wn1_f, wn1_agg, wn1_cross,
                    wn1_of, row(b_n1), row(g_nln2), row(b_nln2), W_n2,
                    row(b_n2), row(g_nln3), row(b_nln3)]
    node = pl.pallas_call(
        _node_body,
        grid=(TB,),
        in_specs=[
            pl.BlockSpec((1, N, 8), lambda sb: (sb, 0, 0)),
            pl.BlockSpec((1, N, D), lambda sb: (sb, 0, 0)),
            pl.BlockSpec((1, N, D), lambda sb: (sb, 0, 0)),
            pl.BlockSpec((1, N, 1), lambda sb: (sb, 0, 0)),
            pl.BlockSpec((1, N, D), lambda sb: (sb, 0, 0)),
            pl.BlockSpec((1, N, D), lambda sb: (sb, 0, 0)),
            pl.BlockSpec((1, N, 8), lambda sb: (sb, 0, 0)),
        ] + [_full(w) for w in node_weights],
        out_specs=[
            pl.BlockSpec((1, N, 8), lambda sb: (sb, 0, 0)),
            pl.BlockSpec((1, N, D), lambda sb: (sb, 0, 0)),
        ],
        out_shape=[
            jax.ShapeDtypeStruct((TB, N, 8), F32),
            jax.ShapeDtypeStruct((TB, N, D), F32),
        ],
    )
    c_out, f_out = node(c8, f_all, of_all, m_all, cross, msum, aux,
                        *node_weights)

    c_new = c_out[:, :, 0:3]
    return (c_new[:B], f_out[:B], c_new[B:], f_out[B:])

# --- scband reference (transcript-rebuilt; emitter-appended) ---
"""Pipeline reference for scband-iegmn-layer-84189948936876 (READ-ONLY COPY).

The authoritative reference and input builder live on the scoring server;
editing this copy changes nothing except your own understanding.
"""

import jax, jax.numpy as jnp
import numpy as np

B, N, E, D, EDI = 8, 512, 5120, 128, 27
SIGMAS = jnp.asarray([1.5 ** i for i in range(15)], dtype=jnp.float32)
SLOPE = 0.01
C_W = 0.3
F_W = 0.3


def lrelu(x):
    return jnp.where(x >= 0, x, SLOPE * x)


def layer_norm(x, g, b, eps=1e-5):
    mu = jnp.mean(x, axis=-1, keepdims=True)
    var = jnp.var(x, axis=-1, keepdims=True)
    return (x - mu) / jnp.sqrt(var + eps) * g + b


def gather(x, idx):
    return jax.vmap(lambda a, i: a[i])(x, idx)


def seg_mean(vals, idx, n):
    def one(v, i):
        s = jax.ops.segment_sum(v, i, num_segments=n)
        c = jax.ops.segment_sum(jnp.ones((v.shape[0], 1), v.dtype), i, num_segments=n)
        return s / jnp.maximum(c, 1.0)
    return jax.vmap(one)(vals, idx)


def setup_inputs(seed: int = 0) -> dict:
    key = jax.random.key(seed)
    ks = jax.random.split(key, 60)
    ctr = [0]

    def nk():
        ctr[0] += 1
        return ks[ctr[0] - 1]

    def rn(shape, scale=1.0):
        return jax.random.normal(nk(), shape, dtype=jnp.float32) * scale

    inp = {}
    inp['key'] = jnp.zeros((2,), dtype=jnp.int32)
    inp['is_training'] = False
    for side in ('rec', 'lig'):
        inp['c_' + side] = rn((B, N, 3))
        inp['f_' + side] = rn((B, N, D))
        inp['oc_' + side] = rn((B, N, 3))
        inp['of_' + side] = rn((B, N, D))
        inp['e_' + side] = rn((B, E, EDI))
        inp['s_' + side] = jax.random.randint(nk(), (B, E), 0, N, dtype=jnp.int32)
        inp['r_' + side] = jax.random.randint(nk(), (B, E), 0, N, dtype=jnp.int32)
        inp['m_' + side] = jnp.ones((B, N), dtype=jnp.float32)
    IN_E = 2 * D + 15 + EDI
    IN_N = 4 * D
    inp['W_e1'] = rn((IN_E, D), 0.05)
    inp['b_e1'] = jnp.zeros((D,), jnp.float32)
    inp['g_eln1'] = jnp.ones((D,), jnp.float32)
    inp['be_eln1'] = jnp.zeros((D,), jnp.float32)
    inp['W_e2'] = rn((D, D), 0.05)
    inp['b_e2'] = jnp.zeros((D,), jnp.float32)
    inp['W_Q'] = rn((D, D), 0.05)
    inp['W_K'] = rn((D, D), 0.05)
    inp['W_V'] = rn((D, D), 0.05)
    inp['g_nln1'] = jnp.ones((D,), jnp.float32)
    inp['b_nln1'] = jnp.zeros((D,), jnp.float32)
    inp['W_n1'] = rn((IN_N, D), 0.05)
    inp['b_n1'] = jnp.zeros((D,), jnp.float32)
    inp['g_nln2'] = jnp.ones((D,), jnp.float32)
    inp['b_nln2'] = jnp.zeros((D,), jnp.float32)
    inp['W_n2'] = rn((D, D), 0.05)
    inp['b_n2'] = jnp.zeros((D,), jnp.float32)
    inp['g_nln3'] = jnp.ones((D,), jnp.float32)
    inp['b_nln3'] = jnp.zeros((D,), jnp.float32)
    inp['W_c1'] = rn((D, D), 0.05)
    inp['b_c1'] = jnp.zeros((D,), jnp.float32)
    inp['g_cln1'] = jnp.ones((D,), jnp.float32)
    inp['b_cln1'] = jnp.zeros((D,), jnp.float32)
    inp['W_c2'] = rn((D, 1), 0.05)
    inp['b_c2'] = jnp.zeros((1,), jnp.float32)
    return inp


def reference(key, is_training, c_rec, f_rec, oc_rec, of_rec, e_rec, s_rec, r_rec, m_rec, c_lig, f_lig, oc_lig, of_lig, e_lig, s_lig, r_lig, m_lig, W_e1, b_e1, g_eln1, be_eln1, W_e2, b_e2, W_Q, W_K, W_V, g_nln1, b_nln1, W_n1, b_n1, g_nln2, b_nln2, W_n2, b_n2, g_nln3, b_nln3, W_c1, b_c1, g_cln1, b_cln1, W_c2, b_c2):
    # eval mode: dropout disabled (is_training=False), PRNG key unused

    def edge_messages(f, c, s, r, e):
        fr = gather(f, r)
        fs = gather(f, s)
        cr = gather(c, r)
        cs = gather(c, s)
        rel = cr - cs
        d2 = jnp.sum(rel * rel, axis=-1)
        dist = jnp.exp(-d2[..., None] / SIGMAS)
        x = jnp.concatenate([fr, fs, dist, e], axis=-1)
        x = lrelu(jnp.einsum('bef,fo->beo', x, W_e1) + b_e1)
        x = layer_norm(x, g_eln1, be_eln1)
        msg = jnp.einsum('bef,fo->beo', x, W_e2) + b_e2
        return msg, rel

    def cross_att(fq, fk, mq, mk):
        q = lrelu(fq @ W_Q)
        k = lrelu(fk @ W_K)
        v = fk @ W_V
        mask = mq[:, :, None] * mk[:, None, :]
        a = mask * jnp.einsum('bqd,bkd->bqk', q, k) - 1000.0 * (1.0 - mask)
        a = jax.nn.softmax(a, axis=-1)
        return jnp.einsum('bqk,bkd->bqd', a, v)

    def side_update(c, f, of, msg, rel, r, m, cross):
        agg = seg_mean(msg, r, N)
        agg = layer_norm(agg, g_nln1, b_nln1)
        cw = lrelu(jnp.einsum('bef,fo->beo', msg, W_c1) + b_c1)
        cw = layer_norm(cw, g_cln1, b_cln1)
        coef = jnp.einsum('bef,fo->beo', cw, W_c2) + b_c2
        trans = seg_mean(coef * rel, r, N)
        c_new = (c + C_W * trans) * m[..., None]
        h_in = jnp.concatenate([f, agg, cross, of], axis=-1)
        h = lrelu(jnp.einsum('bnf,fo->bno', h_in, W_n1) + b_n1)
        h = layer_norm(h, g_nln2, b_nln2)
        h = jnp.einsum('bnf,fo->bno', h, W_n2) + b_n2
        h = layer_norm(h, g_nln3, b_nln3)
        f_new = (F_W * h + (1.0 - F_W) * f) * m[..., None]
        return c_new, f_new

    msg_r, rel_r = edge_messages(f_rec, c_rec, s_rec, r_rec, e_rec)
    msg_l, rel_l = edge_messages(f_lig, c_lig, s_lig, r_lig, e_lig)
    cross_r = cross_att(f_rec, f_lig, m_rec, m_lig)
    cross_l = cross_att(f_lig, f_rec, m_lig, m_rec)
    c_rec_new, f_rec_new = side_update(c_rec, f_rec, of_rec, msg_r, rel_r, r_rec, m_rec, cross_r)
    c_lig_new, f_lig_new = side_update(c_lig, f_lig, of_lig, msg_l, rel_l, r_lig, m_lig, cross_l)
    return (c_rec_new, f_rec_new, c_lig_new, f_lig_new)

if __name__ == "__main__":
    import jax
    _d = setup_inputs()
    print(jax.jit(kernel)(*tuple(_d.values())))

</pallas_src>

<mosaic_0001>
#map = affine_map<(d0, d1) -> (0, 0)>
#map1 = affine_map<(d0, d1) -> (0)>
#map2 = affine_map<(d0, d1) -> (0, 0, 0)>
module attributes {stable_mosaic.version = 14 : i64} {
  func.func @_sc_gather_body(%arg0: i32, %arg1: i32, %arg2: memref<8192x128xf32, #tpu.memory_space<hbm>>, %arg3: memref<8192x128xf32, #tpu.memory_space<hbm>>, %arg4: memref<8192xf32, #tpu.memory_space<hbm>>, %arg5: memref<8192xf32, #tpu.memory_space<hbm>>, %arg6: memref<8192xf32, #tpu.memory_space<hbm>>, %arg7: memref<32x5x128xi32, #tpu.memory_space<hbm>>, %arg8: memref<32x5x128xi32, #tpu.memory_space<hbm>>, %arg9: memref<20480x128xf32, #tpu.memory_space<hbm>>, %arg10: memref<20480x128xf32, #tpu.memory_space<hbm>>, %arg11: memref<20480xf32, #tpu.memory_space<hbm>>, %arg12: memref<20480xf32, #tpu.memory_space<hbm>>, %arg13: memref<20480xf32, #tpu.memory_space<hbm>>, %arg14: memref<20480xf32, #tpu.memory_space<hbm>>, %arg15: memref<5x128xi32, #tpu.memory_space<vmem>>, %arg16: memref<5x128xi32, #tpu.memory_space<vmem>>, %arg17: memref<128x128xf32, #tpu.memory_space<vmem>>, %arg18: memref<128x128xf32, #tpu.memory_space<vmem>>, %arg19: memref<128xf32, #tpu.memory_space<vmem>>, %arg20: memref<128xf32, #tpu.memory_space<vmem>>, %arg21: memref<128xf32, #tpu.memory_space<vmem>>, %arg22: memref<128xf32, #tpu.memory_space<vmem>>, %arg23: memref<128xf32, #tpu.memory_space<vmem>>, %arg24: memref<128xf32, #tpu.memory_space<vmem>>, %arg25: memref<4x128xf32, #tpu.memory_space<vmem>>, %arg26: memref<!tpu.dma_semaphore, #tpu.memory_space<semaphore_mem>>, %arg27: memref<!tpu.dma_semaphore, #tpu.memory_space<semaphore_mem>>, %arg28: memref<!tpu.dma_semaphore, #tpu.memory_space<semaphore_mem>>, %arg29: memref<!tpu.dma_semaphore, #tpu.memory_space<semaphore_mem>>) attributes {dimension_semantics = [#tpu.dimension_semantics<core_parallel>, #tpu.dimension_semantics<subcore_parallel>], iteration_bounds = array<i64: 2, 16>, scalar_prefetch = 0 : i64, scratch_operands = 15 : i64, tpu.core_type = #tpu.core_type<sc_vector_subcore>, window_params = [{transform_indices = #map}, {transform_indices = #map}, {transform_indices = #map1}, {transform_indices = #map1}, {transform_indices = #map1}, {transform_indices = #map2}, {transform_indices = #map2}, {transform_indices = #map}, {transform_indices = #map}, {transform_indices = #map1}, {transform_indices = #map1}, {transform_indices = #map1}, {transform_indices = #map1}]} {
    %mul3A = arith.constant 2 : i32
    %mul3A_0 = arith.muli %arg1, %mul3A : i32
    %add3A = arith.addi %mul3A_0, %arg0 : i32
    "tpu.region"() ({
      %run_scoped3A = tpu.sem_alloc : memref<!tpu.dma_semaphore, #tpu.memory_space<semaphore_mem>>
      %dma_start3A = arith.constant 0 : i32
      %dma_start3A_6 = arith.constant 0 : i32
      %dma_start3A_7 = tpu.memref_slice %arg7[%add3A, %dma_start3A, %dma_start3A_6] : memref<32x5x128xi32, #tpu.memory_space<hbm>> -> memref<1x5x128xi32, #tpu.memory_space<hbm>>
      %dma_start3A_8 = tpu.memref_squeeze %dma_start3A_7 : memref<1x5x128xi32, #tpu.memory_space<hbm>> -> memref<5x128xi32, #tpu.memory_space<hbm>>
      %dma_start3A_9 = arith.constant 0 : i32
      %dma_start3A_10 = arith.constant 0 : i32
      %dma_start3A_11 = tpu.memref_slice %arg7[%add3A, %dma_start3A_9, %dma_start3A_10] : memref<32x5x128xi32, #tpu.memory_space<hbm>> -> memref<1x5x128xi32, #tpu.memory_space<hbm>>
      %dma_start3A_12 = tpu.memref_squeeze %dma_start3A_11 : memref<1x5x128xi32, #tpu.memory_space<hbm>> -> memref<5x128xi32, #tpu.memory_space<hbm>>
      tpu.enqueue_dma source(%dma_start3A_12 : memref<5x128xi32, #tpu.memory_space<hbm>>) target(%arg15 : memref<5x128xi32, #tpu.memory_space<vmem>>) target_semaphore(%run_scoped3A : memref<!tpu.dma_semaphore, #tpu.memory_space<semaphore_mem>>)
      %dma_wait3A = arith.constant 0 : i32
      %dma_wait3A_13 = arith.constant 0 : i32
      %dma_wait3A_14 = tpu.memref_slice %arg7[%add3A, %dma_wait3A, %dma_wait3A_13] : memref<32x5x128xi32, #tpu.memory_space<hbm>> -> memref<1x5x128xi32, #tpu.memory_space<hbm>>
      %dma_wait3A_15 = tpu.memref_squeeze %dma_wait3A_14 : memref<1x5x128xi32, #tpu.memory_space<hbm>> -> memref<5x128xi32, #tpu.memory_space<hbm>>
      %dma_wait3A_16 = arith.constant 0 : i32
      %dma_wait3A_17 = arith.constant 0 : i32
      %dma_wait3A_18 = tpu.memref_slice %arg7[%add3A, %dma_wait3A_16, %dma_wait3A_17] : memref<32x5x128xi32, #tpu.memory_space<hbm>> -> memref<1x5x128xi32, #tpu.memory_space<hbm>>
      %dma_wait3A_19 = tpu.memref_squeeze %dma_wait3A_18 : memref<1x5x128xi32, #tpu.memory_space<hbm>> -> memref<5x128xi32, #tpu.memory_space<hbm>>
      tpu.wait_dma2 semaphore(%run_scoped3A : memref<!tpu.dma_semaphore, #tpu.memory_space<semaphore_mem>>) src(%dma_wait3A_19 : memref<5x128xi32, #tpu.memory_space<hbm>>) dst(%arg15 : memref<5x128xi32, #tpu.memory_space<vmem>>)
      tpu.yield
    }) : () -> ()
    "tpu.region"() ({
      %run_scoped3A = tpu.sem_alloc : memref<!tpu.dma_semaphore, #tpu.memory_space<semaphore_mem>>
      %dma_start3A = arith.constant 0 : i32
      %dma_start3A_6 = arith.constant 0 : i32
      %dma_start3A_7 = tpu.memref_slice %arg8[%add3A, %dma_start3A, %dma_start3A_6] : memref<32x5x128xi32, #tpu.memory_space<hbm>> -> memref<1x5x128xi32, #tpu.memory_space<hbm>>
      %dma_start3A_8 = tpu.memref_squeeze %dma_start3A_7 : memref<1x5x128xi32, #tpu.memory_space<hbm>> -> memref<5x128xi32, #tpu.memory_space<hbm>>
      %dma_start3A_9 = arith.constant 0 : i32
      %dma_start3A_10 = arith.constant 0 : i32
      %dma_start3A_11 = tpu.memref_slice %arg8[%add3A, %dma_start3A_9, %dma_start3A_10] : memref<32x5x128xi32, #tpu.memory_space<hbm>> -> memref<1x5x128xi32, #tpu.memory_space<hbm>>
      %dma_start3A_12 = tpu.memref_squeeze %dma_start3A_11 : memref<1x5x128xi32, #tpu.memory_space<hbm>> -> memref<5x128xi32, #tpu.memory_space<hbm>>
      tpu.enqueue_dma source(%dma_start3A_12 : memref<5x128xi32, #tpu.memory_space<hbm>>) target(%arg16 : memref<5x128xi32, #tpu.memory_space<vmem>>) target_semaphore(%run_scoped3A : memref<!tpu.dma_semaphore, #tpu.memory_space<semaphore_mem>>)
      %dma_wait3A = arith.constant 0 : i32
      %dma_wait3A_13 = arith.constant 0 : i32
      %dma_wait3A_14 = tpu.memref_slice %arg8[%add3A, %dma_wait3A, %dma_wait3A_13] : memref<32x5x128xi32, #tpu.memory_space<hbm>> -> memref<1x5x128xi32, #tpu.memory_space<hbm>>
      %dma_wait3A_15 = tpu.memref_squeeze %dma_wait3A_14 : memref<1x5x128xi32, #tpu.memory_space<hbm>> -> memref<5x128xi32, #tpu.memory_space<hbm>>
      %dma_wait3A_16 = arith.constant 0 : i32
      %dma_wait3A_17 = arith.constant 0 : i32
      %dma_wait3A_18 = tpu.memref_slice %arg8[%add3A, %dma_wait3A_16, %dma_wait3A_17] : memref<32x5x128xi32, #tpu.memory_space<hbm>> -> memref<1x5x128xi32, #tpu.memory_space<hbm>>
      %dma_wait3A_19 = tpu.memref_squeeze %dma_wait3A_18 : memref<1x5x128xi32, #tpu.memory_space<hbm>> -> memref<5x128xi32, #tpu.memory_space<hbm>>
      tpu.wait_dma2 semaphore(%run_scoped3A : memref<!tpu.dma_semaphore, #tpu.memory_space<semaphore_mem>>) src(%dma_wait3A_19 : memref<5x128xi32, #tpu.memory_space<hbm>>) dst(%arg16 : memref<5x128xi32, #tpu.memory_space<vmem>>)
      tpu.yield
    }) : () -> ()
    %scan3A = arith.constant 0 : i32
    %scan3A_1 = arith.constant 0 : i32
    %scan3A_2 = arith.constant 5 : i32
    %scan3A_3 = arith.addi %scan3A_1, %scan3A_2 : i32
    %scan3A_4 = arith.constant 1 : i32
    scf.for %scan3A_6 = %scan3A_1 to %scan3A_3 step %scan3A_4  : i32 {
      %dma_start3A = arith.constant 0 : i32
      %dma_start3A_7 = tpu.memref_slice %arg15[%scan3A_6, %dma_start3A] : memref<5x128xi32, #tpu.memory_space<vmem>> -> memref<1x128xi32, #tpu.memory_space<vmem>>
      %dma_start3A_8 = tpu.memref_squeeze %dma_start3A_7 : memref<1x128xi32, #tpu.memory_space<vmem>> -> memref<128xi32, #tpu.memory_space<vmem>>
      %dma_start3A_9 = arith.constant 0 : i32
      %dma_start3A_10 = arith.constant 0 : i32
      %dma_start3A_11 = tpu.memref_slice %arg2[%dma_start3A_9, %dma_start3A_10] : memref<8192x128xf32, #tpu.memory_space<hbm>> -> memref<8192x128xf32, #tpu.memory_space<hbm>>
      tpu.enqueue_indirect_dma source(%dma_start3A_11 : memref<8192x128xf32, #tpu.memory_space<hbm>>) target(%arg17 : memref<128x128xf32, #tpu.memory_space<vmem>>) offsets(%dma_start3A_8 : memref<128xi32, #tpu.memory_space<vmem>>) semaphore(%arg26 : memref<!tpu.dma_semaphore, #tpu.memory_space<semaphore_mem>>)
      %dma_start3A_12 = arith.constant 0 : i32
      %dma_start3A_13 = tpu.memref_slice %arg16[%scan3A_6, %dma_start3A_12] : memref<5x128xi32, #tpu.memory_space<vmem>> -> memref<1x128xi32, #tpu.memory_space<vmem>>
      %dma_start3A_14 = tpu.memref_squeeze %dma_start3A_13 : memref<1x128xi32, #tpu.memory_space<vmem>> -> memref<128xi32, #tpu.memory_space<vmem>>
      %dma_start3A_15 = arith.constant 0 : i32
      %dma_start3A_16 = arith.constant 0 : i32
      %dma_start3A_17 = tpu.memref_slice %arg3[%dma_start3A_15, %dma_start3A_16] : memref<8192x128xf32, #tpu.memory_space<hbm>> -> memref<8192x128xf32, #tpu.memory_space<hbm>>
      tpu.enqueue_indirect_dma source(%dma_start3A_17 : memref<8192x128xf32, #tpu.memory_space<hbm>>) target(%arg18 : memref<128x128xf32, #tpu.memory_space<vmem>>) offsets(%dma_start3A_14 : memref<128xi32, #tpu.memory_space<vmem>>) semaphore(%arg27 : memref<!tpu.dma_semaphore, #tpu.memory_space<semaphore_mem>>)
      %dma_start3A_18 = arith.constant 0 : i32
      %dma_start3A_19 = tpu.memref_slice %arg15[%scan3A_6, %dma_start3A_18] : memref<5x128xi32, #tpu.memory_space<vmem>> -> memref<1x128xi32, #tpu.memory_space<vmem>>
      %dma_start3A_20 = tpu.memref_squeeze %dma_start3A_19 : memref<1x128xi32, #tpu.memory_space<vmem>> -> memref<128xi32, #tpu.memory_space<vmem>>
      %dma_start3A_21 = arith.constant 0 : i32
      %dma_start3A_22 = tpu.memref_slice %arg4[%dma_start3A_21] : memref<8192xf32, #tpu.memory_space<hbm>> -> memref<8192xf32, #tpu.memory_space<hbm>>
      tpu.enqueue_indirect_dma source(%dma_start3A_22 : memref<8192xf32, #tpu.memory_space<hbm>>) target(%arg19 : memref<128xf32, #tpu.memory_space<vmem>>) offsets(%dma_start3A_20 : memref<128xi32, #tpu.memory_space<vmem>>) semaphore(%arg28 : memref<!tpu.dma_semaphore, #tpu.memory_space<semaphore_mem>>)
      %dma_start3A_23 = arith.constant 0 : i32
      %dma_start3A_24 = tpu.memref_slice %arg15[%scan3A_6, %dma_start3A_23] : memref<5x128xi32, #tpu.memory_space<vmem>> -> memref<1x128xi32, #tpu.memory_space<vmem>>
      %dma_start3A_25 = tpu.memref_squeeze %dma_start3A_24 : memref<1x128xi32, #tpu.memory_space<vmem>> -> memref<128xi32, #tpu.memory_space<vmem>>
      %dma_start3A_26 = arith.constant 0 : i32
      %dma_start3A_27 = tpu.memref_slice %arg5[%dma_start3A_26] : memref<8192xf32, #tpu.memory_space<hbm>> -> memref<8192xf32, #tpu.memory_space<hbm>>
      tpu.enqueue_indirect_dma source(%dma_start3A_27 : memref<8192xf32, #tpu.memory_space<hbm>>) target(%arg20 : memref<128xf32, #tpu.memory_space<vmem>>) offsets(%dma_start3A_25 : memref<128xi32, #tpu.memory_space<vmem>>) semaphore(%arg28 : memref<!tpu.dma_semaphore, #tpu.memory_space<semaphore_mem>>)
      %dma_start3A_28 = arith.constant 0 : i32
      %dma_start3A_29 = tpu.memref_slice %arg15[%scan3A_6, %dma_start3A_28] : memref<5x128xi32, #tpu.memory_space<vmem>> -> memref<1x128xi32, #tpu.memory_space<vmem>>
      %dma_start3A_30 = tpu.memref_squeeze %dma_start3A_29 : memref<1x128xi32, #tpu.memory_space<vmem>> -> memref<128xi32, #tpu.memory_space<vmem>>
      %dma_start3A_31 = arith.constant 0 : i32
      %dma_start3A_32 = tpu.memref_slice %arg6[%dma_start3A_31] : memref<8192xf32, #tpu.memory_space<hbm>> -> memref<8192xf32, #tpu.memory_space<hbm>>
      tpu.enqueue_indirect_dma source(%dma_start3A_32 : memref<8192xf32, #tpu.memory_space<hbm>>) target(%arg21 : memref<128xf32, #tpu.memory_space<vmem>>) offsets(%dma_start3A_30 : memref<128xi32, #tpu.memory_space<vmem>>) semaphore(%arg28 : memref<!tpu.dma_semaphore, #tpu.memory_space<semaphore_mem>>)
      %dma_start3A_33 = arith.constant 0 : i32
      %dma_start3A_34 = tpu.memref_slice %arg16[%scan3A_6, %dma_start3A_33] : memref<5x128xi32, #tpu.memory_space<vmem>> -> memref<1x128xi32, #tpu.memory_space<vmem>>
      %dma_start3A_35 = tpu.memref_squeeze %dma_start3A_34 : memref<1x128xi32, #tpu.memory_space<vmem>> -> memref<128xi32, #tpu.memory_space<vmem>>
      %dma_start3A_36 = arith.constant 0 : i32
      %dma_start3A_37 = tpu.memref_slice %arg4[%dma_start3A_36] : memref<8192xf32, #tpu.memory_space<hbm>> -> memref<8192xf32, #tpu.memory_space<hbm>>
      tpu.enqueue_indirect_dma source(%dma_start3A_37 : memref<8192xf32, #tpu.memory_space<hbm>>) target(%arg22 : memref<128xf32, #tpu.memory_space<vmem>>) offsets(%dma_start3A_35 : memref<128xi32, #tpu.memory_space<vmem>>) semaphore(%arg29 : memref<!tpu.dma_semaphore, #tpu.memory_space<semaphore_mem>>)
      %dma_start3A_38 = arith.constant 0 : i32
      %dma_start3A_39 = tpu.memref_slice %arg16[%scan3A_6, %dma_start3A_38] : memref<5x128xi32, #tpu.memory_space<vmem>> -> memref<1x128xi32, #tpu.memory_space<vmem>>
      %dma_start3A_40 = tpu.memref_squeeze %dma_start3A_39 : memref<1x128xi32, #tpu.memory_space<vmem>> -> memref<128xi32, #tpu.memory_space<vmem>>
      %dma_start3A_41 = arith.constant 0 : i32
      %dma_start3A_42 = tpu.memref_slice %arg5[%dma_start3A_41] : memref<8192xf32, #tpu.memory_space<hbm>> -> memref<8192xf32, #tpu.memory_space<hbm>>
      tpu.enqueue_indirect_dma source(%dma_start3A_42 : memref<8192xf32, #tpu.memory_space<hbm>>) target(%arg23 : memref<128xf32, #tpu.memory_space<vmem>>) offsets(%dma_start3A_40 : memref<128xi32, #tpu.memory_space<vmem>>) semaphore(%arg29 : memref<!tpu.dma_semaphore, #tpu.memory_space<semaphore_mem>>)
      %dma_start3A_43 = arith.constant 0 : i32
      %dma_start3A_44 = tpu.memref_slice %arg16[%scan3A_6, %dma_start3A_43] : memref<5x128xi32, #tpu.memory_space<vmem>> -> memref<1x128xi32, #tpu.memory_space<vmem>>
      %dma_start3A_45 = tpu.memref_squeeze %dma_start3A_44 : memref<1x128xi32, #tpu.memory_space<vmem>> -> memref<128xi32, #tpu.memory_space<vmem>>
      %dma_start3A_46 = arith.constant 0 : i32
      %dma_start3A_47 = tpu.memref_slice %arg6[%dma_start3A_46] : memref<8192xf32, #tpu.memory_space<hbm>> -> memref<8192xf32, #tpu.memory_space<hbm>>
      tpu.enqueue_indirect_dma source(%dma_start3A_47 : memref<8192xf32, #tpu.memory_space<hbm>>) target(%arg24 : memref<128xf32, #tpu.memory_space<vmem>>) offsets(%dma_start3A_45 : memref<128xi32, #tpu.memory_space<vmem>>) semaphore(%arg29 : memref<!tpu.dma_semaphore, #tpu.memory_space<semaphore_mem>>)
      %dma_wait3A = arith.constant 0 : i32
      %dma_wait3A_48 = tpu.memref_slice %arg15[%scan3A_6, %dma_wait3A] : memref<5x128xi32, #tpu.memory_space<vmem>> -> memref<1x128xi32, #tpu.memory_space<vmem>>
      %dma_wait3A_49 = tpu.memref_squeeze %dma_wait3A_48 : memref<1x128xi32, #tpu.memory_space<vmem>> -> memref<128xi32, #tpu.memory_space<vmem>>
      %dma_wait3A_50 = arith.constant 0 : i32
      %dma_wait3A_51 = tpu.memref_slice %arg4[%dma_wait3A_50] : memref<8192xf32, #tpu.memory_space<hbm>> -> memref<8192xf32, #tpu.memory_space<hbm>>
      tpu.wait_indirect_dma semaphore(%arg28 : memref<!tpu.dma_semaphore, #tpu.memory_space<semaphore_mem>>) src(%dma_wait3A_51 : memref<8192xf32, #tpu.memory_space<hbm>>) dst(%arg19 : memref<128xf32, #tpu.memory_space<vmem>>)
      %dma_wait3A_52 = arith.constant 0 : i32
      %dma_wait3A_53 = tpu.memref_slice %arg15[%scan3A_6, %dma_wait3A_52] : memref<5x128xi32, #tpu.memory_space<vmem>> -> memref<1x128xi32, #tpu.memory_space<vmem>>
      %dma_wait3A_54 = tpu.memref_squeeze %dma_wait3A_53 : memref<1x128xi32, #tpu.memory_space<vmem>> -> memref<128xi32, #tpu.memory_space<vmem>>
      %dma_wait3A_55 = arith.constant 0 : i32
      %dma_wait3A_56 = tpu.memref_slice %arg5[%dma_wait3A_55] : memref<8192xf32, #tpu.memory_space<hbm>> -> memref<8192xf32, #tpu.memory_space<hbm>>
      tpu.wait_indirect_dma semaphore(%arg28 : memref<!tpu.dma_semaphore, #tpu.memory_space<semaphore_mem>>) src(%dma_wait3A_56 : memref<8192xf32, #tpu.memory_space<hbm>>) dst(%arg20 : memref<128xf32, #tpu.memory_space<vmem>>)
      %dma_wait3A_57 = arith.constant 0 : i32
      %dma_wait3A_58 = tpu.memref_slice %arg15[%scan3A_6, %dma_wait3A_57] : memref<5x128xi32, #tpu.memory_space<vmem>> -> memref<1x128xi32, #tpu.memory_space<vmem>>
      %dma_wait3A_59 = tpu.memref_squeeze %dma_wait3A_58 : memref<1x128xi32, #tpu.memory_space<vmem>> -> memref<128xi32, #tpu.memory_space<vmem>>
      %dma_wait3A_60 = arith.constant 0 : i32
      %dma_wait3A_61 = tpu.memref_slice %arg6[%dma_wait3A_60] : memref<8192xf32, #tpu.memory_space<hbm>> -> memref<8192xf32, #tpu.memory_space<hbm>>
      tpu.wait_indirect_dma semaphore(%arg28 : memref<!tpu.dma_semaphore, #tpu.memory_space<semaphore_mem>>) src(%dma_wait3A_61 : memref<8192xf32, #tpu.memory_space<hbm>>) dst(%arg21 : memref<128xf32, #tpu.memory_space<vmem>>)
      %dma_wait3A_62 = arith.constant 0 : i32
      %dma_wait3A_63 = tpu.memref_slice %arg16[%scan3A_6, %dma_wait3A_62] : memref<5x128xi32, #tpu.memory_space<vmem>> -> memref<1x128xi32, #tpu.memory_space<vmem>>
      %dma_wait3A_64 = tpu.memref_squeeze %dma_wait3A_63 : memref<1x128xi32, #tpu.memory_space<vmem>> -> memref<128xi32, #tpu.memory_space<vmem>>
      %dma_wait3A_65 = arith.constant 0 : i32
      %dma_wait3A_66 = tpu.memref_slice %arg4[%dma_wait3A_65] : memref<8192xf32, #tpu.memory_space<hbm>> -> memref<8192xf32, #tpu.memory_space<hbm>>
      tpu.wait_indirect_dma semaphore(%arg29 : memref<!tpu.dma_semaphore, #tpu.memory_space<semaphore_mem>>) src(%dma_wait3A_66 : memref<8192xf32, #tpu.memory_space<hbm>>) dst(%arg22 : memref<128xf32, #tpu.memory_space<vmem>>)
      %dma_wait3A_67 = arith.constant 0 : i32
      %dma_wait3A_68 = tpu.memref_slice %arg16[%scan3A_6, %dma_wait3A_67] : memref<5x128xi32, #tpu.memory_space<vmem>> -> memref<1x128xi32, #tpu.memory_space<vmem>>
      %dma_wait3A_69 = tpu.memref_squeeze %dma_wait3A_68 : memref<1x128xi32, #tpu.memory_space<vmem>> -> memref<128xi32, #tpu.memory_space<vmem>>
      %dma_wait3A_70 = arith.constant 0 : i32
      %dma_wait3A_71 = tpu.memref_slice %arg5[%dma_wait3A_70] : memref<8192xf32, #tpu.memory_space<hbm>> -> memref<8192xf32, #tpu.memory_space<hbm>>
      tpu.wait_indirect_dma semaphore(%arg29 : memref<!tpu.dma_semaphore, #tpu.memory_space<semaphore_mem>>) src(%dma_wait3A_71 : memref<8192xf32, #tpu.memory_space<hbm>>) dst(%arg23 : memref<128xf32, #tpu.memory_space<vmem>>)
      %dma_wait3A_72 = arith.constant 0 : i32
      %dma_wait3A_73 = tpu.memref_slice %arg16[%scan3A_6, %dma_wait3A_72] : memref<5x128xi32, #tpu.memory_space<vmem>> -> memref<1x128xi32, #tpu.memory_space<vmem>>
      %dma_wait3A_74 = tpu.memref_squeeze %dma_wait3A_73 : memref<1x128xi32, #tpu.memory_space<vmem>> -> memref<128xi32, #tpu.memory_space<vmem>>
      %dma_wait3A_75 = arith.constant 0 : i32
      %dma_wait3A_76 = tpu.memref_slice %arg6[%dma_wait3A_75] : memref<8192xf32, #tpu.memory_space<hbm>> -> memref<8192xf32, #tpu.memory_space<hbm>>
      tpu.wait_indirect_dma semaphore(%arg29 : memref<!tpu.dma_semaphore, #tpu.memory_space<semaphore_mem>>) src(%dma_wait3A_76 : memref<8192xf32, #tpu.memory_space<hbm>>) dst(%arg24 : memref<128xf32, #tpu.memory_space<vmem>>)
      %get3A = arith.constant 0 : index
      %get3A_77 = tpu.vector_load %arg19[%get3A] {strides = array<i32>} : memref<128xf32, #tpu.memory_space<vmem>>, vector<16xf32>,
      %get3A_78 = vector.shape_cast %get3A_77 : vector<16xf32> to vector<16xf32>
      %get3A_79 = arith.constant 0 : index
      %get3A_80 = tpu.vector_load %arg22[%get3A_79] {strides = array<i32>} : memref<128xf32, #tpu.memory_space<vmem>>, vector<16xf32>,
      %get3A_81 = vector.shape_cast %get3A_80 : vector<16xf32> to vector<16xf32>
      %sub3A = arith.subf %get3A_78, %get3A_81 : vector<16xf32>
      %get3A_82 = arith.constant 0 : index
      %get3A_83 = tpu.vector_load %arg20[%get3A_82] {strides = array<i32>} : memref<128xf32, #tpu.memory_space<vmem>>, vector<16xf32>,
      %get3A_84 = vector.shape_cast %get3A_83 : vector<16xf32> to vector<16xf32>
      %get3A_85 = arith.constant 0 : index
      %get3A_86 = tpu.vector_load %arg23[%get3A_85] {strides = array<i32>} : memref<128xf32, #tpu.memory_space<vmem>>, vector<16xf32>,
      %get3A_87 = vector.shape_cast %get3A_86 : vector<16xf32> to vector<16xf32>
      %sub3A_88 = arith.subf %get3A_84, %get3A_87 : vector<16xf32>
      %get3A_89 = arith.constant 0 : index
      %get3A_90 = tpu.vector_load %arg21[%get3A_89] {strides = array<i32>} : memref<128xf32, #tpu.memory_space<vmem>>, vector<16xf32>,
      %get3A_91 = vector.shape_cast %get3A_90 : vector<16xf32> to vector<16xf32>
      %get3A_92 = arith.constant 0 : index
      %get3A_93 = tpu.vector_load %arg24[%get3A_92] {strides = array<i32>} : memref<128xf32, #tpu.memory_space<vmem>>, vector<16xf32>,
      %get3A_94 = vector.shape_cast %get3A_93 : vector<16xf32> to vector<16xf32>
      %sub3A_95 = arith.subf %get3A_91, %get3A_94 : vector<16xf32>
      %swap3A = arith.constant 0 : i32
      %swap3A_96 = arith.index_cast %swap3A : i32 to index
      %swap3A_97 = arith.constant 0 : index
      %swap3A_98 = tpu.vector_load %arg25[%swap3A_96, %swap3A_97] {strides = array<i32>} : memref<4x128xf32, #tpu.memory_space<vmem>>, vector<1x16xf32>,
      %swap3A_99 = vector.shape_cast %swap3A_98 : vector<1x16xf32> to vector<16xf32>
      %swap3A_100 = vector.shape_cast %sub3A : vector<16xf32> to vector<1x16xf32>
      tpu.vector_store %arg25[%swap3A_96, %swap3A_97], %swap3A_100 {strides = array<i32>} : memref<4x128xf32, #tpu.memory_space<vmem>>, vector<1x16xf32>,
      %swap3A_101 = arith.constant 1 : i32
      %swap3A_102 = arith.index_cast %swap3A_101 : i32 to index
      %swap3A_103 = arith.constant 0 : index
      %swap3A_104 = tpu.vector_load %arg25[%swap3A_102, %swap3A_103] {strides = array<i32>} : memref<4x128xf32, #tpu.memory_space<vmem>>, vector<1x16xf32>,
      %swap3A_105 = vector.shape_cast %swap3A_104 : vector<1x16xf32> to vector<16xf32>
      %swap3A_106 = vector.shape_cast %sub3A_88 : vector<16xf32> to vector<1x16xf32>
      tpu.vector_store %arg25[%swap3A_102, %swap3A_103], %swap3A_106 {strides = array<i32>} : memref<4x128xf32, #tpu.memory_space<vmem>>, vector<1x16xf32>,
      %swap3A_107 = arith.constant 2 : i32
      %swap3A_108 = arith.index_cast %swap3A_107 : i32 to index
      %swap3A_109 = arith.constant 0 : index
      %swap3A_110 = tpu.vector_load %arg25[%swap3A_108, %swap3A_109] {strides = array<i32>} : memref<4x128xf32, #tpu.memory_space<vmem>>, vector<1x16xf32>,
      %swap3A_111 = vector.shape_cast %swap3A_110 : vector<1x16xf32> to vector<16xf32>
      %swap3A_112 = vector.shape_cast %sub3A_95 : vector<16xf32> to vector<1x16xf32>
      tpu.vector_store %arg25[%swap3A_108, %swap3A_109], %swap3A_112 {strides = array<i32>} : memref<4x128xf32, #tpu.memory_space<vmem>>, vector<1x16xf32>,
      %mul3A_113 = arith.mulf %sub3A, %sub3A : vector<16xf32>
      %mul3A_114 = arith.mulf %sub3A_88, %sub3A_88 : vector<16xf32>
      %add3A_115 = arith.addf %mul3A_113, %mul3A_114 : vector<16xf32>
      %mul3A_116 = arith.mulf %sub3A_95, %sub3A_95 : vector<16xf32>
      %add3A_117 = arith.addf %add3A_115, %mul3A_116 : vector<16xf32>
      %swap3A_118 = arith.constant 3 : i32
      %swap3A_119 = arith.index_cast %swap3A_118 : i32 to index
      %swap3A_120 = arith.constant 0 : index
      %swap3A_121 = tpu.vector_load %arg25[%swap3A_119, %swap3A_120] {strides = array<i32>} : memref<4x128xf32, #tpu.memory_space<vmem>>, vector<1x16xf32>,
      %swap3A_122 = vector.shape_cast %swap3A_121 : vector<1x16xf32> to vector<16xf32>
      %swap3A_123 = vector.shape_cast %add3A_117 : vector<16xf32> to vector<1x16xf32>
      tpu.vector_store %arg25[%swap3A_119, %swap3A_120], %swap3A_123 {strides = array<i32>} : memref<4x128xf32, #tpu.memory_space<vmem>>, vector<1x16xf32>,
      %get3A_124 = arith.constant 16 : index
      %get3A_125 = tpu.vector_load %arg19[%get3A_124] {strides = array<i32>} : memref<128xf32, #tpu.memory_space<vmem>>, vector<16xf32>,
      %get3A_126 = vector.shape_cast %get3A_125 : vector<16xf32> to vector<16xf32>
      %get3A_127 = arith.constant 16 : index
      %get3A_128 = tpu.vector_load %arg22[%get3A_127] {strides = array<i32>} : memref<128xf32, #tpu.memory_space<vmem>>, vector<16xf32>,
      %get3A_129 = vector.shape_cast %get3A_128 : vector<16xf32> to vector<16xf32>
      %sub3A_130 = arith.subf %get3A_126, %get3A_129 : vector<16xf32>
      %get3A_131 = arith.constant 16 : index
      %get3A_132 = tpu.vector_load %arg20[%get3A_131] {strides = array<i32>} : memref<128xf32, #tpu.memory_space<vmem>>, vector<16xf32>,
      %get3A_133 = vector.shape_cast %get3A_132 : vector<16xf32> to vector<16xf32>
      %get3A_134 = arith.constant 16 : index
      %get3A_135 = tpu.vector_load %arg23[%get3A_134] {strides = array<i32>} : memref<128xf32, #tpu.memory_space<vmem>>, vector<16xf32>,
      %get3A_136 = vector.shape_cast %get3A_135 : vector<16xf32> to vector<16xf32>
      %sub3A_137 = arith.subf %get3A_133, %get3A_136 : vector<16xf32>
      %get3A_138 = arith.constant 16 : index
      %get3A_139 = tpu.vector_load %arg21[%get3A_138] {strides = array<i32>} : memref<128xf32, #tpu.memory_space<vmem>>, vector<16xf32>,
      %get3A_140 = vector.shape_cast %get3A_139 : vector<16xf32> to vector<16xf32>
      %get3A_141 = arith.constant 16 : index
      %get3A_142 = tpu.vector_load %arg24[%get3A_141] {strides = array<i32>} : memref<128xf32, #tpu.memory_space<vmem>>, vector<16xf32>,
      %get3A_143 = vector.shape_cast %get3A_142 : vector<16xf32> to vector<16xf32>
      %sub3A_144 = arith.subf %get3A_140, %get3A_143 : vector<16xf32>
      %swap3A_145 = arith.constant 0 : i32
      %swap3A_146 = arith.index_cast %swap3A_145 : i32 to index
      %swap3A_147 = arith.constant 16 : index
      %swap3A_148 = tpu.vector_load %arg25[%swap3A_146, %swap3A_147] {strides = array<i32>} : memref<4x128xf32, #tpu.memory_space<vmem>>, vector<1x16xf32>,
      %swap3A_149 = vector.shape_cast %swap3A_148 : vector<1x16xf32> to vector<16xf32>
      %swap3A_150 = vector.shape_cast %sub3A_130 : vector<16xf32> to vector<1x16xf32>
      tpu.vector_store %arg25[%swap3A_146, %swap3A_147], %swap3A_150 {strides = array<i32>} : memref<4x128xf32, #tpu.memory_space<vmem>>, vector<1x16xf32>,
      %swap3A_151 = arith.constant 1 : i32
      %swap3A_152 = arith.index_cast %swap3A_151 : i32 to index
      %swap3A_153 = arith.constant 16 : index
      %swap3A_154 = tpu.vector_load %arg25[%swap3A_152, %swap3A_153] {strides = array<i32>} : memref<4x128xf32, #tpu.memory_space<vmem>>, vector<1x16xf32>,
      %swap3A_155 = vector.shape_cast %swap3A_154 : vector<1x16xf32> to vector<16xf32>
      %swap3A_156 = vector.shape_cast %sub3A_137 : vector<16xf32> to vector<1x16xf32>
      tpu.vector_store %arg25[%swap3A_152, %swap3A_153], %swap3A_156 {strides = array<i32>} : memref<4x128xf32, #tpu.memory_space<vmem>>, vector<1x16xf32>,
      %swap3A_157 = arith.constant 2 : i32
      %swap3A_158 = arith.index_cast %swap3A_157 : i32 to index
      %swap3A_159 = arith.constant 16 : index
      %swap3A_160 = tpu.vector_load %arg25[%swap3A_158, %swap3A_159] {strides = array<i32>} : memref<4x128xf32, #tpu.memory_space<vmem>>, vector<1x16xf32>,
      %swap3A_161 = vector.shape_cast %swap3A_160 : vector<1x16xf32> to vector<16xf32>
      %swap3A_162 = vector.shape_cast %sub3A_144 : vector<16xf32> to vector<1x16xf32>
      tpu.vector_store %arg25[%swap3A_158, %swap3A_159], %swap3A_162 {strides = array<i32>} : memref<4x128xf32, #tpu.memory_space<vmem>>, vector<1x16xf32>,
      %mul3A_163 = arith.mulf %sub3A_130, %sub3A_130 : vector<16xf32>
      %mul3A_164 = arith.mulf %sub3A_137, %sub3A_137 : vector<16xf32>
      %add3A_165 = arith.addf %mul3A_163, %mul3A_164 : vector<16xf32>
      %mul3A_166 = arith.mulf %sub3A_144, %sub3A_144 : vector<16xf32>
      %add3A_167 = arith.addf %add3A_165, %mul3A_166 : vector<16xf32>
      %swap3A_168 = arith.constant 3 : i32
      %swap3A_169 = arith.index_cast %swap3A_168 : i32 to index
      %swap3A_170 = arith.constant 16 : index
      %swap3A_171 = tpu.vector_load %arg25[%swap3A_169, %swap3A_170] {strides = array<i32>} : memref<4x128xf32, #tpu.memory_space<vmem>>, vector<1x16xf32>,
      %swap3A_172 = vector.shape_cast %swap3A_171 : vector<1x16xf32> to vector<16xf32>
      %swap3A_173 = vector.shape_cast %add3A_167 : vector<16xf32> to vector<1x16xf32>
      tpu.vector_store %arg25[%swap3A_169, %swap3A_170], %swap3A_173 {strides = array<i32>} : memref<4x128xf32, #tpu.memory_space<vmem>>, vector<1x16xf32>,
      %get3A_174 = arith.constant 32 : index
      %get3A_175 = tpu.vector_load %arg19[%get3A_174] {strides = array<i32>} : memref<128xf32, #tpu.memory_space<vmem>>, vector<16xf32>,
      %get3A_176 = vector.shape_cast %get3A_175 : vector<16xf32> to vector<16xf32>
      %get3A_177 = arith.constant 32 : index
      %get3A_178 = tpu.vector_load %arg22[%get3A_177] {strides = array<i32>} : memref<128xf32, #tpu.memory_space<vmem>>, vector<16xf32>,
      %get3A_179 = vector.shape_cast %get3A_178 : vector<16xf32> to vector<16xf32>
      %sub3A_180 = arith.subf %get3A_176, %get3A_179 : vector<16xf32>
      %get3A_181 = arith.constant 32 : index
      %get3A_182 = tpu.vector_load %arg20[%get3A_181] {strides = array<i32>} : memref<128xf32, #tpu.memory_space<vmem>>, vector<16xf32>,
      %get3A_183 = vector.shape_cast %get3A_182 : vector<16xf32> to vector<16xf32>
      %get3A_184 = arith.constant 32 : index
      %get3A_185 = tpu.vector_load %arg23[%get3A_184] {strides = array<i32>} : memref<128xf32, #tpu.memory_space<vmem>>, vector<16xf32>,
      %get3A_186 = vector.shape_cast %get3A_185 : vector<16xf32> to vector<16xf32>
      %sub3A_187 = arith.subf %get3A_183, %get3A_186 : vector<16xf32>
      %get3A_188 = arith.constant 32 : index
      %get3A_189 = tpu.vector_load %arg21[%get3A_188] {strides = array<i32>} : memref<128xf32, #tpu.memory_space<vmem>>, vector<16xf32>,
      %get3A_190 = vector.shape_cast %get3A_189 : vector<16xf32> to vector<16xf32>
      %get3A_191 = arith.constant 32 : index
      %get3A_192 = tpu.vector_load %arg24[%get3A_191] {strides = array<i32>} : memref<128xf32, #tpu.memory_space<vmem>>, vector<16xf32>,
      %get3A_193 = vector.shape_cast %get3A_192 : vector<16xf32> to vector<16xf32>
      %sub3A_194 = arith.subf %get3A_190, %get3A_193 : vector<16xf32>
      %swap3A_195 = arith.constant 0 : i32
      %swap3A_196 = arith.index_cast %swap3A_195 : i32 to index
      %swap3A_197 = arith.constant 32 : index
      %swap3A_198 = tpu.vector_load %arg25[%swap3A_196, %swap3A_197] {strides = array<i32>} : memref<4x128xf32, #tpu.memory_space<vmem>>, vector<1x16xf32>,
      %swap3A_199 = vector.shape_cast %swap3A_198 : vector<1x16xf32> to vector<16xf32>
      %swap3A_200 = vector.shape_cast %sub3A_180 : vector<16xf32> to vector<1x16xf32>
      tpu.vector_store %arg25[%swap3A_196, %swap3A_197], %swap3A_200 {strides = array<i32>} : memref<4x128xf32, #tpu.memory_space<vmem>>, vector<1x16xf32>,
      %swap3A_201 = arith.constant 1 : i32
      %swap3A_202 = arith.index_cast %swap3A_201 : i32 to index
      %swap3A_203 = arith.constant 32 : index
      %swap3A_204 = tpu.vector_load %arg25[%swap3A_202, %swap3A_203] {strides = array<i32>} : memref<4x128xf32, #tpu.memory_space<vmem>>, vector<1x16xf32>,
      %swap3A_205 = vector.shape_cast %swap3A_204 : vector<1x16xf32> to vector<16xf32>
      %swap3A_206 = vector.shape_cast %sub3A_187 : vector<16xf32> to vector<1x16xf32>
      tpu.vector_store %arg25[%swap3A_202, %swap3A_203], %swap3A_206 {strides = array<i32>} : memref<4x128xf32, #tpu.memory_space<vmem>>, vector<1x16xf32>,
      %swap3A_207 = arith.constant 2 : i32
      %swap3A_208 = arith.index_cast %swap3A_207 : i32 to index
      %swap3A_209 = arith.constant 32 : index
      %swap3A_210 = tpu.vector_load %arg25[%swap3A_208, %swap3A_209] {strides = array<i32>} : memref<4x128xf32, #tpu.memory_space<vmem>>, vector<1x16xf32>,
      %swap3A_211 = vector.shape_cast %swap3A_210 : vector<1x16xf32> to vector<16xf32>
      %swap3A_212 = vector.shape_cast %sub3A_194 : vector<16xf32> to vector<1x16xf32>
      tpu.vector_store %arg25[%swap3A_208, %swap3A_209], %swap3A_212 {strides = array<i32>} : memref<4x128xf32, #tpu.memory_space<vmem>>, vector<1x16xf32>,
      %mul3A_213 = arith.mulf %sub3A_180, %sub3A_180 : vector<16xf32>
      %mul3A_214 = arith.mulf %sub3A_187, %sub3A_187 : vector<16xf32>
      %add3A_215 = arith.addf %mul3A_213, %mul3A_214 : vector<16xf32>
      %mul3A_216 = arith.mulf %sub3A_194, %sub3A_194 : vector<16xf32>
      %add3A_217 = arith.addf %add3A_215, %mul3A_216 : vector<16xf32>
      %swap3A_218 = arith.constant 3 : i32
      %swap3A_219 = arith.index_cast %swap3A_218 : i32 to index
      %swap3A_220 = arith.constant 32 : index
      %swap3A_221 = tpu.vector_load %arg25[%swap3A_219, %swap3A_220] {strides = array<i32>} : memref<4x128xf32, #tpu.memory_space<vmem>>, vector<1x16xf32>,
      %swap3A_222 = vector.shape_cast %swap3A_221 : vector<1x16xf32> to vector<16xf32>
      %swap3A_223 = vector.shape_cast %add3A_217 : vector<16xf32> to vector<1x16xf32>
      tpu.vector_store %arg25[%swap3A_219, %swap3A_220], %swap3A_223 {strides = array<i32>} : memref<4x128xf32, #tpu.memory_space<vmem>>, vector<1x16xf32>,
      %get3A_224 = arith.constant 48 : index
      %get3A_225 = tpu.vector_load %arg19[%get3A_224] {strides = array<i32>} : memref<128xf32, #tpu.memory_space<vmem>>, vector<16xf32>,
      %get3A_226 = vector.shape_cast %get3A_225 : vector<16xf32> to vector<16xf32>
      %get3A_227 = arith.constant 48 : index
      %get3A_228 = tpu.vector_load %arg22[%get3A_227] {strides = array<i32>} : memref<128xf32, #tpu.memory_space<vmem>>, vector<16xf32>,
      %get3A_229 = vector.shape_cast %get3A_228 : vector<16xf32> to vector<16xf32>
      %sub3A_230 = arith.subf %get3A_226, %get3A_229 : vector<16xf32>
      %get3A_231 = arith.constant 48 : index
      %get3A_232 = tpu.vector_load %arg20[%get3A_231] {strides = array<i32>} : memref<128xf32, #tpu.memory_space<vmem>>, vector<16xf32>,
      %get3A_233 = vector.shape_cast %get3A_232 : vector<16xf32> to vector<16xf32>
      %get3A_234 = arith.constant 48 : index
      %get3A_235 = tpu.vector_load %arg23[%get3A_234] {strides = array<i32>} : memref<128xf32, #tpu.memory_space<vmem>>, vector<16xf32>,
      %get3A_236 = vector.shape_cast %get3A_235 : vector<16xf32> to vector<16xf32>
      %sub3A_237 = arith.subf %get3A_233, %get3A_236 : vector<16xf32>
      %get3A_238 = arith.constant 48 : index
      %get3A_239 = tpu.vector_load %arg21[%get3A_238] {strides = array<i32>} : memref<128xf32, #tpu.memory_space<vmem>>, vector<16xf32>,
      %get3A_240 = vector.shape_cast %get3A_239 : vector<16xf32> to vector<16xf32>
      %get3A_241 = arith.constant 48 : index
      %get3A_242 = tpu.vector_load %arg24[%get3A_241] {strides = array<i32>} : memref<128xf32, #tpu.memory_space<vmem>>, vector<16xf32>,
      %get3A_243 = vector.shape_cast %get3A_242 : vector<16xf32> to vector<16xf32>
      %sub3A_244 = arith.subf %get3A_240, %get3A_243 : vector<16xf32>
      %swap3A_245 = arith.constant 0 : i32
      %swap3A_246 = arith.index_cast %swap3A_245 : i32 to index
      %swap3A_247 = arith.constant 48 : index
      %swap3A_248 = tpu.vector_load %arg25[%swap3A_246, %swap3A_247] {strides = array<i32>} : memref<4x128xf32, #tpu.memory_space<vmem>>, vector<1x16xf32>,
      %swap3A_249 = vector.shape_cast %swap3A_248 : vector<1x16xf32> to vector<16xf32>
      %swap3A_250 = vector.shape_cast %sub3A_230 : vector<16xf32> to vector<1x16xf32>
      tpu.vector_store %arg25[%swap3A_246, %swap3A_247], %swap3A_250 {strides = array<i32>} : memref<4x128xf32, #tpu.memory_space<vmem>>, vector<1x16xf32>,
      %swap3A_251 = arith.constant 1 : i32
      %swap3A_252 = arith.index_cast %swap3A_251 : i32 to index
      %swap3A_253 = arith.constant 48 : index
      %swap3A_254 = tpu.vector_load %arg25[%swap3A_252, %swap3A_253] {strides = array<i32>} : memref<4x128xf32, #tpu.memory_space<vmem>>, vector<1x16xf32>,
      %swap3A_255 = vector.shape_cast %swap3A_254 : vector<1x16xf32> to vector<16xf32>
      %swap3A_256 = vector.shape_cast %sub3A_237 : vector<16xf32> to vector<1x16xf32>
      tpu.vector_store %arg25[%swap3A_252, %swap3A_253], %swap3A_256 {strides = array<i32>} : memref<4x128xf32, #tpu.memory_space<vmem>>, vector<1x16xf32>,
      %swap3A_257 = arith.constant 2 : i32
      %swap3A_258 = arith.index_cast %swap3A_257 : i32 to index
      %swap3A_259 = arith.constant 48 : index
      %swap3A_260 = tpu.vector_load %arg25[%swap3A_258, %swap3A_259] {strides = array<i32>} : memref<4x128xf32, #tpu.memory_space<vmem>>, vector<1x16xf32>,
      %swap3A_261 = vector.shape_cast %swap3A_260 : vector<1x16xf32> to vector<16xf32>
      %swap3A_262 = vector.shape_cast %sub3A_244 : vector<16xf32> to vector<1x16xf32>
      tpu.vector_store %arg25[%swap3A_258, %swap3A_259], %swap3A_262 {strides = array<i32>} : memref<4x128xf32, #tpu.memory_space<vmem>>, vector<1x16xf32>,
      %mul3A_263 = arith.mulf %sub3A_230, %sub3A_230 : vector<16xf32>
      %mul3A_264 = arith.mulf %sub3A_237, %sub3A_237 : vector<16xf32>
      %add3A_265 = arith.addf %mul3A_263, %mul3A_264 : vector<16xf32>
      %mul3A_266 = arith.mulf %sub3A_244, %sub3A_244 : vector<16xf32>
      %add3A_267 = arith.addf %add3A_265, %mul3A_266 : vector<16xf32>
      %swap3A_268 = arith.constant 3 : i32
      %swap3A_269 = arith.index_cast %swap3A_268 : i32 to index
      %swap3A_270 = arith.constant 48 : index
      %swap3A_271 = tpu.vector_load %arg25[%swap3A_269, %swap3A_270] {strides = array<i32>} : memref<4x128xf32, #tpu.memory_space<vmem>>, vector<1x16xf32>,
      %swap3A_272 = vector.shape_cast %swap3A_271 : vector<1x16xf32> to vector<16xf32>
      %swap3A_273 = vector.shape_cast %add3A_267 : vector<16xf32> to vector<1x16xf32>
      tpu.vector_store %arg25[%swap3A_269, %swap3A_270], %swap3A_273 {strides = array<i32>} : memref<4x128xf32, #tpu.memory_space<vmem>>, vector<1x16xf32>,
      %get3A_274 = arith.constant 64 : index
      %get3A_275 = tpu.vector_load %arg19[%get3A_274] {strides = array<i32>} : memref<128xf32, #tpu.memory_space<vmem>>, vector<16xf32>,
      %get3A_276 = vector.shape_cast %get3A_275 : vector<16xf32> to vector<16xf32>
      %get3A_277 = arith.constant 64 : index
      %get3A_278 = tpu.vector_load %arg22[%get3A_277] {strides = array<i32>} : memref<128xf32, #tpu.memory_space<vmem>>, vector<16xf32>,
      %get3A_279 = vector.shape_cast %get3A_278 : vector<16xf32> to vector<16xf32>
      %sub3A_280 = arith.subf %get3A_276, %get3A_279 : vector<16xf32>
      %get3A_281 = arith.constant 64 : index
      %get3A_282 = tpu.vector_load %arg20[%get3A_281] {strides = array<i32>} : memref<128xf32, #tpu.memory_space<vmem>>, vector<16xf32>,
      %get3A_283 = vector.shape_cast %get3A_282 : vector<16xf32> to vector<16xf32>
      %get3A_284 = arith.constant 64 : index
      %get3A_285 = tpu.vector_load %arg23[%get3A_284] {strides = array<i32>} : memref<128xf32, #tpu.memory_space<vmem>>, vector<16xf32>,
      %get3A_286 = vector.shape_cast %get3A_285 : vector<16xf32> to vector<16xf32>
      %sub3A_287 = arith.subf %get3A_283, %get3A_286 : vector<16xf32>
      %get3A_288 = arith.constant 64 : index
      %get3A_289 = tpu.vector_load %arg21[%get3A_288] {strides = array<i32>} : memref<128xf32, #tpu.memory_space<vmem>>, vector<16xf32>,
      %get3A_290 = vector.shape_cast %get3A_289 : vector<16xf32> to vector<16xf32>
      %get3A_291 = arith.constant 64 : index
      %get3A_292 = tpu.vector_load %arg24[%get3A_291] {strides = array<i32>} : memref<128xf32, #tpu.memory_space<vmem>>, vector<16xf32>,
      %get3A_293 = vector.shape_cast %get3A_292 : vector<16xf32> to vector<16xf32>
      %sub3A_294 = arith.subf %get3A_290, %get3A_293 : vector<16xf32>
      %swap3A_295 = arith.constant 0 : i32
      %swap3A_296 = arith.index_cast %swap3A_295 : i32 to index
      %swap3A_297 = arith.constant 64 : index
      %swap3A_298 = tpu.vector_load %arg25[%swap3A_296, %swap3A_297] {strides = array<i32>} : memref<4x128xf32, #tpu.memory_space<vmem>>, vector<1x16xf32>,
      %swap3A_299 = vector.shape_cast %swap3A_298 : vector<1x16xf32> to vector<16xf32>
      %swap3A_300 = vector.shape_cast %sub3A_280 : vector<16xf32> to vector<1x16xf32>
      tpu.vector_store %arg25[%swap3A_296, %swap3A_297], %swap3A_300 {strides = array<i32>} : memref<4x128xf32, #tpu.memory_space<vmem>>, vector<1x16xf32>,
      %swap3A_301 = arith.constant 1 : i32
      %swap3A_302 = arith.index_cast %swap3A_301 : i32 to index
      %swap3A_303 = arith.constant 64 : index
      %swap3A_304 = tpu.vector_load %arg25[%swap3A_302, %swap3A_303] {strides = array<i32>} : memref<4x128xf32, #tpu.memory_space<vmem>>, vector<1x16xf32>,
      %swap3A_305 = vector.shape_cast %swap3A_304 : vector<1x16xf32> to vector<16xf32>
      %swap3A_306 = vector.shape_cast %sub3A_287 : vector<16xf32> to vector<1x16xf32>
      tpu.vector_store %arg25[%swap3A_302, %swap3A_303], %swap3A_306 {strides = array<i32>} : memref<4x128xf32, #tpu.memory_space<vmem>>, vector<1x16xf32>,
      %swap3A_307 = arith.constant 2 : i32
      %swap3A_308 = arith.index_cast %swap3A_307 : i32 to index
      %swap3A_309 = arith.constant 64 : index
      %swap3A_310 = tpu.vector_load %arg25[%swap3A_308, %swap3A_309] {strides = array<i32>} : memref<4x128xf32, #tpu.memory_space<vmem>>, vector<1x16xf32>,
      %swap3A_311 = vector.shape_cast %swap3A_310 : vector<1x16xf32> to vector<16xf32>
      %swap3A_312 = vector.shape_cast %sub3A_294 : vector<16xf32> to vector<1x16xf32>
      tpu.vector_store %arg25[%swap3A_308, %swap3A_309], %swap3A_312 {strides = array<i32>} : memref<4x128xf32, #tpu.memory_space<vmem>>, vector<1x16xf32>,
      %mul3A_313 = arith.mulf %sub3A_280, %sub3A_280 : vector<16xf32>
      %mul3A_314 = arith.mulf %sub3A_287, %sub3A_287 : vector<16xf32>
      %add3A_315 = arith.addf %mul3A_313, %mul3A_314 : vector<16xf32>
      %mul3A_316 = arith.mulf %sub3A_294, %sub3A_294 : vector<16xf32>
      %add3A_317 = arith.addf %add3A_315, %mul3A_316 : vector<16xf32>
      %swap3A_318 = arith.constant 3 : i32
      %swap3A_319 = arith.index_cast %swap3A_318 : i32 to index
      %swap3A_320 = arith.constant 64 : index
      %swap3A_321 = tpu.vector_load %arg25[%swap3A_319, %swap3A_320] {strides = array<i32>} : memref<4x128xf32, #tpu.memory_space<vmem>>, vector<1x16xf32>,
      %swap3A_322 = vector.shape_cast %swap3A_321 : vector<1x16xf32> to vector<16xf32>
      %swap3A_323 = vector.shape_cast %add3A_317 : vector<16xf32> to vector<1x16xf32>
      tpu.vector_store %arg25[%swap3A_319, %swap3A_320], %swap3A_323 {strides = array<i32>} : memref<4x128xf32, #tpu.memory_space<vmem>>, vector<1x16xf32>,
      %get3A_324 = arith.constant 80 : index
      %get3A_325 = tpu.vector_load %arg19[%get3A_324] {strides = array<i32>} : memref<128xf32, #tpu.memory_space<vmem>>, vector<16xf32>,
      %get3A_326 = vector.shape_cast %get3A_325 : vector<16xf32> to vector<16xf32>
      %get3A_327 = arith.constant 80 : index
      %get3A_328 = tpu.vector_load %arg22[%get3A_327] {strides = array<i32>} : memref<128xf32, #tpu.memory_space<vmem>>, vector<16xf32>,
      %get3A_329 = vector.shape_cast %get3A_328 : vector<16xf32> to vector<16xf32>
      %sub3A_330 = arith.subf %get3A_326, %get3A_329 : vector<16xf32>
      %get3A_331 = arith.constant 80 : index
      %get3A_332 = tpu.vector_load %arg20[%get3A_331] {strides = array<i32>} : memref<128xf32, #tpu.memory_space<vmem>>, vector<16xf32>,
      %get3A_333 = vector.shape_cast %get3A_332 : vector<16xf32> to vector<16xf32>
      %get3A_334 = arith.constant 80 : index
      %get3A_335 = tpu.vector_load %arg23[%get3A_334] {strides = array<i32>} : memref<128xf32, #tpu.memory_space<vmem>>, vector<16xf32>,
      %get3A_336 = vector.shape_cast %get3A_335 : vector<16xf32> to vector<16xf32>
      %sub3A_337 = arith.subf %get3A_333, %get3A_336 : vector<16xf32>
      %get3A_338 = arith.constant 80 : index
      %get3A_339 = tpu.vector_load %arg21[%get3A_338] {strides = array<i32>} : memref<128xf32, #tpu.memory_space<vmem>>, vector<16xf32>,
      %get3A_340 = vector.shape_cast %get3A_339 : vector<16xf32> to vector<16xf32>
      %get3A_341 = arith.constant 80 : index
      %get3A_342 = tpu.vector_load %arg24[%get3A_341] {strides = array<i32>} : memref<128xf32, #tpu.memory_space<vmem>>, vector<16xf32>,
      %get3A_343 = vector.shape_cast %get3A_342 : vector<16xf32> to vector<16xf32>
      %sub3A_344 = arith.subf %get3A_340, %get3A_343 : vector<16xf32>
      %swap3A_345 = arith.constant 0 : i32
      %swap3A_346 = arith.index_cast %swap3A_345 : i32 to index
      %swap3A_347 = arith.constant 80 : index
      %swap3A_348 = tpu.vector_load %arg25[%swap3A_346, %swap3A_347] {strides = array<i32>} : memref<4x128xf32, #tpu.memory_space<vmem>>, vector<1x16xf32>,
      %swap3A_349 = vector.shape_cast %swap3A_348 : vector<1x16xf32> to vector<16xf32>
      %swap3A_350 = vector.shape_cast %sub3A_330 : vector<16xf32> to vector<1x16xf32>
      tpu.vector_store %arg25[%swap3A_346, %swap3A_347], %swap3A_350 {strides = array<i32>} : memref<4x128xf32, #tpu.memory_space<vmem>>, vector<1x16xf32>,
      %swap3A_351 = arith.constant 1 : i32
      %swap3A_352 = arith.index_cast %swap3A_351 : i32 to index
      %swap3A_353 = arith.constant 80 : index
      %swap3A_354 = tpu.vector_load %arg25[%swap3A_352, %swap3A_353] {strides = array<i32>} : memref<4x128xf32, #tpu.memory_space<vmem>>, vector<1x16xf32>,
      %swap3A_355 = vector.shape_cast %swap3A_354 : vector<1x16xf32> to vector<16xf32>
      %swap3A_356 = vector.shape_cast %sub3A_337 : vector<16xf32> to vector<1x16xf32>
      tpu.vector_store %arg25[%swap3A_352, %swap3A_353], %swap3A_356 {strides = array<i32>} : memref<4x128xf32, #tpu.memory_space<vmem>>, vector<1x16xf32>,
      %swap3A_357 = arith.constant 2 : i32
      %swap3A_358 = arith.index_cast %swap3A_357 : i32 to index
      %swap3A_359 = arith.constant 80 : index
      %swap3A_360 = tpu.vector_load %arg25[%swap3A_358, %swap3A_359] {strides = array<i32>} : memref<4x128xf32, #tpu.memory_space<vmem>>, vector<1x16xf32>,
      %swap3A_361 = vector.shape_cast %swap3A_360 : vector<1x16xf32> to vector<16xf32>
      %swap3A_362 = vector.shape_cast %sub3A_344 : vector<16xf32> to vector<1x16xf32>
      tpu.vector_store %arg25[%swap3A_358, %swap3A_359], %swap3A_362 {strides = array<i32>} : memref<4x128xf32, #tpu.memory_space<vmem>>, vector<1x16xf32>,
      %mul3A_363 = arith.mulf %sub3A_330, %sub3A_330 : vector<16xf32>
      %mul3A_364 = arith.mulf %sub3A_337, %sub3A_337 : vector<16xf32>
      %add3A_365 = arith.addf %mul3A_363, %mul3A_364 : vector<16xf32>
      %mul3A_366 = arith.mulf %sub3A_344, %sub3A_344 : vector<16xf32>
      %add3A_367 = arith.addf %add3A_365, %mul3A_366 : vector<16xf32>
      %swap3A_368 = arith.constant 3 : i32
      %swap3A_369 = arith.index_cast %swap3A_368 : i32 to index
      %swap3A_370 = arith.constant 80 : index
      %swap3A_371 = tpu.vector_load %arg25[%swap3A_369, %swap3A_370] {strides = array<i32>} : memref<4x128xf32, #tpu.memory_space<vmem>>, vector<1x16xf32>,
      %swap3A_372 = vector.shape_cast %swap3A_371 : vector<1x16xf32> to vector<16xf32>
      %swap3A_373 = vector.shape_cast %add3A_367 : vector<16xf32> to vector<1x16xf32>
      tpu.vector_store %arg25[%swap3A_369, %swap3A_370], %swap3A_373 {strides = array<i32>} : memref<4x128xf32, #tpu.memory_space<vmem>>, vector<1x16xf32>,
      %get3A_374 = arith.constant 96 : index
      %get3A_375 = tpu.vector_load %arg19[%get3A_374] {strides = array<i32>} : memref<128xf32, #tpu.memory_space<vmem>>, vector<16xf32>,
      %get3A_376 = vector.shape_cast %get3A_375 : vector<16xf32> to vector<16xf32>
      %get3A_377 = arith.constant 96 : index
      %get3A_378 = tpu.vector_load %arg22[%get3A_377] {strides = array<i32>} : memref<128xf32, #tpu.memory_space<vmem>>, vector<16xf32>,
      %get3A_379 = vector.shape_cast %get3A_378 : vector<16xf32> to vector<16xf32>
      %sub3A_380 = arith.subf %get3A_376, %get3A_379 : vector<16xf32>
      %get3A_381 = arith.constant 96 : index
      %get3A_382 = tpu.vector_load %arg20[%get3A_381] {strides = array<i32>} : memref<128xf32, #tpu.memory_space<vmem>>, vector<16xf32>,
      %get3A_383 = vector.shape_cast %get3A_382 : vector<16xf32> to vector<16xf32>
      %get3A_384 = arith.constant 96 : index
      %get3A_385 = tpu.vector_load %arg23[%get3A_384] {strides = array<i32>} : memref<128xf32, #tpu.memory_space<vmem>>, vector<16xf32>,
      %get3A_386 = vector.shape_cast %get3A_385 : vector<16xf32> to vector<16xf32>
      %sub3A_387 = arith.subf %get3A_383, %get3A_386 : vector<16xf32>
      %get3A_388 = arith.constant 96 : index
      %get3A_389 = tpu.vector_load %arg21[%get3A_388] {strides = array<i32>} : memref<128xf32, #tpu.memory_space<vmem>>, vector<16xf32>,
      %get3A_390 = vector.shape_cast %get3A_389 : vector<16xf32> to vector<16xf32>
      %get3A_391 = arith.constant 96 : index
      %get3A_392 = tpu.vector_load %arg24[%get3A_391] {strides = array<i32>} : memref<128xf32, #tpu.memory_space<vmem>>, vector<16xf32>,
      %get3A_393 = vector.shape_cast %get3A_392 : vector<16xf32> to vector<16xf32>
      %sub3A_394 = arith.subf %get3A_390, %get3A_393 : vector<16xf32>
      %swap3A_395 = arith.constant 0 : i32
      %swap3A_396 = arith.index_cast %swap3A_395 : i32 to index
      %swap3A_397 = arith.constant 96 : index
      %swap3A_398 = tpu.vector_load %arg25[%swap3A_396, %swap3A_397] {strides = array<i32>} : memref<4x128xf32, #tpu.memory_space<vmem>>, vector<1x16xf32>,
      %swap3A_399 = vector.shape_cast %swap3A_398 : vector<1x16xf32> to vector<16xf32>
      %swap3A_400 = vector.shape_cast %sub3A_380 : vector<16xf32> to vector<1x16xf32>
      tpu.vector_store %arg25[%swap3A_396, %swap3A_397], %swap3A_400 {strides = array<i32>} : memref<4x128xf32, #tpu.memory_space<vmem>>, vector<1x16xf32>,
      %swap3A_401 = arith.constant 1 : i32
      %swap3A_402 = arith.index_cast %swap3A_401 : i32 to index
      %swap3A_403 = arith.constant 96 : index
      %swap3A_404 = tpu.vector_load %arg25[%swap3A_402, %swap3A_403] {strides = array<i32>} : memref<4x128xf32, #tpu.memory_space<vmem>>, vector<1x16xf32>,
      %swap3A_405 = vector.shape_cast %swap3A_404 : vector<1x16xf32> to vector<16xf32>
      %swap3A_406 = vector.shape_cast %sub3A_387 : vector<16xf32> to vector<1x16xf32>
      tpu.vector_store %arg25[%swap3A_402, %swap3A_403], %swap3A_406 {strides = array<i32>} : memref<4x128xf32, #tpu.memory_space<vmem>>, vector<1x16xf32>,
      %swap3A_407 = arith.constant 2 : i32
      %swap3A_408 = arith.index_cast %swap3A_407 : i32 to index
      %swap3A_409 = arith.constant 96 : index
      %swap3A_410 = tpu.vector_load %arg25[%swap3A_408, %swap3A_409] {strides = array<i32>} : memref<4x128xf32, #tpu.memory_space<vmem>>, vector<1x16xf32>,
      %swap3A_411 = vector.shape_cast %swap3A_410 : vector<1x16xf32> to vector<16xf32>
      %swap3A_412 = vector.shape_cast %sub3A_394 : vector<16xf32> to vector<1x16xf32>
      tpu.vector_store %arg25[%swap3A_408, %swap3A_409], %swap3A_412 {strides = array<i32>} : memref<4x128xf32, #tpu.memory_space<vmem>>, vector<1x16xf32>,
      %mul3A_413 = arith.mulf %sub3A_380, %sub3A_380 : vector<16xf32>
      %mul3A_414 = arith.mulf %sub3A_387, %sub3A_387 : vector<16xf32>
      %add3A_415 = arith.addf %mul3A_413, %mul3A_414 : vector<16xf32>
      %mul3A_416 = arith.mulf %sub3A_394, %sub3A_394 : vector<16xf32>
      %add3A_417 = arith.addf %add3A_415, %mul3A_416 : vector<16xf32>
      %swap3A_418 = arith.constant 3 : i32
      %swap3A_419 = arith.index_cast %swap3A_418 : i32 to index
      %swap3A_420 = arith.constant 96 : index
      %swap3A_421 = tpu.vector_load %arg25[%swap3A_419, %swap3A_420] {strides = array<i32>} : memref<4x128xf32, #tpu.memory_space<vmem>>, vector<1x16xf32>,
      %swap3A_422 = vector.shape_cast %swap3A_421 : vector<1x16xf32> to vector<16xf32>
      %swap3A_423 = vector.shape_cast %add3A_417 : vector<16xf32> to vector<1x16xf32>
      tpu.vector_store %arg25[%swap3A_419, %swap3A_420], %swap3A_423 {strides = array<i32>} : memref<4x128xf32, #tpu.memory_space<vmem>>, vector<1x16xf32>,
      %get3A_424 = arith.constant 112 : index
      %get3A_425 = tpu.vector_load %arg19[%get3A_424] {strides = array<i32>} : memref<128xf32, #tpu.memory_space<vmem>>, vector<16xf32>,
      %get3A_426 = vector.shape_cast %get3A_425 : vector<16xf32> to vector<16xf32>
      %get3A_427 = arith.constant 112 : index
      %get3A_428 = tpu.vector_load %arg22[%get3A_427] {strides = array<i32>} : memref<128xf32, #tpu.memory_space<vmem>>, vector<16xf32>,
      %get3A_429 = vector.shape_cast %get3A_428 : vector<16xf32> to vector<16xf32>
      %sub3A_430 = arith.subf %get3A_426, %get3A_429 : vector<16xf32>
      %get3A_431 = arith.constant 112 : index
      %get3A_432 = tpu.vector_load %arg20[%get3A_431] {strides = array<i32>} : memref<128xf32, #tpu.memory_space<vmem>>, vector<16xf32>,
      %get3A_433 = vector.shape_cast %get3A_432 : vector<16xf32> to vector<16xf32>
      %get3A_434 = arith.constant 112 : index
      %get3A_435 = tpu.vector_load %arg23[%get3A_434] {strides = array<i32>} : memref<128xf32, #tpu.memory_space<vmem>>, vector<16xf32>,
      %get3A_436 = vector.shape_cast %get3A_435 : vector<16xf32> to vector<16xf32>
      %sub3A_437 = arith.subf %get3A_433, %get3A_436 : vector<16xf32>
      %get3A_438 = arith.constant 112 : index
      %get3A_439 = tpu.vector_load %arg21[%get3A_438] {strides = array<i32>} : memref<128xf32, #tpu.memory_space<vmem>>, vector<16xf32>,
      %get3A_440 = vector.shape_cast %get3A_439 : vector<16xf32> to vector<16xf32>
      %get3A_441 = arith.constant 112 : index
      %get3A_442 = tpu.vector_load %arg24[%get3A_441] {strides = array<i32>} : memref<128xf32, #tpu.memory_space<vmem>>, vector<16xf32>,
      %get3A_443 = vector.shape_cast %get3A_442 : vector<16xf32> to vector<16xf32>
      %sub3A_444 = arith.subf %get3A_440, %get3A_443 : vector<16xf32>
      %swap3A_445 = arith.constant 0 : i32
      %swap3A_446 = arith.index_cast %swap3A_445 : i32 to index
      %swap3A_447 = arith.constant 112 : index
      %swap3A_448 = tpu.vector_load %arg25[%swap3A_446, %swap3A_447] {strides = array<i32>} : memref<4x128xf32, #tpu.memory_space<vmem>>, vector<1x16xf32>,
      %swap3A_449 = vector.shape_cast %swap3A_448 : vector<1x16xf32> to vector<16xf32>
      %swap3A_450 = vector.shape_cast %sub3A_430 : vector<16xf32> to vector<1x16xf32>
      tpu.vector_store %arg25[%swap3A_446, %swap3A_447], %swap3A_450 {strides = array<i32>} : memref<4x128xf32, #tpu.memory_space<vmem>>, vector<1x16xf32>,
      %swap3A_451 = arith.constant 1 : i32
      %swap3A_452 = arith.index_cast %swap3A_451 : i32 to index
      %swap3A_453 = arith.constant 112 : index
      %swap3A_454 = tpu.vector_load %arg25[%swap3A_452, %swap3A_453] {strides = array<i32>} : memref<4x128xf32, #tpu.memory_space<vmem>>, vector<1x16xf32>,
      %swap3A_455 = vector.shape_cast %swap3A_454 : vector<1x16xf32> to vector<16xf32>
      %swap3A_456 = vector.shape_cast %sub3A_437 : vector<16xf32> to vector<1x16xf32>
      tpu.vector_store %arg25[%swap3A_452, %swap3A_453], %swap3A_456 {strides = array<i32>} : memref<4x128xf32, #tpu.memory_space<vmem>>, vector<1x16xf32>,
      %swap3A_457 = arith.constant 2 : i32
      %swap3A_458 = arith.index_cast %swap3A_457 : i32 to index
      %swap3A_459 = arith.constant 112 : index
      %swap3A_460 = tpu.vector_load %arg25[%swap3A_458, %swap3A_459] {strides = array<i32>} : memref<4x128xf32, #tpu.memory_space<vmem>>, vector<1x16xf32>,
      %swap3A_461 = vector.shape_cast %swap3A_460 : vector<1x16xf32> to vector<16xf32>
      %swap3A_462 = vector.shape_cast %sub3A_444 : vector<16xf32> to vector<1x16xf32>
      tpu.vector_store %arg25[%swap3A_458, %swap3A_459], %swap3A_462 {strides = array<i32>} : memref<4x128xf32, #tpu.memory_space<vmem>>, vector<1x16xf32>,
      %mul3A_463 = arith.mulf %sub3A_430, %sub3A_430 : vector<16xf32>
      %mul3A_464 = arith.mulf %sub3A_437, %sub3A_437 : vector<16xf32>
      %add3A_465 = arith.addf %mul3A_463, %mul3A_464 : vector<16xf32>
      %mul3A_466 = arith.mulf %sub3A_444, %sub3A_444 : vector<16xf32>
      %add3A_467 = arith.addf %add3A_465, %mul3A_466 : vector<16xf32>
      %swap3A_468 = arith.constant 3 : i32
      %swap3A_469 = arith.index_cast %swap3A_468 : i32 to index
      %swap3A_470 = arith.constant 112 : index
      %swap3A_471 = tpu.vector_load %arg25[%swap3A_469, %swap3A_470] {strides = array<i32>} : memref<4x128xf32, #tpu.memory_space<vmem>>, vector<1x16xf32>,
      %swap3A_472 = vector.shape_cast %swap3A_471 : vector<1x16xf32> to vector<16xf32>
      %swap3A_473 = vector.shape_cast %add3A_467 : vector<16xf32> to vector<1x16xf32>
      tpu.vector_store %arg25[%swap3A_469, %swap3A_470], %swap3A_473 {strides = array<i32>} : memref<4x128xf32, #tpu.memory_space<vmem>>, vector<1x16xf32>,
      %mul3A_474 = arith.constant 640 : i32
      %mul3A_475 = arith.muli %add3A, %mul3A_474 : i32
      %mul3A_476 = arith.constant 128 : i32
      %mul3A_477 = arith.muli %scan3A_6, %mul3A_476 : i32
      %add3A_478 = arith.addi %mul3A_475, %mul3A_477 : i32
      %run_scoped3A = arith.constant 0 : i32
      "tpu.region"() ({
        %run_scoped3A_494 = tpu.sem_alloc : memref<!tpu.dma_semaphore, #tpu.memory_space<semaphore_mem>>
        %dma_start3A_495 = arith.constant 0 : i32
        %dma_start3A_496 = tpu.memref_slice %arg25[%run_scoped3A, %dma_start3A_495] : memref<4x128xf32, #tpu.memory_space<vmem>> -> memref<1x128xf32, #tpu.memory_space<vmem>>
        %dma_start3A_497 = tpu.memref_squeeze %dma_start3A_496 : memref<1x128xf32, #tpu.memory_space<vmem>> -> memref<128xf32, #tpu.memory_space<vmem>>
        %dma_start3A_498 = tpu.memref_slice %arg11[%add3A_478] : memref<20480xf32, #tpu.memory_space<hbm>> -> memref<128xf32, #tpu.memory_space<hbm>>
        %dma_start3A_499 = tpu.memref_slice %arg11[%add3A_478] : memref<20480xf32, #tpu.memory_space<hbm>> -> memref<128xf32, #tpu.memory_space<hbm>>
        %dma_start3A_500 = arith.constant 0 : i32
        %dma_start3A_501 = tpu.memref_slice %arg25[%run_scoped3A, %dma_start3A_500] : memref<4x128xf32, #tpu.memory_space<vmem>> -> memref<1x128xf32, #tpu.memory_space<vmem>>
        %dma_start3A_502 = tpu.memref_squeeze %dma_start3A_501 : memref<1x128xf32, #tpu.memory_space<vmem>> -> memref<128xf32, #tpu.memory_space<vmem>>
        tpu.enqueue_dma source(%dma_start3A_502 : memref<128xf32, #tpu.memory_space<vmem>>) target(%dma_start3A_499 : memref<128xf32, #tpu.memory_space<hbm>>) target_semaphore(%run_scoped3A_494 : memref<!tpu.dma_semaphore, #tpu.memory_space<semaphore_mem>>)
        %dma_wait3A_503 = arith.constant 0 : i32
        %dma_wait3A_504 = tpu.memref_slice %arg25[%run_scoped3A, %dma_wait3A_503] : memref<4x128xf32, #tpu.memory_space<vmem>> -> memref<1x128xf32, #tpu.memory_space<vmem>>
        %dma_wait3A_505 = tpu.memref_squeeze %dma_wait3A_504 : memref<1x128xf32, #tpu.memory_space<vmem>> -> memref<128xf32, #tpu.memory_space<vmem>>
        %dma_wait3A_506 = tpu.memref_slice %arg11[%add3A_478] : memref<20480xf32, #tpu.memory_space<hbm>> -> memref<128xf32, #tpu.memory_space<hbm>>
        %dma_wait3A_507 = tpu.memref_slice %arg11[%add3A_478] : memref<20480xf32, #tpu.memory_space<hbm>> -> memref<128xf32, #tpu.memory_space<hbm>>
        %dma_wait3A_508 = arith.constant 0 : i32
        %dma_wait3A_509 = tpu.memref_slice %arg25[%run_scoped3A, %dma_wait3A_508] : memref<4x128xf32, #tpu.memory_space<vmem>> -> memref<1x128xf32, #tpu.memory_space<vmem>>
        %dma_wait3A_510 = tpu.memref_squeeze %dma_wait3A_509 : memref<1x128xf32, #tpu.memory_space<vmem>> -> memref<128xf32, #tpu.memory_space<vmem>>
        tpu.wait_dma2 semaphore(%run_scoped3A_494 : memref<!tpu.dma_semaphore, #tpu.memory_space<semaphore_mem>>) src(%dma_wait3A_510 : memref<128xf32, #tpu.memory_space<vmem>>) dst(%dma_wait3A_507 : memref<128xf32, #tpu.memory_space<hbm>>)
        tpu.yield
      }) : () -> ()
      %run_scoped3A_479 = arith.constant 1 : i32
      "tpu.region"() ({
        %run_scoped3A_494 = tpu.sem_alloc : memref<!tpu.dma_semaphore, #tpu.memory_space<semaphore_mem>>
        %dma_start3A_495 = arith.constant 0 : i32
        %dma_start3A_496 = tpu.memref_slice %arg25[%run_scoped3A_479, %dma_start3A_495] : memref<4x128xf32, #tpu.memory_space<vmem>> -> memref<1x128xf32, #tpu.memory_space<vmem>>
        %dma_start3A_497 = tpu.memref_squeeze %dma_start3A_496 : memref<1x128xf32, #tpu.memory_space<vmem>> -> memref<128xf32, #tpu.memory_space<vmem>>
        %dma_start3A_498 = tpu.memref_slice %arg12[%add3A_478] : memref<20480xf32, #tpu.memory_space<hbm>> -> memref<128xf32, #tpu.memory_space<hbm>>
        %dma_start3A_499 = tpu.memref_slice %arg12[%add3A_478] : memref<20480xf32, #tpu.memory_space<hbm>> -> memref<128xf32, #tpu.memory_space<hbm>>
        %dma_start3A_500 = arith.constant 0 : i32
        %dma_start3A_501 = tpu.memref_slice %arg25[%run_scoped3A_479, %dma_start3A_500] : memref<4x128xf32, #tpu.memory_space<vmem>> -> memref<1x128xf32, #tpu.memory_space<vmem>>
        %dma_start3A_502 = tpu.memref_squeeze %dma_start3A_501 : memref<1x128xf32, #tpu.memory_space<vmem>> -> memref<128xf32, #tpu.memory_space<vmem>>
        tpu.enqueue_dma source(%dma_start3A_502 : memref<128xf32, #tpu.memory_space<vmem>>) target(%dma_start3A_499 : memref<128xf32, #tpu.memory_space<hbm>>) target_semaphore(%run_scoped3A_494 : memref<!tpu.dma_semaphore, #tpu.memory_space<semaphore_mem>>)
        %dma_wait3A_503 = arith.constant 0 : i32
        %dma_wait3A_504 = tpu.memref_slice %arg25[%run_scoped3A_479, %dma_wait3A_503] : memref<4x128xf32, #tpu.memory_space<vmem>> -> memref<1x128xf32, #tpu.memory_space<vmem>>
        %dma_wait3A_505 = tpu.memref_squeeze %dma_wait3A_504 : memref<1x128xf32, #tpu.memory_space<vmem>> -> memref<128xf32, #tpu.memory_space<vmem>>
        %dma_wait3A_506 = tpu.memref_slice %arg12[%add3A_478] : memref<20480xf32, #tpu.memory_space<hbm>> -> memref<128xf32, #tpu.memory_space<hbm>>
        %dma_wait3A_507 = tpu.memref_slice %arg12[%add3A_478] : memref<20480xf32, #tpu.memory_space<hbm>> -> memref<128xf32, #tpu.memory_space<hbm>>
        %dma_wait3A_508 = arith.constant 0 : i32
        %dma_wait3A_509 = tpu.memref_slice %arg25[%run_scoped3A_479, %dma_wait3A_508] : memref<4x128xf32, #tpu.memory_space<vmem>> -> memref<1x128xf32, #tpu.memory_space<vmem>>
        %dma_wait3A_510 = tpu.memref_squeeze %dma_wait3A_509 : memref<1x128xf32, #tpu.memory_space<vmem>> -> memref<128xf32, #tpu.memory_space<vmem>>
        tpu.wait_dma2 semaphore(%run_scoped3A_494 : memref<!tpu.dma_semaphore, #tpu.memory_space<semaphore_mem>>) src(%dma_wait3A_510 : memref<128xf32, #tpu.memory_space<vmem>>) dst(%dma_wait3A_507 : memref<128xf32, #tpu.memory_space<hbm>>)
        tpu.yield
      }) : () -> ()
      %run_scoped3A_480 = arith.constant 2 : i32
      "tpu.region"() ({
        %run_scoped3A_494 = tpu.sem_alloc : memref<!tpu.dma_semaphore, #tpu.memory_space<semaphore_mem>>
        %dma_start3A_495 = arith.constant 0 : i32
        %dma_start3A_496 = tpu.memref_slice %arg25[%run_scoped3A_480, %dma_start3A_495] : memref<4x128xf32, #tpu.memory_space<vmem>> -> memref<1x128xf32, #tpu.memory_space<vmem>>
        %dma_start3A_497 = tpu.memref_squeeze %dma_start3A_496 : memref<1x128xf32, #tpu.memory_space<vmem>> -> memref<128xf32, #tpu.memory_space<vmem>>
        %dma_start3A_498 = tpu.memref_slice %arg13[%add3A_478] : memref<20480xf32, #tpu.memory_space<hbm>> -> memref<128xf32, #tpu.memory_space<hbm>>
        %dma_start3A_499 = tpu.memref_slice %arg13[%add3A_478] : memref<20480xf32, #tpu.memory_space<hbm>> -> memref<128xf32, #tpu.memory_space<hbm>>
        %dma_start3A_500 = arith.constant 0 : i32
        %dma_start3A_501 = tpu.memref_slice %arg25[%run_scoped3A_480, %dma_start3A_500] : memref<4x128xf32, #tpu.memory_space<vmem>> -> memref<1x128xf32, #tpu.memory_space<vmem>>
        %dma_start3A_502 = tpu.memref_squeeze %dma_start3A_501 : memref<1x128xf32, #tpu.memory_space<vmem>> -> memref<128xf32, #tpu.memory_space<vmem>>
        tpu.enqueue_dma source(%dma_start3A_502 : memref<128xf32, #tpu.memory_space<vmem>>) target(%dma_start3A_499 : memref<128xf32, #tpu.memory_space<hbm>>) target_semaphore(%run_scoped3A_494 : memref<!tpu.dma_semaphore, #tpu.memory_space<semaphore_mem>>)
        %dma_wait3A_503 = arith.constant 0 : i32
        %dma_wait3A_504 = tpu.memref_slice %arg25[%run_scoped3A_480, %dma_wait3A_503] : memref<4x128xf32, #tpu.memory_space<vmem>> -> memref<1x128xf32, #tpu.memory_space<vmem>>
        %dma_wait3A_505 = tpu.memref_squeeze %dma_wait3A_504 : memref<1x128xf32, #tpu.memory_space<vmem>> -> memref<128xf32, #tpu.memory_space<vmem>>
        %dma_wait3A_506 = tpu.memref_slice %arg13[%add3A_478] : memref<20480xf32, #tpu.memory_space<hbm>> -> memref<128xf32, #tpu.memory_space<hbm>>
        %dma_wait3A_507 = tpu.memref_slice %arg13[%add3A_478] : memref<20480xf32, #tpu.memory_space<hbm>> -> memref<128xf32, #tpu.memory_space<hbm>>
        %dma_wait3A_508 = arith.constant 0 : i32
        %dma_wait3A_509 = tpu.memref_slice %arg25[%run_scoped3A_480, %dma_wait3A_508] : memref<4x128xf32, #tpu.memory_space<vmem>> -> memref<1x128xf32, #tpu.memory_space<vmem>>
        %dma_wait3A_510 = tpu.memref_squeeze %dma_wait3A_509 : memref<1x128xf32, #tpu.memory_space<vmem>> -> memref<128xf32, #tpu.memory_space<vmem>>
        tpu.wait_dma2 semaphore(%run_scoped3A_494 : memref<!tpu.dma_semaphore, #tpu.memory_space<semaphore_mem>>) src(%dma_wait3A_510 : memref<128xf32, #tpu.memory_space<vmem>>) dst(%dma_wait3A_507 : memref<128xf32, #tpu.memory_space<hbm>>)
        tpu.yield
      }) : () -> ()
      %run_scoped3A_481 = arith.constant 3 : i32
      "tpu.region"() ({
        %run_scoped3A_494 = tpu.sem_alloc : memref<!tpu.dma_semaphore, #tpu.memory_space<semaphore_mem>>
        %dma_start3A_495 = arith.constant 0 : i32
        %dma_start3A_496 = tpu.memref_slice %arg25[%run_scoped3A_481, %dma_start3A_495] : memref<4x128xf32, #tpu.memory_space<vmem>> -> memref<1x128xf32, #tpu.memory_space<vmem>>
        %dma_start3A_497 = tpu.memref_squeeze %dma_start3A_496 : memref<1x128xf32, #tpu.memory_space<vmem>> -> memref<128xf32, #tpu.memory_space<vmem>>
        %dma_start3A_498 = tpu.memref_slice %arg14[%add3A_478] : memref<20480xf32, #tpu.memory_space<hbm>> -> memref<128xf32, #tpu.memory_space<hbm>>
        %dma_start3A_499 = tpu.memref_slice %arg14[%add3A_478] : memref<20480xf32, #tpu.memory_space<hbm>> -> memref<128xf32, #tpu.memory_space<hbm>>
        %dma_start3A_500 = arith.constant 0 : i32
        %dma_start3A_501 = tpu.memref_slice %arg25[%run_scoped3A_481, %dma_start3A_500] : memref<4x128xf32, #tpu.memory_space<vmem>> -> memref<1x128xf32, #tpu.memory_space<vmem>>
        %dma_start3A_502 = tpu.memref_squeeze %dma_start3A_501 : memref<1x128xf32, #tpu.memory_space<vmem>> -> memref<128xf32, #tpu.memory_space<vmem>>
        tpu.enqueue_dma source(%dma_start3A_502 : memref<128xf32, #tpu.memory_space<vmem>>) target(%dma_start3A_499 : memref<128xf32, #tpu.memory_space<hbm>>) target_semaphore(%run_scoped3A_494 : memref<!tpu.dma_semaphore, #tpu.memory_space<semaphore_mem>>)
        %dma_wait3A_503 = arith.constant 0 : i32
        %dma_wait3A_504 = tpu.memref_slice %arg25[%run_scoped3A_481, %dma_wait3A_503] : memref<4x128xf32, #tpu.memory_space<vmem>> -> memref<1x128xf32, #tpu.memory_space<vmem>>
        %dma_wait3A_505 = tpu.memref_squeeze %dma_wait3A_504 : memref<1x128xf32, #tpu.memory_space<vmem>> -> memref<128xf32, #tpu.memory_space<vmem>>
        %dma_wait3A_506 = tpu.memref_slice %arg14[%add3A_478] : memref<20480xf32, #tpu.memory_space<hbm>> -> memref<128xf32, #tpu.memory_space<hbm>>
        %dma_wait3A_507 = tpu.memref_slice %arg14[%add3A_478] : memref<20480xf32, #tpu.memory_space<hbm>> -> memref<128xf32, #tpu.memory_space<hbm>>
        %dma_wait3A_508 = arith.constant 0 : i32
        %dma_wait3A_509 = tpu.memref_slice %arg25[%run_scoped3A_481, %dma_wait3A_508] : memref<4x128xf32, #tpu.memory_space<vmem>> -> memref<1x128xf32, #tpu.memory_space<vmem>>
        %dma_wait3A_510 = tpu.memref_squeeze %dma_wait3A_509 : memref<1x128xf32, #tpu.memory_space<vmem>> -> memref<128xf32, #tpu.memory_space<vmem>>
        tpu.wait_dma2 semaphore(%run_scoped3A_494 : memref<!tpu.dma_semaphore, #tpu.memory_space<semaphore_mem>>) src(%dma_wait3A_510 : memref<128xf32, #tpu.memory_space<vmem>>) dst(%dma_wait3A_507 : memref<128xf32, #tpu.memory_space<hbm>>)
        tpu.yield
      }) : () -> ()
      %dma_wait3A_482 = arith.constant 0 : i32
      %dma_wait3A_483 = tpu.memref_slice %arg15[%scan3A_6, %dma_wait3A_482] : memref<5x128xi32, #tpu.memory_space<vmem>> -> memref<1x128xi32, #tpu.memory_space<vmem>>
      %dma_wait3A_484 = tpu.memref_squeeze %dma_wait3A_483 : memref<1x128xi32, #tpu.memory_space<vmem>> -> memref<128xi32, #tpu.memory_space<vmem>>
      %dma_wait3A_485 = arith.constant 0 : i32
      %dma_wait3A_486 = arith.constant 0 : i32
      %dma_wait3A_487 = tpu.memref_slice %arg2[%dma_wait3A_485, %dma_wait3A_486] : memref<8192x128xf32, #tpu.memory_space<hbm>> -> memref<8192x128xf32, #tpu.memory_space<hbm>>
      tpu.wait_indirect_dma semaphore(%arg26 : memref<!tpu.dma_semaphore, #tpu.memory_space<semaphore_mem>>) src(%dma_wait3A_487 : memref<8192x128xf32, #tpu.memory_space<hbm>>) dst(%arg17 : memref<128x128xf32, #tpu.memory_space<vmem>>)
      %dma_wait3A_488 = arith.constant 0 : i32
      %dma_wait3A_489 = tpu.memref_slice %arg16[%scan3A_6, %dma_wait3A_488] : memref<5x128xi32, #tpu.memory_space<vmem>> -> memref<1x128xi32, #tpu.memory_space<vmem>>
      %dma_wait3A_490 = tpu.memref_squeeze %dma_wait3A_489 : memref<1x128xi32, #tpu.memory_space<vmem>> -> memref<128xi32, #tpu.memory_space<vmem>>
      %dma_wait3A_491 = arith.constant 0 : i32
      %dma_wait3A_492 = arith.constant 0 : i32
      %dma_wait3A_493 = tpu.memref_slice %arg3[%dma_wait3A_491, %dma_wait3A_492] : memref<8192x128xf32, #tpu.memory_space<hbm>> -> memref<8192x128xf32, #tpu.memory_space<hbm>>
      tpu.wait_indirect_dma semaphore(%arg27 : memref<!tpu.dma_semaphore, #tpu.memory_space<semaphore_mem>>) src(%dma_wait3A_493 : memref<8192x128xf32, #tpu.memory_space<hbm>>) dst(%arg18 : memref<128x128xf32, #tpu.memory_space<vmem>>)
      "tpu.region"() ({
        %run_scoped3A_494 = tpu.sem_alloc : memref<!tpu.dma_semaphore, #tpu.memory_space<semaphore_mem>>
        %dma_start3A_495 = arith.constant 0 : i32
        %dma_start3A_496 = tpu.memref_slice %arg9[%add3A_478, %dma_start3A_495] : memref<20480x128xf32, #tpu.memory_space<hbm>> -> memref<128x128xf32, #tpu.memory_space<hbm>>
        %dma_start3A_497 = arith.constant 0 : i32
        %dma_start3A_498 = tpu.memref_slice %arg9[%add3A_478, %dma_start3A_497] : memref<20480x128xf32, #tpu.memory_space<hbm>> -> memref<128x128xf32, #tpu.memory_space<hbm>>
        tpu.enqueue_dma source(%arg17 : memref<128x128xf32, #tpu.memory_space<vmem>>) target(%dma_start3A_498 : memref<128x128xf32, #tpu.memory_space<hbm>>) target_semaphore(%run_scoped3A_494 : memref<!tpu.dma_semaphore, #tpu.memory_space<semaphore_mem>>)
        %dma_wait3A_499 = arith.constant 0 : i32
        %dma_wait3A_500 = tpu.memref_slice %arg9[%add3A_478, %dma_wait3A_499] : memref<20480x128xf32, #tpu.memory_space<hbm>> -> memref<128x128xf32, #tpu.memory_space<hbm>>
        %dma_wait3A_501 = arith.constant 0 : i32
        %dma_wait3A_502 = tpu.memref_slice %arg9[%add3A_478, %dma_wait3A_501] : memref<20480x128xf32, #tpu.memory_space<hbm>> -> memref<128x128xf32, #tpu.memory_space<hbm>>
        tpu.wait_dma2 semaphore(%run_scoped3A_494 : memref<!tpu.dma_semaphore, #tpu.memory_space<semaphore_mem>>) src(%arg17 : memref<128x128xf32, #tpu.memory_space<vmem>>) dst(%dma_wait3A_502 : memref<128x128xf32, #tpu.memory_space<hbm>>)
        tpu.yield
      }) : () -> ()
      "tpu.region"() ({
        %run_scoped3A_494 = tpu.sem_alloc : memref<!tpu.dma_semaphore, #tpu.memory_space<semaphore_mem>>
        %dma_start3A_495 = arith.constant 0 : i32
        %dma_start3A_496 = tpu.memref_slice %arg10[%add3A_478, %dma_start3A_495] : memref<20480x128xf32, #tpu.memory_space<hbm>> -> memref<128x128xf32, #tpu.memory_space<hbm>>
        %dma_start3A_497 = arith.constant 0 : i32
        %dma_start3A_498 = tpu.memref_slice %arg10[%add3A_478, %dma_start3A_497] : memref<20480x128xf32, #tpu.memory_space<hbm>> -> memref<128x128xf32, #tpu.memory_space<hbm>>
        tpu.enqueue_dma source(%arg18 : memref<128x128xf32, #tpu.memory_space<vmem>>) target(%dma_start3A_498 : memref<128x128xf32, #tpu.memory_space<hbm>>) target_semaphore(%run_scoped3A_494 : memref<!tpu.dma_semaphore, #tpu.memory_space<semaphore_mem>>)
        %dma_wait3A_499 = arith.constant 0 : i32
        %dma_wait3A_500 = tpu.memref_slice %arg10[%add3A_478, %dma_wait3A_499] : memref<20480x128xf32, #tpu.memory_space<hbm>> -> memref<128x128xf32, #tpu.memory_space<hbm>>
        %dma_wait3A_501 = arith.constant 0 : i32
        %dma_wait3A_502 = tpu.memref_slice %arg10[%add3A_478, %dma_wait3A_501] : memref<20480x128xf32, #tpu.memory_space<hbm>> -> memref<128x128xf32, #tpu.memory_space<hbm>>
        tpu.wait_dma2 semaphore(%run_scoped3A_494 : memref<!tpu.dma_semaphore, #tpu.memory_space<semaphore_mem>>) src(%arg18 : memref<128x128xf32, #tpu.memory_space<vmem>>) dst(%dma_wait3A_502 : memref<128x128xf32, #tpu.memory_space<hbm>>)
        tpu.yield
      }) : () -> ()
    }
    %scan3A_5 = arith.constant 5 : i32
    return
  }
}

#map = affine_map<(d0, d1) -> (0, 0)>
#map1 = affine_map<(d0, d1) -> (0)>
#map2 = affine_map<(d0, d1) -> (0, 0, 0)>
module attributes {stable_mosaic.version = 14 : i64} {
  func.func @_sc_gather_body(%arg0: i32, %arg1: i32, %arg2: memref<8192x128xf32, #tpu.memory_space<hbm>>, %arg3: memref<8192x128xf32, #tpu.memory_space<hbm>>, %arg4: memref<8192xf32, #tpu.memory_space<hbm>>, %arg5: memref<8192xf32, #tpu.memory_space<hbm>>, %arg6: memref<8192xf32, #tpu.memory_space<hbm>>, %arg7: memref<32x5x128xi32, #tpu.memory_space<hbm>>, %arg8: memref<32x5x128xi32, #tpu.memory_space<hbm>>, %arg9: memref<20480x128xf32, #tpu.memory_space<hbm>>, %arg10: memref<20480x128xf32, #tpu.memory_space<hbm>>, %arg11: memref<20480xf32, #tpu.memory_space<hbm>>, %arg12: memref<20480xf32, #tpu.memory_space<hbm>>, %arg13: memref<20480xf32, #tpu.memory_space<hbm>>, %arg14: memref<20480xf32, #tpu.memory_space<hbm>>, %arg15: memref<5x128xi32, #tpu.memory_space<vmem>>, %arg16: memref<5x128xi32, #tpu.memory_space<vmem>>, %arg17: memref<128x128xf32, #tpu.memory_space<vmem>>, %arg18: memref<128x128xf32, #tpu.memory_space<vmem>>, %arg19: memref<128xf32, #tpu.memory_space<vmem>>, %arg20: memref<128xf32, #tpu.memory_space<vmem>>, %arg21: memref<128xf32, #tpu.memory_space<vmem>>, %arg22: memref<128xf32, #tpu.memory_space<vmem>>, %arg23: memref<128xf32, #tpu.memory_space<vmem>>, %arg24: memref<128xf32, #tpu.memory_space<vmem>>, %arg25: memref<4x128xf32, #tpu.memory_space<vmem>>, %arg26: memref<!tpu.dma_semaphore, #tpu.memory_space<semaphore_mem>>, %arg27: memref<!tpu.dma_semaphore, #tpu.memory_space<semaphore_mem>>, %arg28: memref<!tpu.dma_semaphore, #tpu.memory_space<semaphore_mem>>, %arg29: memref<!tpu.dma_semaphore, #tpu.memory_space<semaphore_mem>>) attributes {dimension_semantics = [#tpu.dimension_semantics<core_parallel>, #tpu.dimension_semantics<subcore_parallel>], iteration_bounds = array<i64: 2, 16>, scalar_prefetch = 0 : i64, scratch_operands = 15 : i64, tpu.core_type = #tpu.core_type<sc_vector_subcore>, window_params = [{transform_indices = #map}, {transform_indices = #map}, {transform_indices = #map1}, {transform_indices = #map1}, {transform_indices = #map1}, {transform_indices = #map2}, {transform_indices = #map2}, {transform_indices = #map}, {transform_indices = #map}, {transform_indices = #map1}, {transform_indices = #map1}, {transform_indices = #map1}, {transform_indices = #map1}]} {
    %mul3A = arith.constant 2 : i32
    %mul3A_0 = arith.muli %arg1, %mul3A : i32
    %add3A = arith.addi %mul3A_0, %arg0 : i32
    "tpu.region"() ({
      %run_scoped3A = tpu.sem_alloc : memref<!tpu.dma_semaphore, #tpu.memory_space<semaphore_mem>>
      %dma_start3A = arith.constant 0 : i32
      %dma_start3A_6 = arith.constant 0 : i32
      %dma_start3A_7 = tpu.memref_slice %arg7[%add3A, %dma_start3A, %dma_start3A_6] : memref<32x5x128xi32, #tpu.memory_space<hbm>> -> memref<1x5x128xi32, #tpu.memory_space<hbm>>
      %dma_start3A_8 = tpu.memref_squeeze %dma_start3A_7 : memref<1x5x128xi32, #tpu.memory_space<hbm>> -> memref<5x128xi32, #tpu.memory_space<hbm>>
      %dma_start3A_9 = arith.constant 0 : i32
      %dma_start3A_10 = arith.constant 0 : i32
      %dma_start3A_11 = tpu.memref_slice %arg7[%add3A, %dma_start3A_9, %dma_start3A_10] : memref<32x5x128xi32, #tpu.memory_space<hbm>> -> memref<1x5x128xi32, #tpu.memory_space<hbm>>
      %dma_start3A_12 = tpu.memref_squeeze %dma_start3A_11 : memref<1x5x128xi32, #tpu.memory_space<hbm>> -> memref<5x128xi32, #tpu.memory_space<hbm>>
      tpu.enqueue_dma source(%dma_start3A_12 : memref<5x128xi32, #tpu.memory_space<hbm>>) target(%arg15 : memref<5x128xi32, #tpu.memory_space<vmem>>) target_semaphore(%run_scoped3A : memref<!tpu.dma_semaphore, #tpu.memory_space<semaphore_mem>>)
      %dma_wait3A = arith.constant 0 : i32
      %dma_wait3A_13 = arith.constant 0 : i32
      %dma_wait3A_14 = tpu.memref_slice %arg7[%add3A, %dma_wait3A, %dma_wait3A_13] : memref<32x5x128xi32, #tpu.memory_space<hbm>> -> memref<1x5x128xi32, #tpu.memory_space<hbm>>
      %dma_wait3A_15 = tpu.memref_squeeze %dma_wait3A_14 : memref<1x5x128xi32, #tpu.memory_space<hbm>> -> memref<5x128xi32, #tpu.memory_space<hbm>>
      %dma_wait3A_16 = arith.constant 0 : i32
      %dma_wait3A_17 = arith.constant 0 : i32
      %dma_wait3A_18 = tpu.memref_slice %arg7[%add3A, %dma_wait3A_16, %dma_wait3A_17] : memref<32x5x128xi32, #tpu.memory_space<hbm>> -> memref<1x5x128xi32, #tpu.memory_space<hbm>>
      %dma_wait3A_19 = tpu.memref_squeeze %dma_wait3A_18 : memref<1x5x128xi32, #tpu.memory_space<hbm>> -> memref<5x128xi32, #tpu.memory_space<hbm>>
      tpu.wait_dma2 semaphore(%run_scoped3A : memref<!tpu.dma_semaphore, #tpu.memory_space<semaphore_mem>>) src(%dma_wait3A_19 : memref<5x128xi32, #tpu.memory_space<hbm>>) dst(%arg15 : memref<5x128xi32, #tpu.memory_space<vmem>>)
      tpu.yield
    }) : () -> ()
    "tpu.region"() ({
      %run_scoped3A = tpu.sem_alloc : memref<!tpu.dma_semaphore, #tpu.memory_space<semaphore_mem>>
      %dma_start3A = arith.constant 0 : i32
      %dma_start3A_6 = arith.constant 0 : i32
      %dma_start3A_7 = tpu.memref_slice %arg8[%add3A, %dma_start3A, %dma_start3A_6] : memref<32x5x128xi32, #tpu.memory_space<hbm>> -> memref<1x5x128xi32, #tpu.memory_space<hbm>>
      %dma_start3A_8 = tpu.memref_squeeze %dma_start3A_7 : memref<1x5x128xi32, #tpu.memory_space<hbm>> -> memref<5x128xi32, #tpu.memory_space<hbm>>
      %dma_start3A_9 = arith.constant 0 : i32
      %dma_start3A_10 = arith.constant 0 : i32
      %dma_start3A_11 = tpu.memref_slice %arg8[%add3A, %dma_start3A_9, %dma_start3A_10] : memref<32x5x128xi32, #tpu.memory_space<hbm>> -> memref<1x5x128xi32, #tpu.memory_space<hbm>>
      %dma_start3A_12 = tpu.memref_squeeze %dma_start3A_11 : memref<1x5x128xi32, #tpu.memory_space<hbm>> -> memref<5x128xi32, #tpu.memory_space<hbm>>
      tpu.enqueue_dma source(%dma_start3A_12 : memref<5x128xi32, #tpu.memory_space<hbm>>) target(%arg16 : memref<5x128xi32, #tpu.memory_space<vmem>>) target_semaphore(%run_scoped3A : memref<!tpu.dma_semaphore, #tpu.memory_space<semaphore_mem>>)
      %dma_wait3A = arith.constant 0 : i32
      %dma_wait3A_13 = arith.constant 0 : i32
      %dma_wait3A_14 = tpu.memref_slice %arg8[%add3A, %dma_wait3A, %dma_wait3A_13] : memref<32x5x128xi32, #tpu.memory_space<hbm>> -> memref<1x5x128xi32, #tpu.memory_space<hbm>>
      %dma_wait3A_15 = tpu.memref_squeeze %dma_wait3A_14 : memref<1x5x128xi32, #tpu.memory_space<hbm>> -> memref<5x128xi32, #tpu.memory_space<hbm>>
      %dma_wait3A_16 = arith.constant 0 : i32
      %dma_wait3A_17 = arith.constant 0 : i32
      %dma_wait3A_18 = tpu.memref_slice %arg8[%add3A, %dma_wait3A_16, %dma_wait3A_17] : memref<32x5x128xi32, #tpu.memory_space<hbm>> -> memref<1x5x128xi32, #tpu.memory_space<hbm>>
      %dma_wait3A_19 = tpu.memref_squeeze %dma_wait3A_18 : memref<1x5x128xi32, #tpu.memory_space<hbm>> -> memref<5x128xi32, #tpu.memory_space<hbm>>
      tpu.wait_dma2 semaphore(%run_scoped3A : memref<!tpu.dma_semaphore, #tpu.memory_space<semaphore_mem>>) src(%dma_wait3A_19 : memref<5x128xi32, #tpu.memory_space<hbm>>) dst(%arg16 : memref<5x128xi32, #tpu.memory_space<vmem>>)
      tpu.yield
    }) : () -> ()
    %scan3A = arith.constant 0 : i32
    %scan3A_1 = arith.constant 0 : i32
    %scan3A_2 = arith.constant 5 : i32
    %scan3A_3 = arith.addi %scan3A_1, %scan3A_2 : i32
    %scan3A_4 = arith.constant 1 : i32
    scf.for %scan3A_6 = %scan3A_1 to %scan3A_3 step %scan3A_4  : i32 {
      %dma_start3A = arith.constant 0 : i32
      %dma_start3A_7 = tpu.memref_slice %arg15[%scan3A_6, %dma_start3A] : memref<5x128xi32, #tpu.memory_space<vmem>> -> memref<1x128xi32, #tpu.memory_space<vmem>>
      %dma_start3A_8 = tpu.memref_squeeze %dma_start3A_7 : memref<1x128xi32, #tpu.memory_space<vmem>> -> memref<128xi32, #tpu.memory_space<vmem>>
      %dma_start3A_9 = arith.constant 0 : i32
      %dma_start3A_10 = arith.constant 0 : i32
      %dma_start3A_11 = tpu.memref_slice %arg2[%dma_start3A_9, %dma_start3A_10] : memref<8192x128xf32, #tpu.memory_space<hbm>> -> memref<8192x128xf32, #tpu.memory_space<hbm>>
      tpu.enqueue_indirect_dma source(%dma_start3A_11 : memref<8192x128xf32, #tpu.memory_space<hbm>>) target(%arg17 : memref<128x128xf32, #tpu.memory_space<vmem>>) offsets(%dma_start3A_8 : memref<128xi32, #tpu.memory_space<vmem>>) semaphore(%arg26 : memref<!tpu.dma_semaphore, #tpu.memory_space<semaphore_mem>>)
      %dma_start3A_12 = arith.constant 0 : i32
      %dma_start3A_13 = tpu.memref_slice %arg16[%scan3A_6, %dma_start3A_12] : memref<5x128xi32, #tpu.memory_space<vmem>> -> memref<1x128xi32, #tpu.memory_space<vmem>>
      %dma_start3A_14 = tpu.memref_squeeze %dma_start3A_13 : memref<1x128xi32, #tpu.memory_space<vmem>> -> memref<128xi32, #tpu.memory_space<vmem>>
      %dma_start3A_15 = arith.constant 0 : i32
      %dma_start3A_16 = arith.constant 0 : i32
      %dma_start3A_17 = tpu.memref_slice %arg3[%dma_start3A_15, %dma_start3A_16] : memref<8192x128xf32, #tpu.memory_space<hbm>> -> memref<8192x128xf32, #tpu.memory_space<hbm>>
      tpu.enqueue_indirect_dma source(%dma_start3A_17 : memref<8192x128xf32, #tpu.memory_space<hbm>>) target(%arg18 : memref<128x128xf32, #tpu.memory_space<vmem>>) offsets(%dma_start3A_14 : memref<128xi32, #tpu.memory_space<vmem>>) semaphore(%arg27 : memref<!tpu.dma_semaphore, #tpu.memory_space<semaphore_mem>>)
      %dma_start3A_18 = arith.constant 0 : i32
      %dma_start3A_19 = tpu.memref_slice %arg15[%scan3A_6, %dma_start3A_18] : memref<5x128xi32, #tpu.memory_space<vmem>> -> memref<1x128xi32, #tpu.memory_space<vmem>>
      %dma_start3A_20 = tpu.memref_squeeze %dma_start3A_19 : memref<1x128xi32, #tpu.memory_space<vmem>> -> memref<128xi32, #tpu.memory_space<vmem>>
      %dma_start3A_21 = arith.constant 0 : i32
      %dma_start3A_22 = tpu.memref_slice %arg4[%dma_start3A_21] : memref<8192xf32, #tpu.memory_space<hbm>> -> memref<8192xf32, #tpu.memory_space<hbm>>
      tpu.enqueue_indirect_dma source(%dma_start3A_22 : memref<8192xf32, #tpu.memory_space<hbm>>) target(%arg19 : memref<128xf32, #tpu.memory_space<vmem>>) offsets(%dma_start3A_20 : memref<128xi32, #tpu.memory_space<vmem>>) semaphore(%arg28 : memref<!tpu.dma_semaphore, #tpu.memory_space<semaphore_mem>>)
      %dma_start3A_23 = arith.constant 0 : i32
      %dma_start3A_24 = tpu.memref_slice %arg15[%scan3A_6, %dma_start3A_23] : memref<5x128xi32, #tpu.memory_space<vmem>> -> memref<1x128xi32, #tpu.memory_space<vmem>>
      %dma_start3A_25 = tpu.memref_squeeze %dma_start3A_24 : memref<1x128xi32, #tpu.memory_space<vmem>> -> memref<128xi32, #tpu.memory_space<vmem>>
      %dma_start3A_26 = arith.constant 0 : i32
      %dma_start3A_27 = tpu.memref_slice %arg5[%dma_start3A_26] : memref<8192xf32, #tpu.memory_space<hbm>> -> memref<8192xf32, #tpu.memory_space<hbm>>
      tpu.enqueue_indirect_dma source(%dma_start3A_27 : memref<8192xf32, #tpu.memory_space<hbm>>) target(%arg20 : memref<128xf32, #tpu.memory_space<vmem>>) offsets(%dma_start3A_25 : memref<128xi32, #tpu.memory_space<vmem>>) semaphore(%arg28 : memref<!tpu.dma_semaphore, #tpu.memory_space<semaphore_mem>>)
      %dma_start3A_28 = arith.constant 0 : i32
      %dma_start3A_29 = tpu.memref_slice %arg15[%scan3A_6, %dma_start3A_28] : memref<5x128xi32, #tpu.memory_space<vmem>> -> memref<1x128xi32, #tpu.memory_space<vmem>>
      %dma_start3A_30 = tpu.memref_squeeze %dma_start3A_29 : memref<1x128xi32, #tpu.memory_space<vmem>> -> memref<128xi32, #tpu.memory_space<vmem>>
      %dma_start3A_31 = arith.constant 0 : i32
      %dma_start3A_32 = tpu.memref_slice %arg6[%dma_start3A_31] : memref<8192xf32, #tpu.memory_space<hbm>> -> memref<8192xf32, #tpu.memory_space<hbm>>
      tpu.enqueue_indirect_dma source(%dma_start3A_32 : memref<8192xf32, #tpu.memory_space<hbm>>) target(%arg21 : memref<128xf32, #tpu.memory_space<vmem>>) offsets(%dma_start3A_30 : memref<128xi32, #tpu.memory_space<vmem>>) semaphore(%arg28 : memref<!tpu.dma_semaphore, #tpu.memory_space<semaphore_mem>>)
      %dma_start3A_33 = arith.constant 0 : i32
      %dma_start3A_34 = tpu.memref_slice %arg16[%scan3A_6, %dma_start3A_33] : memref<5x128xi32, #tpu.memory_space<vmem>> -> memref<1x128xi32, #tpu.memory_space<vmem>>
      %dma_start3A_35 = tpu.memref_squeeze %dma_start3A_34 : memref<1x128xi32, #tpu.memory_space<vmem>> -> memref<128xi32, #tpu.memory_space<vmem>>
      %dma_start3A_36 = arith.constant 0 : i32
      %dma_start3A_37 = tpu.memref_slice %arg4[%dma_start3A_36] : memref<8192xf32, #tpu.memory_space<hbm>> -> memref<8192xf32, #tpu.memory_space<hbm>>
      tpu.enqueue_indirect_dma source(%dma_start3A_37 : memref<8192xf32, #tpu.memory_space<hbm>>) target(%arg22 : memref<128xf32, #tpu.memory_space<vmem>>) offsets(%dma_start3A_35 : memref<128xi32, #tpu.memory_space<vmem>>) semaphore(%arg29 : memref<!tpu.dma_semaphore, #tpu.memory_space<semaphore_mem>>)
      %dma_start3A_38 = arith.constant 0 : i32
      %dma_start3A_39 = tpu.memref_slice %arg16[%scan3A_6, %dma_start3A_38] : memref<5x128xi32, #tpu.memory_space<vmem>> -> memref<1x128xi32, #tpu.memory_space<vmem>>
      %dma_start3A_40 = tpu.memref_squeeze %dma_start3A_39 : memref<1x128xi32, #tpu.memory_space<vmem>> -> memref<128xi32, #tpu.memory_space<vmem>>
      %dma_start3A_41 = arith.constant 0 : i32
      %dma_start3A_42 = tpu.memref_slice %arg5[%dma_start3A_41] : memref<8192xf32, #tpu.memory_space<hbm>> -> memref<8192xf32, #tpu.memory_space<hbm>>
      tpu.enqueue_indirect_dma source(%dma_start3A_42 : memref<8192xf32, #tpu.memory_space<hbm>>) target(%arg23 : memref<128xf32, #tpu.memory_space<vmem>>) offsets(%dma_start3A_40 : memref<128xi32, #tpu.memory_space<vmem>>) semaphore(%arg29 : memref<!tpu.dma_semaphore, #tpu.memory_space<semaphore_mem>>)
      %dma_start3A_43 = arith.constant 0 : i32
      %dma_start3A_44 = tpu.memref_slice %arg16[%scan3A_6, %dma_start3A_43] : memref<5x128xi32, #tpu.memory_space<vmem>> -> memref<1x128xi32, #tpu.memory_space<vmem>>
      %dma_start3A_45 = tpu.memref_squeeze %dma_start3A_44 : memref<1x128xi32, #tpu.memory_space<vmem>> -> memref<128xi32, #tpu.memory_space<vmem>>
      %dma_start3A_46 = arith.constant 0 : i32
      %dma_start3A_47 = tpu.memref_slice %arg6[%dma_start3A_46] : memref<8192xf32, #tpu.memory_space<hbm>> -> memref<8192xf32, #tpu.memory_space<hbm>>
      tpu.enqueue_indirect_dma source(%dma_start3A_47 : memref<8192xf32, #tpu.memory_space<hbm>>) target(%arg24 : memref<128xf32, #tpu.memory_space<vmem>>) offsets(%dma_start3A_45 : memref<128xi32, #tpu.memory_space<vmem>>) semaphore(%arg29 : memref<!tpu.dma_semaphore, #tpu.memory_space<semaphore_mem>>)
      %dma_wait3A = arith.constant 0 : i32
      %dma_wait3A_48 = tpu.memref_slice %arg15[%scan3A_6, %dma_wait3A] : memref<5x128xi32, #tpu.memory_space<vmem>> -> memref<1x128xi32, #tpu.memory_space<vmem>>
      %dma_wait3A_49 = tpu.memref_squeeze %dma_wait3A_48 : memref<1x128xi32, #tpu.memory_space<vmem>> -> memref<128xi32, #tpu.memory_space<vmem>>
      %dma_wait3A_50 = arith.constant 0 : i32
      %dma_wait3A_51 = tpu.memref_slice %arg4[%dma_wait3A_50] : memref<8192xf32, #tpu.memory_space<hbm>> -> memref<8192xf32, #tpu.memory_space<hbm>>
      tpu.wait_indirect_dma semaphore(%arg28 : memref<!tpu.dma_semaphore, #tpu.memory_space<semaphore_mem>>) src(%dma_wait3A_51 : memref<8192xf32, #tpu.memory_space<hbm>>) dst(%arg19 : memref<128xf32, #tpu.memory_space<vmem>>)
      %dma_wait3A_52 = arith.constant 0 : i32
      %dma_wait3A_53 = tpu.memref_slice %arg15[%scan3A_6, %dma_wait3A_52] : memref<5x128xi32, #tpu.memory_space<vmem>> -> memref<1x128xi32, #tpu.memory_space<vmem>>
      %dma_wait3A_54 = tpu.memref_squeeze %dma_wait3A_53 : memref<1x128xi32, #tpu.memory_space<vmem>> -> memref<128xi32, #tpu.memory_space<vmem>>
      %dma_wait3A_55 = arith.constant 0 : i32
      %dma_wait3A_56 = tpu.memref_slice %arg5[%dma_wait3A_55] : memref<8192xf32, #tpu.memory_space<hbm>> -> memref<8192xf32, #tpu.memory_space<hbm>>
      tpu.wait_indirect_dma semaphore(%arg28 : memref<!tpu.dma_semaphore, #tpu.memory_space<semaphore_mem>>) src(%dma_wait3A_56 : memref<8192xf32, #tpu.memory_space<hbm>>) dst(%arg20 : memref<128xf32, #tpu.memory_space<vmem>>)
      %dma_wait3A_57 = arith.constant 0 : i32
      %dma_wait3A_58 = tpu.memref_slice %arg15[%scan3A_6, %dma_wait3A_57] : memref<5x128xi32, #tpu.memory_space<vmem>> -> memref<1x128xi32, #tpu.memory_space<vmem>>
      %dma_wait3A_59 = tpu.memref_squeeze %dma_wait3A_58 : memref<1x128xi32, #tpu.memory_space<vmem>> -> memref<128xi32, #tpu.memory_space<vmem>>
      %dma_wait3A_60 = arith.constant 0 : i32
      %dma_wait3A_61 = tpu.memref_slice %arg6[%dma_wait3A_60] : memref<8192xf32, #tpu.memory_space<hbm>> -> memref<8192xf32, #tpu.memory_space<hbm>>
      tpu.wait_indirect_dma semaphore(%arg28 : memref<!tpu.dma_semaphore, #tpu.memory_space<semaphore_mem>>) src(%dma_wait3A_61 : memref<8192xf32, #tpu.memory_space<hbm>>) dst(%arg21 : memref<128xf32, #tpu.memory_space<vmem>>)
      %dma_wait3A_62 = arith.constant 0 : i32
      %dma_wait3A_63 = tpu.memref_slice %arg16[%scan3A_6, %dma_wait3A_62] : memref<5x128xi32, #tpu.memory_space<vmem>> -> memref<1x128xi32, #tpu.memory_space<vmem>>
      %dma_wait3A_64 = tpu.memref_squeeze %dma_wait3A_63 : memref<1x128xi32, #tpu.memory_space<vmem>> -> memref<128xi32, #tpu.memory_space<vmem>>
      %dma_wait3A_65 = arith.constant 0 : i32
      %dma_wait3A_66 = tpu.memref_slice %arg4[%dma_wait3A_65] : memref<8192xf32, #tpu.memory_space<hbm>> -> memref<8192xf32, #tpu.memory_space<hbm>>
      tpu.wait_indirect_dma semaphore(%arg29 : memref<!tpu.dma_semaphore, #tpu.memory_space<semaphore_mem>>) src(%dma_wait3A_66 : memref<8192xf32, #tpu.memory_space<hbm>>) dst(%arg22 : memref<128xf32, #tpu.memory_space<vmem>>)
      %dma_wait3A_67 = arith.constant 0 : i32
      %dma_wait3A_68 = tpu.memref_slice %arg16[%scan3A_6, %dma_wait3A_67] : memref<5x128xi32, #tpu.memory_space<vmem>> -> memref<1x128xi32, #tpu.memory_space<vmem>>
      %dma_wait3A_69 = tpu.memref_squeeze %dma_wait3A_68 : memref<1x128xi32, #tpu.memory_space<vmem>> -> memref<128xi32, #tpu.memory_space<vmem>>
      %dma_wait3A_70 = arith.constant 0 : i32
      %dma_wait3A_71 = tpu.memref_slice %arg5[%dma_wait3A_70] : memref<8192xf32, #tpu.memory_space<hbm>> -> memref<8192xf32, #tpu.memory_space<hbm>>
      tpu.wait_indirect_dma semaphore(%arg29 : memref<!tpu.dma_semaphore, #tpu.memory_space<semaphore_mem>>) src(%dma_wait3A_71 : memref<8192xf32, #tpu.memory_space<hbm>>) dst(%arg23 : memref<128xf32, #tpu.memory_space<vmem>>)
      %dma_wait3A_72 = arith.constant 0 : i32
      %dma_wait3A_73 = tpu.memref_slice %arg16[%scan3A_6, %dma_wait3A_72] : memref<5x128xi32, #tpu.memory_space<vmem>> -> memref<1x128xi32, #tpu.memory_space<vmem>>
      %dma_wait3A_74 = tpu.memref_squeeze %dma_wait3A_73 : memref<1x128xi32, #tpu.memory_space<vmem>> -> memref<128xi32, #tpu.memory_space<vmem>>
      %dma_wait3A_75 = arith.constant 0 : i32
      %dma_wait3A_76 = tpu.memref_slice %arg6[%dma_wait3A_75] : memref<8192xf32, #tpu.memory_space<hbm>> -> memref<8192xf32, #tpu.memory_space<hbm>>
      tpu.wait_indirect_dma semaphore(%arg29 : memref<!tpu.dma_semaphore, #tpu.memory_space<semaphore_mem>>) src(%dma_wait3A_76 : memref<8192xf32, #tpu.memory_space<hbm>>) dst(%arg24 : memref<128xf32, #tpu.memory_space<vmem>>)
      %get3A = arith.constant 0 : index
      %get3A_77 = tpu.vector_load %arg19[%get3A] {strides = array<i32>} : memref<128xf32, #tpu.memory_space<vmem>>, vector<16xf32>,
      %get3A_78 = vector.shape_cast %get3A_77 : vector<16xf32> to vector<16xf32>
      %get3A_79 = arith.constant 0 : index
      %get3A_80 = tpu.vector_load %arg22[%get3A_79] {strides = array<i32>} : memref<128xf32, #tpu.memory_space<vmem>>, vector<16xf32>,
      %get3A_81 = vector.shape_cast %get3A_80 : vector<16xf32> to vector<16xf32>
      %sub3A = arith.subf %get3A_78, %get3A_81 : vector<16xf32>
      %get3A_82 = arith.constant 0 : index
      %get3A_83 = tpu.vector_load %arg20[%get3A_82] {strides = array<i32>} : memref<128xf32, #tpu.memory_space<vmem>>, vector<16xf32>,
      %get3A_84 = vector.shape_cast %get3A_83 : vector<16xf32> to vector<16xf32>
      %get3A_85 = arith.constant 0 : index
      %get3A_86 = tpu.vector_load %arg23[%get3A_85] {strides = array<i32>} : memref<128xf32, #tpu.memory_space<vmem>>, vector<16xf32>,
      %get3A_87 = vector.shape_cast %get3A_86 : vector<16xf32> to vector<16xf32>
      %sub3A_88 = arith.subf %get3A_84, %get3A_87 : vector<16xf32>
      %get3A_89 = arith.constant 0 : index
      %get3A_90 = tpu.vector_load %arg21[%get3A_89] {strides = array<i32>} : memref<128xf32, #tpu.memory_space<vmem>>, vector<16xf32>,
      %get3A_91 = vector.shape_cast %get3A_90 : vector<16xf32> to vector<16xf32>
      %get3A_92 = arith.constant 0 : index
      %get3A_93 = tpu.vector_load %arg24[%get3A_92] {strides = array<i32>} : memref<128xf32, #tpu.memory_space<vmem>>, vector<16xf32>,
      %get3A_94 = vector.shape_cast %get3A_93 : vector<16xf32> to vector<16xf32>
      %sub3A_95 = arith.subf %get3A_91, %get3A_94 : vector<16xf32>
      %swap3A = arith.constant 0 : i32
      %swap3A_96 = arith.index_cast %swap3A : i32 to index
      %swap3A_97 = arith.constant 0 : index
      %swap3A_98 = tpu.vector_load %arg25[%swap3A_96, %swap3A_97] {strides = array<i32>} : memref<4x128xf32, #tpu.memory_space<vmem>>, vector<1x16xf32>,
      %swap3A_99 = vector.shape_cast %swap3A_98 : vector<1x16xf32> to vector<16xf32>
      %swap3A_100 = vector.shape_cast %sub3A : vector<16xf32> to vector<1x16xf32>
      tpu.vector_store %arg25[%swap3A_96, %swap3A_97], %swap3A_100 {strides = array<i32>} : memref<4x128xf32, #tpu.memory_space<vmem>>, vector<1x16xf32>,
      %swap3A_101 = arith.constant 1 : i32
      %swap3A_102 = arith.index_cast %swap3A_101 : i32 to index
      %swap3A_103 = arith.constant 0 : index
      %swap3A_104 = tpu.vector_load %arg25[%swap3A_102, %swap3A_103] {strides = array<i32>} : memref<4x128xf32, #tpu.memory_space<vmem>>, vector<1x16xf32>,
      %swap3A_105 = vector.shape_cast %swap3A_104 : vector<1x16xf32> to vector<16xf32>
      %swap3A_106 = vector.shape_cast %sub3A_88 : vector<16xf32> to vector<1x16xf32>
      tpu.vector_store %arg25[%swap3A_102, %swap3A_103], %swap3A_106 {strides = array<i32>} : memref<4x128xf32, #tpu.memory_space<vmem>>, vector<1x16xf32>,
      %swap3A_107 = arith.constant 2 : i32
      %swap3A_108 = arith.index_cast %swap3A_107 : i32 to index
      %swap3A_109 = arith.constant 0 : index
      %swap3A_110 = tpu.vector_load %arg25[%swap3A_108, %swap3A_109] {strides = array<i32>} : memref<4x128xf32, #tpu.memory_space<vmem>>, vector<1x16xf32>,
      %swap3A_111 = vector.shape_cast %swap3A_110 : vector<1x16xf32> to vector<16xf32>
      %swap3A_112 = vector.shape_cast %sub3A_95 : vector<16xf32> to vector<1x16xf32>
      tpu.vector_store %arg25[%swap3A_108, %swap3A_109], %swap3A_112 {strides = array<i32>} : memref<4x128xf32, #tpu.memory_space<vmem>>, vector<1x16xf32>,
      %mul3A_113 = arith.mulf %sub3A, %sub3A : vector<16xf32>
      %mul3A_114 = arith.mulf %sub3A_88, %sub3A_88 : vector<16xf32>
      %add3A_115 = arith.addf %mul3A_113, %mul3A_114 : vector<16xf32>
      %mul3A_116 = arith.mulf %sub3A_95, %sub3A_95 : vector<16xf32>
      %add3A_117 = arith.addf %add3A_115, %mul3A_116 : vector<16xf32>
      %swap3A_118 = arith.constant 3 : i32
      %swap3A_119 = arith.index_cast %swap3A_118 : i32 to index
      %swap3A_120 = arith.constant 0 : index
      %swap3A_121 = tpu.vector_load %arg25[%swap3A_119, %swap3A_120] {strides = array<i32>} : memref<4x128xf32, #tpu.memory_space<vmem>>, vector<1x16xf32>,
      %swap3A_122 = vector.shape_cast %swap3A_121 : vector<1x16xf32> to vector<16xf32>
      %swap3A_123 = vector.shape_cast %add3A_117 : vector<16xf32> to vector<1x16xf32>
      tpu.vector_store %arg25[%swap3A_119, %swap3A_120], %swap3A_123 {strides = array<i32>} : memref<4x128xf32, #tpu.memory_space<vmem>>, vector<1x16xf32>,
      %get3A_124 = arith.constant 16 : index
      %get3A_125 = tpu.vector_load %arg19[%get3A_124] {strides = array<i32>} : memref<128xf32, #tpu.memory_space<vmem>>, vector<16xf32>,
      %get3A_126 = vector.shape_cast %get3A_125 : vector<16xf32> to vector<16xf32>
      %get3A_127 = arith.constant 16 : index
      %get3A_128 = tpu.vector_load %arg22[%get3A_127] {strides = array<i32>} : memref<128xf32, #tpu.memory_space<vmem>>, vector<16xf32>,
      %get3A_129 = vector.shape_cast %get3A_128 : vector<16xf32> to vector<16xf32>
      %sub3A_130 = arith.subf %get3A_126, %get3A_129 : vector<16xf32>
      %get3A_131 = arith.constant 16 : index
      %get3A_132 = tpu.vector_load %arg20[%get3A_131] {strides = array<i32>} : memref<128xf32, #tpu.memory_space<vmem>>, vector<16xf32>,
      %get3A_133 = vector.shape_cast %get3A_132 : vector<16xf32> to vector<16xf32>
      %get3A_134 = arith.constant 16 : index
      %get3A_135 = tpu.vector_load %arg23[%get3A_134] {strides = array<i32>} : memref<128xf32, #tpu.memory_space<vmem>>, vector<16xf32>,
      %get3A_136 = vector.shape_cast %get3A_135 : vector<16xf32> to vector<16xf32>
      %sub3A_137 = arith.subf %get3A_133, %get3A_136 : vector<16xf32>
      %get3A_138 = arith.constant 16 : index
      %get3A_139 = tpu.vector_load %arg21[%get3A_138] {strides = array<i32>} : memref<128xf32, #tpu.memory_space<vmem>>, vector<16xf32>,
      %get3A_140 = vector.shape_cast %get3A_139 : vector<16xf32> to vector<16xf32>
      %get3A_141 = arith.constant 16 : index
      %get3A_142 = tpu.vector_load %arg24[%get3A_141] {strides = array<i32>} : memref<128xf32, #tpu.memory_space<vmem>>, vector<16xf32>,
      %get3A_143 = vector.shape_cast %get3A_142 : vector<16xf32> to vector<16xf32>
      %sub3A_144 = arith.subf %get3A_140, %get3A_143 : vector<16xf32>
      %swap3A_145 = arith.constant 0 : i32
      %swap3A_146 = arith.index_cast %swap3A_145 : i32 to index
      %swap3A_147 = arith.constant 16 : index
      %swap3A_148 = tpu.vector_load %arg25[%swap3A_146, %swap3A_147] {strides = array<i32>} : memref<4x128xf32, #tpu.memory_space<vmem>>, vector<1x16xf32>,
      %swap3A_149 = vector.shape_cast %swap3A_148 : vector<1x16xf32> to vector<16xf32>
      %swap3A_150 = vector.shape_cast %sub3A_130 : vector<16xf32> to vector<1x16xf32>
      tpu.vector_store %arg25[%swap3A_146, %swap3A_147], %swap3A_150 {strides = array<i32>} : memref<4x128xf32, #tpu.memory_space<vmem>>, vector<1x16xf32>,
      %swap3A_151 = arith.constant 1 : i32
      %swap3A_152 = arith.index_cast %swap3A_151 : i32 to index
      %swap3A_153 = arith.constant 16 : index
      %swap3A_154 = tpu.vector_load %arg25[%swap3A_152, %swap3A_153] {strides = array<i32>} : memref<4x128xf32, #tpu.memory_space<vmem>>, vector<1x16xf32>,
      %swap3A_155 = vector.shape_cast %swap3A_154 : vector<1x16xf32> to vector<16xf32>
      %swap3A_156 = vector.shape_cast %sub3A_137 : vector<16xf32> to vector<1x16xf32>
      tpu.vector_store %arg25[%swap3A_152, %swap3A_153], %swap3A_156 {strides = array<i32>} : memref<4x128xf32, #tpu.memory_space<vmem>>, vector<1x16xf32>,
      %swap3A_157 = arith.constant 2 : i32
      %swap3A_158 = arith.index_cast %swap3A_157 : i32 to index
      %swap3A_159 = arith.constant 16 : index
      %swap3A_160 = tpu.vector_load %arg25[%swap3A_158, %swap3A_159] {strides = array<i32>} : memref<4x128xf32, #tpu.memory_space<vmem>>, vector<1x16xf32>,
      %swap3A_161 = vector.shape_cast %swap3A_160 : vector<1x16xf32> to vector<16xf32>
      %swap3A_162 = vector.shape_cast %sub3A_144 : vector<16xf32> to vector<1x16xf32>
      tpu.vector_store %arg25[%swap3A_158, %swap3A_159], %swap3A_162 {strides = array<i32>} : memref<4x128xf32, #tpu.memory_space<vmem>>, vector<1x16xf32>,
      %mul3A_163 = arith.mulf %sub3A_130, %sub3A_130 : vector<16xf32>
      %mul3A_164 = arith.mulf %sub3A_137, %sub3A_137 : vector<16xf32>
      %add3A_165 = arith.addf %mul3A_163, %mul3A_164 : vector<16xf32>
      %mul3A_166 = arith.mulf %sub3A_144, %sub3A_144 : vector<16xf32>
      %add3A_167 = arith.addf %add3A_165, %mul3A_166 : vector<16xf32>
      %swap3A_168 = arith.constant 3 : i32
      %swap3A_169 = arith.index_cast %swap3A_168 : i32 to index
      %swap3A_170 = arith.constant 16 : index
      %swap3A_171 = tpu.vector_load %arg25[%swap3A_169, %swap3A_170] {strides = array<i32>} : memref<4x128xf32, #tpu.memory_space<vmem>>, vector<1x16xf32>,
      %swap3A_172 = vector.shape_cast %swap3A_171 : vector<1x16xf32> to vector<16xf32>
      %swap3A_173 = vector.shape_cast %add3A_167 : vector<16xf32> to vector<1x16xf32>
      tpu.vector_store %arg25[%swap3A_169, %swap3A_170], %swap3A_173 {strides = array<i32>} : memref<4x128xf32, #tpu.memory_space<vmem>>, vector<1x16xf32>,
      %get3A_174 = arith.constant 32 : index
      %get3A_175 = tpu.vector_load %arg19[%get3A_174] {strides = array<i32>} : memref<128xf32, #tpu.memory_space<vmem>>, vector<16xf32>,
      %get3A_176 = vector.shape_cast %get3A_175 : vector<16xf32> to vector<16xf32>
      %get3A_177 = arith.constant 32 : index
      %get3A_178 = tpu.vector_load %arg22[%get3A_177] {strides = array<i32>} : memref<128xf32, #tpu.memory_space<vmem>>, vector<16xf32>,
      %get3A_179 = vector.shape_cast %get3A_178 : vector<16xf32> to vector<16xf32>
      %sub3A_180 = arith.subf %get3A_176, %get3A_179 : vector<16xf32>
      %get3A_181 = arith.constant 32 : index
      %get3A_182 = tpu.vector_load %arg20[%get3A_181] {strides = array<i32>} : memref<128xf32, #tpu.memory_space<vmem>>, vector<16xf32>,
      %get3A_183 = vector.shape_cast %get3A_182 : vector<16xf32> to vector<16xf32>
      %get3A_184 = arith.constant 32 : index
      %get3A_185 = tpu.vector_load %arg23[%get3A_184] {strides = array<i32>} : memref<128xf32, #tpu.memory_space<vmem>>, vector<16xf32>,
      %get3A_186 = vector.shape_cast %get3A_185 : vector<16xf32> to vector<16xf32>
      %sub3A_187 = arith.subf %get3A_183, %get3A_186 : vector<16xf32>
      %get3A_188 = arith.constant 32 : index
      %get3A_189 = tpu.vector_load %arg21[%get3A_188] {strides = array<i32>} : memref<128xf32, #tpu.memory_space<vmem>>, vector<16xf32>,
      %get3A_190 = vector.shape_cast %get3A_189 : vector<16xf32> to vector<16xf32>
      %get3A_191 = arith.constant 32 : index
      %get3A_192 = tpu.vector_load %arg24[%get3A_191] {strides = array<i32>} : memref<128xf32, #tpu.memory_space<vmem>>, vector<16xf32>,
      %get3A_193 = vector.shape_cast %get3A_192 : vector<16xf32> to vector<16xf32>
      %sub3A_194 = arith.subf %get3A_190, %get3A_193 : vector<16xf32>
      %swap3A_195 = arith.constant 0 : i32
      %swap3A_196 = arith.index_cast %swap3A_195 : i32 to index
      %swap3A_197 = arith.constant 32 : index
      %swap3A_198 = tpu.vector_load %arg25[%swap3A_196, %swap3A_197] {strides = array<i32>} : memref<4x128xf32, #tpu.memory_space<vmem>>, vector<1x16xf32>,
      %swap3A_199 = vector.shape_cast %swap3A_198 : vector<1x16xf32> to vector<16xf32>
      %swap3A_200 = vector.shape_cast %sub3A_180 : vector<16xf32> to vector<1x16xf32>
      tpu.vector_store %arg25[%swap3A_196, %swap3A_197], %swap3A_200 {strides = array<i32>} : memref<4x128xf32, #tpu.memory_space<vmem>>, vector<1x16xf32>,
      %swap3A_201 = arith.constant 1 : i32
      %swap3A_202 = arith.index_cast %swap3A_201 : i32 to index
      %swap3A_203 = arith.constant 32 : index
      %swap3A_204 = tpu.vector_load %arg25[%swap3A_202, %swap3A_203] {strides = array<i32>} : memref<4x128xf32, #tpu.memory_space<vmem>>, vector<1x16xf32>,
      %swap3A_205 = vector.shape_cast %swap3A_204 : vector<1x16xf32> to vector<16xf32>
      %swap3A_206 = vector.shape_cast %sub3A_187 : vector<16xf32> to vector<1x16xf32>
      tpu.vector_store %arg25[%swap3A_202, %swap3A_203], %swap3A_206 {strides = array<i32>} : memref<4x128xf32, #tpu.memory_space<vmem>>, vector<1x16xf32>,
      %swap3A_207 = arith.constant 2 : i32
      %swap3A_208 = arith.index_cast %swap3A_207 : i32 to index
      %swap3A_209 = arith.constant 32 : index
      %swap3A_210 = tpu.vector_load %arg25[%swap3A_208, %swap3A_209] {strides = array<i32>} : memref<4x128xf32, #tpu.memory_space<vmem>>, vector<1x16xf32>,
      %swap3A_211 = vector.shape_cast %swap3A_210 : vector<1x16xf32> to vector<16xf32>
      %swap3A_212 = vector.shape_cast %sub3A_194 : vector<16xf32> to vector<1x16xf32>
      tpu.vector_store %arg25[%swap3A_208, %swap3A_209], %swap3A_212 {strides = array<i32>} : memref<4x128xf32, #tpu.memory_space<vmem>>, vector<1x16xf32>,
      %mul3A_213 = arith.mulf %sub3A_180, %sub3A_180 : vector<16xf32>
      %mul3A_214 = arith.mulf %sub3A_187, %sub3A_187 : vector<16xf32>
      %add3A_215 = arith.addf %mul3A_213, %mul3A_214 : vector<16xf32>
      %mul3A_216 = arith.mulf %sub3A_194, %sub3A_194 : vector<16xf32>
      %add3A_217 = arith.addf %add3A_215, %mul3A_216 : vector<16xf32>
      %swap3A_218 = arith.constant 3 : i32
      %swap3A_219 = arith.index_cast %swap3A_218 : i32 to index
      %swap3A_220 = arith.constant 32 : index
      %swap3A_221 = tpu.vector_load %arg25[%swap3A_219, %swap3A_220] {strides = array<i32>} : memref<4x128xf32, #tpu.memory_space<vmem>>, vector<1x16xf32>,
      %swap3A_222 = vector.shape_cast %swap3A_221 : vector<1x16xf32> to vector<16xf32>
      %swap3A_223 = vector.shape_cast %add3A_217 : vector<16xf32> to vector<1x16xf32>
      tpu.vector_store %arg25[%swap3A_219, %swap3A_220], %swap3A_223 {strides = array<i32>} : memref<4x128xf32, #tpu.memory_space<vmem>>, vector<1x16xf32>,
      %get3A_224 = arith.constant 48 : index
      %get3A_225 = tpu.vector_load %arg19[%get3A_224] {strides = array<i32>} : memref<128xf32, #tpu.memory_space<vmem>>, vector<16xf32>,
      %get3A_226 = vector.shape_cast %get3A_225 : vector<16xf32> to vector<16xf32>
      %get3A_227 = arith.constant 48 : index
      %get3A_228 = tpu.vector_load %arg22[%get3A_227] {strides = array<i32>} : memref<128xf32, #tpu.memory_space<vmem>>, vector<16xf32>,
      %get3A_229 = vector.shape_cast %get3A_228 : vector<16xf32> to vector<16xf32>
      %sub3A_230 = arith.subf %get3A_226, %get3A_229 : vector<16xf32>
      %get3A_231 = arith.constant 48 : index
      %get3A_232 = tpu.vector_load %arg20[%get3A_231] {strides = array<i32>} : memref<128xf32, #tpu.memory_space<vmem>>, vector<16xf32>,
      %get3A_233 = vector.shape_cast %get3A_232 : vector<16xf32> to vector<16xf32>
      %get3A_234 = arith.constant 48 : index
      %get3A_235 = tpu.vector_load %arg23[%get3A_234] {strides = array<i32>} : memref<128xf32, #tpu.memory_space<vmem>>, vector<16xf32>,
      %get3A_236 = vector.shape_cast %get3A_235 : vector<16xf32> to vector<16xf32>
      %sub3A_237 = arith.subf %get3A_233, %get3A_236 : vector<16xf32>
      %get3A_238 = arith.constant 48 : index
      %get3A_239 = tpu.vector_load %arg21[%get3A_238] {strides = array<i32>} : memref<128xf32, #tpu.memory_space<vmem>>, vector<16xf32>,
      %get3A_240 = vector.shape_cast %get3A_239 : vector<16xf32> to vector<16xf32>
      %get3A_241 = arith.constant 48 : index
      %get3A_242 = tpu.vector_load %arg24[%get3A_241] {strides = array<i32>} : memref<128xf32, #tpu.memory_space<vmem>>, vector<16xf32>,
      %get3A_243 = vector.shape_cast %get3A_242 : vector<16xf32> to vector<16xf32>
      %sub3A_244 = arith.subf %get3A_240, %get3A_243 : vector<16xf32>
      %swap3A_245 = arith.constant 0 : i32
      %swap3A_246 = arith.index_cast %swap3A_245 : i32 to index
      %swap3A_247 = arith.constant 48 : index
      %swap3A_248 = tpu.vector_load %arg25[%swap3A_246, %swap3A_247] {strides = array<i32>} : memref<4x128xf32, #tpu.memory_space<vmem>>, vector<1x16xf32>,
      %swap3A_249 = vector.shape_cast %swap3A_248 : vector<1x16xf32> to vector<16xf32>
      %swap3A_250 = vector.shape_cast %sub3A_230 : vector<16xf32> to vector<1x16xf32>
      tpu.vector_store %arg25[%swap3A_246, %swap3A_247], %swap3A_250 {strides = array<i32>} : memref<4x128xf32, #tpu.memory_space<vmem>>, vector<1x16xf32>,
      %swap3A_251 = arith.constant 1 : i32
      %swap3A_252 = arith.index_cast %swap3A_251 : i32 to index
      %swap3A_253 = arith.constant 48 : index
      %swap3A_254 = tpu.vector_load %arg25[%swap3A_252, %swap3A_253] {strides = array<i32>} : memref<4x128xf32, #tpu.memory_space<vmem>>, vector<1x16xf32>,
      %swap3A_255 = vector.shape_cast %swap3A_254 : vector<1x16xf32> to vector<16xf32>
      %swap3A_256 = vector.shape_cast %sub3A_237 : vector<16xf32> to vector<1x16xf32>
      tpu.vector_store %arg25[%swap3A_252, %swap3A_253], %swap3A_256 {strides = array<i32>} : memref<4x128xf32, #tpu.memory_space<vmem>>, vector<1x16xf32>,
      %swap3A_257 = arith.constant 2 : i32
      %swap3A_258 = arith.index_cast %swap3A_257 : i32 to index
      %swap3A_259 = arith.constant 48 : index
      %swap3A_260 = tpu.vector_load %arg25[%swap3A_258, %swap3A_259] {strides = array<i32>} : memref<4x128xf32, #tpu.memory_space<vmem>>, vector<1x16xf32>,
      %swap3A_261 = vector.shape_cast %swap3A_260 : vector<1x16xf32> to vector<16xf32>
      %swap3A_262 = vector.shape_cast %sub3A_244 : vector<16xf32> to vector<1x16xf32>
      tpu.vector_store %arg25[%swap3A_258, %swap3A_259], %swap3A_262 {strides = array<i32>} : memref<4x128xf32, #tpu.memory_space<vmem>>, vector<1x16xf32>,
      %mul3A_263 = arith.mulf %sub3A_230, %sub3A_230 : vector<16xf32>
      %mul3A_264 = arith.mulf %sub3A_237, %sub3A_237 : vector<16xf32>
      %add3A_265 = arith.addf %mul3A_263, %mul3A_264 : vector<16xf32>
      %mul3A_266 = arith.mulf %sub3A_244, %sub3A_244 : vector<16xf32>
      %add3A_267 = arith.addf %add3A_265, %mul3A_266 : vector<16xf32>
      %swap3A_268 = arith.constant 3 : i32
      %swap3A_269 = arith.index_cast %swap3A_268 : i32 to index
      %swap3A_270 = arith.constant 48 : index
      %swap3A_271 = tpu.vector_load %arg25[%swap3A_269, %swap3A_270] {strides = array<i32>} : memref<4x128xf32, #tpu.memory_space<vmem>>, vector<1x16xf32>,
      %swap3A_272 = vector.shape_cast %swap3A_271 : vector<1x16xf32> to vector<16xf32>
      %swap3A_273 = vector.shape_cast %add3A_267 : vector<16xf32> to vector<1x16xf32>
      tpu.vector_store %arg25[%swap3A_269, %swap3A_270], %swap3A_273 {strides = array<i32>} : memref<4x128xf32, #tpu.memory_space<vmem>>, vector<1x16xf32>,
      %get3A_274 = arith.constant 64 : index
      %get3A_275 = tpu.vector_load %arg19[%get3A_274] {strides = array<i32>} : memref<128xf32, #tpu.memory_space<vmem>>, vector<16xf32>,
      %get3A_276 = vector.shape_cast %get3A_275 : vector<16xf32> to vector<16xf32>
      %get3A_277 = arith.constant 64 : index
      %get3A_278 = tpu.vector_load %arg22[%get3A_277] {strides = array<i32>} : memref<128xf32, #tpu.memory_space<vmem>>, vector<16xf32>,
      %get3A_279 = vector.shape_cast %get3A_278 : vector<16xf32> to vector<16xf32>
      %sub3A_280 = arith.subf %get3A_276, %get3A_279 : vector<16xf32>
      %get3A_281 = arith.constant 64 : index
      %get3A_282 = tpu.vector_load %arg20[%get3A_281] {strides = array<i32>} : memref<128xf32, #tpu.memory_space<vmem>>, vector<16xf32>,
      %get3A_283 = vector.shape_cast %get3A_282 : vector<16xf32> to vector<16xf32>
      %get3A_284 = arith.constant 64 : index
      %get3A_285 = tpu.vector_load %arg23[%get3A_284] {strides = array<i32>} : memref<128xf32, #tpu.memory_space<vmem>>, vector<16xf32>,
      %get3A_286 = vector.shape_cast %get3A_285 : vector<16xf32> to vector<16xf32>
      %sub3A_287 = arith.subf %get3A_283, %get3A_286 : vector<16xf32>
      %get3A_288 = arith.constant 64 : index
      %get3A_289 = tpu.vector_load %arg21[%get3A_288] {strides = array<i32>} : memref<128xf32, #tpu.memory_space<vmem>>, vector<16xf32>,
      %get3A_290 = vector.shape_cast %get3A_289 : vector<16xf32> to vector<16xf32>
      %get3A_291 = arith.constant 64 : index
      %get3A_292 = tpu.vector_load %arg24[%get3A_291] {strides = array<i32>} : memref<128xf32, #tpu.memory_space<vmem>>, vector<16xf32>,
      %get3A_293 = vector.shape_cast %get3A_292 : vector<16xf32> to vector<16xf32>
      %sub3A_294 = arith.subf %get3A_290, %get3A_293 : vector<16xf32>
      %swap3A_295 = arith.constant 0 : i32
      %swap3A_296 = arith.index_cast %swap3A_295 : i32 to index
      %swap3A_297 = arith.constant 64 : index
      %swap3A_298 = tpu.vector_load %arg25[%swap3A_296, %swap3A_297] {strides = array<i32>} : memref<4x128xf32, #tpu.memory_space<vmem>>, vector<1x16xf32>,
      %swap3A_299 = vector.shape_cast %swap3A_298 : vector<1x16xf32> to vector<16xf32>
      %swap3A_300 = vector.shape_cast %sub3A_280 : vector<16xf32> to vector<1x16xf32>
      tpu.vector_store %arg25[%swap3A_296, %swap3A_297], %swap3A_300 {strides = array<i32>} : memref<4x128xf32, #tpu.memory_space<vmem>>, vector<1x16xf32>,
      %swap3A_301 = arith.constant 1 : i32
      %swap3A_302 = arith.index_cast %swap3A_301 : i32 to index
      %swap3A_303 = arith.constant 64 : index
      %swap3A_304 = tpu.vector_load %arg25[%swap3A_302, %swap3A_303] {strides = array<i32>} : memref<4x128xf32, #tpu.memory_space<vmem>>, vector<1x16xf32>,
      %swap3A_305 = vector.shape_cast %swap3A_304 : vector<1x16xf32> to vector<16xf32>
      %swap3A_306 = vector.shape_cast %sub3A_287 : vector<16xf32> to vector<1x16xf32>
      tpu.vector_store %arg25[%swap3A_302, %swap3A_303], %swap3A_306 {strides = array<i32>} : memref<4x128xf32, #tpu.memory_space<vmem>>, vector<1x16xf32>,
      %swap3A_307 = arith.constant 2 : i32
      %swap3A_308 = arith.index_cast %swap3A_307 : i32 to index
      %swap3A_309 = arith.constant 64 : index
      %swap3A_310 = tpu.vector_load %arg25[%swap3A_308, %swap3A_309] {strides = array<i32>} : memref<4x128xf32, #tpu.memory_space<vmem>>, vector<1x16xf32>,
      %swap3A_311 = vector.shape_cast %swap3A_310 : vector<1x16xf32> to vector<16xf32>
      %swap3A_312 = vector.shape_cast %sub3A_294 : vector<16xf32> to vector<1x16xf32>
      tpu.vector_store %arg25[%swap3A_308, %swap3A_309], %swap3A_312 {strides = array<i32>} : memref<4x128xf32, #tpu.memory_space<vmem>>, vector<1x16xf32>,
      %mul3A_313 = arith.mulf %sub3A_280, %sub3A_280 : vector<16xf32>
      %mul3A_314 = arith.mulf %sub3A_287, %sub3A_287 : vector<16xf32>
      %add3A_315 = arith.addf %mul3A_313, %mul3A_314 : vector<16xf32>
      %mul3A_316 = arith.mulf %sub3A_294, %sub3A_294 : vector<16xf32>
      %add3A_317 = arith.addf %add3A_315, %mul3A_316 : vector<16xf32>
      %swap3A_318 = arith.constant 3 : i32
      %swap3A_319 = arith.index_cast %swap3A_318 : i32 to index
      %swap3A_320 = arith.constant 64 : index
      %swap3A_321 = tpu.vector_load %arg25[%swap3A_319, %swap3A_320] {strides = array<i32>} : memref<4x128xf32, #tpu.memory_space<vmem>>, vector<1x16xf32>,
      %swap3A_322 = vector.shape_cast %swap3A_321 : vector<1x16xf32> to vector<16xf32>
      %swap3A_323 = vector.shape_cast %add3A_317 : vector<16xf32> to vector<1x16xf32>
      tpu.vector_store %arg25[%swap3A_319, %swap3A_320], %swap3A_323 {strides = array<i32>} : memref<4x128xf32, #tpu.memory_space<vmem>>, vector<1x16xf32>,
      %get3A_324 = arith.constant 80 : index
      %get3A_325 = tpu.vector_load %arg19[%get3A_324] {strides = array<i32>} : memref<128xf32, #tpu.memory_space<vmem>>, vector<16xf32>,
      %get3A_326 = vector.shape_cast %get3A_325 : vector<16xf32> to vector<16xf32>
      %get3A_327 = arith.constant 80 : index
      %get3A_328 = tpu.vector_load %arg22[%get3A_327] {strides = array<i32>} : memref<128xf32, #tpu.memory_space<vmem>>, vector<16xf32>,
      %get3A_329 = vector.shape_cast %get3A_328 : vector<16xf32> to vector<16xf32>
      %sub3A_330 = arith.subf %get3A_326, %get3A_329 : vector<16xf32>
      %get3A_331 = arith.constant 80 : index
      %get3A_332 = tpu.vector_load %arg20[%get3A_331] {strides = array<i32>} : memref<128xf32, #tpu.memory_space<vmem>>, vector<16xf32>,
      %get3A_333 = vector.shape_cast %get3A_332 : vector<16xf32> to vector<16xf32>
      %get3A_334 = arith.constant 80 : index
      %get3A_335 = tpu.vector_load %arg23[%get3A_334] {strides = array<i32>} : memref<128xf32, #tpu.memory_space<vmem>>, vector<16xf32>,
      %get3A_336 = vector.shape_cast %get3A_335 : vector<16xf32> to vector<16xf32>
      %sub3A_337 = arith.subf %get3A_333, %get3A_336 : vector<16xf32>
      %get3A_338 = arith.constant 80 : index
      %get3A_339 = tpu.vector_load %arg21[%get3A_338] {strides = array<i32>} : memref<128xf32, #tpu.memory_space<vmem>>, vector<16xf32>,
      %get3A_340 = vector.shape_cast %get3A_339 : vector<16xf32> to vector<16xf32>
      %get3A_341 = arith.constant 80 : index
      %get3A_342 = tpu.vector_load %arg24[%get3A_341] {strides = array<i32>} : memref<128xf32, #tpu.memory_space<vmem>>, vector<16xf32>,
      %get3A_343 = vector.shape_cast %get3A_342 : vector<16xf32> to vector<16xf32>
      %sub3A_344 = arith.subf %get3A_340, %get3A_343 : vector<16xf32>
      %swap3A_345 = arith.constant 0 : i32
      %swap3A_346 = arith.index_cast %swap3A_345 : i32 to index
      %swap3A_347 = arith.constant 80 : index
      %swap3A_348 = tpu.vector_load %arg25[%swap3A_346, %swap3A_347] {strides = array<i32>} : memref<4x128xf32, #tpu.memory_space<vmem>>, vector<1x16xf32>,
      %swap3A_349 = vector.shape_cast %swap3A_348 : vector<1x16xf32> to vector<16xf32>
      %swap3A_350 = vector.shape_cast %sub3A_330 : vector<16xf32> to vector<1x16xf32>
      tpu.vector_store %arg25[%swap3A_346, %swap3A_347], %swap3A_350 {strides = array<i32>} : memref<4x128xf32, #tpu.memory_space<vmem>>, vector<1x16xf32>,
      %swap3A_351 = arith.constant 1 : i32
      %swap3A_352 = arith.index_cast %swap3A_351 : i32 to index
      %swap3A_353 = arith.constant 80 : index
      %swap3A_354 = tpu.vector_load %arg25[%swap3A_352, %swap3A_353] {strides = array<i32>} : memref<4x128xf32, #tpu.memory_space<vmem>>, vector<1x16xf32>,
      %swap3A_355 = vector.shape_cast %swap3A_354 : vector<1x16xf32> to vector<16xf32>
      %swap3A_356 = vector.shape_cast %sub3A_337 : vector<16xf32> to vector<1x16xf32>
      tpu.vector_store %arg25[%swap3A_352, %swap3A_353], %swap3A_356 {strides = array<i32>} : memref<4x128xf32, #tpu.memory_space<vmem>>, vector<1x16xf32>,
      %swap3A_357 = arith.constant 2 : i32
      %swap3A_358 = arith.index_cast %swap3A_357 : i32 to index
      %swap3A_359 = arith.constant 80 : index
      %swap3A_360 = tpu.vector_load %arg25[%swap3A_358, %swap3A_359] {strides = array<i32>} : memref<4x128xf32, #tpu.memory_space<vmem>>, vector<1x16xf32>,
      %swap3A_361 = vector.shape_cast %swap3A_360 : vector<1x16xf32> to vector<16xf32>
      %swap3A_362 = vector.shape_cast %sub3A_344 : vector<16xf32> to vector<1x16xf32>
      tpu.vector_store %arg25[%swap3A_358, %swap3A_359], %swap3A_362 {strides = array<i32>} : memref<4x128xf32, #tpu.memory_space<vmem>>, vector<1x16xf32>,
      %mul3A_363 = arith.mulf %sub3A_330, %sub3A_330 : vector<16xf32>
      %mul3A_364 = arith.mulf %sub3A_337, %sub3A_337 : vector<16xf32>
      %add3A_365 = arith.addf %mul3A_363, %mul3A_364 : vector<16xf32>
      %mul3A_366 = arith.mulf %sub3A_344, %sub3A_344 : vector<16xf32>
      %add3A_367 = arith.addf %add3A_365, %mul3A_366 : vector<16xf32>
      %swap3A_368 = arith.constant 3 : i32
      %swap3A_369 = arith.index_cast %swap3A_368 : i32 to index
      %swap3A_370 = arith.constant 80 : index
      %swap3A_371 = tpu.vector_load %arg25[%swap3A_369, %swap3A_370] {strides = array<i32>} : memref<4x128xf32, #tpu.memory_space<vmem>>, vector<1x16xf32>,
      %swap3A_372 = vector.shape_cast %swap3A_371 : vector<1x16xf32> to vector<16xf32>
      %swap3A_373 = vector.shape_cast %add3A_367 : vector<16xf32> to vector<1x16xf32>
      tpu.vector_store %arg25[%swap3A_369, %swap3A_370], %swap3A_373 {strides = array<i32>} : memref<4x128xf32, #tpu.memory_space<vmem>>, vector<1x16xf32>,
      %get3A_374 = arith.constant 96 : index
      %get3A_375 = tpu.vector_load %arg19[%get3A_374] {strides = array<i32>} : memref<128xf32, #tpu.memory_space<vmem>>, vector<16xf32>,
      %get3A_376 = vector.shape_cast %get3A_375 : vector<16xf32> to vector<16xf32>
      %get3A_377 = arith.constant 96 : index
      %get3A_378 = tpu.vector_load %arg22[%get3A_377] {strides = array<i32>} : memref<128xf32, #tpu.memory_space<vmem>>, vector<16xf32>,
      %get3A_379 = vector.shape_cast %get3A_378 : vector<16xf32> to vector<16xf32>
      %sub3A_380 = arith.subf %get3A_376, %get3A_379 : vector<16xf32>
      %get3A_381 = arith.constant 96 : index
      %get3A_382 = tpu.vector_load %arg20[%get3A_381] {strides = array<i32>} : memref<128xf32, #tpu.memory_space<vmem>>, vector<16xf32>,
      %get3A_383 = vector.shape_cast %get3A_382 : vector<16xf32> to vector<16xf32>
      %get3A_384 = arith.constant 96 : index
      %get3A_385 = tpu.vector_load %arg23[%get3A_384] {strides = array<i32>} : memref<128xf32, #tpu.memory_space<vmem>>, vector<16xf32>,
      %get3A_386 = vector.shape_cast %get3A_385 : vector<16xf32> to vector<16xf32>
      %sub3A_387 = arith.subf %get3A_383, %get3A_386 : vector<16xf32>
      %get3A_388 = arith.constant 96 : index
      %get3A_389 = tpu.vector_load %arg21[%get3A_388] {strides = array<i32>} : memref<128xf32, #tpu.memory_space<vmem>>, vector<16xf32>,
      %get3A_390 = vector.shape_cast %get3A_389 : vector<16xf32> to vector<16xf32>
      %get3A_391 = arith.constant 96 : index
      %get3A_392 = tpu.vector_load %arg24[%get3A_391] {strides = array<i32>} : memref<128xf32, #tpu.memory_space<vmem>>, vector<16xf32>,
      %get3A_393 = vector.shape_cast %get3A_392 : vector<16xf32> to vector<16xf32>
      %sub3A_394 = arith.subf %get3A_390, %get3A_393 : vector<16xf32>
      %swap3A_395 = arith.constant 0 : i32
      %swap3A_396 = arith.index_cast %swap3A_395 : i32 to index
      %swap3A_397 = arith.constant 96 : index
      %swap3A_398 = tpu.vector_load %arg25[%swap3A_396, %swap3A_397] {strides = array<i32>} : memref<4x128xf32, #tpu.memory_space<vmem>>, vector<1x16xf32>,
      %swap3A_399 = vector.shape_cast %swap3A_398 : vector<1x16xf32> to vector<16xf32>
      %swap3A_400 = vector.shape_cast %sub3A_380 : vector<16xf32> to vector<1x16xf32>
      tpu.vector_store %arg25[%swap3A_396, %swap3A_397], %swap3A_400 {strides = array<i32>} : memref<4x128xf32, #tpu.memory_space<vmem>>, vector<1x16xf32>,
      %swap3A_401 = arith.constant 1 : i32
      %swap3A_402 = arith.index_cast %swap3A_401 : i32 to index
      %swap3A_403 = arith.constant 96 : index
      %swap3A_404 = tpu.vector_load %arg25[%swap3A_402, %swap3A_403] {strides = array<i32>} : memref<4x128xf32, #tpu.memory_space<vmem>>, vector<1x16xf32>,
      %swap3A_405 = vector.shape_cast %swap3A_404 : vector<1x16xf32> to vector<16xf32>
      %swap3A_406 = vector.shape_cast %sub3A_387 : vector<16xf32> to vector<1x16xf32>
      tpu.vector_store %arg25[%swap3A_402, %swap3A_403], %swap3A_406 {strides = array<i32>} : memref<4x128xf32, #tpu.memory_space<vmem>>, vector<1x16xf32>,
      %swap3A_407 = arith.constant 2 : i32
      %swap3A_408 = arith.index_cast %swap3A_407 : i32 to index
      %swap3A_409 = arith.constant 96 : index
      %swap3A_410 = tpu.vector_load %arg25[%swap3A_408, %swap3A_409] {strides = array<i32>} : memref<4x128xf32, #tpu.memory_space<vmem>>, vector<1x16xf32>,
      %swap3A_411 = vector.shape_cast %swap3A_410 : vector<1x16xf32> to vector<16xf32>
      %swap3A_412 = vector.shape_cast %sub3A_394 : vector<16xf32> to vector<1x16xf32>
      tpu.vector_store %arg25[%swap3A_408, %swap3A_409], %swap3A_412 {strides = array<i32>} : memref<4x128xf32, #tpu.memory_space<vmem>>, vector<1x16xf32>,
      %mul3A_413 = arith.mulf %sub3A_380, %sub3A_380 : vector<16xf32>
      %mul3A_414 = arith.mulf %sub3A_387, %sub3A_387 : vector<16xf32>
      %add3A_415 = arith.addf %mul3A_413, %mul3A_414 : vector<16xf32>
      %mul3A_416 = arith.mulf %sub3A_394, %sub3A_394 : vector<16xf32>
      %add3A_417 = arith.addf %add3A_415, %mul3A_416 : vector<16xf32>
      %swap3A_418 = arith.constant 3 : i32
      %swap3A_419 = arith.index_cast %swap3A_418 : i32 to index
      %swap3A_420 = arith.constant 96 : index
      %swap3A_421 = tpu.vector_load %arg25[%swap3A_419, %swap3A_420] {strides = array<i32>} : memref<4x128xf32, #tpu.memory_space<vmem>>, vector<1x16xf32>,
      %swap3A_422 = vector.shape_cast %swap3A_421 : vector<1x16xf32> to vector<16xf32>
      %swap3A_423 = vector.shape_cast %add3A_417 : vector<16xf32> to vector<1x16xf32>
      tpu.vector_store %arg25[%swap3A_419, %swap3A_420], %swap3A_423 {strides = array<i32>} : memref<4x128xf32, #tpu.memory_space<vmem>>, vector<1x16xf32>,
      %get3A_424 = arith.constant 112 : index
      %get3A_425 = tpu.vector_load %arg19[%get3A_424] {strides = array<i32>} : memref<128xf32, #tpu.memory_space<vmem>>, vector<16xf32>,
      %get3A_426 = vector.shape_cast %get3A_425 : vector<16xf32> to vector<16xf32>
      %get3A_427 = arith.constant 112 : index
      %get3A_428 = tpu.vector_load %arg22[%get3A_427] {strides = array<i32>} : memref<128xf32, #tpu.memory_space<vmem>>, vector<16xf32>,
      %get3A_429 = vector.shape_cast %get3A_428 : vector<16xf32> to vector<16xf32>
      %sub3A_430 = arith.subf %get3A_426, %get3A_429 : vector<16xf32>
      %get3A_431 = arith.constant 112 : index
      %get3A_432 = tpu.vector_load %arg20[%get3A_431] {strides = array<i32>} : memref<128xf32, #tpu.memory_space<vmem>>, vector<16xf32>,
      %get3A_433 = vector.shape_cast %get3A_432 : vector<16xf32> to vector<16xf32>
      %get3A_434 = arith.constant 112 : index
      %get3A_435 = tpu.vector_load %arg23[%get3A_434] {strides = array<i32>} : memref<128xf32, #tpu.memory_space<vmem>>, vector<16xf32>,
      %get3A_436 = vector.shape_cast %get3A_435 : vector<16xf32> to vector<16xf32>
      %sub3A_437 = arith.subf %get3A_433, %get3A_436 : vector<16xf32>
      %get3A_438 = arith.constant 112 : index
      %get3A_439 = tpu.vector_load %arg21[%get3A_438] {strides = array<i32>} : memref<128xf32, #tpu.memory_space<vmem>>, vector<16xf32>,
      %get3A_440 = vector.shape_cast %get3A_439 : vector<16xf32> to vector<16xf32>
      %get3A_441 = arith.constant 112 : index
      %get3A_442 = tpu.vector_load %arg24[%get3A_441] {strides = array<i32>} : memref<128xf32, #tpu.memory_space<vmem>>, vector<16xf32>,
      %get3A_443 = vector.shape_cast %get3A_442 : vector<16xf32> to vector<16xf32>
      %sub3A_444 = arith.subf %get3A_440, %get3A_443 : vector<16xf32>
      %swap3A_445 = arith.constant 0 : i32
      %swap3A_446 = arith.index_cast %swap3A_445 : i32 to index
      %swap3A_447 = arith.constant 112 : index
      %swap3A_448 = tpu.vector_load %arg25[%swap3A_446, %swap3A_447] {strides = array<i32>} : memref<4x128xf32, #tpu.memory_space<vmem>>, vector<1x16xf32>,
      %swap3A_449 = vector.shape_cast %swap3A_448 : vector<1x16xf32> to vector<16xf32>
      %swap3A_450 = vector.shape_cast %sub3A_430 : vector<16xf32> to vector<1x16xf32>
      tpu.vector_store %arg25[%swap3A_446, %swap3A_447], %swap3A_450 {strides = array<i32>} : memref<4x128xf32, #tpu.memory_space<vmem>>, vector<1x16xf32>,
      %swap3A_451 = arith.constant 1 : i32
      %swap3A_452 = arith.index_cast %swap3A_451 : i32 to index
      %swap3A_453 = arith.constant 112 : index
      %swap3A_454 = tpu.vector_load %arg25[%swap3A_452, %swap3A_453] {strides = array<i32>} : memref<4x128xf32, #tpu.memory_space<vmem>>, vector<1x16xf32>,
      %swap3A_455 = vector.shape_cast %swap3A_454 : vector<1x16xf32> to vector<16xf32>
      %swap3A_456 = vector.shape_cast %sub3A_437 : vector<16xf32> to vector<1x16xf32>
      tpu.vector_store %arg25[%swap3A_452, %swap3A_453], %swap3A_456 {strides = array<i32>} : memref<4x128xf32, #tpu.memory_space<vmem>>, vector<1x16xf32>,
      %swap3A_457 = arith.constant 2 : i32
      %swap3A_458 = arith.index_cast %swap3A_457 : i32 to index
      %swap3A_459 = arith.constant 112 : index
      %swap3A_460 = tpu.vector_load %arg25[%swap3A_458, %swap3A_459] {strides = array<i32>} : memref<4x128xf32, #tpu.memory_space<vmem>>, vector<1x16xf32>,
      %swap3A_461 = vector.shape_cast %swap3A_460 : vector<1x16xf32> to vector<16xf32>
      %swap3A_462 = vector.shape_cast %sub3A_444 : vector<16xf32> to vector<1x16xf32>
      tpu.vector_store %arg25[%swap3A_458, %swap3A_459], %swap3A_462 {strides = array<i32>} : memref<4x128xf32, #tpu.memory_space<vmem>>, vector<1x16xf32>,
      %mul3A_463 = arith.mulf %sub3A_430, %sub3A_430 : vector<16xf32>
      %mul3A_464 = arith.mulf %sub3A_437, %sub3A_437 : vector<16xf32>
      %add3A_465 = arith.addf %mul3A_463, %mul3A_464 : vector<16xf32>
      %mul3A_466 = arith.mulf %sub3A_444, %sub3A_444 : vector<16xf32>
      %add3A_467 = arith.addf %add3A_465, %mul3A_466 : vector<16xf32>
      %swap3A_468 = arith.constant 3 : i32
      %swap3A_469 = arith.index_cast %swap3A_468 : i32 to index
      %swap3A_470 = arith.constant 112 : index
      %swap3A_471 = tpu.vector_load %arg25[%swap3A_469, %swap3A_470] {strides = array<i32>} : memref<4x128xf32, #tpu.memory_space<vmem>>, vector<1x16xf32>,
      %swap3A_472 = vector.shape_cast %swap3A_471 : vector<1x16xf32> to vector<16xf32>
      %swap3A_473 = vector.shape_cast %add3A_467 : vector<16xf32> to vector<1x16xf32>
      tpu.vector_store %arg25[%swap3A_469, %swap3A_470], %swap3A_473 {strides = array<i32>} : memref<4x128xf32, #tpu.memory_space<vmem>>, vector<1x16xf32>,
      %mul3A_474 = arith.constant 640 : i32
      %mul3A_475 = arith.muli %add3A, %mul3A_474 : i32
      %mul3A_476 = arith.constant 128 : i32
      %mul3A_477 = arith.muli %scan3A_6, %mul3A_476 : i32
      %add3A_478 = arith.addi %mul3A_475, %mul3A_477 : i32
      %run_scoped3A = arith.constant 0 : i32
      "tpu.region"() ({
        %run_scoped3A_494 = tpu.sem_alloc : memref<!tpu.dma_semaphore, #tpu.memory_space<semaphore_mem>>
        %dma_start3A_495 = arith.constant 0 : i32
        %dma_start3A_496 = tpu.memref_slice %arg25[%run_scoped3A, %dma_start3A_495] : memref<4x128xf32, #tpu.memory_space<vmem>> -> memref<1x128xf32, #tpu.memory_space<vmem>>
        %dma_start3A_497 = tpu.memref_squeeze %dma_start3A_496 : memref<1x128xf32, #tpu.memory_space<vmem>> -> memref<128xf32, #tpu.memory_space<vmem>>
        %dma_start3A_498 = tpu.memref_slice %arg11[%add3A_478] : memref<20480xf32, #tpu.memory_space<hbm>> -> memref<128xf32, #tpu.memory_space<hbm>>
        %dma_start3A_499 = tpu.memref_slice %arg11[%add3A_478] : memref<20480xf32, #tpu.memory_space<hbm>> -> memref<128xf32, #tpu.memory_space<hbm>>
        %dma_start3A_500 = arith.constant 0 : i32
        %dma_start3A_501 = tpu.memref_slice %arg25[%run_scoped3A, %dma_start3A_500] : memref<4x128xf32, #tpu.memory_space<vmem>> -> memref<1x128xf32, #tpu.memory_space<vmem>>
        %dma_start3A_502 = tpu.memref_squeeze %dma_start3A_501 : memref<1x128xf32, #tpu.memory_space<vmem>> -> memref<128xf32, #tpu.memory_space<vmem>>
        tpu.enqueue_dma source(%dma_start3A_502 : memref<128xf32, #tpu.memory_space<vmem>>) target(%dma_start3A_499 : memref<128xf32, #tpu.memory_space<hbm>>) target_semaphore(%run_scoped3A_494 : memref<!tpu.dma_semaphore, #tpu.memory_space<semaphore_mem>>)
        %dma_wait3A_503 = arith.constant 0 : i32
        %dma_wait3A_504 = tpu.memref_slice %arg25[%run_scoped3A, %dma_wait3A_503] : memref<4x128xf32, #tpu.memory_space<vmem>> -> memref<1x128xf32, #tpu.memory_space<vmem>>
        %dma_wait3A_505 = tpu.memref_squeeze %dma_wait3A_504 : memref<1x128xf32, #tpu.memory_space<vmem>> -> memref<128xf32, #tpu.memory_space<vmem>>
        %dma_wait3A_506 = tpu.memref_slice %arg11[%add3A_478] : memref<20480xf32, #tpu.memory_space<hbm>> -> memref<128xf32, #tpu.memory_space<hbm>>
        %dma_wait3A_507 = tpu.memref_slice %arg11[%add3A_478] : memref<20480xf32, #tpu.memory_space<hbm>> -> memref<128xf32, #tpu.memory_space<hbm>>
        %dma_wait3A_508 = arith.constant 0 : i32
        %dma_wait3A_509 = tpu.memref_slice %arg25[%run_scoped3A, %dma_wait3A_508] : memref<4x128xf32, #tpu.memory_space<vmem>> -> memref<1x128xf32, #tpu.memory_space<vmem>>
        %dma_wait3A_510 = tpu.memref_squeeze %dma_wait3A_509 : memref<1x128xf32, #tpu.memory_space<vmem>> -> memref<128xf32, #tpu.memory_space<vmem>>
        tpu.wait_dma2 semaphore(%run_scoped3A_494 : memref<!tpu.dma_semaphore, #tpu.memory_space<semaphore_mem>>) src(%dma_wait3A_510 : memref<128xf32, #tpu.memory_space<vmem>>) dst(%dma_wait3A_507 : memref<128xf32, #tpu.memory_space<hbm>>)
        tpu.yield
      }) : () -> ()
      %run_scoped3A_479 = arith.constant 1 : i32
      "tpu.region"() ({
        %run_scoped3A_494 = tpu.sem_alloc : memref<!tpu.dma_semaphore, #tpu.memory_space<semaphore_mem>>
        %dma_start3A_495 = arith.constant 0 : i32
        %dma_start3A_496 = tpu.memref_slice %arg25[%run_scoped3A_479, %dma_start3A_495] : memref<4x128xf32, #tpu.memory_space<vmem>> -> memref<1x128xf32, #tpu.memory_space<vmem>>
        %dma_start3A_497 = tpu.memref_squeeze %dma_start3A_496 : memref<1x128xf32, #tpu.memory_space<vmem>> -> memref<128xf32, #tpu.memory_space<vmem>>
        %dma_start3A_498 = tpu.memref_slice %arg12[%add3A_478] : memref<20480xf32, #tpu.memory_space<hbm>> -> memref<128xf32, #tpu.memory_space<hbm>>
        %dma_start3A_499 = tpu.memref_slice %arg12[%add3A_478] : memref<20480xf32, #tpu.memory_space<hbm>> -> memref<128xf32, #tpu.memory_space<hbm>>
        %dma_start3A_500 = arith.constant 0 : i32
        %dma_start3A_501 = tpu.memref_slice %arg25[%run_scoped3A_479, %dma_start3A_500] : memref<4x128xf32, #tpu.memory_space<vmem>> -> memref<1x128xf32, #tpu.memory_space<vmem>>
        %dma_start3A_502 = tpu.memref_squeeze %dma_start3A_501 : memref<1x128xf32, #tpu.memory_space<vmem>> -> memref<128xf32, #tpu.memory_space<vmem>>
        tpu.enqueue_dma source(%dma_start3A_502 : memref<128xf32, #tpu.memory_space<vmem>>) target(%dma_start3A_499 : memref<128xf32, #tpu.memory_space<hbm>>) target_semaphore(%run_scoped3A_494 : memref<!tpu.dma_semaphore, #tpu.memory_space<semaphore_mem>>)
        %dma_wait3A_503 = arith.constant 0 : i32
        %dma_wait3A_504 = tpu.memref_slice %arg25[%run_scoped3A_479, %dma_wait3A_503] : memref<4x128xf32, #tpu.memory_space<vmem>> -> memref<1x128xf32, #tpu.memory_space<vmem>>
        %dma_wait3A_505 = tpu.memref_squeeze %dma_wait3A_504 : memref<1x128xf32, #tpu.memory_space<vmem>> -> memref<128xf32, #tpu.memory_space<vmem>>
        %dma_wait3A_506 = tpu.memref_slice %arg12[%add3A_478] : memref<20480xf32, #tpu.memory_space<hbm>> -> memref<128xf32, #tpu.memory_space<hbm>>
        %dma_wait3A_507 = tpu.memref_slice %arg12[%add3A_478] : memref<20480xf32, #tpu.memory_space<hbm>> -> memref<128xf32, #tpu.memory_space<hbm>>
        %dma_wait3A_508 = arith.constant 0 : i32
        %dma_wait3A_509 = tpu.memref_slice %arg25[%run_scoped3A_479, %dma_wait3A_508] : memref<4x128xf32, #tpu.memory_space<vmem>> -> memref<1x128xf32, #tpu.memory_space<vmem>>
        %dma_wait3A_510 = tpu.memref_squeeze %dma_wait3A_509 : memref<1x128xf32, #tpu.memory_space<vmem>> -> memref<128xf32, #tpu.memory_space<vmem>>
        tpu.wait_dma2 semaphore(%run_scoped3A_494 : memref<!tpu.dma_semaphore, #tpu.memory_space<semaphore_mem>>) src(%dma_wait3A_510 : memref<128xf32, #tpu.memory_space<vmem>>) dst(%dma_wait3A_507 : memref<128xf32, #tpu.memory_space<hbm>>)
        tpu.yield
      }) : () -> ()
      %run_scoped3A_480 = arith.constant 2 : i32
      "tpu.region"() ({
        %run_scoped3A_494 = tpu.sem_alloc : memref<!tpu.dma_semaphore, #tpu.memory_space<semaphore_mem>>
        %dma_start3A_495 = arith.constant 0 : i32
        %dma_start3A_496 = tpu.memref_slice %arg25[%run_scoped3A_480, %dma_start3A_495] : memref<4x128xf32, #tpu.memory_space<vmem>> -> memref<1x128xf32, #tpu.memory_space<vmem>>
        %dma_start3A_497 = tpu.memref_squeeze %dma_start3A_496 : memref<1x128xf32, #tpu.memory_space<vmem>> -> memref<128xf32, #tpu.memory_space<vmem>>
        %dma_start3A_498 = tpu.memref_slice %arg13[%add3A_478] : memref<20480xf32, #tpu.memory_space<hbm>> -> memref<128xf32, #tpu.memory_space<hbm>>
        %dma_start3A_499 = tpu.memref_slice %arg13[%add3A_478] : memref<20480xf32, #tpu.memory_space<hbm>> -> memref<128xf32, #tpu.memory_space<hbm>>
        %dma_start3A_500 = arith.constant 0 : i32
        %dma_start3A_501 = tpu.memref_slice %arg25[%run_scoped3A_480, %dma_start3A_500] : memref<4x128xf32, #tpu.memory_space<vmem>> -> memref<1x128xf32, #tpu.memory_space<vmem>>
        %dma_start3A_502 = tpu.memref_squeeze %dma_start3A_501 : memref<1x128xf32, #tpu.memory_space<vmem>> -> memref<128xf32, #tpu.memory_space<vmem>>
        tpu.enqueue_dma source(%dma_start3A_502 : memref<128xf32, #tpu.memory_space<vmem>>) target(%dma_start3A_499 : memref<128xf32, #tpu.memory_space<hbm>>) target_semaphore(%run_scoped3A_494 : memref<!tpu.dma_semaphore, #tpu.memory_space<semaphore_mem>>)
        %dma_wait3A_503 = arith.constant 0 : i32
        %dma_wait3A_504 = tpu.memref_slice %arg25[%run_scoped3A_480, %dma_wait3A_503] : memref<4x128xf32, #tpu.memory_space<vmem>> -> memref<1x128xf32, #tpu.memory_space<vmem>>
        %dma_wait3A_505 = tpu.memref_squeeze %dma_wait3A_504 : memref<1x128xf32, #tpu.memory_space<vmem>> -> memref<128xf32, #tpu.memory_space<vmem>>
        %dma_wait3A_506 = tpu.memref_slice %arg13[%add3A_478] : memref<20480xf32, #tpu.memory_space<hbm>> -> memref<128xf32, #tpu.memory_space<hbm>>
        %dma_wait3A_507 = tpu.memref_slice %arg13[%add3A_478] : memref<20480xf32, #tpu.memory_space<hbm>> -> memref<128xf32, #tpu.memory_space<hbm>>
        %dma_wait3A_508 = arith.constant 0 : i32
        %dma_wait3A_509 = tpu.memref_slice %arg25[%run_scoped3A_480, %dma_wait3A_508] : memref<4x128xf32, #tpu.memory_space<vmem>> -> memref<1x128xf32, #tpu.memory_space<vmem>>
        %dma_wait3A_510 = tpu.memref_squeeze %dma_wait3A_509 : memref<1x128xf32, #tpu.memory_space<vmem>> -> memref<128xf32, #tpu.memory_space<vmem>>
        tpu.wait_dma2 semaphore(%run_scoped3A_494 : memref<!tpu.dma_semaphore, #tpu.memory_space<semaphore_mem>>) src(%dma_wait3A_510 : memref<128xf32, #tpu.memory_space<vmem>>) dst(%dma_wait3A_507 : memref<128xf32, #tpu.memory_space<hbm>>)
        tpu.yield
      }) : () -> ()
      %run_scoped3A_481 = arith.constant 3 : i32
      "tpu.region"() ({
        %run_scoped3A_494 = tpu.sem_alloc : memref<!tpu.dma_semaphore, #tpu.memory_space<semaphore_mem>>
        %dma_start3A_495 = arith.constant 0 : i32
        %dma_start3A_496 = tpu.memref_slice %arg25[%run_scoped3A_481, %dma_start3A_495] : memref<4x128xf32, #tpu.memory_space<vmem>> -> memref<1x128xf32, #tpu.memory_space<vmem>>
        %dma_start3A_497 = tpu.memref_squeeze %dma_start3A_496 : memref<1x128xf32, #tpu.memory_space<vmem>> -> memref<128xf32, #tpu.memory_space<vmem>>
        %dma_start3A_498 = tpu.memref_slice %arg14[%add3A_478] : memref<20480xf32, #tpu.memory_space<hbm>> -> memref<128xf32, #tpu.memory_space<hbm>>
        %dma_start3A_499 = tpu.memref_slice %arg14[%add3A_478] : memref<20480xf32, #tpu.memory_space<hbm>> -> memref<128xf32, #tpu.memory_space<hbm>>
        %dma_start3A_500 = arith.constant 0 : i32
        %dma_start3A_501 = tpu.memref_slice %arg25[%run_scoped3A_481, %dma_start3A_500] : memref<4x128xf32, #tpu.memory_space<vmem>> -> memref<1x128xf32, #tpu.memory_space<vmem>>
        %dma_start3A_502 = tpu.memref_squeeze %dma_start3A_501 : memref<1x128xf32, #tpu.memory_space<vmem>> -> memref<128xf32, #tpu.memory_space<vmem>>
        tpu.enqueue_dma source(%dma_start3A_502 : memref<128xf32, #tpu.memory_space<vmem>>) target(%dma_start3A_499 : memref<128xf32, #tpu.memory_space<hbm>>) target_semaphore(%run_scoped3A_494 : memref<!tpu.dma_semaphore, #tpu.memory_space<semaphore_mem>>)
        %dma_wait3A_503 = arith.constant 0 : i32
        %dma_wait3A_504 = tpu.memref_slice %arg25[%run_scoped3A_481, %dma_wait3A_503] : memref<4x128xf32, #tpu.memory_space<vmem>> -> memref<1x128xf32, #tpu.memory_space<vmem>>
        %dma_wait3A_505 = tpu.memref_squeeze %dma_wait3A_504 : memref<1x128xf32, #tpu.memory_space<vmem>> -> memref<128xf32, #tpu.memory_space<vmem>>
        %dma_wait3A_506 = tpu.memref_slice %arg14[%add3A_478] : memref<20480xf32, #tpu.memory_space<hbm>> -> memref<128xf32, #tpu.memory_space<hbm>>
        %dma_wait3A_507 = tpu.memref_slice %arg14[%add3A_478] : memref<20480xf32, #tpu.memory_space<hbm>> -> memref<128xf32, #tpu.memory_space<hbm>>
        %dma_wait3A_508 = arith.constant 0 : i32
        %dma_wait3A_509 = tpu.memref_slice %arg25[%run_scoped3A_481, %dma_wait3A_508] : memref<4x128xf32, #tpu.memory_space<vmem>> -> memref<1x128xf32, #tpu.memory_space<vmem>>
        %dma_wait3A_510 = tpu.memref_squeeze %dma_wait3A_509 : memref<1x128xf32, #tpu.memory_space<vmem>> -> memref<128xf32, #tpu.memory_space<vmem>>
        tpu.wait_dma2 semaphore(%run_scoped3A_494 : memref<!tpu.dma_semaphore, #tpu.memory_space<semaphore_mem>>) src(%dma_wait3A_510 : memref<128xf32, #tpu.memory_space<vmem>>) dst(%dma_wait3A_507 : memref<128xf32, #tpu.memory_space<hbm>>)
        tpu.yield
      }) : () -> ()
      %dma_wait3A_482 = arith.constant 0 : i32
      %dma_wait3A_483 = tpu.memref_slice %arg15[%scan3A_6, %dma_wait3A_482] : memref<5x128xi32, #tpu.memory_space<vmem>> -> memref<1x128xi32, #tpu.memory_space<vmem>>
      %dma_wait3A_484 = tpu.memref_squeeze %dma_wait3A_483 : memref<1x128xi32, #tpu.memory_space<vmem>> -> memref<128xi32, #tpu.memory_space<vmem>>
      %dma_wait3A_485 = arith.constant 0 : i32
      %dma_wait3A_486 = arith.constant 0 : i32
      %dma_wait3A_487 = tpu.memref_slice %arg2[%dma_wait3A_485, %dma_wait3A_486] : memref<8192x128xf32, #tpu.memory_space<hbm>> -> memref<8192x128xf32, #tpu.memory_space<hbm>>
      tpu.wait_indirect_dma semaphore(%arg26 : memref<!tpu.dma_semaphore, #tpu.memory_space<semaphore_mem>>) src(%dma_wait3A_487 : memref<8192x128xf32, #tpu.memory_space<hbm>>) dst(%arg17 : memref<128x128xf32, #tpu.memory_space<vmem>>)
      %dma_wait3A_488 = arith.constant 0 : i32
      %dma_wait3A_489 = tpu.memref_slice %arg16[%scan3A_6, %dma_wait3A_488] : memref<5x128xi32, #tpu.memory_space<vmem>> -> memref<1x128xi32, #tpu.memory_space<vmem>>
      %dma_wait3A_490 = tpu.memref_squeeze %dma_wait3A_489 : memref<1x128xi32, #tpu.memory_space<vmem>> -> memref<128xi32, #tpu.memory_space<vmem>>
      %dma_wait3A_491 = arith.constant 0 : i32
      %dma_wait3A_492 = arith.constant 0 : i32
      %dma_wait3A_493 = tpu.memref_slice %arg3[%dma_wait3A_491, %dma_wait3A_492] : memref<8192x128xf32, #tpu.memory_space<hbm>> -> memref<8192x128xf32, #tpu.memory_space<hbm>>
      tpu.wait_indirect_dma semaphore(%arg27 : memref<!tpu.dma_semaphore, #tpu.memory_space<semaphore_mem>>) src(%dma_wait3A_493 : memref<8192x128xf32, #tpu.memory_space<hbm>>) dst(%arg18 : memref<128x128xf32, #tpu.memory_space<vmem>>)
      "tpu.region"() ({
        %run_scoped3A_494 = tpu.sem_alloc : memref<!tpu.dma_semaphore, #tpu.memory_space<semaphore_mem>>
        %dma_start3A_495 = arith.constant 0 : i32
        %dma_start3A_496 = tpu.memref_slice %arg9[%add3A_478, %dma_start3A_495] : memref<20480x128xf32, #tpu.memory_space<hbm>> -> memref<128x128xf32, #tpu.memory_space<hbm>>
        %dma_start3A_497 = arith.constant 0 : i32
        %dma_start3A_498 = tpu.memref_slice %arg9[%add3A_478, %dma_start3A_497] : memref<20480x128xf32, #tpu.memory_space<hbm>> -> memref<128x128xf32, #tpu.memory_space<hbm>>
        tpu.enqueue_dma source(%arg17 : memref<128x128xf32, #tpu.memory_space<vmem>>) target(%dma_start3A_498 : memref<128x128xf32, #tpu.memory_space<hbm>>) target_semaphore(%run_scoped3A_494 : memref<!tpu.dma_semaphore, #tpu.memory_space<semaphore_mem>>)
        %dma_wait3A_499 = arith.constant 0 : i32
        %dma_wait3A_500 = tpu.memref_slice %arg9[%add3A_478, %dma_wait3A_499] : memref<20480x128xf32, #tpu.memory_space<hbm>> -> memref<128x128xf32, #tpu.memory_space<hbm>>
        %dma_wait3A_501 = arith.constant 0 : i32
        %dma_wait3A_502 = tpu.memref_slice %arg9[%add3A_478, %dma_wait3A_501] : memref<20480x128xf32, #tpu.memory_space<hbm>> -> memref<128x128xf32, #tpu.memory_space<hbm>>
        tpu.wait_dma2 semaphore(%run_scoped3A_494 : memref<!tpu.dma_semaphore, #tpu.memory_space<semaphore_mem>>) src(%arg17 : memref<128x128xf32, #tpu.memory_space<vmem>>) dst(%dma_wait3A_502 : memref<128x128xf32, #tpu.memory_space<hbm>>)
        tpu.yield
      }) : () -> ()
      "tpu.region"() ({
        %run_scoped3A_494 = tpu.sem_alloc : memref<!tpu.dma_semaphore, #tpu.memory_space<semaphore_mem>>
        %dma_start3A_495 = arith.constant 0 : i32
        %dma_start3A_496 = tpu.memref_slice %arg10[%add3A_478, %dma_start3A_495] : memref<20480x128xf32, #tpu.memory_space<hbm>> -> memref<128x128xf32, #tpu.memory_space<hbm>>
        %dma_start3A_497 = arith.constant 0 : i32
        %dma_start3A_498 = tpu.memref_slice %arg10[%add3A_478, %dma_start3A_497] : memref<20480x128xf32, #tpu.memory_space<hbm>> -> memref<128x128xf32, #tpu.memory_space<hbm>>
        tpu.enqueue_dma source(%arg18 : memref<128x128xf32, #tpu.memory_space<vmem>>) target(%dma_start3A_498 : memref<128x128xf32, #tpu.memory_space<hbm>>) target_semaphore(%run_scoped3A_494 : memref<!tpu.dma_semaphore, #tpu.memory_space<semaphore_mem>>)
        %dma_wait3A_499 = arith.constant 0 : i32
        %dma_wait3A_500 = tpu.memref_slice %arg10[%add3A_478, %dma_wait3A_499] : memref<20480x128xf32, #tpu.memory_space<hbm>> -> memref<128x128xf32, #tpu.memory_space<hbm>>
        %dma_wait3A_501 = arith.constant 0 : i32
        %dma_wait3A_502 = tpu.memref_slice %arg10[%add3A_478, %dma_wait3A_501] : memref<20480x128xf32, #tpu.memory_space<hbm>> -> memref<128x128xf32, #tpu.memory_space<hbm>>
        tpu.wait_dma2 semaphore(%run_scoped3A_494 : memref<!tpu.dma_semaphore, #tpu.memory_space<semaphore_mem>>) src(%arg18 : memref<128x128xf32, #tpu.memory_space<vmem>>) dst(%dma_wait3A_502 : memref<128x128xf32, #tpu.memory_space<hbm>>)
        tpu.yield
      }) : () -> ()
    }
    %scan3A_5 = arith.constant 5 : i32
    return
  }
}

#map = affine_map<(d0, d1) -> (0, 0)>
#map1 = affine_map<(d0, d1) -> (0)>
#map2 = affine_map<(d0, d1) -> (0, 0, 0)>
module attributes {stable_mosaic.version = 14 : i64} {
  func.func @_sc_gather_body(%arg0: i32, %arg1: i32, %arg2: memref<8192x128xf32, #tpu.memory_space<hbm>>, %arg3: memref<8192x128xf32, #tpu.memory_space<hbm>>, %arg4: memref<8192xf32, #tpu.memory_space<hbm>>, %arg5: memref<8192xf32, #tpu.memory_space<hbm>>, %arg6: memref<8192xf32, #tpu.memory_space<hbm>>, %arg7: memref<32x5x128xi32, #tpu.memory_space<hbm>>, %arg8: memref<32x5x128xi32, #tpu.memory_space<hbm>>, %arg9: memref<20480x128xf32, #tpu.memory_space<hbm>>, %arg10: memref<20480x128xf32, #tpu.memory_space<hbm>>, %arg11: memref<20480xf32, #tpu.memory_space<hbm>>, %arg12: memref<20480xf32, #tpu.memory_space<hbm>>, %arg13: memref<20480xf32, #tpu.memory_space<hbm>>, %arg14: memref<20480xf32, #tpu.memory_space<hbm>>, %arg15: memref<5x128xi32, #tpu.memory_space<vmem>>, %arg16: memref<5x128xi32, #tpu.memory_space<vmem>>, %arg17: memref<128x128xf32, #tpu.memory_space<vmem>>, %arg18: memref<128x128xf32, #tpu.memory_space<vmem>>, %arg19: memref<128xf32, #tpu.memory_space<vmem>>, %arg20: memref<128xf32, #tpu.memory_space<vmem>>, %arg21: memref<128xf32, #tpu.memory_space<vmem>>, %arg22: memref<128xf32, #tpu.memory_space<vmem>>, %arg23: memref<128xf32, #tpu.memory_space<vmem>>, %arg24: memref<128xf32, #tpu.memory_space<vmem>>, %arg25: memref<4x128xf32, #tpu.memory_space<vmem>>, %arg26: memref<!tpu.dma_semaphore, #tpu.memory_space<semaphore_mem>>, %arg27: memref<!tpu.dma_semaphore, #tpu.memory_space<semaphore_mem>>, %arg28: memref<!tpu.dma_semaphore, #tpu.memory_space<semaphore_mem>>, %arg29: memref<!tpu.dma_semaphore, #tpu.memory_space<semaphore_mem>>) attributes {dimension_semantics = [#tpu.dimension_semantics<core_parallel>, #tpu.dimension_semantics<subcore_parallel>], iteration_bounds = array<i64: 2, 16>, scalar_prefetch = 0 : i64, scratch_operands = 15 : i64, tpu.core_type = #tpu.core_type<sc_vector_subcore>, window_params = [{transform_indices = #map}, {transform_indices = #map}, {transform_indices = #map1}, {transform_indices = #map1}, {transform_indices = #map1}, {transform_indices = #map2}, {transform_indices = #map2}, {transform_indices = #map}, {transform_indices = #map}, {transform_indices = #map1}, {transform_indices = #map1}, {transform_indices = #map1}, {transform_indices = #map1}]} {
    %mul3A = arith.constant 2 : i32
    %mul3A_0 = arith.muli %arg1, %mul3A : i32
    %add3A = arith.addi %mul3A_0, %arg0 : i32
    "tpu.region"() ({
      %run_scoped3A = tpu.sem_alloc : memref<!tpu.dma_semaphore, #tpu.memory_space<semaphore_mem>>
      %dma_start3A = arith.constant 0 : i32
      %dma_start3A_6 = arith.constant 0 : i32
      %dma_start3A_7 = tpu.memref_slice %arg7[%add3A, %dma_start3A, %dma_start3A_6] : memref<32x5x128xi32, #tpu.memory_space<hbm>> -> memref<1x5x128xi32, #tpu.memory_space<hbm>>
      %dma_start3A_8 = tpu.memref_squeeze %dma_start3A_7 : memref<1x5x128xi32, #tpu.memory_space<hbm>> -> memref<5x128xi32, #tpu.memory_space<hbm>>
      %dma_start3A_9 = arith.constant 0 : i32
      %dma_start3A_10 = arith.constant 0 : i32
      %dma_start3A_11 = tpu.memref_slice %arg7[%add3A, %dma_start3A_9, %dma_start3A_10] : memref<32x5x128xi32, #tpu.memory_space<hbm>> -> memref<1x5x128xi32, #tpu.memory_space<hbm>>
      %dma_start3A_12 = tpu.memref_squeeze %dma_start3A_11 : memref<1x5x128xi32, #tpu.memory_space<hbm>> -> memref<5x128xi32, #tpu.memory_space<hbm>>
      tpu.enqueue_dma source(%dma_start3A_12 : memref<5x128xi32, #tpu.memory_space<hbm>>) target(%arg15 : memref<5x128xi32, #tpu.memory_space<vmem>>) target_semaphore(%run_scoped3A : memref<!tpu.dma_semaphore, #tpu.memory_space<semaphore_mem>>)
      %dma_wait3A = arith.constant 0 : i32
      %dma_wait3A_13 = arith.constant 0 : i32
      %dma_wait3A_14 = tpu.memref_slice %arg7[%add3A, %dma_wait3A, %dma_wait3A_13] : memref<32x5x128xi32, #tpu.memory_space<hbm>> -> memref<1x5x128xi32, #tpu.memory_space<hbm>>
      %dma_wait3A_15 = tpu.memref_squeeze %dma_wait3A_14 : memref<1x5x128xi32, #tpu.memory_space<hbm>> -> memref<5x128xi32, #tpu.memory_space<hbm>>
      %dma_wait3A_16 = arith.constant 0 : i32
      %dma_wait3A_17 = arith.constant 0 : i32
      %dma_wait3A_18 = tpu.memref_slice %arg7[%add3A, %dma_wait3A_16, %dma_wait3A_17] : memref<32x5x128xi32, #tpu.memory_space<hbm>> -> memref<1x5x128xi32, #tpu.memory_space<hbm>>
      %dma_wait3A_19 = tpu.memref_squeeze %dma_wait3A_18 : memref<1x5x128xi32, #tpu.memory_space<hbm>> -> memref<5x128xi32, #tpu.memory_space<hbm>>
      tpu.wait_dma2 semaphore(%run_scoped3A : memref<!tpu.dma_semaphore, #tpu.memory_space<semaphore_mem>>) src(%dma_wait3A_19 : memref<5x128xi32, #tpu.memory_space<hbm>>) dst(%arg15 : memref<5x128xi32, #tpu.memory_space<vmem>>)
      tpu.yield
    }) : () -> ()
    "tpu.region"() ({
      %run_scoped3A = tpu.sem_alloc : memref<!tpu.dma_semaphore, #tpu.memory_space<semaphore_mem>>
      %dma_start3A = arith.constant 0 : i32
      %dma_start3A_6 = arith.constant 0 : i32
      %dma_start3A_7 = tpu.memref_slice %arg8[%add3A, %dma_start3A, %dma_start3A_6] : memref<32x5x128xi32, #tpu.memory_space<hbm>> -> memref<1x5x128xi32, #tpu.memory_space<hbm>>
      %dma_start3A_8 = tpu.memref_squeeze %dma_start3A_7 : memref<1x5x128xi32, #tpu.memory_space<hbm>> -> memref<5x128xi32, #tpu.memory_space<hbm>>
      %dma_start3A_9 = arith.constant 0 : i32
      %dma_start3A_10 = arith.constant 0 : i32
      %dma_start3A_11 = tpu.memref_slice %arg8[%add3A, %dma_start3A_9, %dma_start3A_10] : memref<32x5x128xi32, #tpu.memory_space<hbm>> -> memref<1x5x128xi32, #tpu.memory_space<hbm>>
      %dma_start3A_12 = tpu.memref_squeeze %dma_start3A_11 : memref<1x5x128xi32, #tpu.memory_space<hbm>> -> memref<5x128xi32, #tpu.memory_space<hbm>>
      tpu.enqueue_dma source(%dma_start3A_12 : memref<5x128xi32, #tpu.memory_space<hbm>>) target(%arg16 : memref<5x128xi32, #tpu.memory_space<vmem>>) target_semaphore(%run_scoped3A : memref<!tpu.dma_semaphore, #tpu.memory_space<semaphore_mem>>)
      %dma_wait3A = arith.constant 0 : i32
      %dma_wait3A_13 = arith.constant 0 : i32
      %dma_wait3A_14 = tpu.memref_slice %arg8[%add3A, %dma_wait3A, %dma_wait3A_13] : memref<32x5x128xi32, #tpu.memory_space<hbm>> -> memref<1x5x128xi32, #tpu.memory_space<hbm>>
      %dma_wait3A_15 = tpu.memref_squeeze %dma_wait3A_14 : memref<1x5x128xi32, #tpu.memory_space<hbm>> -> memref<5x128xi32, #tpu.memory_space<hbm>>
      %dma_wait3A_16 = arith.constant 0 : i32
      %dma_wait3A_17 = arith.constant 0 : i32
      %dma_wait3A_18 = tpu.memref_slice %arg8[%add3A, %dma_wait3A_16, %dma_wait3A_17] : memref<32x5x128xi32, #tpu.memory_space<hbm>> -> memref<1x5x128xi32, #tpu.memory_space<hbm>>
      %dma_wait3A_19 = tpu.memref_squeeze %dma_wait3A_18 : memref<1x5x128xi32, #tpu.memory_space<hbm>> -> memref<5x128xi32, #tpu.memory_space<hbm>>
      tpu.wait_dma2 semaphore(%run_scoped3A : memref<!tpu.dma_semaphore, #tpu.memory_space<semaphore_mem>>) src(%dma_wait3A_19 : memref<5x128xi32, #tpu.memory_space<hbm>>) dst(%arg16 : memref<5x128xi32, #tpu.memory_space<vmem>>)
      tpu.yield
    }) : () -> ()
    %scan3A = arith.constant 0 : i32
    %scan3A_1 = arith.constant 0 : i32
    %scan3A_2 = arith.constant 5 : i32
    %scan3A_3 = arith.addi %scan3A_1, %scan3A_2 : i32
    %scan3A_4 = arith.constant 1 : i32
    scf.for %scan3A_6 = %scan3A_1 to %scan3A_3 step %scan3A_4  : i32 {
      %dma_start3A = arith.constant 0 : i32
      %dma_start3A_7 = tpu.memref_slice %arg15[%scan3A_6, %dma_start3A] : memref<5x128xi32, #tpu.memory_space<vmem>> -> memref<1x128xi32, #tpu.memory_space<vmem>>
      %dma_start3A_8 = tpu.memref_squeeze %dma_start3A_7 : memref<1x128xi32, #tpu.memory_space<vmem>> -> memref<128xi32, #tpu.memory_space<vmem>>
      %dma_start3A_9 = arith.constant 0 : i32
      %dma_start3A_10 = arith.constant 0 : i32
      %dma_start3A_11 = tpu.memref_slice %arg2[%dma_start3A_9, %dma_start3A_10] : memref<8192x128xf32, #tpu.memory_space<hbm>> -> memref<8192x128xf32, #tpu.memory_space<hbm>>
      tpu.enqueue_indirect_dma source(%dma_start3A_11 : memref<8192x128xf32, #tpu.memory_space<hbm>>) target(%arg17 : memref<128x128xf32, #tpu.memory_space<vmem>>) offsets(%dma_start3A_8 : memref<128xi32, #tpu.memory_space<vmem>>) semaphore(%arg26 : memref<!tpu.dma_semaphore, #tpu.memory_space<semaphore_mem>>)
      %dma_start3A_12 = arith.constant 0 : i32
      %dma_start3A_13 = tpu.memref_slice %arg16[%scan3A_6, %dma_start3A_12] : memref<5x128xi32, #tpu.memory_space<vmem>> -> memref<1x128xi32, #tpu.memory_space<vmem>>
      %dma_start3A_14 = tpu.memref_squeeze %dma_start3A_13 : memref<1x128xi32, #tpu.memory_space<vmem>> -> memref<128xi32, #tpu.memory_space<vmem>>
      %dma_start3A_15 = arith.constant 0 : i32
      %dma_start3A_16 = arith.constant 0 : i32
      %dma_start3A_17 = tpu.memref_slice %arg3[%dma_start3A_15, %dma_start3A_16] : memref<8192x128xf32, #tpu.memory_space<hbm>> -> memref<8192x128xf32, #tpu.memory_space<hbm>>
      tpu.enqueue_indirect_dma source(%dma_start3A_17 : memref<8192x128xf32, #tpu.memory_space<hbm>>) target(%arg18 : memref<128x128xf32, #tpu.memory_space<vmem>>) offsets(%dma_start3A_14 : memref<128xi32, #tpu.memory_space<vmem>>) semaphore(%arg27 : memref<!tpu.dma_semaphore, #tpu.memory_space<semaphore_mem>>)
      %dma_start3A_18 = arith.constant 0 : i32
      %dma_start3A_19 = tpu.memref_slice %arg15[%scan3A_6, %dma_start3A_18] : memref<5x128xi32, #tpu.memory_space<vmem>> -> memref<1x128xi32, #tpu.memory_space<vmem>>
      %dma_start3A_20 = tpu.memref_squeeze %dma_start3A_19 : memref<1x128xi32, #tpu.memory_space<vmem>> -> memref<128xi32, #tpu.memory_space<vmem>>
      %dma_start3A_21 = arith.constant 0 : i32
      %dma_start3A_22 = tpu.memref_slice %arg4[%dma_start3A_21] : memref<8192xf32, #tpu.memory_space<hbm>> -> memref<8192xf32, #tpu.memory_space<hbm>>
      tpu.enqueue_indirect_dma source(%dma_start3A_22 : memref<8192xf32, #tpu.memory_space<hbm>>) target(%arg19 : memref<128xf32, #tpu.memory_space<vmem>>) offsets(%dma_start3A_20 : memref<128xi32, #tpu.memory_space<vmem>>) semaphore(%arg28 : memref<!tpu.dma_semaphore, #tpu.memory_space<semaphore_mem>>)
      %dma_start3A_23 = arith.constant 0 : i32
      %dma_start3A_24 = tpu.memref_slice %arg15[%scan3A_6, %dma_start3A_23] : memref<5x128xi32, #tpu.memory_space<vmem>> -> memref<1x128xi32, #tpu.memory_space<vmem>>
      %dma_start3A_25 = tpu.memref_squeeze %dma_start3A_24 : memref<1x128xi32, #tpu.memory_space<vmem>> -> memref<128xi32, #tpu.memory_space<vmem>>
      %dma_start3A_26 = arith.constant 0 : i32
      %dma_start3A_27 = tpu.memref_slice %arg5[%dma_start3A_26] : memref<8192xf32, #tpu.memory_space<hbm>> -> memref<8192xf32, #tpu.memory_space<hbm>>
      tpu.enqueue_indirect_dma source(%dma_start3A_27 : memref<8192xf32, #tpu.memory_space<hbm>>) target(%arg20 : memref<128xf32, #tpu.memory_space<vmem>>) offsets(%dma_start3A_25 : memref<128xi32, #tpu.memory_space<vmem>>) semaphore(%arg28 : memref<!tpu.dma_semaphore, #tpu.memory_space<semaphore_mem>>)
      %dma_start3A_28 = arith.constant 0 : i32
      %dma_start3A_29 = tpu.memref_slice %arg15[%scan3A_6, %dma_start3A_28] : memref<5x128xi32, #tpu.memory_space<vmem>> -> memref<1x128xi32, #tpu.memory_space<vmem>>
      %dma_start3A_30 = tpu.memref_squeeze %dma_start3A_29 : memref<1x128xi32, #tpu.memory_space<vmem>> -> memref<128xi32, #tpu.memory_space<vmem>>
      %dma_start3A_31 = arith.constant 0 : i32
      %dma_start3A_32 = tpu.memref_slice %arg6[%dma_start3A_31] : memref<8192xf32, #tpu.memory_space<hbm>> -> memref<8192xf32, #tpu.memory_space<hbm>>
      tpu.enqueue_indirect_dma source(%dma_start3A_32 : memref<8192xf32, #tpu.memory_space<hbm>>) target(%arg21 : memref<128xf32, #tpu.memory_space<vmem>>) offsets(%dma_start3A_30 : memref<128xi32, #tpu.memory_space<vmem>>) semaphore(%arg28 : memref<!tpu.dma_semaphore, #tpu.memory_space<semaphore_mem>>)
      %dma_start3A_33 = arith.constant 0 : i32
      %dma_start3A_34 = tpu.memref_slice %arg16[%scan3A_6, %dma_start3A_33] : memref<5x128xi32, #tpu.memory_space<vmem>> -> memref<1x128xi32, #tpu.memory_space<vmem>>
      %dma_start3A_35 = tpu.memref_squeeze %dma_start3A_34 : memref<1x128xi32, #tpu.memory_space<vmem>> -> memref<128xi32, #tpu.memory_space<vmem>>
      %dma_start3A_36 = arith.constant 0 : i32
      %dma_start3A_37 = tpu.memref_slice %arg4[%dma_start3A_36] : memref<8192xf32, #tpu.memory_space<hbm>> -> memref<8192xf32, #tpu.memory_space<hbm>>
      tpu.enqueue_indirect_dma source(%dma_start3A_37 : memref<8192xf32, #tpu.memory_space<hbm>>) target(%arg22 : memref<128xf32, #tpu.memory_space<vmem>>) offsets(%dma_start3A_35 : memref<128xi32, #tpu.memory_space<vmem>>) semaphore(%arg29 : memref<!tpu.dma_semaphore, #tpu.memory_space<semaphore_mem>>)
      %dma_start3A_38 = arith.constant 0 : i32
      %dma_start3A_39 = tpu.memref_slice %arg16[%scan3A_6, %dma_start3A_38] : memref<5x128xi32, #tpu.memory_space<vmem>> -> memref<1x128xi32, #tpu.memory_space<vmem>>
      %dma_start3A_40 = tpu.memref_squeeze %dma_start3A_39 : memref<1x128xi32, #tpu.memory_space<vmem>> -> memref<128xi32, #tpu.memory_space<vmem>>
      %dma_start3A_41 = arith.constant 0 : i32
      %dma_start3A_42 = tpu.memref_slice %arg5[%dma_start3A_41] : memref<8192xf32, #tpu.memory_space<hbm>> -> memref<8192xf32, #tpu.memory_space<hbm>>
      tpu.enqueue_indirect_dma source(%dma_start3A_42 : memref<8192xf32, #tpu.memory_space<hbm>>) target(%arg23 : memref<128xf32, #tpu.memory_space<vmem>>) offsets(%dma_start3A_40 : memref<128xi32, #tpu.memory_space<vmem>>) semaphore(%arg29 : memref<!tpu.dma_semaphore, #tpu.memory_space<semaphore_mem>>)
      %dma_start3A_43 = arith.constant 0 : i32
      %dma_start3A_44 = tpu.memref_slice %arg16[%scan3A_6, %dma_start3A_43] : memref<5x128xi32, #tpu.memory_space<vmem>> -> memref<1x128xi32, #tpu.memory_space<vmem>>
      %dma_start3A_45 = tpu.memref_squeeze %dma_start3A_44 : memref<1x128xi32, #tpu.memory_space<vmem>> -> memref<128xi32, #tpu.memory_space<vmem>>
      %dma_start3A_46 = arith.constant 0 : i32
      %dma_start3A_47 = tpu.memref_slice %arg6[%dma_start3A_46] : memref<8192xf32, #tpu.memory_space<hbm>> -> memref<8192xf32, #tpu.memory_space<hbm>>
      tpu.enqueue_indirect_dma source(%dma_start3A_47 : memref<8192xf32, #tpu.memory_space<hbm>>) target(%arg24 : memref<128xf32, #tpu.memory_space<vmem>>) offsets(%dma_start3A_45 : memref<128xi32, #tpu.memory_space<vmem>>) semaphore(%arg29 : memref<!tpu.dma_semaphore, #tpu.memory_space<semaphore_mem>>)
      %dma_wait3A = arith.constant 0 : i32
      %dma_wait3A_48 = tpu.memref_slice %arg15[%scan3A_6, %dma_wait3A] : memref<5x128xi32, #tpu.memory_space<vmem>> -> memref<1x128xi32, #tpu.memory_space<vmem>>
      %dma_wait3A_49 = tpu.memref_squeeze %dma_wait3A_48 : memref<1x128xi32, #tpu.memory_space<vmem>> -> memref<128xi32, #tpu.memory_space<vmem>>
      %dma_wait3A_50 = arith.constant 0 : i32
      %dma_wait3A_51 = tpu.memref_slice %arg4[%dma_wait3A_50] : memref<8192xf32, #tpu.memory_space<hbm>> -> memref<8192xf32, #tpu.memory_space<hbm>>
      tpu.wait_indirect_dma semaphore(%arg28 : memref<!tpu.dma_semaphore, #tpu.memory_space<semaphore_mem>>) src(%dma_wait3A_51 : memref<8192xf32, #tpu.memory_space<hbm>>) dst(%arg19 : memref<128xf32, #tpu.memory_space<vmem>>)
      %dma_wait3A_52 = arith.constant 0 : i32
      %dma_wait3A_53 = tpu.memref_slice %arg15[%scan3A_6, %dma_wait3A_52] : memref<5x128xi32, #tpu.memory_space<vmem>> -> memref<1x128xi32, #tpu.memory_space<vmem>>
      %dma_wait3A_54 = tpu.memref_squeeze %dma_wait3A_53 : memref<1x128xi32, #tpu.memory_space<vmem>> -> memref<128xi32, #tpu.memory_space<vmem>>
      %dma_wait3A_55 = arith.constant 0 : i32
      %dma_wait3A_56 = tpu.memref_slice %arg5[%dma_wait3A_55] : memref<8192xf32, #tpu.memory_space<hbm>> -> memref<8192xf32, #tpu.memory_space<hbm>>
      tpu.wait_indirect_dma semaphore(%arg28 : memref<!tpu.dma_semaphore, #tpu.memory_space<semaphore_mem>>) src(%dma_wait3A_56 : memref<8192xf32, #tpu.memory_space<hbm>>) dst(%arg20 : memref<128xf32, #tpu.memory_space<vmem>>)
      %dma_wait3A_57 = arith.constant 0 : i32
      %dma_wait3A_58 = tpu.memref_slice %arg15[%scan3A_6, %dma_wait3A_57] : memref<5x128xi32, #tpu.memory_space<vmem>> -> memref<1x128xi32, #tpu.memory_space<vmem>>
      %dma_wait3A_59 = tpu.memref_squeeze %dma_wait3A_58 : memref<1x128xi32, #tpu.memory_space<vmem>> -> memref<128xi32, #tpu.memory_space<vmem>>
      %dma_wait3A_60 = arith.constant 0 : i32
      %dma_wait3A_61 = tpu.memref_slice %arg6[%dma_wait3A_60] : memref<8192xf32, #tpu.memory_space<hbm>> -> memref<8192xf32, #tpu.memory_space<hbm>>
      tpu.wait_indirect_dma semaphore(%arg28 : memref<!tpu.dma_semaphore, #tpu.memory_space<semaphore_mem>>) src(%dma_wait3A_61 : memref<8192xf32, #tpu.memory_space<hbm>>) dst(%arg21 : memref<128xf32, #tpu.memory_space<vmem>>)
      %dma_wait3A_62 = arith.constant 0 : i32
      %dma_wait3A_63 = tpu.memref_slice %arg16[%scan3A_6, %dma_wait3A_62] : memref<5x128xi32, #tpu.memory_space<vmem>> -> memref<1x128xi32, #tpu.memory_space<vmem>>
      %dma_wait3A_64 = tpu.memref_squeeze %dma_wait3A_63 : memref<1x128xi32, #tpu.memory_space<vmem>> -> memref<128xi32, #tpu.memory_space<vmem>>
      %dma_wait3A_65 = arith.constant 0 : i32
      %dma_wait3A_66 = tpu.memref_slice %arg4[%dma_wait3A_65] : memref<8192xf32, #tpu.memory_space<hbm>> -> memref<8192xf32, #tpu.memory_space<hbm>>
      tpu.wait_indirect_dma semaphore(%arg29 : memref<!tpu.dma_semaphore, #tpu.memory_space<semaphore_mem>>) src(%dma_wait3A_66 : memref<8192xf32, #tpu.memory_space<hbm>>) dst(%arg22 : memref<128xf32, #tpu.memory_space<vmem>>)
      %dma_wait3A_67 = arith.constant 0 : i32
      %dma_wait3A_68 = tpu.memref_slice %arg16[%scan3A_6, %dma_wait3A_67] : memref<5x128xi32, #tpu.memory_space<vmem>> -> memref<1x128xi32, #tpu.memory_space<vmem>>
      %dma_wait3A_69 = tpu.memref_squeeze %dma_wait3A_68 : memref<1x128xi32, #tpu.memory_space<vmem>> -> memref<128xi32, #tpu.memory_space<vmem>>
      %dma_wait3A_70 = arith.constant 0 : i32
      %dma_wait3A_71 = tpu.memref_slice %arg5[%dma_wait3A_70] : memref<8192xf32, #tpu.memory_space<hbm>> -> memref<8192xf32, #tpu.memory_space<hbm>>
      tpu.wait_indirect_dma semaphore(%arg29 : memref<!tpu.dma_semaphore, #tpu.memory_space<semaphore_mem>>) src(%dma_wait3A_71 : memref<8192xf32, #tpu.memory_space<hbm>>) dst(%arg23 : memref<128xf32, #tpu.memory_space<vmem>>)
      %dma_wait3A_72 = arith.constant 0 : i32
      %dma_wait3A_73 = tpu.memref_slice %arg16[%scan3A_6, %dma_wait3A_72] : memref<5x128xi32, #tpu.memory_space<vmem>> -> memref<1x128xi32, #tpu.memory_space<vmem>>
      %dma_wait3A_74 = tpu.memref_squeeze %dma_wait3A_73 : memref<1x128xi32, #tpu.memory_space<vmem>> -> memref<128xi32, #tpu.memory_space<vmem>>
      %dma_wait3A_75 = arith.constant 0 : i32
      %dma_wait3A_76 = tpu.memref_slice %arg6[%dma_wait3A_75] : memref<8192xf32, #tpu.memory_space<hbm>> -> memref<8192xf32, #tpu.memory_space<hbm>>
      tpu.wait_indirect_dma semaphore(%arg29 : memref<!tpu.dma_semaphore, #tpu.memory_space<semaphore_mem>>) src(%dma_wait3A_76 : memref<8192xf32, #tpu.memory_space<hbm>>) dst(%arg24 : memref<128xf32, #tpu.memory_space<vmem>>)
      %get3A = arith.constant 0 : index
      %get3A_77 = tpu.vector_load %arg19[%get3A] {strides = array<i32>} : memref<128xf32, #tpu.memory_space<vmem>>, vector<16xf32>,
      %get3A_78 = vector.shape_cast %get3A_77 : vector<16xf32> to vector<16xf32>
      %get3A_79 = arith.constant 0 : index
      %get3A_80 = tpu.vector_load %arg22[%get3A_79] {strides = array<i32>} : memref<128xf32, #tpu.memory_space<vmem>>, vector<16xf32>,
      %get3A_81 = vector.shape_cast %get3A_80 : vector<16xf32> to vector<16xf32>
      %sub3A = arith.subf %get3A_78, %get3A_81 : vector<16xf32>
      %get3A_82 = arith.constant 0 : index
      %get3A_83 = tpu.vector_load %arg20[%get3A_82] {strides = array<i32>} : memref<128xf32, #tpu.memory_space<vmem>>, vector<16xf32>,
      %get3A_84 = vector.shape_cast %get3A_83 : vector<16xf32> to vector<16xf32>
      %get3A_85 = arith.constant 0 : index
      %get3A_86 = tpu.vector_load %arg23[%get3A_85] {strides = array<i32>} : memref<128xf32, #tpu.memory_space<vmem>>, vector<16xf32>,
      %get3A_87 = vector.shape_cast %get3A_86 : vector<16xf32> to vector<16xf32>
      %sub3A_88 = arith.subf %get3A_84, %get3A_87 : vector<16xf32>
      %get3A_89 = arith.constant 0 : index
      %get3A_90 = tpu.vector_load %arg21[%get3A_89] {strides = array<i32>} : memref<128xf32, #tpu.memory_space<vmem>>, vector<16xf32>,
      %get3A_91 = vector.shape_cast %get3A_90 : vector<16xf32> to vector<16xf32>
      %get3A_92 = arith.constant 0 : index
      %get3A_93 = tpu.vector_load %arg24[%get3A_92] {strides = array<i32>} : memref<128xf32, #tpu.memory_space<vmem>>, vector<16xf32>,
      %get3A_94 = vector.shape_cast %get3A_93 : vector<16xf32> to vector<16xf32>
      %sub3A_95 = arith.subf %get3A_91, %get3A_94 : vector<16xf32>
      %swap3A = arith.constant 0 : i32
      %swap3A_96 = arith.index_cast %swap3A : i32 to index
      %swap3A_97 = arith.constant 0 : index
      %swap3A_98 = tpu.vector_load %arg25[%swap3A_96, %swap3A_97] {strides = array<i32>} : memref<4x128xf32, #tpu.memory_space<vmem>>, vector<1x16xf32>,
      %swap3A_99 = vector.shape_cast %swap3A_98 : vector<1x16xf32> to vector<16xf32>
      %swap3A_100 = vector.shape_cast %sub3A : vector<16xf32> to vector<1x16xf32>
      tpu.vector_store %arg25[%swap3A_96, %swap3A_97], %swap3A_100 {strides = array<i32>} : memref<4x128xf32, #tpu.memory_space<vmem>>, vector<1x16xf32>,
      %swap3A_101 = arith.constant 1 : i32
      %swap3A_102 = arith.index_cast %swap3A_101 : i32 to index
      %swap3A_103 = arith.constant 0 : index
      %swap3A_104 = tpu.vector_load %arg25[%swap3A_102, %swap3A_103] {strides = array<i32>} : memref<4x128xf32, #tpu.memory_space<vmem>>, vector<1x16xf32>,
      %swap3A_105 = vector.shape_cast %swap3A_104 : vector<1x16xf32> to vector<16xf32>
      %swap3A_106 = vector.shape_cast %sub3A_88 : vector<16xf32> to vector<1x16xf32>
      tpu.vector_store %arg25[%swap3A_102, %swap3A_103], %swap3A_106 {strides = array<i32>} : memref<4x128xf32, #tpu.memory_space<vmem>>, vector<1x16xf32>,
      %swap3A_107 = arith.constant 2 : i32
      %swap3A_108 = arith.index_cast %swap3A_107 : i32 to index
      %swap3A_109 = arith.constant 0 : index
      %swap3A_110 = tpu.vector_load %arg25[%swap3A_108, %swap3A_109] {strides = array<i32>} : memref<4x128xf32, #tpu.memory_space<vmem>>, vector<1x16xf32>,
      %swap3A_111 = vector.shape_cast %swap3A_110 : vector<1x16xf32> to vector<16xf32>
      %swap3A_112 = vector.shape_cast %sub3A_95 : vector<16xf32> to vector<1x16xf32>
      tpu.vector_store %arg25[%swap3A_108, %swap3A_109], %swap3A_112 {strides = array<i32>} : memref<4x128xf32, #tpu.memory_space<vmem>>, vector<1x16xf32>,
      %mul3A_113 = arith.mulf %sub3A, %sub3A : vector<16xf32>
      %mul3A_114 = arith.mulf %sub3A_88, %sub3A_88 : vector<16xf32>
      %add3A_115 = arith.addf %mul3A_113, %mul3A_114 : vector<16xf32>
      %mul3A_116 = arith.mulf %sub3A_95, %sub3A_95 : vector<16xf32>
      %add3A_117 = arith.addf %add3A_115, %mul3A_116 : vector<16xf32>
      %swap3A_118 = arith.constant 3 : i32
      %swap3A_119 = arith.index_cast %swap3A_118 : i32 to index
      %swap3A_120 = arith.constant 0 : index
      %swap3A_121 = tpu.vector_load %arg25[%swap3A_119, %swap3A_120] {strides = array<i32>} : memref<4x128xf32, #tpu.memory_space<vmem>>, vector<1x16xf32>,
      %swap3A_122 = vector.shape_cast %swap3A_121 : vector<1x16xf32> to vector<16xf32>
      %swap3A_123 = vector.shape_cast %add3A_117 : vector<16xf32> to vector<1x16xf32>
      tpu.vector_store %arg25[%swap3A_119, %swap3A_120], %swap3A_123 {strides = array<i32>} : memref<4x128xf32, #tpu.memory_space<vmem>>, vector<1x16xf32>,
      %get3A_124 = arith.constant 16 : index
      %get3A_125 = tpu.vector_load %arg19[%get3A_124] {strides = array<i32>} : memref<128xf32, #tpu.memory_space<vmem>>, vector<16xf32>,
      %get3A_126 = vector.shape_cast %get3A_125 : vector<16xf32> to vector<16xf32>
      %get3A_127 = arith.constant 16 : index
      %get3A_128 = tpu.vector_load %arg22[%get3A_127] {strides = array<i32>} : memref<128xf32, #tpu.memory_space<vmem>>, vector<16xf32>,
      %get3A_129 = vector.shape_cast %get3A_128 : vector<16xf32> to vector<16xf32>
      %sub3A_130 = arith.subf %get3A_126, %get3A_129 : vector<16xf32>
      %get3A_131 = arith.constant 16 : index
      %get3A_132 = tpu.vector_load %arg20[%get3A_131] {strides = array<i32>} : memref<128xf32, #tpu.memory_space<vmem>>, vector<16xf32>,
      %get3A_133 = vector.shape_cast %get3A_132 : vector<16xf32> to vector<16xf32>
      %get3A_134 = arith.constant 16 : index
      %get3A_135 = tpu.vector_load %arg23[%get3A_134] {strides = array<i32>} : memref<128xf32, #tpu.memory_space<vmem>>, vector<16xf32>,
      %get3A_136 = vector.shape_cast %get3A_135 : vector<16xf32> to vector<16xf32>
      %sub3A_137 = arith.subf %get3A_133, %get3A_136 : vector<16xf32>
      %get3A_138 = arith.constant 16 : index
      %get3A_139 = tpu.vector_load %arg21[%get3A_138] {strides = array<i32>} : memref<128xf32, #tpu.memory_space<vmem>>, vector<16xf32>,
      %get3A_140 = vector.shape_cast %get3A_139 : vector<16xf32> to vector<16xf32>
      %get3A_141 = arith.constant 16 : index
      %get3A_142 = tpu.vector_load %arg24[%get3A_141] {strides = array<i32>} : memref<128xf32, #tpu.memory_space<vmem>>, vector<16xf32>,
      %get3A_143 = vector.shape_cast %get3A_142 : vector<16xf32> to vector<16xf32>
      %sub3A_144 = arith.subf %get3A_140, %get3A_143 : vector<16xf32>
      %swap3A_145 = arith.constant 0 : i32
      %swap3A_146 = arith.index_cast %swap3A_145 : i32 to index
      %swap3A_147 = arith.constant 16 : index
      %swap3A_148 = tpu.vector_load %arg25[%swap3A_146, %swap3A_147] {strides = array<i32>} : memref<4x128xf32, #tpu.memory_space<vmem>>, vector<1x16xf32>,
      %swap3A_149 = vector.shape_cast %swap3A_148 : vector<1x16xf32> to vector<16xf32>
      %swap3A_150 = vector.shape_cast %sub3A_130 : vector<16xf32> to vector<1x16xf32>
      tpu.vector_store %arg25[%swap3A_146, %swap3A_147], %swap3A_150 {strides = array<i32>} : memref<4x128xf32, #tpu.memory_space<vmem>>, vector<1x16xf32>,
      %swap3A_151 = arith.constant 1 : i32
      %swap3A_152 = arith.index_cast %swap3A_151 : i32 to index
      %swap3A_153 = arith.constant 16 : index
      %swap3A_154 = tpu.vector_load %arg25[%swap3A_152, %swap3A_153] {strides = array<i32>} : memref<4x128xf32, #tpu.memory_space<vmem>>, vector<1x16xf32>,
      %swap3A_155 = vector.shape_cast %swap3A_154 : vector<1x16xf32> to vector<16xf32>
      %swap3A_156 = vector.shape_cast %sub3A_137 : vector<16xf32> to vector<1x16xf32>
      tpu.vector_store %arg25[%swap3A_152, %swap3A_153], %swap3A_156 {strides = array<i32>} : memref<4x128xf32, #tpu.memory_space<vmem>>, vector<1x16xf32>,
      %swap3A_157 = arith.constant 2 : i32
      %swap3A_158 = arith.index_cast %swap3A_157 : i32 to index
      %swap3A_159 = arith.constant 16 : index
      %swap3A_160 = tpu.vector_load %arg25[%swap3A_158, %swap3A_159] {strides = array<i32>} : memref<4x128xf32, #tpu.memory_space<vmem>>, vector<1x16xf32>,
      %swap3A_161 = vector.shape_cast %swap3A_160 : vector<1x16xf32> to vector<16xf32>
      %swap3A_162 = vector.shape_cast %sub3A_144 : vector<16xf32> to vector<1x16xf32>
      tpu.vector_store %arg25[%swap3A_158, %swap3A_159], %swap3A_162 {strides = array<i32>} : memref<4x128xf32, #tpu.memory_space<vmem>>, vector<1x16xf32>,
      %mul3A_163 = arith.mulf %sub3A_130, %sub3A_130 : vector<16xf32>
      %mul3A_164 = arith.mulf %sub3A_137, %sub3A_137 : vector<16xf32>
      %add3A_165 = arith.addf %mul3A_163, %mul3A_164 : vector<16xf32>
      %mul3A_166 = arith.mulf %sub3A_144, %sub3A_144 : vector<16xf32>
      %add3A_167 = arith.addf %add3A_165, %mul3A_166 : vector<16xf32>
      %swap3A_168 = arith.constant 3 : i32
      %swap3A_169 = arith.index_cast %swap3A_168 : i32 to index
      %swap3A_170 = arith.constant 16 : index
      %swap3A_171 = tpu.vector_load %arg25[%swap3A_169, %swap3A_170] {strides = array<i32>} : memref<4x128xf32, #tpu.memory_space<vmem>>, vector<1x16xf32>,
      %swap3A_172 = vector.shape_cast %swap3A_171 : vector<1x16xf32> to vector<16xf32>
      %swap3A_173 = vector.shape_cast %add3A_167 : vector<16xf32> to vector<1x16xf32>
      tpu.vector_store %arg25[%swap3A_169, %swap3A_170], %swap3A_173 {strides = array<i32>} : memref<4x128xf32, #tpu.memory_space<vmem>>, vector<1x16xf32>,
      %get3A_174 = arith.constant 32 : index
      %get3A_175 = tpu.vector_load %arg19[%get3A_174] {strides = array<i32>} : memref<128xf32, #tpu.memory_space<vmem>>, vector<16xf32>,
      %get3A_176 = vector.shape_cast %get3A_175 : vector<16xf32> to vector<16xf32>
      %get3A_177 = arith.constant 32 : index
      %get3A_178 = tpu.vector_load %arg22[%get3A_177] {strides = array<i32>} : memref<128xf32, #tpu.memory_space<vmem>>, vector<16xf32>,
      %get3A_179 = vector.shape_cast %get3A_178 : vector<16xf32> to vector<16xf32>
      %sub3A_180 = arith.subf %get3A_176, %get3A_179 : vector<16xf32>
      %get3A_181 = arith.constant 32 : index
      %get3A_182 = tpu.vector_load %arg20[%get3A_181] {strides = array<i32>} : memref<128xf32, #tpu.memory_space<vmem>>, vector<16xf32>,
      %get3A_183 = vector.shape_cast %get3A_182 : vector<16xf32> to vector<16xf32>
      %get3A_184 = arith.constant 32 : index
      %get3A_185 = tpu.vector_load %arg23[%get3A_184] {strides = array<i32>} : memref<128xf32, #tpu.memory_space<vmem>>, vector<16xf32>,
      %get3A_186 = vector.shape_cast %get3A_185 : vector<16xf32> to vector<16xf32>
      %sub3A_187 = arith.subf %get3A_183, %get3A_186 : vector<16xf32>
      %get3A_188 = arith.constant 32 : index
      %get3A_189 = tpu.vector_load %arg21[%get3A_188] {strides = array<i32>} : memref<128xf32, #tpu.memory_space<vmem>>, vector<16xf32>,
      %get3A_190 = vector.shape_cast %get3A_189 : vector<16xf32> to vector<16xf32>
      %get3A_191 = arith.constant 32 : index
      %get3A_192 = tpu.vector_load %arg24[%get3A_191] {strides = array<i32>} : memref<128xf32, #tpu.memory_space<vmem>>, vector<16xf32>,
      %get3A_193 = vector.shape_cast %get3A_192 : vector<16xf32> to vector<16xf32>
      %sub3A_194 = arith.subf %get3A_190, %get3A_193 : vector<16xf32>
      %swap3A_195 = arith.constant 0 : i32
      %swap3A_196 = arith.index_cast %swap3A_195 : i32 to index
      %swap3A_197 = arith.constant 32 : index
      %swap3A_198 = tpu.vector_load %arg25[%swap3A_196, %swap3A_197] {strides = array<i32>} : memref<4x128xf32, #tpu.memory_space<vmem>>, vector<1x16xf32>,
      %swap3A_199 = vector.shape_cast %swap3A_198 : vector<1x16xf32> to vector<16xf32>
      %swap3A_200 = vector.shape_cast %sub3A_180 : vector<16xf32> to vector<1x16xf32>
      tpu.vector_store %arg25[%swap3A_196, %swap3A_197], %swap3A_200 {strides = array<i32>} : memref<4x128xf32, #tpu.memory_space<vmem>>, vector<1x16xf32>,
      %swap3A_201 = arith.constant 1 : i32
      %swap3A_202 = arith.index_cast %swap3A_201 : i32 to index
      %swap3A_203 = arith.constant 32 : index
      %swap3A_204 = tpu.vector_load %arg25[%swap3A_202, %swap3A_203] {strides = array<i32>} : memref<4x128xf32, #tpu.memory_space<vmem>>, vector<1x16xf32>,
      %swap3A_205 = vector.shape_cast %swap3A_204 : vector<1x16xf32> to vector<16xf32>
      %swap3A_206 = vector.shape_cast %sub3A_187 : vector<16xf32> to vector<1x16xf32>
      tpu.vector_store %arg25[%swap3A_202, %swap3A_203], %swap3A_206 {strides = array<i32>} : memref<4x128xf32, #tpu.memory_space<vmem>>, vector<1x16xf32>,
      %swap3A_207 = arith.constant 2 : i32
      %swap3A_208 = arith.index_cast %swap3A_207 : i32 to index
      %swap3A_209 = arith.constant 32 : index
      %swap3A_210 = tpu.vector_load %arg25[%swap3A_208, %swap3A_209] {strides = array<i32>} : memref<4x128xf32, #tpu.memory_space<vmem>>, vector<1x16xf32>,
      %swap3A_211 = vector.shape_cast %swap3A_210 : vector<1x16xf32> to vector<16xf32>
      %swap3A_212 = vector.shape_cast %sub3A_194 : vector<16xf32> to vector<1x16xf32>
      tpu.vector_store %arg25[%swap3A_208, %swap3A_209], %swap3A_212 {strides = array<i32>} : memref<4x128xf32, #tpu.memory_space<vmem>>, vector<1x16xf32>,
      %mul3A_213 = arith.mulf %sub3A_180, %sub3A_180 : vector<16xf32>
      %mul3A_214 = arith.mulf %sub3A_187, %sub3A_187 : vector<16xf32>
      %add3A_215 = arith.addf %mul3A_213, %mul3A_214 : vector<16xf32>
      %mul3A_216 = arith.mulf %sub3A_194, %sub3A_194 : vector<16xf32>
      %add3A_217 = arith.addf %add3A_215, %mul3A_216 : vector<16xf32>
      %swap3A_218 = arith.constant 3 : i32
      %swap3A_219 = arith.index_cast %swap3A_218 : i32 to index
      %swap3A_220 = arith.constant 32 : index
      %swap3A_221 = tpu.vector_load %arg25[%swap3A_219, %swap3A_220] {strides = array<i32>} : memref<4x128xf32, #tpu.memory_space<vmem>>, vector<1x16xf32>,
      %swap3A_222 = vector.shape_cast %swap3A_221 : vector<1x16xf32> to vector<16xf32>
      %swap3A_223 = vector.shape_cast %add3A_217 : vector<16xf32> to vector<1x16xf32>
      tpu.vector_store %arg25[%swap3A_219, %swap3A_220], %swap3A_223 {strides = array<i32>} : memref<4x128xf32, #tpu.memory_space<vmem>>, vector<1x16xf32>,
      %get3A_224 = arith.constant 48 : index
      %get3A_225 = tpu.vector_load %arg19[%get3A_224] {strides = array<i32>} : memref<128xf32, #tpu.memory_space<vmem>>, vector<16xf32>,
      %get3A_226 = vector.shape_cast %get3A_225 : vector<16xf32> to vector<16xf32>
      %get3A_227 = arith.constant 48 : index
      %get3A_228 = tpu.vector_load %arg22[%get3A_227] {strides = array<i32>} : memref<128xf32, #tpu.memory_space<vmem>>, vector<16xf32>,
      %get3A_229 = vector.shape_cast %get3A_228 : vector<16xf32> to vector<16xf32>
      %sub3A_230 = arith.subf %get3A_226, %get3A_229 : vector<16xf32>
      %get3A_231 = arith.constant 48 : index
      %get3A_232 = tpu.vector_load %arg20[%get3A_231] {strides = array<i32>} : memref<128xf32, #tpu.memory_space<vmem>>, vector<16xf32>,
      %get3A_233 = vector.shape_cast %get3A_232 : vector<16xf32> to vector<16xf32>
      %get3A_234 = arith.constant 48 : index
      %get3A_235 = tpu.vector_load %arg23[%get3A_234] {strides = array<i32>} : memref<128xf32, #tpu.memory_space<vmem>>, vector<16xf32>,
      %get3A_236 = vector.shape_cast %get3A_235 : vector<16xf32> to vector<16xf32>
      %sub3A_237 = arith.subf %get3A_233, %get3A_236 : vector<16xf32>
      %get3A_238 = arith.constant 48 : index
      %get3A_239 = tpu.vector_load %arg21[%get3A_238] {strides = array<i32>} : memref<128xf32, #tpu.memory_space<vmem>>, vector<16xf32>,
      %get3A_240 = vector.shape_cast %get3A_239 : vector<16xf32> to vector<16xf32>
      %get3A_241 = arith.constant 48 : index
      %get3A_242 = tpu.vector_load %arg24[%get3A_241] {strides = array<i32>} : memref<128xf32, #tpu.memory_space<vmem>>, vector<16xf32>,
      %get3A_243 = vector.shape_cast %get3A_242 : vector<16xf32> to vector<16xf32>
      %sub3A_244 = arith.subf %get3A_240, %get3A_243 : vector<16xf32>
      %swap3A_245 = arith.constant 0 : i32
      %swap3A_246 = arith.index_cast %swap3A_245 : i32 to index
      %swap3A_247 = arith.constant 48 : index
      %swap3A_248 = tpu.vector_load %arg25[%swap3A_246, %swap3A_247] {strides = array<i32>} : memref<4x128xf32, #tpu.memory_space<vmem>>, vector<1x16xf32>,
      %swap3A_249 = vector.shape_cast %swap3A_248 : vector<1x16xf32> to vector<16xf32>
      %swap3A_250 = vector.shape_cast %sub3A_230 : vector<16xf32> to vector<1x16xf32>
      tpu.vector_store %arg25[%swap3A_246, %swap3A_247], %swap3A_250 {strides = array<i32>} : memref<4x128xf32, #tpu.memory_space<vmem>>, vector<1x16xf32>,
      %swap3A_251 = arith.constant 1 : i32
      %swap3A_252 = arith.index_cast %swap3A_251 : i32 to index
      %swap3A_253 = arith.constant 48 : index
      %swap3A_254 = tpu.vector_load %arg25[%swap3A_252, %swap3A_253] {strides = array<i32>} : memref<4x128xf32, #tpu.memory_space<vmem>>, vector<1x16xf32>,
      %swap3A_255 = vector.shape_cast %swap3A_254 : vector<1x16xf32> to vector<16xf32>
      %swap3A_256 = vector.shape_cast %sub3A_237 : vector<16xf32> to vector<1x16xf32>
      tpu.vector_store %arg25[%swap3A_252, %swap3A_253], %swap3A_256 {strides = array<i32>} : memref<4x128xf32, #tpu.memory_space<vmem>>, vector<1x16xf32>,
      %swap3A_257 = arith.constant 2 : i32
      %swap3A_258 = arith.index_cast %swap3A_257 : i32 to index
      %swap3A_259 = arith.constant 48 : index
      %swap3A_260 = tpu.vector_load %arg25[%swap3A_258, %swap3A_259] {strides = array<i32>} : memref<4x128xf32, #tpu.memory_space<vmem>>, vector<1x16xf32>,
      %swap3A_261 = vector.shape_cast %swap3A_260 : vector<1x16xf32> to vector<16xf32>
      %swap3A_262 = vector.shape_cast %sub3A_244 : vector<16xf32> to vector<1x16xf32>
      tpu.vector_store %arg25[%swap3A_258, %swap3A_259], %swap3A_262 {strides = array<i32>} : memref<4x128xf32, #tpu.memory_space<vmem>>, vector<1x16xf32>,
      %mul3A_263 = arith.mulf %sub3A_230, %sub3A_230 : vector<16xf32>
      %mul3A_264 = arith.mulf %sub3A_237, %sub3A_237 : vector<16xf32>
      %add3A_265 = arith.addf %mul3A_263, %mul3A_264 : vector<16xf32>
      %mul3A_266 = arith.mulf %sub3A_244, %sub3A_244 : vector<16xf32>
      %add3A_267 = arith.addf %add3A_265, %mul3A_266 : vector<16xf32>
      %swap3A_268 = arith.constant 3 : i32
      %swap3A_269 = arith.index_cast %swap3A_268 : i32 to index
      %swap3A_270 = arith.constant 48 : index
      %swap3A_271 = tpu.vector_load %arg25[%swap3A_269, %swap3A_270] {strides = array<i32>} : memref<4x128xf32, #tpu.memory_space<vmem>>, vector<1x16xf32>,
      %swap3A_272 = vector.shape_cast %swap3A_271 : vector<1x16xf32> to vector<16xf32>
      %swap3A_273 = vector.shape_cast %add3A_267 : vector<16xf32> to vector<1x16xf32>
      tpu.vector_store %arg25[%swap3A_269, %swap3A_270], %swap3A_273 {strides = array<i32>} : memref<4x128xf32, #tpu.memory_space<vmem>>, vector<1x16xf32>,
      %get3A_274 = arith.constant 64 : index
      %get3A_275 = tpu.vector_load %arg19[%get3A_274] {strides = array<i32>} : memref<128xf32, #tpu.memory_space<vmem>>, vector<16xf32>,
      %get3A_276 = vector.shape_cast %get3A_275 : vector<16xf32> to vector<16xf32>
      %get3A_277 = arith.constant 64 : index
      %get3A_278 = tpu.vector_load %arg22[%get3A_277] {strides = array<i32>} : memref<128xf32, #tpu.memory_space<vmem>>, vector<16xf32>,
      %get3A_279 = vector.shape_cast %get3A_278 : vector<16xf32> to vector<16xf32>
      %sub3A_280 = arith.subf %get3A_276, %get3A_279 : vector<16xf32>
      %get3A_281 = arith.constant 64 : index
      %get3A_282 = tpu.vector_load %arg20[%get3A_281] {strides = array<i32>} : memref<128xf32, #tpu.memory_space<vmem>>, vector<16xf32>,
      %get3A_283 = vector.shape_cast %get3A_282 : vector<16xf32> to vector<16xf32>
      %get3A_284 = arith.constant 64 : index
      %get3A_285 = tpu.vector_load %arg23[%get3A_284] {strides = array<i32>} : memref<128xf32, #tpu.memory_space<vmem>>, vector<16xf32>,
      %get3A_286 = vector.shape_cast %get3A_285 : vector<16xf32> to vector<16xf32>
      %sub3A_287 = arith.subf %get3A_283, %get3A_286 : vector<16xf32>
      %get3A_288 = arith.constant 64 : index
      %get3A_289 = tpu.vector_load %arg21[%get3A_288] {strides = array<i32>} : memref<128xf32, #tpu.memory_space<vmem>>, vector<16xf32>,
      %get3A_290 = vector.shape_cast %get3A_289 : vector<16xf32> to vector<16xf32>
      %get3A_291 = arith.constant 64 : index
      %get3A_292 = tpu.vector_load %arg24[%get3A_291] {strides = array<i32>} : memref<128xf32, #tpu.memory_space<vmem>>, vector<16xf32>,
      %get3A_293 = vector.shape_cast %get3A_292 : vector<16xf32> to vector<16xf32>
      %sub3A_294 = arith.subf %get3A_290, %get3A_293 : vector<16xf32>
      %swap3A_295 = arith.constant 0 : i32
      %swap3A_296 = arith.index_cast %swap3A_295 : i32 to index
      %swap3A_297 = arith.constant 64 : index
      %swap3A_298 = tpu.vector_load %arg25[%swap3A_296, %swap3A_297] {strides = array<i32>} : memref<4x128xf32, #tpu.memory_space<vmem>>, vector<1x16xf32>,
      %swap3A_299 = vector.shape_cast %swap3A_298 : vector<1x16xf32> to vector<16xf32>
      %swap3A_300 = vector.shape_cast %sub3A_280 : vector<16xf32> to vector<1x16xf32>
      tpu.vector_store %arg25[%swap3A_296, %swap3A_297], %swap3A_300 {strides = array<i32>} : memref<4x128xf32, #tpu.memory_space<vmem>>, vector<1x16xf32>,
      %swap3A_301 = arith.constant 1 : i32
      %swap3A_302 = arith.index_cast %swap3A_301 : i32 to index
      %swap3A_303 = arith.constant 64 : index
      %swap3A_304 = tpu.vector_load %arg25[%swap3A_302, %swap3A_303] {strides = array<i32>} : memref<4x128xf32, #tpu.memory_space<vmem>>, vector<1x16xf32>,
      %swap3A_305 = vector.shape_cast %swap3A_304 : vector<1x16xf32> to vector<16xf32>
      %swap3A_306 = vector.shape_cast %sub3A_287 : vector<16xf32> to vector<1x16xf32>
      tpu.vector_store %arg25[%swap3A_302, %swap3A_303], %swap3A_306 {strides = array<i32>} : memref<4x128xf32, #tpu.memory_space<vmem>>, vector<1x16xf32>,
      %swap3A_307 = arith.constant 2 : i32
      %swap3A_308 = arith.index_cast %swap3A_307 : i32 to index
      %swap3A_309 = arith.constant 64 : index
      %swap3A_310 = tpu.vector_load %arg25[%swap3A_308, %swap3A_309] {strides = array<i32>} : memref<4x128xf32, #tpu.memory_space<vmem>>, vector<1x16xf32>,
      %swap3A_311 = vector.shape_cast %swap3A_310 : vector<1x16xf32> to vector<16xf32>
      %swap3A_312 = vector.shape_cast %sub3A_294 : vector<16xf32> to vector<1x16xf32>
      tpu.vector_store %arg25[%swap3A_308, %swap3A_309], %swap3A_312 {strides = array<i32>} : memref<4x128xf32, #tpu.memory_space<vmem>>, vector<1x16xf32>,
      %mul3A_313 = arith.mulf %sub3A_280, %sub3A_280 : vector<16xf32>
      %mul3A_314 = arith.mulf %sub3A_287, %sub3A_287 : vector<16xf32>
      %add3A_315 = arith.addf %mul3A_313, %mul3A_314 : vector<16xf32>
      %mul3A_316 = arith.mulf %sub3A_294, %sub3A_294 : vector<16xf32>
      %add3A_317 = arith.addf %add3A_315, %mul3A_316 : vector<16xf32>
      %swap3A_318 = arith.constant 3 : i32
      %swap3A_319 = arith.index_cast %swap3A_318 : i32 to index
      %swap3A_320 = arith.constant 64 : index
      %swap3A_321 = tpu.vector_load %arg25[%swap3A_319, %swap3A_320] {strides = array<i32>} : memref<4x128xf32, #tpu.memory_space<vmem>>, vector<1x16xf32>,
      %swap3A_322 = vector.shape_cast %swap3A_321 : vector<1x16xf32> to vector<16xf32>
      %swap3A_323 = vector.shape_cast %add3A_317 : vector<16xf32> to vector<1x16xf32>
      tpu.vector_store %arg25[%swap3A_319, %swap3A_320], %swap3A_323 {strides = array<i32>} : memref<4x128xf32, #tpu.memory_space<vmem>>, vector<1x16xf32>,
      %get3A_324 = arith.constant 80 : index
      %get3A_325 = tpu.vector_load %arg19[%get3A_324] {strides = array<i32>} : memref<128xf32, #tpu.memory_space<vmem>>, vector<16xf32>,
      %get3A_326 = vector.shape_cast %get3A_325 : vector<16xf32> to vector<16xf32>
      %get3A_327 = arith.constant 80 : index
      %get3A_328 = tpu.vector_load %arg22[%get3A_327] {strides = array<i32>} : memref<128xf32, #tpu.memory_space<vmem>>, vector<16xf32>,
      %get3A_329 = vector.shape_cast %get3A_328 : vector<16xf32> to vector<16xf32>
      %sub3A_330 = arith.subf %get3A_326, %get3A_329 : vector<16xf32>
      %get3A_331 = arith.constant 80 : index
      %get3A_332 = tpu.vector_load %arg20[%get3A_331] {strides = array<i32>} : memref<128xf32, #tpu.memory_space<vmem>>, vector<16xf32>,
      %get3A_333 = vector.shape_cast %get3A_332 : vector<16xf32> to vector<16xf32>
      %get3A_334 = arith.constant 80 : index
      %get3A_335 = tpu.vector_load %arg23[%get3A_334] {strides = array<i32>} : memref<128xf32, #tpu.memory_space<vmem>>, vector<16xf32>,
      %get3A_336 = vector.shape_cast %get3A_335 : vector<16xf32> to vector<16xf32>
      %sub3A_337 = arith.subf %get3A_333, %get3A_336 : vector<16xf32>
      %get3A_338 = arith.constant 80 : index
      %get3A_339 = tpu.vector_load %arg21[%get3A_338] {strides = array<i32>} : memref<128xf32, #tpu.memory_space<vmem>>, vector<16xf32>,
      %get3A_340 = vector.shape_cast %get3A_339 : vector<16xf32> to vector<16xf32>
      %get3A_341 = arith.constant 80 : index
      %get3A_342 = tpu.vector_load %arg24[%get3A_341] {strides = array<i32>} : memref<128xf32, #tpu.memory_space<vmem>>, vector<16xf32>,
      %get3A_343 = vector.shape_cast %get3A_342 : vector<16xf32> to vector<16xf32>
      %sub3A_344 = arith.subf %get3A_340, %get3A_343 : vector<16xf32>
      %swap3A_345 = arith.constant 0 : i32
      %swap3A_346 = arith.index_cast %swap3A_345 : i32 to index
      %swap3A_347 = arith.constant 80 : index
      %swap3A_348 = tpu.vector_load %arg25[%swap3A_346, %swap3A_347] {strides = array<i32>} : memref<4x128xf32, #tpu.memory_space<vmem>>, vector<1x16xf32>,
      %swap3A_349 = vector.shape_cast %swap3A_348 : vector<1x16xf32> to vector<16xf32>
      %swap3A_350 = vector.shape_cast %sub3A_330 : vector<16xf32> to vector<1x16xf32>
      tpu.vector_store %arg25[%swap3A_346, %swap3A_347], %swap3A_350 {strides = array<i32>} : memref<4x128xf32, #tpu.memory_space<vmem>>, vector<1x16xf32>,
      %swap3A_351 = arith.constant 1 : i32
      %swap3A_352 = arith.index_cast %swap3A_351 : i32 to index
      %swap3A_353 = arith.constant 80 : index
      %swap3A_354 = tpu.vector_load %arg25[%swap3A_352, %swap3A_353] {strides = array<i32>} : memref<4x128xf32, #tpu.memory_space<vmem>>, vector<1x16xf32>,
      %swap3A_355 = vector.shape_cast %swap3A_354 : vector<1x16xf32> to vector<16xf32>
      %swap3A_356 = vector.shape_cast %sub3A_337 : vector<16xf32> to vector<1x16xf32>
      tpu.vector_store %arg25[%swap3A_352, %swap3A_353], %swap3A_356 {strides = array<i32>} : memref<4x128xf32, #tpu.memory_space<vmem>>, vector<1x16xf32>,
      %swap3A_357 = arith.constant 2 : i32
      %swap3A_358 = arith.index_cast %swap3A_357 : i32 to index
      %swap3A_359 = arith.constant 80 : index
      %swap3A_360 = tpu.vector_load %arg25[%swap3A_358, %swap3A_359] {strides = array<i32>} : memref<4x128xf32, #tpu.memory_space<vmem>>, vector<1x16xf32>,
      %swap3A_361 = vector.shape_cast %swap3A_360 : vector<1x16xf32> to vector<16xf32>
      %swap3A_362 = vector.shape_cast %sub3A_344 : vector<16xf32> to vector<1x16xf32>
      tpu.vector_store %arg25[%swap3A_358, %swap3A_359], %swap3A_362 {strides = array<i32>} : memref<4x128xf32, #tpu.memory_space<vmem>>, vector<1x16xf32>,
      %mul3A_363 = arith.mulf %sub3A_330, %sub3A_330 : vector<16xf32>
      %mul3A_364 = arith.mulf %sub3A_337, %sub3A_337 : vector<16xf32>
      %add3A_365 = arith.addf %mul3A_363, %mul3A_364 : vector<16xf32>
      %mul3A_366 = arith.mulf %sub3A_344, %sub3A_344 : vector<16xf32>
      %add3A_367 = arith.addf %add3A_365, %mul3A_366 : vector<16xf32>
      %swap3A_368 = arith.constant 3 : i32
      %swap3A_369 = arith.index_cast %swap3A_368 : i32 to index
      %swap3A_370 = arith.constant 80 : index
      %swap3A_371 = tpu.vector_load %arg25[%swap3A_369, %swap3A_370] {strides = array<i32>} : memref<4x128xf32, #tpu.memory_space<vmem>>, vector<1x16xf32>,
      %swap3A_372 = vector.shape_cast %swap3A_371 : vector<1x16xf32> to vector<16xf32>
      %swap3A_373 = vector.shape_cast %add3A_367 : vector<16xf32> to vector<1x16xf32>
      tpu.vector_store %arg25[%swap3A_369, %swap3A_370], %swap3A_373 {strides = array<i32>} : memref<4x128xf32, #tpu.memory_space<vmem>>, vector<1x16xf32>,
      %get3A_374 = arith.constant 96 : index
      %get3A_375 = tpu.vector_load %arg19[%get3A_374] {strides = array<i32>} : memref<128xf32, #tpu.memory_space<vmem>>, vector<16xf32>,
      %get3A_376 = vector.shape_cast %get3A_375 : vector<16xf32> to vector<16xf32>
      %get3A_377 = arith.constant 96 : index
      %get3A_378 = tpu.vector_load %arg22[%get3A_377] {strides = array<i32>} : memref<128xf32, #tpu.memory_space<vmem>>, vector<16xf32>,
      %get3A_379 = vector.shape_cast %get3A_378 : vector<16xf32> to vector<16xf32>
      %sub3A_380 = arith.subf %get3A_376, %get3A_379 : vector<16xf32>
      %get3A_381 = arith.constant 96 : index
      %get3A_382 = tpu.vector_load %arg20[%get3A_381] {strides = array<i32>} : memref<128xf32, #tpu.memory_space<vmem>>, vector<16xf32>,
      %get3A_383 = vector.shape_cast %get3A_382 : vector<16xf32> to vector<16xf32>
      %get3A_384 = arith.constant 96 : index
      %get3A_385 = tpu.vector_load %arg23[%get3A_384] {strides = array<i32>} : memref<128xf32, #tpu.memory_space<vmem>>, vector<16xf32>,
      %get3A_386 = vector.shape_cast %get3A_385 : vector<16xf32> to vector<16xf32>
      %sub3A_387 = arith.subf %get3A_383, %get3A_386 : vector<16xf32>
      %get3A_388 = arith.constant 96 : index
      %get3A_389 = tpu.vector_load %arg21[%get3A_388] {strides = array<i32>} : memref<128xf32, #tpu.memory_space<vmem>>, vector<16xf32>,
      %get3A_390 = vector.shape_cast %get3A_389 : vector<16xf32> to vector<16xf32>
      %get3A_391 = arith.constant 96 : index
      %get3A_392 = tpu.vector_load %arg24[%get3A_391] {strides = array<i32>} : memref<128xf32, #tpu.memory_space<vmem>>, vector<16xf32>,
      %get3A_393 = vector.shape_cast %get3A_392 : vector<16xf32> to vector<16xf32>
      %sub3A_394 = arith.subf %get3A_390, %get3A_393 : vector<16xf32>
      %swap3A_395 = arith.constant 0 : i32
      %swap3A_396 = arith.index_cast %swap3A_395 : i32 to index
      %swap3A_397 = arith.constant 96 : index
      %swap3A_398 = tpu.vector_load %arg25[%swap3A_396, %swap3A_397] {strides = array<i32>} : memref<4x128xf32, #tpu.memory_space<vmem>>, vector<1x16xf32>,
      %swap3A_399 = vector.shape_cast %swap3A_398 : vector<1x16xf32> to vector<16xf32>
      %swap3A_400 = vector.shape_cast %sub3A_380 : vector<16xf32> to vector<1x16xf32>
      tpu.vector_store %arg25[%swap3A_396, %swap3A_397], %swap3A_400 {strides = array<i32>} : memref<4x128xf32, #tpu.memory_space<vmem>>, vector<1x16xf32>,
      %swap3A_401 = arith.constant 1 : i32
      %swap3A_402 = arith.index_cast %swap3A_401 : i32 to index
      %swap3A_403 = arith.constant 96 : index
      %swap3A_404 = tpu.vector_load %arg25[%swap3A_402, %swap3A_403] {strides = array<i32>} : memref<4x128xf32, #tpu.memory_space<vmem>>, vector<1x16xf32>,
      %swap3A_405 = vector.shape_cast %swap3A_404 : vector<1x16xf32> to vector<16xf32>
      %swap3A_406 = vector.shape_cast %sub3A_387 : vector<16xf32> to vector<1x16xf32>
      tpu.vector_store %arg25[%swap3A_402, %swap3A_403], %swap3A_406 {strides = array<i32>} : memref<4x128xf32, #tpu.memory_space<vmem>>, vector<1x16xf32>,
      %swap3A_407 = arith.constant 2 : i32
      %swap3A_408 = arith.index_cast %swap3A_407 : i32 to index
      %swap3A_409 = arith.constant 96 : index
      %swap3A_410 = tpu.vector_load %arg25[%swap3A_408, %swap3A_409] {strides = array<i32>} : memref<4x128xf32, #tpu.memory_space<vmem>>, vector<1x16xf32>,
      %swap3A_411 = vector.shape_cast %swap3A_410 : vector<1x16xf32> to vector<16xf32>
      %swap3A_412 = vector.shape_cast %sub3A_394 : vector<16xf32> to vector<1x16xf32>
      tpu.vector_store %arg25[%swap3A_408, %swap3A_409], %swap3A_412 {strides = array<i32>} : memref<4x128xf32, #tpu.memory_space<vmem>>, vector<1x16xf32>,
      %mul3A_413 = arith.mulf %sub3A_380, %sub3A_380 : vector<16xf32>
      %mul3A_414 = arith.mulf %sub3A_387, %sub3A_387 : vector<16xf32>
      %add3A_415 = arith.addf %mul3A_413, %mul3A_414 : vector<16xf32>
      %mul3A_416 = arith.mulf %sub3A_394, %sub3A_394 : vector<16xf32>
      %add3A_417 = arith.addf %add3A_415, %mul3A_416 : vector<16xf32>
      %swap3A_418 = arith.constant 3 : i32
      %swap3A_419 = arith.index_cast %swap3A_418 : i32 to index
      %swap3A_420 = arith.constant 96 : index
      %swap3A_421 = tpu.vector_load %arg25[%swap3A_419, %swap3A_420] {strides = array<i32>} : memref<4x128xf32, #tpu.memory_space<vmem>>, vector<1x16xf32>,
      %swap3A_422 = vector.shape_cast %swap3A_421 : vector<1x16xf32> to vector<16xf32>
      %swap3A_423 = vector.shape_cast %add3A_417 : vector<16xf32> to vector<1x16xf32>
      tpu.vector_store %arg25[%swap3A_419, %swap3A_420], %swap3A_423 {strides = array<i32>} : memref<4x128xf32, #tpu.memory_space<vmem>>, vector<1x16xf32>,
      %get3A_424 = arith.constant 112 : index
      %get3A_425 = tpu.vector_load %arg19[%get3A_424] {strides = array<i32>} : memref<128xf32, #tpu.memory_space<vmem>>, vector<16xf32>,
      %get3A_426 = vector.shape_cast %get3A_425 : vector<16xf32> to vector<16xf32>
      %get3A_427 = arith.constant 112 : index
      %get3A_428 = tpu.vector_load %arg22[%get3A_427] {strides = array<i32>} : memref<128xf32, #tpu.memory_space<vmem>>, vector<16xf32>,
      %get3A_429 = vector.shape_cast %get3A_428 : vector<16xf32> to vector<16xf32>
      %sub3A_430 = arith.subf %get3A_426, %get3A_429 : vector<16xf32>
      %get3A_431 = arith.constant 112 : index
      %get3A_432 = tpu.vector_load %arg20[%get3A_431] {strides = array<i32>} : memref<128xf32, #tpu.memory_space<vmem>>, vector<16xf32>,
      %get3A_433 = vector.shape_cast %get3A_432 : vector<16xf32> to vector<16xf32>
      %get3A_434 = arith.constant 112 : index
      %get3A_435 = tpu.vector_load %arg23[%get3A_434] {strides = array<i32>} : memref<128xf32, #tpu.memory_space<vmem>>, vector<16xf32>,
      %get3A_436 = vector.shape_cast %get3A_435 : vector<16xf32> to vector<16xf32>
      %sub3A_437 = arith.subf %get3A_433, %get3A_436 : vector<16xf32>
      %get3A_438 = arith.constant 112 : index
      %get3A_439 = tpu.vector_load %arg21[%get3A_438] {strides = array<i32>} : memref<128xf32, #tpu.memory_space<vmem>>, vector<16xf32>,
      %get3A_440 = vector.shape_cast %get3A_439 : vector<16xf32> to vector<16xf32>
      %get3A_441 = arith.constant 112 : index
      %get3A_442 = tpu.vector_load %arg24[%get3A_441] {strides = array<i32>} : memref<128xf32, #tpu.memory_space<vmem>>, vector<16xf32>,
      %get3A_443 = vector.shape_cast %get3A_442 : vector<16xf32> to vector<16xf32>
      %sub3A_444 = arith.subf %get3A_440, %get3A_443 : vector<16xf32>
      %swap3A_445 = arith.constant 0 : i32
      %swap3A_446 = arith.index_cast %swap3A_445 : i32 to index
      %swap3A_447 = arith.constant 112 : index
      %swap3A_448 = tpu.vector_load %arg25[%swap3A_446, %swap3A_447] {strides = array<i32>} : memref<4x128xf32, #tpu.memory_space<vmem>>, vector<1x16xf32>,
      %swap3A_449 = vector.shape_cast %swap3A_448 : vector<1x16xf32> to vector<16xf32>
      %swap3A_450 = vector.shape_cast %sub3A_430 : vector<16xf32> to vector<1x16xf32>
      tpu.vector_store %arg25[%swap3A_446, %swap3A_447], %swap3A_450 {strides = array<i32>} : memref<4x128xf32, #tpu.memory_space<vmem>>, vector<1x16xf32>,
      %swap3A_451 = arith.constant 1 : i32
      %swap3A_452 = arith.index_cast %swap3A_451 : i32 to index
      %swap3A_453 = arith.constant 112 : index
      %swap3A_454 = tpu.vector_load %arg25[%swap3A_452, %swap3A_453] {strides = array<i32>} : memref<4x128xf32, #tpu.memory_space<vmem>>, vector<1x16xf32>,
      %swap3A_455 = vector.shape_cast %swap3A_454 : vector<1x16xf32> to vector<16xf32>
      %swap3A_456 = vector.shape_cast %sub3A_437 : vector<16xf32> to vector<1x16xf32>
      tpu.vector_store %arg25[%swap3A_452, %swap3A_453], %swap3A_456 {strides = array<i32>} : memref<4x128xf32, #tpu.memory_space<vmem>>, vector<1x16xf32>,
      %swap3A_457 = arith.constant 2 : i32
      %swap3A_458 = arith.index_cast %swap3A_457 : i32 to index
      %swap3A_459 = arith.constant 112 : index
      %swap3A_460 = tpu.vector_load %arg25[%swap3A_458, %swap3A_459] {strides = array<i32>} : memref<4x128xf32, #tpu.memory_space<vmem>>, vector<1x16xf32>,
      %swap3A_461 = vector.shape_cast %swap3A_460 : vector<1x16xf32> to vector<16xf32>
      %swap3A_462 = vector.shape_cast %sub3A_444 : vector<16xf32> to vector<1x16xf32>
      tpu.vector_store %arg25[%swap3A_458, %swap3A_459], %swap3A_462 {strides = array<i32>} : memref<4x128xf32, #tpu.memory_space<vmem>>, vector<1x16xf32>,
      %mul3A_463 = arith.mulf %sub3A_430, %sub3A_430 : vector<16xf32>
      %mul3A_464 = arith.mulf %sub3A_437, %sub3A_437 : vector<16xf32>
      %add3A_465 = arith.addf %mul3A_463, %mul3A_464 : vector<16xf32>
      %mul3A_466 = arith.mulf %sub3A_444, %sub3A_444 : vector<16xf32>
      %add3A_467 = arith.addf %add3A_465, %mul3A_466 : vector<16xf32>
      %swap3A_468 = arith.constant 3 : i32
      %swap3A_469 = arith.index_cast %swap3A_468 : i32 to index
      %swap3A_470 = arith.constant 112 : index
      %swap3A_471 = tpu.vector_load %arg25[%swap3A_469, %swap3A_470] {strides = array<i32>} : memref<4x128xf32, #tpu.memory_space<vmem>>, vector<1x16xf32>,
      %swap3A_472 = vector.shape_cast %swap3A_471 : vector<1x16xf32> to vector<16xf32>
      %swap3A_473 = vector.shape_cast %add3A_467 : vector<16xf32> to vector<1x16xf32>
      tpu.vector_store %arg25[%swap3A_469, %swap3A_470], %swap3A_473 {strides = array<i32>} : memref<4x128xf32, #tpu.memory_space<vmem>>, vector<1x16xf32>,
      %mul3A_474 = arith.constant 640 : i32
      %mul3A_475 = arith.muli %add3A, %mul3A_474 : i32
      %mul3A_476 = arith.constant 128 : i32
      %mul3A_477 = arith.muli %scan3A_6, %mul3A_476 : i32
      %add3A_478 = arith.addi %mul3A_475, %mul3A_477 : i32
      %run_scoped3A = arith.constant 0 : i32
      "tpu.region"() ({
        %run_scoped3A_494 = tpu.sem_alloc : memref<!tpu.dma_semaphore, #tpu.memory_space<semaphore_mem>>
        %dma_start3A_495 = arith.constant 0 : i32
        %dma_start3A_496 = tpu.memref_slice %arg25[%run_scoped3A, %dma_start3A_495] : memref<4x128xf32, #tpu.memory_space<vmem>> -> memref<1x128xf32, #tpu.memory_space<vmem>>
        %dma_start3A_497 = tpu.memref_squeeze %dma_start3A_496 : memref<1x128xf32, #tpu.memory_space<vmem>> -> memref<128xf32, #tpu.memory_space<vmem>>
        %dma_start3A_498 = tpu.memref_slice %arg11[%add3A_478] : memref<20480xf32, #tpu.memory_space<hbm>> -> memref<128xf32, #tpu.memory_space<hbm>>
        %dma_start3A_499 = tpu.memref_slice %arg11[%add3A_478] : memref<20480xf32, #tpu.memory_space<hbm>> -> memref<128xf32, #tpu.memory_space<hbm>>
        %dma_start3A_500 = arith.constant 0 : i32
        %dma_start3A_501 = tpu.memref_slice %arg25[%run_scoped3A, %dma_start3A_500] : memref<4x128xf32, #tpu.memory_space<vmem>> -> memref<1x128xf32, #tpu.memory_space<vmem>>
        %dma_start3A_502 = tpu.memref_squeeze %dma_start3A_501 : memref<1x128xf32, #tpu.memory_space<vmem>> -> memref<128xf32, #tpu.memory_space<vmem>>
        tpu.enqueue_dma source(%dma_start3A_502 : memref<128xf32, #tpu.memory_space<vmem>>) target(%dma_start3A_499 : memref<128xf32, #tpu.memory_space<hbm>>) target_semaphore(%run_scoped3A_494 : memref<!tpu.dma_semaphore, #tpu.memory_space<semaphore_mem>>)
        %dma_wait3A_503 = arith.constant 0 : i32
        %dma_wait3A_504 = tpu.memref_slice %arg25[%run_scoped3A, %dma_wait3A_503] : memref<4x128xf32, #tpu.memory_space<vmem>> -> memref<1x128xf32, #tpu.memory_space<vmem>>
        %dma_wait3A_505 = tpu.memref_squeeze %dma_wait3A_504 : memref<1x128xf32, #tpu.memory_space<vmem>> -> memref<128xf32, #tpu.memory_space<vmem>>
        %dma_wait3A_506 = tpu.memref_slice %arg11[%add3A_478] : memref<20480xf32, #tpu.memory_space<hbm>> -> memref<128xf32, #tpu.memory_space<hbm>>
        %dma_wait3A_507 = tpu.memref_slice %arg11[%add3A_478] : memref<20480xf32, #tpu.memory_space<hbm>> -> memref<128xf32, #tpu.memory_space<hbm>>
        %dma_wait3A_508 = arith.constant 0 : i32
        %dma_wait3A_509 = tpu.memref_slice %arg25[%run_scoped3A, %dma_wait3A_508] : memref<4x128xf32, #tpu.memory_space<vmem>> -> memref<1x128xf32, #tpu.memory_space<vmem>>
        %dma_wait3A_510 = tpu.memref_squeeze %dma_wait3A_509 : memref<1x128xf32, #tpu.memory_space<vmem>> -> memref<128xf32, #tpu.memory_space<vmem>>
        tpu.wait_dma2 semaphore(%run_scoped3A_494 : memref<!tpu.dma_semaphore, #tpu.memory_space<semaphore_mem>>) src(%dma_wait3A_510 : memref<128xf32, #tpu.memory_space<vmem>>) dst(%dma_wait3A_507 : memref<128xf32, #tpu.memory_space<hbm>>)
        tpu.yield
      }) : () -> ()
      %run_scoped3A_479 = arith.constant 1 : i32
      "tpu.region"() ({
        %run_scoped3A_494 = tpu.sem_alloc : memref<!tpu.dma_semaphore, #tpu.memory_space<semaphore_mem>>
        %dma_start3A_495 = arith.constant 0 : i32
        %dma_start3A_496 = tpu.memref_slice %arg25[%run_scoped3A_479, %dma_start3A_495] : memref<4x128xf32, #tpu.memory_space<vmem>> -> memref<1x128xf32, #tpu.memory_space<vmem>>
        %dma_start3A_497 = tpu.memref_squeeze %dma_start3A_496 : memref<1x128xf32, #tpu.memory_space<vmem>> -> memref<128xf32, #tpu.memory_space<vmem>>
        %dma_start3A_498 = tpu.memref_slice %arg12[%add3A_478] : memref<20480xf32, #tpu.memory_space<hbm>> -> memref<128xf32, #tpu.memory_space<hbm>>
        %dma_start3A_499 = tpu.memref_slice %arg12[%add3A_478] : memref<20480xf32, #tpu.memory_space<hbm>> -> memref<128xf32, #tpu.memory_space<hbm>>
        %dma_start3A_500 = arith.constant 0 : i32
        %dma_start3A_501 = tpu.memref_slice %arg25[%run_scoped3A_479, %dma_start3A_500] : memref<4x128xf32, #tpu.memory_space<vmem>> -> memref<1x128xf32, #tpu.memory_space<vmem>>
        %dma_start3A_502 = tpu.memref_squeeze %dma_start3A_501 : memref<1x128xf32, #tpu.memory_space<vmem>> -> memref<128xf32, #tpu.memory_space<vmem>>
        tpu.enqueue_dma source(%dma_start3A_502 : memref<128xf32, #tpu.memory_space<vmem>>) target(%dma_start3A_499 : memref<128xf32, #tpu.memory_space<hbm>>) target_semaphore(%run_scoped3A_494 : memref<!tpu.dma_semaphore, #tpu.memory_space<semaphore_mem>>)
        %dma_wait3A_503 = arith.constant 0 : i32
        %dma_wait3A_504 = tpu.memref_slice %arg25[%run_scoped3A_479, %dma_wait3A_503] : memref<4x128xf32, #tpu.memory_space<vmem>> -> memref<1x128xf32, #tpu.memory_space<vmem>>
        %dma_wait3A_505 = tpu.memref_squeeze %dma_wait3A_504 : memref<1x128xf32, #tpu.memory_space<vmem>> -> memref<128xf32, #tpu.memory_space<vmem>>
        %dma_wait3A_506 = tpu.memref_slice %arg12[%add3A_478] : memref<20480xf32, #tpu.memory_space<hbm>> -> memref<128xf32, #tpu.memory_space<hbm>>
        %dma_wait3A_507 = tpu.memref_slice %arg12[%add3A_478] : memref<20480xf32, #tpu.memory_space<hbm>> -> memref<128xf32, #tpu.memory_space<hbm>>
        %dma_wait3A_508 = arith.constant 0 : i32
        %dma_wait3A_509 = tpu.memref_slice %arg25[%run_scoped3A_479, %dma_wait3A_508] : memref<4x128xf32, #tpu.memory_space<vmem>> -> memref<1x128xf32, #tpu.memory_space<vmem>>
        %dma_wait3A_510 = tpu.memref_squeeze %dma_wait3A_509 : memref<1x128xf32, #tpu.memory_space<vmem>> -> memref<128xf32, #tpu.memory_space<vmem>>
        tpu.wait_dma2 semaphore(%run_scoped3A_494 : memref<!tpu.dma_semaphore, #tpu.memory_space<semaphore_mem>>) src(%dma_wait3A_510 : memref<128xf32, #tpu.memory_space<vmem>>) dst(%dma_wait3A_507 : memref<128xf32, #tpu.memory_space<hbm>>)
        tpu.yield
      }) : () -> ()
      %run_scoped3A_480 = arith.constant 2 : i32
      "tpu.region"() ({
        %run_scoped3A_494 = tpu.sem_alloc : memref<!tpu.dma_semaphore, #tpu.memory_space<semaphore_mem>>
        %dma_start3A_495 = arith.constant 0 : i32
        %dma_start3A_496 = tpu.memref_slice %arg25[%run_scoped3A_480, %dma_start3A_495] : memref<4x128xf32, #tpu.memory_space<vmem>> -> memref<1x128xf32, #tpu.memory_space<vmem>>
        %dma_start3A_497 = tpu.memref_squeeze %dma_start3A_496 : memref<1x128xf32, #tpu.memory_space<vmem>> -> memref<128xf32, #tpu.memory_space<vmem>>
        %dma_start3A_498 = tpu.memref_slice %arg13[%add3A_478] : memref<20480xf32, #tpu.memory_space<hbm>> -> memref<128xf32, #tpu.memory_space<hbm>>
        %dma_start3A_499 = tpu.memref_slice %arg13[%add3A_478] : memref<20480xf32, #tpu.memory_space<hbm>> -> memref<128xf32, #tpu.memory_space<hbm>>
        %dma_start3A_500 = arith.constant 0 : i32
        %dma_start3A_501 = tpu.memref_slice %arg25[%run_scoped3A_480, %dma_start3A_500] : memref<4x128xf32, #tpu.memory_space<vmem>> -> memref<1x128xf32, #tpu.memory_space<vmem>>
        %dma_start3A_502 = tpu.memref_squeeze %dma_start3A_501 : memref<1x128xf32, #tpu.memory_space<vmem>> -> memref<128xf32, #tpu.memory_space<vmem>>
        tpu.enqueue_dma source(%dma_start3A_502 : memref<128xf32, #tpu.memory_space<vmem>>) target(%dma_start3A_499 : memref<128xf32, #tpu.memory_space<hbm>>) target_semaphore(%run_scoped3A_494 : memref<!tpu.dma_semaphore, #tpu.memory_space<semaphore_mem>>)
        %dma_wait3A_503 = arith.constant 0 : i32
        %dma_wait3A_504 = tpu.memref_slice %arg25[%run_scoped3A_480, %dma_wait3A_503] : memref<4x128xf32, #tpu.memory_space<vmem>> -> memref<1x128xf32, #tpu.memory_space<vmem>>
        %dma_wait3A_505 = tpu.memref_squeeze %dma_wait3A_504 : memref<1x128xf32, #tpu.memory_space<vmem>> -> memref<128xf32, #tpu.memory_space<vmem>>
        %dma_wait3A_506 = tpu.memref_slice %arg13[%add3A_478] : memref<20480xf32, #tpu.memory_space<hbm>> -> memref<128xf32, #tpu.memory_space<hbm>>
        %dma_wait3A_507 = tpu.memref_slice %arg13[%add3A_478] : memref<20480xf32, #tpu.memory_space<hbm>> -> memref<128xf32, #tpu.memory_space<hbm>>
        %dma_wait3A_508 = arith.constant 0 : i32
        %dma_wait3A_509 = tpu.memref_slice %arg25[%run_scoped3A_480, %dma_wait3A_508] : memref<4x128xf32, #tpu.memory_space<vmem>> -> memref<1x128xf32, #tpu.memory_space<vmem>>
        %dma_wait3A_510 = tpu.memref_squeeze %dma_wait3A_509 : memref<1x128xf32, #tpu.memory_space<vmem>> -> memref<128xf32, #tpu.memory_space<vmem>>
        tpu.wait_dma2 semaphore(%run_scoped3A_494 : memref<!tpu.dma_semaphore, #tpu.memory_space<semaphore_mem>>) src(%dma_wait3A_510 : memref<128xf32, #tpu.memory_space<vmem>>) dst(%dma_wait3A_507 : memref<128xf32, #tpu.memory_space<hbm>>)
        tpu.yield
      }) : () -> ()
      %run_scoped3A_481 = arith.constant 3 : i32
      "tpu.region"() ({
        %run_scoped3A_494 = tpu.sem_alloc : memref<!tpu.dma_semaphore, #tpu.memory_space<semaphore_mem>>
        %dma_start3A_495 = arith.constant 0 : i32
        %dma_start3A_496 = tpu.memref_slice %arg25[%run_scoped3A_481, %dma_start3A_495] : memref<4x128xf32, #tpu.memory_space<vmem>> -> memref<1x128xf32, #tpu.memory_space<vmem>>
        %dma_start3A_497 = tpu.memref_squeeze %dma_start3A_496 : memref<1x128xf32, #tpu.memory_space<vmem>> -> memref<128xf32, #tpu.memory_space<vmem>>
        %dma_start3A_498 = tpu.memref_slice %arg14[%add3A_478] : memref<20480xf32, #tpu.memory_space<hbm>> -> memref<128xf32, #tpu.memory_space<hbm>>
        %dma_start3A_499 = tpu.memref_slice %arg14[%add3A_478] : memref<20480xf32, #tpu.memory_space<hbm>> -> memref<128xf32, #tpu.memory_space<hbm>>
        %dma_start3A_500 = arith.constant 0 : i32
        %dma_start3A_501 = tpu.memref_slice %arg25[%run_scoped3A_481, %dma_start3A_500] : memref<4x128xf32, #tpu.memory_space<vmem>> -> memref<1x128xf32, #tpu.memory_space<vmem>>
        %dma_start3A_502 = tpu.memref_squeeze %dma_start3A_501 : memref<1x128xf32, #tpu.memory_space<vmem>> -> memref<128xf32, #tpu.memory_space<vmem>>
        tpu.enqueue_dma source(%dma_start3A_502 : memref<128xf32, #tpu.memory_space<vmem>>) target(%dma_start3A_499 : memref<128xf32, #tpu.memory_space<hbm>>) target_semaphore(%run_scoped3A_494 : memref<!tpu.dma_semaphore, #tpu.memory_space<semaphore_mem>>)
        %dma_wait3A_503 = arith.constant 0 : i32
        %dma_wait3A_504 = tpu.memref_slice %arg25[%run_scoped3A_481, %dma_wait3A_503] : memref<4x128xf32, #tpu.memory_space<vmem>> -> memref<1x128xf32, #tpu.memory_space<vmem>>
        %dma_wait3A_505 = tpu.memref_squeeze %dma_wait3A_504 : memref<1x128xf32, #tpu.memory_space<vmem>> -> memref<128xf32, #tpu.memory_space<vmem>>
        %dma_wait3A_506 = tpu.memref_slice %arg14[%add3A_478] : memref<20480xf32, #tpu.memory_space<hbm>> -> memref<128xf32, #tpu.memory_space<hbm>>
        %dma_wait3A_507 = tpu.memref_slice %arg14[%add3A_478] : memref<20480xf32, #tpu.memory_space<hbm>> -> memref<128xf32, #tpu.memory_space<hbm>>
        %dma_wait3A_508 = arith.constant 0 : i32
        %dma_wait3A_509 = tpu.memref_slice %arg25[%run_scoped3A_481, %dma_wait3A_508] : memref<4x128xf32, #tpu.memory_space<vmem>> -> memref<1x128xf32, #tpu.memory_space<vmem>>
        %dma_wait3A_510 = tpu.memref_squeeze %dma_wait3A_509 : memref<1x128xf32, #tpu.memory_space<vmem>> -> memref<128xf32, #tpu.memory_space<vmem>>
        tpu.wait_dma2 semaphore(%run_scoped3A_494 : memref<!tpu.dma_semaphore, #tpu.memory_space<semaphore_mem>>) src(%dma_wait3A_510 : memref<128xf32, #tpu.memory_space<vmem>>) dst(%dma_wait3A_507 : memref<128xf32, #tpu.memory_space<hbm>>)
        tpu.yield
      }) : () -> ()
      %dma_wait3A_482 = arith.constant 0 : i32
      %dma_wait3A_483 = tpu.memref_slice %arg15[%scan3A_6, %dma_wait3A_482] : memref<5x128xi32, #tpu.memory_space<vmem>> -> memref<1x128xi32, #tpu.memory_space<vmem>>
      %dma_wait3A_484 = tpu.memref_squeeze %dma_wait3A_483 : memref<1x128xi32, #tpu.memory_space<vmem>> -> memref<128xi32, #tpu.memory_space<vmem>>
      %dma_wait3A_485 = arith.constant 0 : i32
      %dma_wait3A_486 = arith.constant 0 : i32
      %dma_wait3A_487 = tpu.memref_slice %arg2[%dma_wait3A_485, %dma_wait3A_486] : memref<8192x128xf32, #tpu.memory_space<hbm>> -> memref<8192x128xf32, #tpu.memory_space<hbm>>
      tpu.wait_indirect_dma semaphore(%arg26 : memref<!tpu.dma_semaphore, #tpu.memory_space<semaphore_mem>>) src(%dma_wait3A_487 : memref<8192x128xf32, #tpu.memory_space<hbm>>) dst(%arg17 : memref<128x128xf32, #tpu.memory_space<vmem>>)
      %dma_wait3A_488 = arith.constant 0 : i32
      %dma_wait3A_489 = tpu.memref_slice %arg16[%scan3A_6, %dma_wait3A_488] : memref<5x128xi32, #tpu.memory_space<vmem>> -> memref<1x128xi32, #tpu.memory_space<vmem>>
      %dma_wait3A_490 = tpu.memref_squeeze %dma_wait3A_489 : memref<1x128xi32, #tpu.memory_space<vmem>> -> memref<128xi32, #tpu.memory_space<vmem>>
      %dma_wait3A_491 = arith.constant 0 : i32
      %dma_wait3A_492 = arith.constant 0 : i32
      %dma_wait3A_493 = tpu.memref_slice %arg3[%dma_wait3A_491, %dma_wait3A_492] : memref<8192x128xf32, #tpu.memory_space<hbm>> -> memref<8192x128xf32, #tpu.memory_space<hbm>>
      tpu.wait_indirect_dma semaphore(%arg27 : memref<!tpu.dma_semaphore, #tpu.memory_space<semaphore_mem>>) src(%dma_wait3A_493 : memref<8192x128xf32, #tpu.memory_space<hbm>>) dst(%arg18 : memref<128x128xf32, #tpu.memory_space<vmem>>)
      "tpu.region"() ({
        %run_scoped3A_494 = tpu.sem_alloc : memref<!tpu.dma_semaphore, #tpu.memory_space<semaphore_mem>>
        %dma_start3A_495 = arith.constant 0 : i32
        %dma_start3A_496 = tpu.memref_slice %arg9[%add3A_478, %dma_start3A_495] : memref<20480x128xf32, #tpu.memory_space<hbm>> -> memref<128x128xf32, #tpu.memory_space<hbm>>
        %dma_start3A_497 = arith.constant 0 : i32
        %dma_start3A_498 = tpu.memref_slice %arg9[%add3A_478, %dma_start3A_497] : memref<20480x128xf32, #tpu.memory_space<hbm>> -> memref<128x128xf32, #tpu.memory_space<hbm>>
        tpu.enqueue_dma source(%arg17 : memref<128x128xf32, #tpu.memory_space<vmem>>) target(%dma_start3A_498 : memref<128x128xf32, #tpu.memory_space<hbm>>) target_semaphore(%run_scoped3A_494 : memref<!tpu.dma_semaphore, #tpu.memory_space<semaphore_mem>>)
        %dma_wait3A_499 = arith.constant 0 : i32
        %dma_wait3A_500 = tpu.memref_slice %arg9[%add3A_478, %dma_wait3A_499] : memref<20480x128xf32, #tpu.memory_space<hbm>> -> memref<128x128xf32, #tpu.memory_space<hbm>>
        %dma_wait3A_501 = arith.constant 0 : i32
        %dma_wait3A_502 = tpu.memref_slice %arg9[%add3A_478, %dma_wait3A_501] : memref<20480x128xf32, #tpu.memory_space<hbm>> -> memref<128x128xf32, #tpu.memory_space<hbm>>
        tpu.wait_dma2 semaphore(%run_scoped3A_494 : memref<!tpu.dma_semaphore, #tpu.memory_space<semaphore_mem>>) src(%arg17 : memref<128x128xf32, #tpu.memory_space<vmem>>) dst(%dma_wait3A_502 : memref<128x128xf32, #tpu.memory_space<hbm>>)
        tpu.yield
      }) : () -> ()
      "tpu.region"() ({
        %run_scoped3A_494 = tpu.sem_alloc : memref<!tpu.dma_semaphore, #tpu.memory_space<semaphore_mem>>
        %dma_start3A_495 = arith.constant 0 : i32
        %dma_start3A_496 = tpu.memref_slice %arg10[%add3A_478, %dma_start3A_495] : memref<20480x128xf32, #tpu.memory_space<hbm>> -> memref<128x128xf32, #tpu.memory_space<hbm>>
        %dma_start3A_497 = arith.constant 0 : i32
        %dma_start3A_498 = tpu.memref_slice %arg10[%add3A_478, %dma_start3A_497] : memref<20480x128xf32, #tpu.memory_space<hbm>> -> memref<128x128xf32, #tpu.memory_space<hbm>>
        tpu.enqueue_dma source(%arg18 : memref<128x128xf32, #tpu.memory_space<vmem>>) target(%dma_start3A_498 : memref<128x128xf32, #tpu.memory_space<hbm>>) target_semaphore(%run_scoped3A_494 : memref<!tpu.dma_semaphore, #tpu.memory_space<semaphore_mem>>)
        %dma_wait3A_499 = arith.constant 0 : i32
        %dma_wait3A_500 = tpu.memref_slice %arg10[%add3A_478, %dma_wait3A_499] : memref<20480x128xf32, #tpu.memory_space<hbm>> -> memref<128x128xf32, #tpu.memory_space<hbm>>
        %dma_wait3A_501 = arith.constant 0 : i32
        %dma_wait3A_502 = tpu.memref_slice %arg10[%add3A_478, %dma_wait3A_501] : memref<20480x128xf32, #tpu.memory_space<hbm>> -> memref<128x128xf32, #tpu.memory_space<hbm>>
        tpu.wait_dma2 semaphore(%run_scoped3A_494 : memref<!tpu.dma_semaphore, #tpu.memory_space<semaphore_mem>>) src(%arg18 : memref<128x128xf32, #tpu.memory_space<vmem>>) dst(%dma_wait3A_502 : memref<128x128xf32, #tpu.memory_space<hbm>>)
        tpu.yield
      }) : () -> ()
    }
    %scan3A_5 = arith.constant 5 : i32
    return
  }
}

#map = affine_map<(d0, d1) -> (0, 0)>
#map1 = affine_map<(d0, d1) -> (0)>
#map2 = affine_map<(d0, d1) -> (0, 0, 0)>
module attributes {stable_mosaic.version = 14 : i64} {
  func.func @_sc_gather_body(%arg0: i32, %arg1: i32, %arg2: memref<8192x128xf32, #tpu.memory_space<hbm>>, %arg3: memref<8192x128xf32, #tpu.memory_space<hbm>>, %arg4: memref<8192xf32, #tpu.memory_space<hbm>>, %arg5: memref<8192xf32, #tpu.memory_space<hbm>>, %arg6: memref<8192xf32, #tpu.memory_space<hbm>>, %arg7: memref<32x5x128xi32, #tpu.memory_space<hbm>>, %arg8: memref<32x5x128xi32, #tpu.memory_space<hbm>>, %arg9: memref<20480x128xf32, #tpu.memory_space<hbm>>, %arg10: memref<20480x128xf32, #tpu.memory_space<hbm>>, %arg11: memref<20480xf32, #tpu.memory_space<hbm>>, %arg12: memref<20480xf32, #tpu.memory_space<hbm>>, %arg13: memref<20480xf32, #tpu.memory_space<hbm>>, %arg14: memref<20480xf32, #tpu.memory_space<hbm>>, %arg15: memref<5x128xi32, #tpu.memory_space<vmem>>, %arg16: memref<5x128xi32, #tpu.memory_space<vmem>>, %arg17: memref<128x128xf32, #tpu.memory_space<vmem>>, %arg18: memref<128x128xf32, #tpu.memory_space<vmem>>, %arg19: memref<128xf32, #tpu.memory_space<vmem>>, %arg20: memref<128xf32, #tpu.memory_space<vmem>>, %arg21: memref<128xf32, #tpu.memory_space<vmem>>, %arg22: memref<128xf32, #tpu.memory_space<vmem>>, %arg23: memref<128xf32, #tpu.memory_space<vmem>>, %arg24: memref<128xf32, #tpu.memory_space<vmem>>, %arg25: memref<4x128xf32, #tpu.memory_space<vmem>>, %arg26: memref<!tpu.dma_semaphore, #tpu.memory_space<semaphore_mem>>, %arg27: memref<!tpu.dma_semaphore, #tpu.memory_space<semaphore_mem>>, %arg28: memref<!tpu.dma_semaphore, #tpu.memory_space<semaphore_mem>>, %arg29: memref<!tpu.dma_semaphore, #tpu.memory_space<semaphore_mem>>) attributes {dimension_semantics = [#tpu.dimension_semantics<core_parallel>, #tpu.dimension_semantics<subcore_parallel>], iteration_bounds = array<i64: 2, 16>, scalar_prefetch = 0 : i64, scratch_operands = 15 : i64, tpu.core_type = #tpu.core_type<sc_vector_subcore>, window_params = [{transform_indices = #map}, {transform_indices = #map}, {transform_indices = #map1}, {transform_indices = #map1}, {transform_indices = #map1}, {transform_indices = #map2}, {transform_indices = #map2}, {transform_indices = #map}, {transform_indices = #map}, {transform_indices = #map1}, {transform_indices = #map1}, {transform_indices = #map1}, {transform_indices = #map1}]} {
    %mul3A = arith.constant 2 : i32
    %mul3A_0 = arith.muli %arg1, %mul3A : i32
    %add3A = arith.addi %mul3A_0, %arg0 : i32
    "tpu.region"() ({
      %run_scoped3A = tpu.sem_alloc : memref<!tpu.dma_semaphore, #tpu.memory_space<semaphore_mem>>
      %dma_start3A = arith.constant 0 : i32
      %dma_start3A_6 = arith.constant 0 : i32
      %dma_start3A_7 = tpu.memref_slice %arg7[%add3A, %dma_start3A, %dma_start3A_6] : memref<32x5x128xi32, #tpu.memory_space<hbm>> -> memref<1x5x128xi32, #tpu.memory_space<hbm>>
      %dma_start3A_8 = tpu.memref_squeeze %dma_start3A_7 : memref<1x5x128xi32, #tpu.memory_space<hbm>> -> memref<5x128xi32, #tpu.memory_space<hbm>>
      %dma_start3A_9 = arith.constant 0 : i32
      %dma_start3A_10 = arith.constant 0 : i32
      %dma_start3A_11 = tpu.memref_slice %arg7[%add3A, %dma_start3A_9, %dma_start3A_10] : memref<32x5x128xi32, #tpu.memory_space<hbm>> -> memref<1x5x128xi32, #tpu.memory_space<hbm>>
      %dma_start3A_12 = tpu.memref_squeeze %dma_start3A_11 : memref<1x5x128xi32, #tpu.memory_space<hbm>> -> memref<5x128xi32, #tpu.memory_space<hbm>>
      tpu.enqueue_dma source(%dma_start3A_12 : memref<5x128xi32, #tpu.memory_space<hbm>>) target(%arg15 : memref<5x128xi32, #tpu.memory_space<vmem>>) target_semaphore(%run_scoped3A : memref<!tpu.dma_semaphore, #tpu.memory_space<semaphore_mem>>)
      %dma_wait3A = arith.constant 0 : i32
      %dma_wait3A_13 = arith.constant 0 : i32
      %dma_wait3A_14 = tpu.memref_slice %arg7[%add3A, %dma_wait3A, %dma_wait3A_13] : memref<32x5x128xi32, #tpu.memory_space<hbm>> -> memref<1x5x128xi32, #tpu.memory_space<hbm>>
      %dma_wait3A_15 = tpu.memref_squeeze %dma_wait3A_14 : memref<1x5x128xi32, #tpu.memory_space<hbm>> -> memref<5x128xi32, #tpu.memory_space<hbm>>
      %dma_wait3A_16 = arith.constant 0 : i32
      %dma_wait3A_17 = arith.constant 0 : i32
      %dma_wait3A_18 = tpu.memref_slice %arg7[%add3A, %dma_wait3A_16, %dma_wait3A_17] : memref<32x5x128xi32, #tpu.memory_space<hbm>> -> memref<1x5x128xi32, #tpu.memory_space<hbm>>
      %dma_wait3A_19 = tpu.memref_squeeze %dma_wait3A_18 : memref<1x5x128xi32, #tpu.memory_space<hbm>> -> memref<5x128xi32, #tpu.memory_space<hbm>>
      tpu.wait_dma2 semaphore(%run_scoped3A : memref<!tpu.dma_semaphore, #tpu.memory_space<semaphore_mem>>) src(%dma_wait3A_19 : memref<5x128xi32, #tpu.memory_space<hbm>>) dst(%arg15 : memref<5x128xi32, #tpu.memory_space<vmem>>)
      tpu.yield
    }) : () -> ()
    "tpu.region"() ({
      %run_scoped3A = tpu.sem_alloc : memref<!tpu.dma_semaphore, #tpu.memory_space<semaphore_mem>>
      %dma_start3A = arith.constant 0 : i32
      %dma_start3A_6 = arith.constant 0 : i32
      %dma_start3A_7 = tpu.memref_slice %arg8[%add3A, %dma_start3A, %dma_start3A_6] : memref<32x5x128xi32, #tpu.memory_space<hbm>> -> memref<1x5x128xi32, #tpu.memory_space<hbm>>
      %dma_start3A_8 = tpu.memref_squeeze %dma_start3A_7 : memref<1x5x128xi32, #tpu.memory_space<hbm>> -> memref<5x128xi32, #tpu.memory_space<hbm>>
      %dma_start3A_9 = arith.constant 0 : i32
      %dma_start3A_10 = arith.constant 0 : i32
      %dma_start3A_11 = tpu.memref_slice %arg8[%add3A, %dma_start3A_9, %dma_start3A_10] : memref<32x5x128xi32, #tpu.memory_space<hbm>> -> memref<1x5x128xi32, #tpu.memory_space<hbm>>
      %dma_start3A_12 = tpu.memref_squeeze %dma_start3A_11 : memref<1x5x128xi32, #tpu.memory_space<hbm>> -> memref<5x128xi32, #tpu.memory_space<hbm>>
      tpu.enqueue_dma source(%dma_start3A_12 : memref<5x128xi32, #tpu.memory_space<hbm>>) target(%arg16 : memref<5x128xi32, #tpu.memory_space<vmem>>) target_semaphore(%run_scoped3A : memref<!tpu.dma_semaphore, #tpu.memory_space<semaphore_mem>>)
      %dma_wait3A = arith.constant 0 : i32
      %dma_wait3A_13 = arith.constant 0 : i32
      %dma_wait3A_14 = tpu.memref_slice %arg8[%add3A, %dma_wait3A, %dma_wait3A_13] : memref<32x5x128xi32, #tpu.memory_space<hbm>> -> memref<1x5x128xi32, #tpu.memory_space<hbm>>
      %dma_wait3A_15 = tpu.memref_squeeze %dma_wait3A_14 : memref<1x5x128xi32, #tpu.memory_space<hbm>> -> memref<5x128xi32, #tpu.memory_space<hbm>>
      %dma_wait3A_16 = arith.constant 0 : i32
      %dma_wait3A_17 = arith.constant 0 : i32
      %dma_wait3A_18 = tpu.memref_slice %arg8[%add3A, %dma_wait3A_16, %dma_wait3A_17] : memref<32x5x128xi32, #tpu.memory_space<hbm>> -> memref<1x5x128xi32, #tpu.memory_space<hbm>>
      %dma_wait3A_19 = tpu.memref_squeeze %dma_wait3A_18 : memref<1x5x128xi32, #tpu.memory_space<hbm>> -> memref<5x128xi32, #tpu.memory_space<hbm>>
      tpu.wait_dma2 semaphore(%run_scoped3A : memref<!tpu.dma_semaphore, #tpu.memory_space<semaphore_mem>>) src(%dma_wait3A_19 : memref<5x128xi32, #tpu.memory_space<hbm>>) dst(%arg16 : memref<5x128xi32, #tpu.memory_space<vmem>>)
      tpu.yield
    }) : () -> ()
    %scan3A = arith.constant 0 : i32
    %scan3A_1 = arith.constant 0 : i32
    %scan3A_2 = arith.constant 5 : i32
    %scan3A_3 = arith.addi %scan3A_1, %scan3A_2 : i32
    %scan3A_4 = arith.constant 1 : i32
    scf.for %scan3A_6 = %scan3A_1 to %scan3A_3 step %scan3A_4  : i32 {
      %dma_start3A = arith.constant 0 : i32
      %dma_start3A_7 = tpu.memref_slice %arg15[%scan3A_6, %dma_start3A] : memref<5x128xi32, #tpu.memory_space<vmem>> -> memref<1x128xi32, #tpu.memory_space<vmem>>
      %dma_start3A_8 = tpu.memref_squeeze %dma_start3A_7 : memref<1x128xi32, #tpu.memory_space<vmem>> -> memref<128xi32, #tpu.memory_space<vmem>>
      %dma_start3A_9 = arith.constant 0 : i32
      %dma_start3A_10 = arith.constant 0 : i32
      %dma_start3A_11 = tpu.memref_slice %arg2[%dma_start3A_9, %dma_start3A_10] : memref<8192x128xf32, #tpu.memory_space<hbm>> -> memref<8192x128xf32, #tpu.memory_space<hbm>>
      tpu.enqueue_indirect_dma source(%dma_start3A_11 : memref<8192x128xf32, #tpu.memory_space<hbm>>) target(%arg17 : memref<128x128xf32, #tpu.memory_space<vmem>>) offsets(%dma_start3A_8 : memref<128xi32, #tpu.memory_space<vmem>>) semaphore(%arg26 : memref<!tpu.dma_semaphore, #tpu.memory_space<semaphore_mem>>)
      %dma_start3A_12 = arith.constant 0 : i32
      %dma_start3A_13 = tpu.memref_slice %arg16[%scan3A_6, %dma_start3A_12] : memref<5x128xi32, #tpu.memory_space<vmem>> -> memref<1x128xi32, #tpu.memory_space<vmem>>
      %dma_start3A_14 = tpu.memref_squeeze %dma_start3A_13 : memref<1x128xi32, #tpu.memory_space<vmem>> -> memref<128xi32, #tpu.memory_space<vmem>>
      %dma_start3A_15 = arith.constant 0 : i32
      %dma_start3A_16 = arith.constant 0 : i32
      %dma_start3A_17 = tpu.memref_slice %arg3[%dma_start3A_15, %dma_start3A_16] : memref<8192x128xf32, #tpu.memory_space<hbm>> -> memref<8192x128xf32, #tpu.memory_space<hbm>>
      tpu.enqueue_indirect_dma source(%dma_start3A_17 : memref<8192x128xf32, #tpu.memory_space<hbm>>) target(%arg18 : memref<128x128xf32, #tpu.memory_space<vmem>>) offsets(%dma_start3A_14 : memref<128xi32, #tpu.memory_space<vmem>>) semaphore(%arg27 : memref<!tpu.dma_semaphore, #tpu.memory_space<semaphore_mem>>)
      %dma_start3A_18 = arith.constant 0 : i32
      %dma_start3A_19 = tpu.memref_slice %arg15[%scan3A_6, %dma_start3A_18] : memref<5x128xi32, #tpu.memory_space<vmem>> -> memref<1x128xi32, #tpu.memory_space<vmem>>
      %dma_start3A_20 = tpu.memref_squeeze %dma_start3A_19 : memref<1x128xi32, #tpu.memory_space<vmem>> -> memref<128xi32, #tpu.memory_space<vmem>>
      %dma_start3A_21 = arith.constant 0 : i32
      %dma_start3A_22 = tpu.memref_slice %arg4[%dma_start3A_21] : memref<8192xf32, #tpu.memory_space<hbm>> -> memref<8192xf32, #tpu.memory_space<hbm>>
      tpu.enqueue_indirect_dma source(%dma_start3A_22 : memref<8192xf32, #tpu.memory_space<hbm>>) target(%arg19 : memref<128xf32, #tpu.memory_space<vmem>>) offsets(%dma_start3A_20 : memref<128xi32, #tpu.memory_space<vmem>>) semaphore(%arg28 : memref<!tpu.dma_semaphore, #tpu.memory_space<semaphore_mem>>)
      %dma_start3A_23 = arith.constant 0 : i32
      %dma_start3A_24 = tpu.memref_slice %arg15[%scan3A_6, %dma_start3A_23] : memref<5x128xi32, #tpu.memory_space<vmem>> -> memref<1x128xi32, #tpu.memory_space<vmem>>
      %dma_start3A_25 = tpu.memref_squeeze %dma_start3A_24 : memref<1x128xi32, #tpu.memory_space<vmem>> -> memref<128xi32, #tpu.memory_space<vmem>>
      %dma_start3A_26 = arith.constant 0 : i32
      %dma_start3A_27 = tpu.memref_slice %arg5[%dma_start3A_26] : memref<8192xf32, #tpu.memory_space<hbm>> -> memref<8192xf32, #tpu.memory_space<hbm>>
      tpu.enqueue_indirect_dma source(%dma_start3A_27 : memref<8192xf32, #tpu.memory_space<hbm>>) target(%arg20 : memref<128xf32, #tpu.memory_space<vmem>>) offsets(%dma_start3A_25 : memref<128xi32, #tpu.memory_space<vmem>>) semaphore(%arg28 : memref<!tpu.dma_semaphore, #tpu.memory_space<semaphore_mem>>)
      %dma_start3A_28 = arith.constant 0 : i32
      %dma_start3A_29 = tpu.memref_slice %arg15[%scan3A_6, %dma_start3A_28] : memref<5x128xi32, #tpu.memory_space<vmem>> -> memref<1x128xi32, #tpu.memory_space<vmem>>
      %dma_start3A_30 = tpu.memref_squeeze %dma_start3A_29 : memref<1x128xi32, #tpu.memory_space<vmem>> -> memref<128xi32, #tpu.memory_space<vmem>>
      %dma_start3A_31 = arith.constant 0 : i32
      %dma_start3A_32 = tpu.memref_slice %arg6[%dma_start3A_31] : memref<8192xf32, #tpu.memory_space<hbm>> -> memref<8192xf32, #tpu.memory_space<hbm>>
      tpu.enqueue_indirect_dma source(%dma_start3A_32 : memref<8192xf32, #tpu.memory_space<hbm>>) target(%arg21 : memref<128xf32, #tpu.memory_space<vmem>>) offsets(%dma_start3A_30 : memref<128xi32, #tpu.memory_space<vmem>>) semaphore(%arg28 : memref<!tpu.dma_semaphore, #tpu.memory_space<semaphore_mem>>)
      %dma_start3A_33 = arith.constant 0 : i32
      %dma_start3A_34 = tpu.memref_slice %arg16[%scan3A_6, %dma_start3A_33] : memref<5x128xi32, #tpu.memory_space<vmem>> -> memref<1x128xi32, #tpu.memory_space<vmem>>
      %dma_start3A_35 = tpu.memref_squeeze %dma_start3A_34 : memref<1x128xi32, #tpu.memory_space<vmem>> -> memref<128xi32, #tpu.memory_space<vmem>>
      %dma_start3A_36 = arith.constant 0 : i32
      %dma_start3A_37 = tpu.memref_slice %arg4[%dma_start3A_36] : memref<8192xf32, #tpu.memory_space<hbm>> -> memref<8192xf32, #tpu.memory_space<hbm>>
      tpu.enqueue_indirect_dma source(%dma_start3A_37 : memref<8192xf32, #tpu.memory_space<hbm>>) target(%arg22 : memref<128xf32, #tpu.memory_space<vmem>>) offsets(%dma_start3A_35 : memref<128xi32, #tpu.memory_space<vmem>>) semaphore(%arg29 : memref<!tpu.dma_semaphore, #tpu.memory_space<semaphore_mem>>)
      %dma_start3A_38 = arith.constant 0 : i32
      %dma_start3A_39 = tpu.memref_slice %arg16[%scan3A_6, %dma_start3A_38] : memref<5x128xi32, #tpu.memory_space<vmem>> -> memref<1x128xi32, #tpu.memory_space<vmem>>
      %dma_start3A_40 = tpu.memref_squeeze %dma_start3A_39 : memref<1x128xi32, #tpu.memory_space<vmem>> -> memref<128xi32, #tpu.memory_space<vmem>>
      %dma_start3A_41 = arith.constant 0 : i32
      %dma_start3A_42 = tpu.memref_slice %arg5[%dma_start3A_41] : memref<8192xf32, #tpu.memory_space<hbm>> -> memref<8192xf32, #tpu.memory_space<hbm>>
      tpu.enqueue_indirect_dma source(%dma_start3A_42 : memref<8192xf32, #tpu.memory_space<hbm>>) target(%arg23 : memref<128xf32, #tpu.memory_space<vmem>>) offsets(%dma_start3A_40 : memref<128xi32, #tpu.memory_space<vmem>>) semaphore(%arg29 : memref<!tpu.dma_semaphore, #tpu.memory_space<semaphore_mem>>)
      %dma_start3A_43 = arith.constant 0 : i32
      %dma_start3A_44 = tpu.memref_slice %arg16[%scan3A_6, %dma_start3A_43] : memref<5x128xi32, #tpu.memory_space<vmem>> -> memref<1x128xi32, #tpu.memory_space<vmem>>
      %dma_start3A_45 = tpu.memref_squeeze %dma_start3A_44 : memref<1x128xi32, #tpu.memory_space<vmem>> -> memref<128xi32, #tpu.memory_space<vmem>>
      %dma_start3A_46 = arith.constant 0 : i32
      %dma_start3A_47 = tpu.memref_slice %arg6[%dma_start3A_46] : memref<8192xf32, #tpu.memory_space<hbm>> -> memref<8192xf32, #tpu.memory_space<hbm>>
      tpu.enqueue_indirect_dma source(%dma_start3A_47 : memref<8192xf32, #tpu.memory_space<hbm>>) target(%arg24 : memref<128xf32, #tpu.memory_space<vmem>>) offsets(%dma_start3A_45 : memref<128xi32, #tpu.memory_space<vmem>>) semaphore(%arg29 : memref<!tpu.dma_semaphore, #tpu.memory_space<semaphore_mem>>)
      %dma_wait3A = arith.constant 0 : i32
      %dma_wait3A_48 = tpu.memref_slice %arg15[%scan3A_6, %dma_wait3A] : memref<5x128xi32, #tpu.memory_space<vmem>> -> memref<1x128xi32, #tpu.memory_space<vmem>>
      %dma_wait3A_49 = tpu.memref_squeeze %dma_wait3A_48 : memref<1x128xi32, #tpu.memory_space<vmem>> -> memref<128xi32, #tpu.memory_space<vmem>>
      %dma_wait3A_50 = arith.constant 0 : i32
      %dma_wait3A_51 = tpu.memref_slice %arg4[%dma_wait3A_50] : memref<8192xf32, #tpu.memory_space<hbm>> -> memref<8192xf32, #tpu.memory_space<hbm>>
      tpu.wait_indirect_dma semaphore(%arg28 : memref<!tpu.dma_semaphore, #tpu.memory_space<semaphore_mem>>) src(%dma_wait3A_51 : memref<8192xf32, #tpu.memory_space<hbm>>) dst(%arg19 : memref<128xf32, #tpu.memory_space<vmem>>)
      %dma_wait3A_52 = arith.constant 0 : i32
      %dma_wait3A_53 = tpu.memref_slice %arg15[%scan3A_6, %dma_wait3A_52] : memref<5x128xi32, #tpu.memory_space<vmem>> -> memref<1x128xi32, #tpu.memory_space<vmem>>
      %dma_wait3A_54 = tpu.memref_squeeze %dma_wait3A_53 : memref<1x128xi32, #tpu.memory_space<vmem>> -> memref<128xi32, #tpu.memory_space<vmem>>
      %dma_wait3A_55 = arith.constant 0 : i32
      %dma_wait3A_56 = tpu.memref_slice %arg5[%dma_wait3A_55] : memref<8192xf32, #tpu.memory_space<hbm>> -> memref<8192xf32, #tpu.memory_space<hbm>>
      tpu.wait_indirect_dma semaphore(%arg28 : memref<!tpu.dma_semaphore, #tpu.memory_space<semaphore_mem>>) src(%dma_wait3A_56 : memref<8192xf32, #tpu.memory_space<hbm>>) dst(%arg20 : memref<128xf32, #tpu.memory_space<vmem>>)
      %dma_wait3A_57 = arith.constant 0 : i32
      %dma_wait3A_58 = tpu.memref_slice %arg15[%scan3A_6, %dma_wait3A_57] : memref<5x128xi32, #tpu.memory_space<vmem>> -> memref<1x128xi32, #tpu.memory_space<vmem>>
      %dma_wait3A_59 = tpu.memref_squeeze %dma_wait3A_58 : memref<1x128xi32, #tpu.memory_space<vmem>> -> memref<128xi32, #tpu.memory_space<vmem>>
      %dma_wait3A_60 = arith.constant 0 : i32
      %dma_wait3A_61 = tpu.memref_slice %arg6[%dma_wait3A_60] : memref<8192xf32, #tpu.memory_space<hbm>> -> memref<8192xf32, #tpu.memory_space<hbm>>
      tpu.wait_indirect_dma semaphore(%arg28 : memref<!tpu.dma_semaphore, #tpu.memory_space<semaphore_mem>>) src(%dma_wait3A_61 : memref<8192xf32, #tpu.memory_space<hbm>>) dst(%arg21 : memref<128xf32, #tpu.memory_space<vmem>>)
      %dma_wait3A_62 = arith.constant 0 : i32
      %dma_wait3A_63 = tpu.memref_slice %arg16[%scan3A_6, %dma_wait3A_62] : memref<5x128xi32, #tpu.memory_space<vmem>> -> memref<1x128xi32, #tpu.memory_space<vmem>>
      %dma_wait3A_64 = tpu.memref_squeeze %dma_wait3A_63 : memref<1x128xi32, #tpu.memory_space<vmem>> -> memref<128xi32, #tpu.memory_space<vmem>>
      %dma_wait3A_65 = arith.constant 0 : i32
      %dma_wait3A_66 = tpu.memref_slice %arg4[%dma_wait3A_65] : memref<8192xf32, #tpu.memory_space<hbm>> -> memref<8192xf32, #tpu.memory_space<hbm>>
      tpu.wait_indirect_dma semaphore(%arg29 : memref<!tpu.dma_semaphore, #tpu.memory_space<semaphore_mem>>) src(%dma_wait3A_66 : memref<8192xf32, #tpu.memory_space<hbm>>) dst(%arg22 : memref<128xf32, #tpu.memory_space<vmem>>)
      %dma_wait3A_67 = arith.constant 0 : i32
      %dma_wait3A_68 = tpu.memref_slice %arg16[%scan3A_6, %dma_wait3A_67] : memref<5x128xi32, #tpu.memory_space<vmem>> -> memref<1x128xi32, #tpu.memory_space<vmem>>
      %dma_wait3A_69 = tpu.memref_squeeze %dma_wait3A_68 : memref<1x128xi32, #tpu.memory_space<vmem>> -> memref<128xi32, #tpu.memory_space<vmem>>
      %dma_wait3A_70 = arith.constant 0 : i32
      %dma_wait3A_71 = tpu.memref_slice %arg5[%dma_wait3A_70] : memref<8192xf32, #tpu.memory_space<hbm>> -> memref<8192xf32, #tpu.memory_space<hbm>>
      tpu.wait_indirect_dma semaphore(%arg29 : memref<!tpu.dma_semaphore, #tpu.memory_space<semaphore_mem>>) src(%dma_wait3A_71 : memref<8192xf32, #tpu.memory_space<hbm>>) dst(%arg23 : memref<128xf32, #tpu.memory_space<vmem>>)
      %dma_wait3A_72 = arith.constant 0 : i32
      %dma_wait3A_73 = tpu.memref_slice %arg16[%scan3A_6, %dma_wait3A_72] : memref<5x128xi32, #tpu.memory_space<vmem>> -> memref<1x128xi32, #tpu.memory_space<vmem>>
      %dma_wait3A_74 = tpu.memref_squeeze %dma_wait3A_73 : memref<1x128xi32, #tpu.memory_space<vmem>> -> memref<128xi32, #tpu.memory_space<vmem>>
      %dma_wait3A_75 = arith.constant 0 : i32
      %dma_wait3A_76 = tpu.memref_slice %arg6[%dma_wait3A_75] : memref<8192xf32, #tpu.memory_space<hbm>> -> memref<8192xf32, #tpu.memory_space<hbm>>
      tpu.wait_indirect_dma semaphore(%arg29 : memref<!tpu.dma_semaphore, #tpu.memory_space<semaphore_mem>>) src(%dma_wait3A_76 : memref<8192xf32, #tpu.memory_space<hbm>>) dst(%arg24 : memref<128xf32, #tpu.memory_space<vmem>>)
      %get3A = arith.constant 0 : index
      %get3A_77 = tpu.vector_load %arg19[%get3A] {strides = array<i32>} : memref<128xf32, #tpu.memory_space<vmem>>, vector<16xf32>,
      %get3A_78 = vector.shape_cast %get3A_77 : vector<16xf32> to vector<16xf32>
      %get3A_79 = arith.constant 0 : index
      %get3A_80 = tpu.vector_load %arg22[%get3A_79] {strides = array<i32>} : memref<128xf32, #tpu.memory_space<vmem>>, vector<16xf32>,
      %get3A_81 = vector.shape_cast %get3A_80 : vector<16xf32> to vector<16xf32>
      %sub3A = arith.subf %get3A_78, %get3A_81 : vector<16xf32>
      %get3A_82 = arith.constant 0 : index
      %get3A_83 = tpu.vector_load %arg20[%get3A_82] {strides = array<i32>} : memref<128xf32, #tpu.memory_space<vmem>>, vector<16xf32>,
      %get3A_84 = vector.shape_cast %get3A_83 : vector<16xf32> to vector<16xf32>
      %get3A_85 = arith.constant 0 : index
      %get3A_86 = tpu.vector_load %arg23[%get3A_85] {strides = array<i32>} : memref<128xf32, #tpu.memory_space<vmem>>, vector<16xf32>,
      %get3A_87 = vector.shape_cast %get3A_86 : vector<16xf32> to vector<16xf32>
      %sub3A_88 = arith.subf %get3A_84, %get3A_87 : vector<16xf32>
      %get3A_89 = arith.constant 0 : index
      %get3A_90 = tpu.vector_load %arg21[%get3A_89] {strides = array<i32>} : memref<128xf32, #tpu.memory_space<vmem>>, vector<16xf32>,
      %get3A_91 = vector.shape_cast %get3A_90 : vector<16xf32> to vector<16xf32>
      %get3A_92 = arith.constant 0 : index
      %get3A_93 = tpu.vector_load %arg24[%get3A_92] {strides = array<i32>} : memref<128xf32, #tpu.memory_space<vmem>>, vector<16xf32>,
      %get3A_94 = vector.shape_cast %get3A_93 : vector<16xf32> to vector<16xf32>
      %sub3A_95 = arith.subf %get3A_91, %get3A_94 : vector<16xf32>
      %swap3A = arith.constant 0 : i32
      %swap3A_96 = arith.index_cast %swap3A : i32 to index
      %swap3A_97 = arith.constant 0 : index
      %swap3A_98 = tpu.vector_load %arg25[%swap3A_96, %swap3A_97] {strides = array<i32>} : memref<4x128xf32, #tpu.memory_space<vmem>>, vector<1x16xf32>,
      %swap3A_99 = vector.shape_cast %swap3A_98 : vector<1x16xf32> to vector<16xf32>
      %swap3A_100 = vector.shape_cast %sub3A : vector<16xf32> to vector<1x16xf32>
      tpu.vector_store %arg25[%swap3A_96, %swap3A_97], %swap3A_100 {strides = array<i32>} : memref<4x128xf32, #tpu.memory_space<vmem>>, vector<1x16xf32>,
      %swap3A_101 = arith.constant 1 : i32
      %swap3A_102 = arith.index_cast %swap3A_101 : i32 to index
      %swap3A_103 = arith.constant 0 : index
      %swap3A_104 = tpu.vector_load %arg25[%swap3A_102, %swap3A_103] {strides = array<i32>} : memref<4x128xf32, #tpu.memory_space<vmem>>, vector<1x16xf32>,
      %swap3A_105 = vector.shape_cast %swap3A_104 : vector<1x16xf32> to vector<16xf32>
      %swap3A_106 = vector.shape_cast %sub3A_88 : vector<16xf32> to vector<1x16xf32>
      tpu.vector_store %arg25[%swap3A_102, %swap3A_103], %swap3A_106 {strides = array<i32>} : memref<4x128xf32, #tpu.memory_space<vmem>>, vector<1x16xf32>,
      %swap3A_107 = arith.constant 2 : i32
      %swap3A_108 = arith.index_cast %swap3A_107 : i32 to index
      %swap3A_109 = arith.constant 0 : index
      %swap3A_110 = tpu.vector_load %arg25[%swap3A_108, %swap3A_109] {strides = array<i32>} : memref<4x128xf32, #tpu.memory_space<vmem>>, vector<1x16xf32>,
      %swap3A_111 = vector.shape_cast %swap3A_110 : vector<1x16xf32> to vector<16xf32>
      %swap3A_112 = vector.shape_cast %sub3A_95 : vector<16xf32> to vector<1x16xf32>
      tpu.vector_store %arg25[%swap3A_108, %swap3A_109], %swap3A_112 {strides = array<i32>} : memref<4x128xf32, #tpu.memory_space<vmem>>, vector<1x16xf32>,
      %mul3A_113 = arith.mulf %sub3A, %sub3A : vector<16xf32>
      %mul3A_114 = arith.mulf %sub3A_88, %sub3A_88 : vector<16xf32>
      %add3A_115 = arith.addf %mul3A_113, %mul3A_114 : vector<16xf32>
      %mul3A_116 = arith.mulf %sub3A_95, %sub3A_95 : vector<16xf32>
      %add3A_117 = arith.addf %add3A_115, %mul3A_116 : vector<16xf32>
      %swap3A_118 = arith.constant 3 : i32
      %swap3A_119 = arith.index_cast %swap3A_118 : i32 to index
      %swap3A_120 = arith.constant 0 : index
      %swap3A_121 = tpu.vector_load %arg25[%swap3A_119, %swap3A_120] {strides = array<i32>} : memref<4x128xf32, #tpu.memory_space<vmem>>, vector<1x16xf32>,
      %swap3A_122 = vector.shape_cast %swap3A_121 : vector<1x16xf32> to vector<16xf32>
      %swap3A_123 = vector.shape_cast %add3A_117 : vector<16xf32> to vector<1x16xf32>
      tpu.vector_store %arg25[%swap3A_119, %swap3A_120], %swap3A_123 {strides = array<i32>} : memref<4x128xf32, #tpu.memory_space<vmem>>, vector<1x16xf32>,
      %get3A_124 = arith.constant 16 : index
      %get3A_125 = tpu.vector_load %arg19[%get3A_124] {strides = array<i32>} : memref<128xf32, #tpu.memory_space<vmem>>, vector<16xf32>,
      %get3A_126 = vector.shape_cast %get3A_125 : vector<16xf32> to vector<16xf32>
      %get3A_127 = arith.constant 16 : index
      %get3A_128 = tpu.vector_load %arg22[%get3A_127] {strides = array<i32>} : memref<128xf32, #tpu.memory_space<vmem>>, vector<16xf32>,
      %get3A_129 = vector.shape_cast %get3A_128 : vector<16xf32> to vector<16xf32>
      %sub3A_130 = arith.subf %get3A_126, %get3A_129 : vector<16xf32>
      %get3A_131 = arith.constant 16 : index
      %get3A_132 = tpu.vector_load %arg20[%get3A_131] {strides = array<i32>} : memref<128xf32, #tpu.memory_space<vmem>>, vector<16xf32>,
      %get3A_133 = vector.shape_cast %get3A_132 : vector<16xf32> to vector<16xf32>
      %get3A_134 = arith.constant 16 : index
      %get3A_135 = tpu.vector_load %arg23[%get3A_134] {strides = array<i32>} : memref<128xf32, #tpu.memory_space<vmem>>, vector<16xf32>,
      %get3A_136 = vector.shape_cast %get3A_135 : vector<16xf32> to vector<16xf32>
      %sub3A_137 = arith.subf %get3A_133, %get3A_136 : vector<16xf32>
      %get3A_138 = arith.constant 16 : index
      %get3A_139 = tpu.vector_load %arg21[%get3A_138] {strides = array<i32>} : memref<128xf32, #tpu.memory_space<vmem>>, vector<16xf32>,
      %get3A_140 = vector.shape_cast %get3A_139 : vector<16xf32> to vector<16xf32>
      %get3A_141 = arith.constant 16 : index
      %get3A_142 = tpu.vector_load %arg24[%get3A_141] {strides = array<i32>} : memref<128xf32, #tpu.memory_space<vmem>>, vector<16xf32>,
      %get3A_143 = vector.shape_cast %get3A_142 : vector<16xf32> to vector<16xf32>
      %sub3A_144 = arith.subf %get3A_140, %get3A_143 : vector<16xf32>
      %swap3A_145 = arith.constant 0 : i32
      %swap3A_146 = arith.index_cast %swap3A_145 : i32 to index
      %swap3A_147 = arith.constant 16 : index
      %swap3A_148 = tpu.vector_load %arg25[%swap3A_146, %swap3A_147] {strides = array<i32>} : memref<4x128xf32, #tpu.memory_space<vmem>>, vector<1x16xf32>,
      %swap3A_149 = vector.shape_cast %swap3A_148 : vector<1x16xf32> to vector<16xf32>
      %swap3A_150 = vector.shape_cast %sub3A_130 : vector<16xf32> to vector<1x16xf32>
      tpu.vector_store %arg25[%swap3A_146, %swap3A_147], %swap3A_150 {strides = array<i32>} : memref<4x128xf32, #tpu.memory_space<vmem>>, vector<1x16xf32>,
      %swap3A_151 = arith.constant 1 : i32
      %swap3A_152 = arith.index_cast %swap3A_151 : i32 to index
      %swap3A_153 = arith.constant 16 : index
      %swap3A_154 = tpu.vector_load %arg25[%swap3A_152, %swap3A_153] {strides = array<i32>} : memref<4x128xf32, #tpu.memory_space<vmem>>, vector<1x16xf32>,
      %swap3A_155 = vector.shape_cast %swap3A_154 : vector<1x16xf32> to vector<16xf32>
      %swap3A_156 = vector.shape_cast %sub3A_137 : vector<16xf32> to vector<1x16xf32>
      tpu.vector_store %arg25[%swap3A_152, %swap3A_153], %swap3A_156 {strides = array<i32>} : memref<4x128xf32, #tpu.memory_space<vmem>>, vector<1x16xf32>,
      %swap3A_157 = arith.constant 2 : i32
      %swap3A_158 = arith.index_cast %swap3A_157 : i32 to index
      %swap3A_159 = arith.constant 16 : index
      %swap3A_160 = tpu.vector_load %arg25[%swap3A_158, %swap3A_159] {strides = array<i32>} : memref<4x128xf32, #tpu.memory_space<vmem>>, vector<1x16xf32>,
      %swap3A_161 = vector.shape_cast %swap3A_160 : vector<1x16xf32> to vector<16xf32>
      %swap3A_162 = vector.shape_cast %sub3A_144 : vector<16xf32> to vector<1x16xf32>
      tpu.vector_store %arg25[%swap3A_158, %swap3A_159], %swap3A_162 {strides = array<i32>} : memref<4x128xf32, #tpu.memory_space<vmem>>, vector<1x16xf32>,
      %mul3A_163 = arith.mulf %sub3A_130, %sub3A_130 : vector<16xf32>
      %mul3A_164 = arith.mulf %sub3A_137, %sub3A_137 : vector<16xf32>
      %add3A_165 = arith.addf %mul3A_163, %mul3A_164 : vector<16xf32>
      %mul3A_166 = arith.mulf %sub3A_144, %sub3A_144 : vector<16xf32>
      %add3A_167 = arith.addf %add3A_165, %mul3A_166 : vector<16xf32>
      %swap3A_168 = arith.constant 3 : i32
      %swap3A_169 = arith.index_cast %swap3A_168 : i32 to index
      %swap3A_170 = arith.constant 16 : index
      %swap3A_171 = tpu.vector_load %arg25[%swap3A_169, %swap3A_170] {strides = array<i32>} : memref<4x128xf32, #tpu.memory_space<vmem>>, vector<1x16xf32>,
      %swap3A_172 = vector.shape_cast %swap3A_171 : vector<1x16xf32> to vector<16xf32>
      %swap3A_173 = vector.shape_cast %add3A_167 : vector<16xf32> to vector<1x16xf32>
      tpu.vector_store %arg25[%swap3A_169, %swap3A_170], %swap3A_173 {strides = array<i32>} : memref<4x128xf32, #tpu.memory_space<vmem>>, vector<1x16xf32>,
      %get3A_174 = arith.constant 32 : index
      %get3A_175 = tpu.vector_load %arg19[%get3A_174] {strides = array<i32>} : memref<128xf32, #tpu.memory_space<vmem>>, vector<16xf32>,
      %get3A_176 = vector.shape_cast %get3A_175 : vector<16xf32> to vector<16xf32>
      %get3A_177 = arith.constant 32 : index
      %get3A_178 = tpu.vector_load %arg22[%get3A_177] {strides = array<i32>} : memref<128xf32, #tpu.memory_space<vmem>>, vector<16xf32>,
      %get3A_179 = vector.shape_cast %get3A_178 : vector<16xf32> to vector<16xf32>
      %sub3A_180 = arith.subf %get3A_176, %get3A_179 : vector<16xf32>
      %get3A_181 = arith.constant 32 : index
      %get3A_182 = tpu.vector_load %arg20[%get3A_181] {strides = array<i32>} : memref<128xf32, #tpu.memory_space<vmem>>, vector<16xf32>,
      %get3A_183 = vector.shape_cast %get3A_182 : vector<16xf32> to vector<16xf32>
      %get3A_184 = arith.constant 32 : index
      %get3A_185 = tpu.vector_load %arg23[%get3A_184] {strides = array<i32>} : memref<128xf32, #tpu.memory_space<vmem>>, vector<16xf32>,
      %get3A_186 = vector.shape_cast %get3A_185 : vector<16xf32> to vector<16xf32>
      %sub3A_187 = arith.subf %get3A_183, %get3A_186 : vector<16xf32>
      %get3A_188 = arith.constant 32 : index
      %get3A_189 = tpu.vector_load %arg21[%get3A_188] {strides = array<i32>} : memref<128xf32, #tpu.memory_space<vmem>>, vector<16xf32>,
      %get3A_190 = vector.shape_cast %get3A_189 : vector<16xf32> to vector<16xf32>
      %get3A_191 = arith.constant 32 : index
      %get3A_192 = tpu.vector_load %arg24[%get3A_191] {strides = array<i32>} : memref<128xf32, #tpu.memory_space<vmem>>, vector<16xf32>,
      %get3A_193 = vector.shape_cast %get3A_192 : vector<16xf32> to vector<16xf32>
      %sub3A_194 = arith.subf %get3A_190, %get3A_193 : vector<16xf32>
      %swap3A_195 = arith.constant 0 : i32
      %swap3A_196 = arith.index_cast %swap3A_195 : i32 to index
      %swap3A_197 = arith.constant 32 : index
      %swap3A_198 = tpu.vector_load %arg25[%swap3A_196, %swap3A_197] {strides = array<i32>} : memref<4x128xf32, #tpu.memory_space<vmem>>, vector<1x16xf32>,
      %swap3A_199 = vector.shape_cast %swap3A_198 : vector<1x16xf32> to vector<16xf32>
      %swap3A_200 = vector.shape_cast %sub3A_180 : vector<16xf32> to vector<1x16xf32>
      tpu.vector_store %arg25[%swap3A_196, %swap3A_197], %swap3A_200 {strides = array<i32>} : memref<4x128xf32, #tpu.memory_space<vmem>>, vector<1x16xf32>,
      %swap3A_201 = arith.constant 1 : i32
      %swap3A_202 = arith.index_cast %swap3A_201 : i32 to index
      %swap3A_203 = arith.constant 32 : index
      %swap3A_204 = tpu.vector_load %arg25[%swap3A_202, %swap3A_203] {strides = array<i32>} : memref<4x128xf32, #tpu.memory_space<vmem>>, vector<1x16xf32>,
      %swap3A_205 = vector.shape_cast %swap3A_204 : vector<1x16xf32> to vector<16xf32>
      %swap3A_206 = vector.shape_cast %sub3A_187 : vector<16xf32> to vector<1x16xf32>
      tpu.vector_store %arg25[%swap3A_202, %swap3A_203], %swap3A_206 {strides = array<i32>} : memref<4x128xf32, #tpu.memory_space<vmem>>, vector<1x16xf32>,
      %swap3A_207 = arith.constant 2 : i32
      %swap3A_208 = arith.index_cast %swap3A_207 : i32 to index
      %swap3A_209 = arith.constant 32 : index
      %swap3A_210 = tpu.vector_load %arg25[%swap3A_208, %swap3A_209] {strides = array<i32>} : memref<4x128xf32, #tpu.memory_space<vmem>>, vector<1x16xf32>,
      %swap3A_211 = vector.shape_cast %swap3A_210 : vector<1x16xf32> to vector<16xf32>
      %swap3A_212 = vector.shape_cast %sub3A_194 : vector<16xf32> to vector<1x16xf32>
      tpu.vector_store %arg25[%swap3A_208, %swap3A_209], %swap3A_212 {strides = array<i32>} : memref<4x128xf32, #tpu.memory_space<vmem>>, vector<1x16xf32>,
      %mul3A_213 = arith.mulf %sub3A_180, %sub3A_180 : vector<16xf32>
      %mul3A_214 = arith.mulf %sub3A_187, %sub3A_187 : vector<16xf32>
      %add3A_215 = arith.addf %mul3A_213, %mul3A_214 : vector<16xf32>
      %mul3A_216 = arith.mulf %sub3A_194, %sub3A_194 : vector<16xf32>
      %add3A_217 = arith.addf %add3A_215, %mul3A_216 : vector<16xf32>
      %swap3A_218 = arith.constant 3 : i32
      %swap3A_219 = arith.index_cast %swap3A_218 : i32 to index
      %swap3A_220 = arith.constant 32 : index
      %swap3A_221 = tpu.vector_load %arg25[%swap3A_219, %swap3A_220] {strides = array<i32>} : memref<4x128xf32, #tpu.memory_space<vmem>>, vector<1x16xf32>,
      %swap3A_222 = vector.shape_cast %swap3A_221 : vector<1x16xf32> to vector<16xf32>
      %swap3A_223 = vector.shape_cast %add3A_217 : vector<16xf32> to vector<1x16xf32>
      tpu.vector_store %arg25[%swap3A_219, %swap3A_220], %swap3A_223 {strides = array<i32>} : memref<4x128xf32, #tpu.memory_space<vmem>>, vector<1x16xf32>,
      %get3A_224 = arith.constant 48 : index
      %get3A_225 = tpu.vector_load %arg19[%get3A_224] {strides = array<i32>} : memref<128xf32, #tpu.memory_space<vmem>>, vector<16xf32>,
      %get3A_226 = vector.shape_cast %get3A_225 : vector<16xf32> to vector<16xf32>
      %get3A_227 = arith.constant 48 : index
      %get3A_228 = tpu.vector_load %arg22[%get3A_227] {strides = array<i32>} : memref<128xf32, #tpu.memory_space<vmem>>, vector<16xf32>,
      %get3A_229 = vector.shape_cast %get3A_228 : vector<16xf32> to vector<16xf32>
      %sub3A_230 = arith.subf %get3A_226, %get3A_229 : vector<16xf32>
      %get3A_231 = arith.constant 48 : index
      %get3A_232 = tpu.vector_load %arg20[%get3A_231] {strides = array<i32>} : memref<128xf32, #tpu.memory_space<vmem>>, vector<16xf32>,
      %get3A_233 = vector.shape_cast %get3A_232 : vector<16xf32> to vector<16xf32>
      %get3A_234 = arith.constant 48 : index
      %get3A_235 = tpu.vector_load %arg23[%get3A_234] {strides = array<i32>} : memref<128xf32, #tpu.memory_space<vmem>>, vector<16xf32>,
      %get3A_236 = vector.shape_cast %get3A_235 : vector<16xf32> to vector<16xf32>
      %sub3A_237 = arith.subf %get3A_233, %get3A_236 : vector<16xf32>
      %get3A_238 = arith.constant 48 : index
      %get3A_239 = tpu.vector_load %arg21[%get3A_238] {strides = array<i32>} : memref<128xf32, #tpu.memory_space<vmem>>, vector<16xf32>,
      %get3A_240 = vector.shape_cast %get3A_239 : vector<16xf32> to vector<16xf32>
      %get3A_241 = arith.constant 48 : index
      %get3A_242 = tpu.vector_load %arg24[%get3A_241] {strides = array<i32>} : memref<128xf32, #tpu.memory_space<vmem>>, vector<16xf32>,
      %get3A_243 = vector.shape_cast %get3A_242 : vector<16xf32> to vector<16xf32>
      %sub3A_244 = arith.subf %get3A_240, %get3A_243 : vector<16xf32>
      %swap3A_245 = arith.constant 0 : i32
      %swap3A_246 = arith.index_cast %swap3A_245 : i32 to index
      %swap3A_247 = arith.constant 48 : index
      %swap3A_248 = tpu.vector_load %arg25[%swap3A_246, %swap3A_247] {strides = array<i32>} : memref<4x128xf32, #tpu.memory_space<vmem>>, vector<1x16xf32>,
      %swap3A_249 = vector.shape_cast %swap3A_248 : vector<1x16xf32> to vector<16xf32>
      %swap3A_250 = vector.shape_cast %sub3A_230 : vector<16xf32> to vector<1x16xf32>
      tpu.vector_store %arg25[%swap3A_246, %swap3A_247], %swap3A_250 {strides = array<i32>} : memref<4x128xf32, #tpu.memory_space<vmem>>, vector<1x16xf32>,
      %swap3A_251 = arith.constant 1 : i32
      %swap3A_252 = arith.index_cast %swap3A_251 : i32 to index
      %swap3A_253 = arith.constant 48 : index
      %swap3A_254 = tpu.vector_load %arg25[%swap3A_252, %swap3A_253] {strides = array<i32>} : memref<4x128xf32, #tpu.memory_space<vmem>>, vector<1x16xf32>,
      %swap3A_255 = vector.shape_cast %swap3A_254 : vector<1x16xf32> to vector<16xf32>
      %swap3A_256 = vector.shape_cast %sub3A_237 : vector<16xf32> to vector<1x16xf32>
      tpu.vector_store %arg25[%swap3A_252, %swap3A_253], %swap3A_256 {strides = array<i32>} : memref<4x128xf32, #tpu.memory_space<vmem>>, vector<1x16xf32>,
      %swap3A_257 = arith.constant 2 : i32
      %swap3A_258 = arith.index_cast %swap3A_257 : i32 to index
      %swap3A_259 = arith.constant 48 : index
      %swap3A_260 = tpu.vector_load %arg25[%swap3A_258, %swap3A_259] {strides = array<i32>} : memref<4x128xf32, #tpu.memory_space<vmem>>, vector<1x16xf32>,
      %swap3A_261 = vector.shape_cast %swap3A_260 : vector<1x16xf32> to vector<16xf32>
      %swap3A_262 = vector.shape_cast %sub3A_244 : vector<16xf32> to vector<1x16xf32>
      tpu.vector_store %arg25[%swap3A_258, %swap3A_259], %swap3A_262 {strides = array<i32>} : memref<4x128xf32, #tpu.memory_space<vmem>>, vector<1x16xf32>,
      %mul3A_263 = arith.mulf %sub3A_230, %sub3A_230 : vector<16xf32>
      %mul3A_264 = arith.mulf %sub3A_237, %sub3A_237 : vector<16xf32>
      %add3A_265 = arith.addf %mul3A_263, %mul3A_264 : vector<16xf32>
      %mul3A_266 = arith.mulf %sub3A_244, %sub3A_244 : vector<16xf32>
      %add3A_267 = arith.addf %add3A_265, %mul3A_266 : vector<16xf32>
      %swap3A_268 = arith.constant 3 : i32
      %swap3A_269 = arith.index_cast %swap3A_268 : i32 to index
      %swap3A_270 = arith.constant 48 : index
      %swap3A_271 = tpu.vector_load %arg25[%swap3A_269, %swap3A_270] {strides = array<i32>} : memref<4x128xf32, #tpu.memory_space<vmem>>, vector<1x16xf32>,
      %swap3A_272 = vector.shape_cast %swap3A_271 : vector<1x16xf32> to vector<16xf32>
      %swap3A_273 = vector.shape_cast %add3A_267 : vector<16xf32> to vector<1x16xf32>
      tpu.vector_store %arg25[%swap3A_269, %swap3A_270], %swap3A_273 {strides = array<i32>} : memref<4x128xf32, #tpu.memory_space<vmem>>, vector<1x16xf32>,
      %get3A_274 = arith.constant 64 : index
      %get3A_275 = tpu.vector_load %arg19[%get3A_274] {strides = array<i32>} : memref<128xf32, #tpu.memory_space<vmem>>, vector<16xf32>,
      %get3A_276 = vector.shape_cast %get3A_275 : vector<16xf32> to vector<16xf32>
      %get3A_277 = arith.constant 64 : index
      %get3A_278 = tpu.vector_load %arg22[%get3A_277] {strides = array<i32>} : memref<128xf32, #tpu.memory_space<vmem>>, vector<16xf32>,
      %get3A_279 = vector.shape_cast %get3A_278 : vector<16xf32> to vector<16xf32>
      %sub3A_280 = arith.subf %get3A_276, %get3A_279 : vector<16xf32>
      %get3A_281 = arith.constant 64 : index
      %get3A_282 = tpu.vector_load %arg20[%get3A_281] {strides = array<i32>} : memref<128xf32, #tpu.memory_space<vmem>>, vector<16xf32>,
      %get3A_283 = vector.shape_cast %get3A_282 : vector<16xf32> to vector<16xf32>
      %get3A_284 = arith.constant 64 : index
      %get3A_285 = tpu.vector_load %arg23[%get3A_284] {strides = array<i32>} : memref<128xf32, #tpu.memory_space<vmem>>, vector<16xf32>,
      %get3A_286 = vector.shape_cast %get3A_285 : vector<16xf32> to vector<16xf32>
      %sub3A_287 = arith.subf %get3A_283, %get3A_286 : vector<16xf32>
      %get3A_288 = arith.constant 64 : index
      %get3A_289 = tpu.vector_load %arg21[%get3A_288] {strides = array<i32>} : memref<128xf32, #tpu.memory_space<vmem>>, vector<16xf32>,
      %get3A_290 = vector.shape_cast %get3A_289 : vector<16xf32> to vector<16xf32>
      %get3A_291 = arith.constant 64 : index
      %get3A_292 = tpu.vector_load %arg24[%get3A_291] {strides = array<i32>} : memref<128xf32, #tpu.memory_space<vmem>>, vector<16xf32>,
      %get3A_293 = vector.shape_cast %get3A_292 : vector<16xf32> to vector<16xf32>
      %sub3A_294 = arith.subf %get3A_290, %get3A_293 : vector<16xf32>
      %swap3A_295 = arith.constant 0 : i32
      %swap3A_296 = arith.index_cast %swap3A_295 : i32 to index
      %swap3A_297 = arith.constant 64 : index
      %swap3A_298 = tpu.vector_load %arg25[%swap3A_296, %swap3A_297] {strides = array<i32>} : memref<4x128xf32, #tpu.memory_space<vmem>>, vector<1x16xf32>,
      %swap3A_299 = vector.shape_cast %swap3A_298 : vector<1x16xf32> to vector<16xf32>
      %swap3A_300 = vector.shape_cast %sub3A_280 : vector<16xf32> to vector<1x16xf32>
      tpu.vector_store %arg25[%swap3A_296, %swap3A_297], %swap3A_300 {strides = array<i32>} : memref<4x128xf32, #tpu.memory_space<vmem>>, vector<1x16xf32>,
      %swap3A_301 = arith.constant 1 : i32
      %swap3A_302 = arith.index_cast %swap3A_301 : i32 to index
      %swap3A_303 = arith.constant 64 : index
      %swap3A_304 = tpu.vector_load %arg25[%swap3A_302, %swap3A_303] {strides = array<i32>} : memref<4x128xf32, #tpu.memory_space<vmem>>, vector<1x16xf32>,
      %swap3A_305 = vector.shape_cast %swap3A_304 : vector<1x16xf32> to vector<16xf32>
      %swap3A_306 = vector.shape_cast %sub3A_287 : vector<16xf32> to vector<1x16xf32>
      tpu.vector_store %arg25[%swap3A_302, %swap3A_303], %swap3A_306 {strides = array<i32>} : memref<4x128xf32, #tpu.memory_space<vmem>>, vector<1x16xf32>,
      %swap3A_307 = arith.constant 2 : i32
      %swap3A_308 = arith.index_cast %swap3A_307 : i32 to index
      %swap3A_309 = arith.constant 64 : index
      %swap3A_310 = tpu.vector_load %arg25[%swap3A_308, %swap3A_309] {strides = array<i32>} : memref<4x128xf32, #tpu.memory_space<vmem>>, vector<1x16xf32>,
      %swap3A_311 = vector.shape_cast %swap3A_310 : vector<1x16xf32> to vector<16xf32>
      %swap3A_312 = vector.shape_cast %sub3A_294 : vector<16xf32> to vector<1x16xf32>
      tpu.vector_store %arg25[%swap3A_308, %swap3A_309], %swap3A_312 {strides = array<i32>} : memref<4x128xf32, #tpu.memory_space<vmem>>, vector<1x16xf32>,
      %mul3A_313 = arith.mulf %sub3A_280, %sub3A_280 : vector<16xf32>
      %mul3A_314 = arith.mulf %sub3A_287, %sub3A_287 : vector<16xf32>
      %add3A_315 = arith.addf %mul3A_313, %mul3A_314 : vector<16xf32>
      %mul3A_316 = arith.mulf %sub3A_294, %sub3A_294 : vector<16xf32>
      %add3A_317 = arith.addf %add3A_315, %mul3A_316 : vector<16xf32>
      %swap3A_318 = arith.constant 3 : i32
      %swap3A_319 = arith.index_cast %swap3A_318 : i32 to index
      %swap3A_320 = arith.constant 64 : index
      %swap3A_321 = tpu.vector_load %arg25[%swap3A_319, %swap3A_320] {strides = array<i32>} : memref<4x128xf32, #tpu.memory_space<vmem>>, vector<1x16xf32>,
      %swap3A_322 = vector.shape_cast %swap3A_321 : vector<1x16xf32> to vector<16xf32>
      %swap3A_323 = vector.shape_cast %add3A_317 : vector<16xf32> to vector<1x16xf32>
      tpu.vector_store %arg25[%swap3A_319, %swap3A_320], %swap3A_323 {strides = array<i32>} : memref<4x128xf32, #tpu.memory_space<vmem>>, vector<1x16xf32>,
      %get3A_324 = arith.constant 80 : index
      %get3A_325 = tpu.vector_load %arg19[%get3A_324] {strides = array<i32>} : memref<128xf32, #tpu.memory_space<vmem>>, vector<16xf32>,
      %get3A_326 = vector.shape_cast %get3A_325 : vector<16xf32> to vector<16xf32>
      %get3A_327 = arith.constant 80 : index
      %get3A_328 = tpu.vector_load %arg22[%get3A_327] {strides = array<i32>} : memref<128xf32, #tpu.memory_space<vmem>>, vector<16xf32>,
      %get3A_329 = vector.shape_cast %get3A_328 : vector<16xf32> to vector<16xf32>
      %sub3A_330 = arith.subf %get3A_326, %get3A_329 : vector<16xf32>
      %get3A_331 = arith.constant 80 : index
      %get3A_332 = tpu.vector_load %arg20[%get3A_331] {strides = array<i32>} : memref<128xf32, #tpu.memory_space<vmem>>, vector<16xf32>,
      %get3A_333 = vector.shape_cast %get3A_332 : vector<16xf32> to vector<16xf32>
      %get3A_334 = arith.constant 80 : index
      %get3A_335 = tpu.vector_load %arg23[%get3A_334] {strides = array<i32>} : memref<128xf32, #tpu.memory_space<vmem>>, vector<16xf32>,
      %get3A_336 = vector.shape_cast %get3A_335 : vector<16xf32> to vector<16xf32>
      %sub3A_337 = arith.subf %get3A_333, %get3A_336 : vector<16xf32>
      %get3A_338 = arith.constant 80 : index
      %get3A_339 = tpu.vector_load %arg21[%get3A_338] {strides = array<i32>} : memref<128xf32, #tpu.memory_space<vmem>>, vector<16xf32>,
      %get3A_340 = vector.shape_cast %get3A_339 : vector<16xf32> to vector<16xf32>
      %get3A_341 = arith.constant 80 : index
      %get3A_342 = tpu.vector_load %arg24[%get3A_341] {strides = array<i32>} : memref<128xf32, #tpu.memory_space<vmem>>, vector<16xf32>,
      %get3A_343 = vector.shape_cast %get3A_342 : vector<16xf32> to vector<16xf32>
      %sub3A_344 = arith.subf %get3A_340, %get3A_343 : vector<16xf32>
      %swap3A_345 = arith.constant 0 : i32
      %swap3A_346 = arith.index_cast %swap3A_345 : i32 to index
      %swap3A_347 = arith.constant 80 : index
      %swap3A_348 = tpu.vector_load %arg25[%swap3A_346, %swap3A_347] {strides = array<i32>} : memref<4x128xf32, #tpu.memory_space<vmem>>, vector<1x16xf32>,
      %swap3A_349 = vector.shape_cast %swap3A_348 : vector<1x16xf32> to vector<16xf32>
      %swap3A_350 = vector.shape_cast %sub3A_330 : vector<16xf32> to vector<1x16xf32>
      tpu.vector_store %arg25[%swap3A_346, %swap3A_347], %swap3A_350 {strides = array<i32>} : memref<4x128xf32, #tpu.memory_space<vmem>>, vector<1x16xf32>,
      %swap3A_351 = arith.constant 1 : i32
      %swap3A_352 = arith.index_cast %swap3A_351 : i32 to index
      %swap3A_353 = arith.constant 80 : index
      %swap3A_354 = tpu.vector_load %arg25[%swap3A_352, %swap3A_353] {strides = array<i32>} : memref<4x128xf32, #tpu.memory_space<vmem>>, vector<1x16xf32>,
      %swap3A_355 = vector.shape_cast %swap3A_354 : vector<1x16xf32> to vector<16xf32>
      %swap3A_356 = vector.shape_cast %sub3A_337 : vector<16xf32> to vector<1x16xf32>
      tpu.vector_store %arg25[%swap3A_352, %swap3A_353], %swap3A_356 {strides = array<i32>} : memref<4x128xf32, #tpu.memory_space<vmem>>, vector<1x16xf32>,
      %swap3A_357 = arith.constant 2 : i32
      %swap3A_358 = arith.index_cast %swap3A_357 : i32 to index
      %swap3A_359 = arith.constant 80 : index
      %swap3A_360 = tpu.vector_load %arg25[%swap3A_358, %swap3A_359] {strides = array<i32>} : memref<4x128xf32, #tpu.memory_space<vmem>>, vector<1x16xf32>,
      %swap3A_361 = vector.shape_cast %swap3A_360 : vector<1x16xf32> to vector<16xf32>
      %swap3A_362 = vector.shape_cast %sub3A_344 : vector<16xf32> to vector<1x16xf32>
      tpu.vector_store %arg25[%swap3A_358, %swap3A_359], %swap3A_362 {strides = array<i32>} : memref<4x128xf32, #tpu.memory_space<vmem>>, vector<1x16xf32>,
      %mul3A_363 = arith.mulf %sub3A_330, %sub3A_330 : vector<16xf32>
      %mul3A_364 = arith.mulf %sub3A_337, %sub3A_337 : vector<16xf32>
      %add3A_365 = arith.addf %mul3A_363, %mul3A_364 : vector<16xf32>
      %mul3A_366 = arith.mulf %sub3A_344, %sub3A_344 : vector<16xf32>
      %add3A_367 = arith.addf %add3A_365, %mul3A_366 : vector<16xf32>
      %swap3A_368 = arith.constant 3 : i32
      %swap3A_369 = arith.index_cast %swap3A_368 : i32 to index
      %swap3A_370 = arith.constant 80 : index
      %swap3A_371 = tpu.vector_load %arg25[%swap3A_369, %swap3A_370] {strides = array<i32>} : memref<4x128xf32, #tpu.memory_space<vmem>>, vector<1x16xf32>,
      %swap3A_372 = vector.shape_cast %swap3A_371 : vector<1x16xf32> to vector<16xf32>
      %swap3A_373 = vector.shape_cast %add3A_367 : vector<16xf32> to vector<1x16xf32>
      tpu.vector_store %arg25[%swap3A_369, %swap3A_370], %swap3A_373 {strides = array<i32>} : memref<4x128xf32, #tpu.memory_space<vmem>>, vector<1x16xf32>,
      %get3A_374 = arith.constant 96 : index
      %get3A_375 = tpu.vector_load %arg19[%get3A_374] {strides = array<i32>} : memref<128xf32, #tpu.memory_space<vmem>>, vector<16xf32>,
      %get3A_376 = vector.shape_cast %get3A_375 : vector<16xf32> to vector<16xf32>
      %get3A_377 = arith.constant 96 : index
      %get3A_378 = tpu.vector_load %arg22[%get3A_377] {strides = array<i32>} : memref<128xf32, #tpu.memory_space<vmem>>, vector<16xf32>,
      %get3A_379 = vector.shape_cast %get3A_378 : vector<16xf32> to vector<16xf32>
      %sub3A_380 = arith.subf %get3A_376, %get3A_379 : vector<16xf32>
      %get3A_381 = arith.constant 96 : index
      %get3A_382 = tpu.vector_load %arg20[%get3A_381] {strides = array<i32>} : memref<128xf32, #tpu.memory_space<vmem>>, vector<16xf32>,
      %get3A_383 = vector.shape_cast %get3A_382 : vector<16xf32> to vector<16xf32>
      %get3A_384 = arith.constant 96 : index
      %get3A_385 = tpu.vector_load %arg23[%get3A_384] {strides = array<i32>} : memref<128xf32, #tpu.memory_space<vmem>>, vector<16xf32>,
      %get3A_386 = vector.shape_cast %get3A_385 : vector<16xf32> to vector<16xf32>
      %sub3A_387 = arith.subf %get3A_383, %get3A_386 : vector<16xf32>
      %get3A_388 = arith.constant 96 : index
      %get3A_389 = tpu.vector_load %arg21[%get3A_388] {strides = array<i32>} : memref<128xf32, #tpu.memory_space<vmem>>, vector<16xf32>,
      %get3A_390 = vector.shape_cast %get3A_389 : vector<16xf32> to vector<16xf32>
      %get3A_391 = arith.constant 96 : index
      %get3A_392 = tpu.vector_load %arg24[%get3A_391] {strides = array<i32>} : memref<128xf32, #tpu.memory_space<vmem>>, vector<16xf32>,
      %get3A_393 = vector.shape_cast %get3A_392 : vector<16xf32> to vector<16xf32>
      %sub3A_394 = arith.subf %get3A_390, %get3A_393 : vector<16xf32>
      %swap3A_395 = arith.constant 0 : i32
      %swap3A_396 = arith.index_cast %swap3A_395 : i32 to index
      %swap3A_397 = arith.constant 96 : index
      %swap3A_398 = tpu.vector_load %arg25[%swap3A_396, %swap3A_397] {strides = array<i32>} : memref<4x128xf32, #tpu.memory_space<vmem>>, vector<1x16xf32>,
      %swap3A_399 = vector.shape_cast %swap3A_398 : vector<1x16xf32> to vector<16xf32>
      %swap3A_400 = vector.shape_cast %sub3A_380 : vector<16xf32> to vector<1x16xf32>
      tpu.vector_store %arg25[%swap3A_396, %swap3A_397], %swap3A_400 {strides = array<i32>} : memref<4x128xf32, #tpu.memory_space<vmem>>, vector<1x16xf32>,
      %swap3A_401 = arith.constant 1 : i32
      %swap3A_402 = arith.index_cast %swap3A_401 : i32 to index
      %swap3A_403 = arith.constant 96 : index
      %swap3A_404 = tpu.vector_load %arg25[%swap3A_402, %swap3A_403] {strides = array<i32>} : memref<4x128xf32, #tpu.memory_space<vmem>>, vector<1x16xf32>,
      %swap3A_405 = vector.shape_cast %swap3A_404 : vector<1x16xf32> to vector<16xf32>
      %swap3A_406 = vector.shape_cast %sub3A_387 : vector<16xf32> to vector<1x16xf32>
      tpu.vector_store %arg25[%swap3A_402, %swap3A_403], %swap3A_406 {strides = array<i32>} : memref<4x128xf32, #tpu.memory_space<vmem>>, vector<1x16xf32>,
      %swap3A_407 = arith.constant 2 : i32
      %swap3A_408 = arith.index_cast %swap3A_407 : i32 to index
      %swap3A_409 = arith.constant 96 : index
      %swap3A_410 = tpu.vector_load %arg25[%swap3A_408, %swap3A_409] {strides = array<i32>} : memref<4x128xf32, #tpu.memory_space<vmem>>, vector<1x16xf32>,
      %swap3A_411 = vector.shape_cast %swap3A_410 : vector<1x16xf32> to vector<16xf32>
      %swap3A_412 = vector.shape_cast %sub3A_394 : vector<16xf32> to vector<1x16xf32>
      tpu.vector_store %arg25[%swap3A_408, %swap3A_409], %swap3A_412 {strides = array<i32>} : memref<4x128xf32, #tpu.memory_space<vmem>>, vector<1x16xf32>,
      %mul3A_413 = arith.mulf %sub3A_380, %sub3A_380 : vector<16xf32>
      %mul3A_414 = arith.mulf %sub3A_387, %sub3A_387 : vector<16xf32>
      %add3A_415 = arith.addf %mul3A_413, %mul3A_414 : vector<16xf32>
      %mul3A_416 = arith.mulf %sub3A_394, %sub3A_394 : vector<16xf32>
      %add3A_417 = arith.addf %add3A_415, %mul3A_416 : vector<16xf32>
      %swap3A_418 = arith.constant 3 : i32
      %swap3A_419 = arith.index_cast %swap3A_418 : i32 to index
      %swap3A_420 = arith.constant 96 : index
      %swap3A_421 = tpu.vector_load %arg25[%swap3A_419, %swap3A_420] {strides = array<i32>} : memref<4x128xf32, #tpu.memory_space<vmem>>, vector<1x16xf32>,
      %swap3A_422 = vector.shape_cast %swap3A_421 : vector<1x16xf32> to vector<16xf32>
      %swap3A_423 = vector.shape_cast %add3A_417 : vector<16xf32> to vector<1x16xf32>
      tpu.vector_store %arg25[%swap3A_419, %swap3A_420], %swap3A_423 {strides = array<i32>} : memref<4x128xf32, #tpu.memory_space<vmem>>, vector<1x16xf32>,
      %get3A_424 = arith.constant 112 : index
      %get3A_425 = tpu.vector_load %arg19[%get3A_424] {strides = array<i32>} : memref<128xf32, #tpu.memory_space<vmem>>, vector<16xf32>,
      %get3A_426 = vector.shape_cast %get3A_425 : vector<16xf32> to vector<16xf32>
      %get3A_427 = arith.constant 112 : index
      %get3A_428 = tpu.vector_load %arg22[%get3A_427] {strides = array<i32>} : memref<128xf32, #tpu.memory_space<vmem>>, vector<16xf32>,
      %get3A_429 = vector.shape_cast %get3A_428 : vector<16xf32> to vector<16xf32>
      %sub3A_430 = arith.subf %get3A_426, %get3A_429 : vector<16xf32>
      %get3A_431 = arith.constant 112 : index
      %get3A_432 = tpu.vector_load %arg20[%get3A_431] {strides = array<i32>} : memref<128xf32, #tpu.memory_space<vmem>>, vector<16xf32>,
      %get3A_433 = vector.shape_cast %get3A_432 : vector<16xf32> to vector<16xf32>
      %get3A_434 = arith.constant 112 : index
      %get3A_435 = tpu.vector_load %arg23[%get3A_434] {strides = array<i32>} : memref<128xf32, #tpu.memory_space<vmem>>, vector<16xf32>,
      %get3A_436 = vector.shape_cast %get3A_435 : vector<16xf32> to vector<16xf32>
      %sub3A_437 = arith.subf %get3A_433, %get3A_436 : vector<16xf32>
      %get3A_438 = arith.constant 112 : index
      %get3A_439 = tpu.vector_load %arg21[%get3A_438] {strides = array<i32>} : memref<128xf32, #tpu.memory_space<vmem>>, vector<16xf32>,
      %get3A_440 = vector.shape_cast %get3A_439 : vector<16xf32> to vector<16xf32>
      %get3A_441 = arith.constant 112 : index
      %get3A_442 = tpu.vector_load %arg24[%get3A_441] {strides = array<i32>} : memref<128xf32, #tpu.memory_space<vmem>>, vector<16xf32>,
      %get3A_443 = vector.shape_cast %get3A_442 : vector<16xf32> to vector<16xf32>
      %sub3A_444 = arith.subf %get3A_440, %get3A_443 : vector<16xf32>
      %swap3A_445 = arith.constant 0 : i32
      %swap3A_446 = arith.index_cast %swap3A_445 : i32 to index
      %swap3A_447 = arith.constant 112 : index
      %swap3A_448 = tpu.vector_load %arg25[%swap3A_446, %swap3A_447] {strides = array<i32>} : memref<4x128xf32, #tpu.memory_space<vmem>>, vector<1x16xf32>,
      %swap3A_449 = vector.shape_cast %swap3A_448 : vector<1x16xf32> to vector<16xf32>
      %swap3A_450 = vector.shape_cast %sub3A_430 : vector<16xf32> to vector<1x16xf32>
      tpu.vector_store %arg25[%swap3A_446, %swap3A_447], %swap3A_450 {strides = array<i32>} : memref<4x128xf32, #tpu.memory_space<vmem>>, vector<1x16xf32>,
      %swap3A_451 = arith.constant 1 : i32
      %swap3A_452 = arith.index_cast %swap3A_451 : i32 to index
      %swap3A_453 = arith.constant 112 : index
      %swap3A_454 = tpu.vector_load %arg25[%swap3A_452, %swap3A_453] {strides = array<i32>} : memref<4x128xf32, #tpu.memory_space<vmem>>, vector<1x16xf32>,
      %swap3A_455 = vector.shape_cast %swap3A_454 : vector<1x16xf32> to vector<16xf32>
      %swap3A_456 = vector.shape_cast %sub3A_437 : vector<16xf32> to vector<1x16xf32>
      tpu.vector_store %arg25[%swap3A_452, %swap3A_453], %swap3A_456 {strides = array<i32>} : memref<4x128xf32, #tpu.memory_space<vmem>>, vector<1x16xf32>,
      %swap3A_457 = arith.constant 2 : i32
      %swap3A_458 = arith.index_cast %swap3A_457 : i32 to index
      %swap3A_459 = arith.constant 112 : index
      %swap3A_460 = tpu.vector_load %arg25[%swap3A_458, %swap3A_459] {strides = array<i32>} : memref<4x128xf32, #tpu.memory_space<vmem>>, vector<1x16xf32>,
      %swap3A_461 = vector.shape_cast %swap3A_460 : vector<1x16xf32> to vector<16xf32>
      %swap3A_462 = vector.shape_cast %sub3A_444 : vector<16xf32> to vector<1x16xf32>
      tpu.vector_store %arg25[%swap3A_458, %swap3A_459], %swap3A_462 {strides = array<i32>} : memref<4x128xf32, #tpu.memory_space<vmem>>, vector<1x16xf32>,
      %mul3A_463 = arith.mulf %sub3A_430, %sub3A_430 : vector<16xf32>
      %mul3A_464 = arith.mulf %sub3A_437, %sub3A_437 : vector<16xf32>
      %add3A_465 = arith.addf %mul3A_463, %mul3A_464 : vector<16xf32>
      %mul3A_466 = arith.mulf %sub3A_444, %sub3A_444 : vector<16xf32>
      %add3A_467 = arith.addf %add3A_465, %mul3A_466 : vector<16xf32>
      %swap3A_468 = arith.constant 3 : i32
      %swap3A_469 = arith.index_cast %swap3A_468 : i32 to index
      %swap3A_470 = arith.constant 112 : index
      %swap3A_471 = tpu.vector_load %arg25[%swap3A_469, %swap3A_470] {strides = array<i32>} : memref<4x128xf32, #tpu.memory_space<vmem>>, vector<1x16xf32>,
      %swap3A_472 = vector.shape_cast %swap3A_471 : vector<1x16xf32> to vector<16xf32>
      %swap3A_473 = vector.shape_cast %add3A_467 : vector<16xf32> to vector<1x16xf32>
      tpu.vector_store %arg25[%swap3A_469, %swap3A_470], %swap3A_473 {strides = array<i32>} : memref<4x128xf32, #tpu.memory_space<vmem>>, vector<1x16xf32>,
      %mul3A_474 = arith.constant 640 : i32
      %mul3A_475 = arith.muli %add3A, %mul3A_474 : i32
      %mul3A_476 = arith.constant 128 : i32
      %mul3A_477 = arith.muli %scan3A_6, %mul3A_476 : i32
      %add3A_478 = arith.addi %mul3A_475, %mul3A_477 : i32
      %run_scoped3A = arith.constant 0 : i32
      "tpu.region"() ({
        %run_scoped3A_494 = tpu.sem_alloc : memref<!tpu.dma_semaphore, #tpu.memory_space<semaphore_mem>>
        %dma_start3A_495 = arith.constant 0 : i32
        %dma_start3A_496 = tpu.memref_slice %arg25[%run_scoped3A, %dma_start3A_495] : memref<4x128xf32, #tpu.memory_space<vmem>> -> memref<1x128xf32, #tpu.memory_space<vmem>>
        %dma_start3A_497 = tpu.memref_squeeze %dma_start3A_496 : memref<1x128xf32, #tpu.memory_space<vmem>> -> memref<128xf32, #tpu.memory_space<vmem>>
        %dma_start3A_498 = tpu.memref_slice %arg11[%add3A_478] : memref<20480xf32, #tpu.memory_space<hbm>> -> memref<128xf32, #tpu.memory_space<hbm>>
        %dma_start3A_499 = tpu.memref_slice %arg11[%add3A_478] : memref<20480xf32, #tpu.memory_space<hbm>> -> memref<128xf32, #tpu.memory_space<hbm>>
        %dma_start3A_500 = arith.constant 0 : i32
        %dma_start3A_501 = tpu.memref_slice %arg25[%run_scoped3A, %dma_start3A_500] : memref<4x128xf32, #tpu.memory_space<vmem>> -> memref<1x128xf32, #tpu.memory_space<vmem>>
        %dma_start3A_502 = tpu.memref_squeeze %dma_start3A_501 : memref<1x128xf32, #tpu.memory_space<vmem>> -> memref<128xf32, #tpu.memory_space<vmem>>
        tpu.enqueue_dma source(%dma_start3A_502 : memref<128xf32, #tpu.memory_space<vmem>>) target(%dma_start3A_499 : memref<128xf32, #tpu.memory_space<hbm>>) target_semaphore(%run_scoped3A_494 : memref<!tpu.dma_semaphore, #tpu.memory_space<semaphore_mem>>)
        %dma_wait3A_503 = arith.constant 0 : i32
        %dma_wait3A_504 = tpu.memref_slice %arg25[%run_scoped3A, %dma_wait3A_503] : memref<4x128xf32, #tpu.memory_space<vmem>> -> memref<1x128xf32, #tpu.memory_space<vmem>>
        %dma_wait3A_505 = tpu.memref_squeeze %dma_wait3A_504 : memref<1x128xf32, #tpu.memory_space<vmem>> -> memref<128xf32, #tpu.memory_space<vmem>>
        %dma_wait3A_506 = tpu.memref_slice %arg11[%add3A_478] : memref<20480xf32, #tpu.memory_space<hbm>> -> memref<128xf32, #tpu.memory_space<hbm>>
        %dma_wait3A_507 = tpu.memref_slice %arg11[%add3A_478] : memref<20480xf32, #tpu.memory_space<hbm>> -> memref<128xf32, #tpu.memory_space<hbm>>
        %dma_wait3A_508 = arith.constant 0 : i32
        %dma_wait3A_509 = tpu.memref_slice %arg25[%run_scoped3A, %dma_wait3A_508] : memref<4x128xf32, #tpu.memory_space<vmem>> -> memref<1x128xf32, #tpu.memory_space<vmem>>
        %dma_wait3A_510 = tpu.memref_squeeze %dma_wait3A_509 : memref<1x128xf32, #tpu.memory_space<vmem>> -> memref<128xf32, #tpu.memory_space<vmem>>
        tpu.wait_dma2 semaphore(%run_scoped3A_494 : memref<!tpu.dma_semaphore, #tpu.memory_space<semaphore_mem>>) src(%dma_wait3A_510 : memref<128xf32, #tpu.memory_space<vmem>>) dst(%dma_wait3A_507 : memref<128xf32, #tpu.memory_space<hbm>>)
        tpu.yield
      }) : () -> ()
      %run_scoped3A_479 = arith.constant 1 : i32
      "tpu.region"() ({
        %run_scoped3A_494 = tpu.sem_alloc : memref<!tpu.dma_semaphore, #tpu.memory_space<semaphore_mem>>
        %dma_start3A_495 = arith.constant 0 : i32
        %dma_start3A_496 = tpu.memref_slice %arg25[%run_scoped3A_479, %dma_start3A_495] : memref<4x128xf32, #tpu.memory_space<vmem>> -> memref<1x128xf32, #tpu.memory_space<vmem>>
        %dma_start3A_497 = tpu.memref_squeeze %dma_start3A_496 : memref<1x128xf32, #tpu.memory_space<vmem>> -> memref<128xf32, #tpu.memory_space<vmem>>
        %dma_start3A_498 = tpu.memref_slice %arg12[%add3A_478] : memref<20480xf32, #tpu.memory_space<hbm>> -> memref<128xf32, #tpu.memory_space<hbm>>
        %dma_start3A_499 = tpu.memref_slice %arg12[%add3A_478] : memref<20480xf32, #tpu.memory_space<hbm>> -> memref<128xf32, #tpu.memory_space<hbm>>
        %dma_start3A_500 = arith.constant 0 : i32
        %dma_start3A_501 = tpu.memref_slice %arg25[%run_scoped3A_479, %dma_start3A_500] : memref<4x128xf32, #tpu.memory_space<vmem>> -> memref<1x128xf32, #tpu.memory_space<vmem>>
        %dma_start3A_502 = tpu.memref_squeeze %dma_start3A_501 : memref<1x128xf32, #tpu.memory_space<vmem>> -> memref<128xf32, #tpu.memory_space<vmem>>
        tpu.enqueue_dma source(%dma_start3A_502 : memref<128xf32, #tpu.memory_space<vmem>>) target(%dma_start3A_499 : memref<128xf32, #tpu.memory_space<hbm>>) target_semaphore(%run_scoped3A_494 : memref<!tpu.dma_semaphore, #tpu.memory_space<semaphore_mem>>)
        %dma_wait3A_503 = arith.constant 0 : i32
        %dma_wait3A_504 = tpu.memref_slice %arg25[%run_scoped3A_479, %dma_wait3A_503] : memref<4x128xf32, #tpu.memory_space<vmem>> -> memref<1x128xf32, #tpu.memory_space<vmem>>
        %dma_wait3A_505 = tpu.memref_squeeze %dma_wait3A_504 : memref<1x128xf32, #tpu.memory_space<vmem>> -> memref<128xf32, #tpu.memory_space<vmem>>
        %dma_wait3A_506 = tpu.memref_slice %arg12[%add3A_478] : memref<20480xf32, #tpu.memory_space<hbm>> -> memref<128xf32, #tpu.memory_space<hbm>>
        %dma_wait3A_507 = tpu.memref_slice %arg12[%add3A_478] : memref<20480xf32, #tpu.memory_space<hbm>> -> memref<128xf32, #tpu.memory_space<hbm>>
        %dma_wait3A_508 = arith.constant 0 : i32
        %dma_wait3A_509 = tpu.memref_slice %arg25[%run_scoped3A_479, %dma_wait3A_508] : memref<4x128xf32, #tpu.memory_space<vmem>> -> memref<1x128xf32, #tpu.memory_space<vmem>>
        %dma_wait3A_510 = tpu.memref_squeeze %dma_wait3A_509 : memref<1x128xf32, #tpu.memory_space<vmem>> -> memref<128xf32, #tpu.memory_space<vmem>>
        tpu.wait_dma2 semaphore(%run_scoped3A_494 : memref<!tpu.dma_semaphore, #tpu.memory_space<semaphore_mem>>) src(%dma_wait3A_510 : memref<128xf32, #tpu.memory_space<vmem>>) dst(%dma_wait3A_507 : memref<128xf32, #tpu.memory_space<hbm>>)
        tpu.yield
      }) : () -> ()
      %run_scoped3A_480 = arith.constant 2 : i32
      "tpu.region"() ({
        %run_scoped3A_494 = tpu.sem_alloc : memref<!tpu.dma_semaphore, #tpu.memory_space<semaphore_mem>>
        %dma_start3A_495 = arith.constant 0 : i32
        %dma_start3A_496 = tpu.memref_slice %arg25[%run_scoped3A_480, %dma_start3A_495] : memref<4x128xf32, #tpu.memory_space<vmem>> -> memref<1x128xf32, #tpu.memory_space<vmem>>
        %dma_start3A_497 = tpu.memref_squeeze %dma_start3A_496 : memref<1x128xf32, #tpu.memory_space<vmem>> -> memref<128xf32, #tpu.memory_space<vmem>>
        %dma_start3A_498 = tpu.memref_slice %arg13[%add3A_478] : memref<20480xf32, #tpu.memory_space<hbm>> -> memref<128xf32, #tpu.memory_space<hbm>>
        %dma_start3A_499 = tpu.memref_slice %arg13[%add3A_478] : memref<20480xf32, #tpu.memory_space<hbm>> -> memref<128xf32, #tpu.memory_space<hbm>>
        %dma_start3A_500 = arith.constant 0 : i32
        %dma_start3A_501 = tpu.memref_slice %arg25[%run_scoped3A_480, %dma_start3A_500] : memref<4x128xf32, #tpu.memory_space<vmem>> -> memref<1x128xf32, #tpu.memory_space<vmem>>
        %dma_start3A_502 = tpu.memref_squeeze %dma_start3A_501 : memref<1x128xf32, #tpu.memory_space<vmem>> -> memref<128xf32, #tpu.memory_space<vmem>>
        tpu.enqueue_dma source(%dma_start3A_502 : memref<128xf32, #tpu.memory_space<vmem>>) target(%dma_start3A_499 : memref<128xf32, #tpu.memory_space<hbm>>) target_semaphore(%run_scoped3A_494 : memref<!tpu.dma_semaphore, #tpu.memory_space<semaphore_mem>>)
        %dma_wait3A_503 = arith.constant 0 : i32
        %dma_wait3A_504 = tpu.memref_slice %arg25[%run_scoped3A_480, %dma_wait3A_503] : memref<4x128xf32, #tpu.memory_space<vmem>> -> memref<1x128xf32, #tpu.memory_space<vmem>>
        %dma_wait3A_505 = tpu.memref_squeeze %dma_wait3A_504 : memref<1x128xf32, #tpu.memory_space<vmem>> -> memref<128xf32, #tpu.memory_space<vmem>>
        %dma_wait3A_506 = tpu.memref_slice %arg13[%add3A_478] : memref<20480xf32, #tpu.memory_space<hbm>> -> memref<128xf32, #tpu.memory_space<hbm>>
        %dma_wait3A_507 = tpu.memref_slice %arg13[%add3A_478] : memref<20480xf32, #tpu.memory_space<hbm>> -> memref<128xf32, #tpu.memory_space<hbm>>
        %dma_wait3A_508 = arith.constant 0 : i32
        %dma_wait3A_509 = tpu.memref_slice %arg25[%run_scoped3A_480, %dma_wait3A_508] : memref<4x128xf32, #tpu.memory_space<vmem>> -> memref<1x128xf32, #tpu.memory_space<vmem>>
        %dma_wait3A_510 = tpu.memref_squeeze %dma_wait3A_509 : memref<1x128xf32, #tpu.memory_space<vmem>> -> memref<128xf32, #tpu.memory_space<vmem>>
        tpu.wait_dma2 semaphore(%run_scoped3A_494 : memref<!tpu.dma_semaphore, #tpu.memory_space<semaphore_mem>>) src(%dma_wait3A_510 : memref<128xf32, #tpu.memory_space<vmem>>) dst(%dma_wait3A_507 : memref<128xf32, #tpu.memory_space<hbm>>)
        tpu.yield
      }) : () -> ()
      %run_scoped3A_481 = arith.constant 3 : i32
      "tpu.region"() ({
        %run_scoped3A_494 = tpu.sem_alloc : memref<!tpu.dma_semaphore, #tpu.memory_space<semaphore_mem>>
        %dma_start3A_495 = arith.constant 0 : i32
        %dma_start3A_496 = tpu.memref_slice %arg25[%run_scoped3A_481, %dma_start3A_495] : memref<4x128xf32, #tpu.memory_space<vmem>> -> memref<1x128xf32, #tpu.memory_space<vmem>>
        %dma_start3A_497 = tpu.memref_squeeze %dma_start3A_496 : memref<1x128xf32, #tpu.memory_space<vmem>> -> memref<128xf32, #tpu.memory_space<vmem>>
        %dma_start3A_498 = tpu.memref_slice %arg14[%add3A_478] : memref<20480xf32, #tpu.memory_space<hbm>> -> memref<128xf32, #tpu.memory_space<hbm>>
        %dma_start3A_499 = tpu.memref_slice %arg14[%add3A_478] : memref<20480xf32, #tpu.memory_space<hbm>> -> memref<128xf32, #tpu.memory_space<hbm>>
        %dma_start3A_500 = arith.constant 0 : i32
        %dma_start3A_501 = tpu.memref_slice %arg25[%run_scoped3A_481, %dma_start3A_500] : memref<4x128xf32, #tpu.memory_space<vmem>> -> memref<1x128xf32, #tpu.memory_space<vmem>>
        %dma_start3A_502 = tpu.memref_squeeze %dma_start3A_501 : memref<1x128xf32, #tpu.memory_space<vmem>> -> memref<128xf32, #tpu.memory_space<vmem>>
        tpu.enqueue_dma source(%dma_start3A_502 : memref<128xf32, #tpu.memory_space<vmem>>) target(%dma_start3A_499 : memref<128xf32, #tpu.memory_space<hbm>>) target_semaphore(%run_scoped3A_494 : memref<!tpu.dma_semaphore, #tpu.memory_space<semaphore_mem>>)
        %dma_wait3A_503 = arith.constant 0 : i32
        %dma_wait3A_504 = tpu.memref_slice %arg25[%run_scoped3A_481, %dma_wait3A_503] : memref<4x128xf32, #tpu.memory_space<vmem>> -> memref<1x128xf32, #tpu.memory_space<vmem>>
        %dma_wait3A_505 = tpu.memref_squeeze %dma_wait3A_504 : memref<1x128xf32, #tpu.memory_space<vmem>> -> memref<128xf32, #tpu.memory_space<vmem>>
        %dma_wait3A_506 = tpu.memref_slice %arg14[%add3A_478] : memref<20480xf32, #tpu.memory_space<hbm>> -> memref<128xf32, #tpu.memory_space<hbm>>
        %dma_wait3A_507 = tpu.memref_slice %arg14[%add3A_478] : memref<20480xf32, #tpu.memory_space<hbm>> -> memref<128xf32, #tpu.memory_space<hbm>>
        %dma_wait3A_508 = arith.constant 0 : i32
        %dma_wait3A_509 = tpu.memref_slice %arg25[%run_scoped3A_481, %dma_wait3A_508] : memref<4x128xf32, #tpu.memory_space<vmem>> -> memref<1x128xf32, #tpu.memory_space<vmem>>
        %dma_wait3A_510 = tpu.memref_squeeze %dma_wait3A_509 : memref<1x128xf32, #tpu.memory_space<vmem>> -> memref<128xf32, #tpu.memory_space<vmem>>
        tpu.wait_dma2 semaphore(%run_scoped3A_494 : memref<!tpu.dma_semaphore, #tpu.memory_space<semaphore_mem>>) src(%dma_wait3A_510 : memref<128xf32, #tpu.memory_space<vmem>>) dst(%dma_wait3A_507 : memref<128xf32, #tpu.memory_space<hbm>>)
        tpu.yield
      }) : () -> ()
      %dma_wait3A_482 = arith.constant 0 : i32
      %dma_wait3A_483 = tpu.memref_slice %arg15[%scan3A_6, %dma_wait3A_482] : memref<5x128xi32, #tpu.memory_space<vmem>> -> memref<1x128xi32, #tpu.memory_space<vmem>>
      %dma_wait3A_484 = tpu.memref_squeeze %dma_wait3A_483 : memref<1x128xi32, #tpu.memory_space<vmem>> -> memref<128xi32, #tpu.memory_space<vmem>>
      %dma_wait3A_485 = arith.constant 0 : i32
      %dma_wait3A_486 = arith.constant 0 : i32
      %dma_wait3A_487 = tpu.memref_slice %arg2[%dma_wait3A_485, %dma_wait3A_486] : memref<8192x128xf32, #tpu.memory_space<hbm>> -> memref<8192x128xf32, #tpu.memory_space<hbm>>
      tpu.wait_indirect_dma semaphore(%arg26 : memref<!tpu.dma_semaphore, #tpu.memory_space<semaphore_mem>>) src(%dma_wait3A_487 : memref<8192x128xf32, #tpu.memory_space<hbm>>) dst(%arg17 : memref<128x128xf32, #tpu.memory_space<vmem>>)
      %dma_wait3A_488 = arith.constant 0 : i32
      %dma_wait3A_489 = tpu.memref_slice %arg16[%scan3A_6, %dma_wait3A_488] : memref<5x128xi32, #tpu.memory_space<vmem>> -> memref<1x128xi32, #tpu.memory_space<vmem>>
      %dma_wait3A_490 = tpu.memref_squeeze %dma_wait3A_489 : memref<1x128xi32, #tpu.memory_space<vmem>> -> memref<128xi32, #tpu.memory_space<vmem>>
      %dma_wait3A_491 = arith.constant 0 : i32
      %dma_wait3A_492 = arith.constant 0 : i32
      %dma_wait3A_493 = tpu.memref_slice %arg3[%dma_wait3A_491, %dma_wait3A_492] : memref<8192x128xf32, #tpu.memory_space<hbm>> -> memref<8192x128xf32, #tpu.memory_space<hbm>>
      tpu.wait_indirect_dma semaphore(%arg27 : memref<!tpu.dma_semaphore, #tpu.memory_space<semaphore_mem>>) src(%dma_wait3A_493 : memref<8192x128xf32, #tpu.memory_space<hbm>>) dst(%arg18 : memref<128x128xf32, #tpu.memory_space<vmem>>)
      "tpu.region"() ({
        %run_scoped3A_494 = tpu.sem_alloc : memref<!tpu.dma_semaphore, #tpu.memory_space<semaphore_mem>>
        %dma_start3A_495 = arith.constant 0 : i32
        %dma_start3A_496 = tpu.memref_slice %arg9[%add3A_478, %dma_start3A_495] : memref<20480x128xf32, #tpu.memory_space<hbm>> -> memref<128x128xf32, #tpu.memory_space<hbm>>
        %dma_start3A_497 = arith.constant 0 : i32
        %dma_start3A_498 = tpu.memref_slice %arg9[%add3A_478, %dma_start3A_497] : memref<20480x128xf32, #tpu.memory_space<hbm>> -> memref<128x128xf32, #tpu.memory_space<hbm>>
        tpu.enqueue_dma source(%arg17 : memref<128x128xf32, #tpu.memory_space<vmem>>) target(%dma_start3A_498 : memref<128x128xf32, #tpu.memory_space<hbm>>) target_semaphore(%run_scoped3A_494 : memref<!tpu.dma_semaphore, #tpu.memory_space<semaphore_mem>>)
        %dma_wait3A_499 = arith.constant 0 : i32
        %dma_wait3A_500 = tpu.memref_slice %arg9[%add3A_478, %dma_wait3A_499] : memref<20480x128xf32, #tpu.memory_space<hbm>> -> memref<128x128xf32, #tpu.memory_space<hbm>>
        %dma_wait3A_501 = arith.constant 0 : i32
        %dma_wait3A_502 = tpu.memref_slice %arg9[%add3A_478, %dma_wait3A_501] : memref<20480x128xf32, #tpu.memory_space<hbm>> -> memref<128x128xf32, #tpu.memory_space<hbm>>
        tpu.wait_dma2 semaphore(%run_scoped3A_494 : memref<!tpu.dma_semaphore, #tpu.memory_space<semaphore_mem>>) src(%arg17 : memref<128x128xf32, #tpu.memory_space<vmem>>) dst(%dma_wait3A_502 : memref<128x128xf32, #tpu.memory_space<hbm>>)
        tpu.yield
      }) : () -> ()
      "tpu.region"() ({
        %run_scoped3A_494 = tpu.sem_alloc : memref<!tpu.dma_semaphore, #tpu.memory_space<semaphore_mem>>
        %dma_start3A_495 = arith.constant 0 : i32
        %dma_start3A_496 = tpu.memref_slice %arg10[%add3A_478, %dma_start3A_495] : memref<20480x128xf32, #tpu.memory_space<hbm>> -> memref<128x128xf32, #tpu.memory_space<hbm>>
        %dma_start3A_497 = arith.constant 0 : i32
        %dma_start3A_498 = tpu.memref_slice %arg10[%add3A_478, %dma_start3A_497] : memref<20480x128xf32, #tpu.memory_space<hbm>> -> memref<128x128xf32, #tpu.memory_space<hbm>>
        tpu.enqueue_dma source(%arg18 : memref<128x128xf32, #tpu.memory_space<vmem>>) target(%dma_start3A_498 : memref<128x128xf32, #tpu.memory_space<hbm>>) target_semaphore(%run_scoped3A_494 : memref<!tpu.dma_semaphore, #tpu.memory_space<semaphore_mem>>)
        %dma_wait3A_499 = arith.constant 0 : i32
        %dma_wait3A_500 = tpu.memref_slice %arg10[%add3A_478, %dma_wait3A_499] : memref<20480x128xf32, #tpu.memory_space<hbm>> -> memref<128x128xf32, #tpu.memory_space<hbm>>
        %dma_wait3A_501 = arith.constant 0 : i32
        %dma_wait3A_502 = tpu.memref_slice %arg10[%add3A_478, %dma_wait3A_501] : memref<20480x128xf32, #tpu.memory_space<hbm>> -> memref<128x128xf32, #tpu.memory_space<hbm>>
        tpu.wait_dma2 semaphore(%run_scoped3A_494 : memref<!tpu.dma_semaphore, #tpu.memory_space<semaphore_mem>>) src(%arg18 : memref<128x128xf32, #tpu.memory_space<vmem>>) dst(%dma_wait3A_502 : memref<128x128xf32, #tpu.memory_space<hbm>>)
        tpu.yield
      }) : () -> ()
    }
    %scan3A_5 = arith.constant 5 : i32
    return
  }
}

module attributes {stable_mosaic.version = 14 : i64} {
  func.func @_prep_body(%arg0: i32, %arg1: memref<1x512x128xf32, #tpu.memory_space<vmem>>, %arg2: memref<128x128xf32, #tpu.memory_space<vmem>>, %arg3: memref<128x128xf32, #tpu.memory_space<vmem>>, %arg4: memref<1x512x128xf32, #tpu.memory_space<vmem>>, %arg5: memref<1x512x128xf32, #tpu.memory_space<vmem>>) attributes {dimension_semantics = [#tpu.dimension_semantics<arbitrary>], iteration_bounds = array<i64: 16>, scalar_prefetch = 0 : i64, scratch_operands = 0 : i64, tpu.core_type = #tpu.core_type<tc>, window_params = [{transform_indices = @transform_0, window_bounds = array<i64: 1, 512, 128>}, {pipeline_mode = #tpu.pipeline_mode<synchronous>, transform_indices = @transform_1, window_bounds = array<i64: 128, 128>}, {pipeline_mode = #tpu.pipeline_mode<synchronous>, transform_indices = @transform_2, window_bounds = array<i64: 128, 128>}, {transform_indices = @transform_3, window_bounds = array<i64: 1, 512, 128>}, {transform_indices = @transform_4, window_bounds = array<i64: 1, 512, 128>}]} {
    %get3A = arith.constant 0 : index
    %get3A_0 = arith.constant 0 : index
    %get3A_1 = arith.constant 0 : index
    %get3A_2 = vector.load %arg1[%get3A, %get3A_0, %get3A_1] : memref<1x512x128xf32, #tpu.memory_space<vmem>>, vector<1x512x128xf32>
    %get3A_3 = vector.shape_cast %get3A_2 : vector<1x512x128xf32> to vector<512x128xf32>
    %get3A_4 = arith.constant 0 : index
    %get3A_5 = arith.constant 0 : index
    %get3A_6 = vector.load %arg2[%get3A_4, %get3A_5] : memref<128x128xf32, #tpu.memory_space<vmem>>, vector<128x128xf32>
    %dot_general3A = arith.constant dense<0.000000e+00> : vector<512x128xf32>
    %dot_general3A_7 = tpu.matmul %get3A_3, %get3A_6, %dot_general3A {dimension_numbers = #tpu.dot_dimension_numbers<[1], [0], [0], [1], [0, 0, 1, 1], [], []>, transpose_lhs_hint = false} : vector<512x128xf32>, vector<128x128xf32>, vector<512x128xf32> -> vector<512x128xf32>
    %swap3A = arith.constant 0 : index
    %swap3A_8 = arith.constant 0 : index
    %swap3A_9 = arith.constant 0 : index
    %swap3A_10 = vector.load %arg4[%swap3A, %swap3A_8, %swap3A_9] : memref<1x512x128xf32, #tpu.memory_space<vmem>>, vector<1x512x128xf32>
    %swap3A_11 = vector.shape_cast %swap3A_10 : vector<1x512x128xf32> to vector<512x128xf32>
    %swap3A_12 = vector.shape_cast %dot_general3A_7 : vector<512x128xf32> to vector<1x512x128xf32>
    tpu.vector_store %arg4[%swap3A, %swap3A_8, %swap3A_9], %swap3A_12 {strides = array<i32>} : memref<1x512x128xf32, #tpu.memory_space<vmem>>, vector<1x512x128xf32>,
    %get3A_13 = arith.constant 0 : index
    %get3A_14 = arith.constant 0 : index
    %get3A_15 = arith.constant 0 : index
    %get3A_16 = vector.load %arg1[%get3A_13, %get3A_14, %get3A_15] : memref<1x512x128xf32, #tpu.memory_space<vmem>>, vector<1x512x128xf32>
    %get3A_17 = vector.shape_cast %get3A_16 : vector<1x512x128xf32> to vector<512x128xf32>
    %get3A_18 = arith.constant 0 : index
    %get3A_19 = arith.constant 0 : index
    %get3A_20 = vector.load %arg3[%get3A_18, %get3A_19] : memref<128x128xf32, #tpu.memory_space<vmem>>, vector<128x128xf32>
    %dot_general3A_21 = arith.constant dense<0.000000e+00> : vector<512x128xf32>
    %dot_general3A_22 = tpu.matmul %get3A_17, %get3A_20, %dot_general3A_21 {dimension_numbers = #tpu.dot_dimension_numbers<[1], [0], [0], [1], [0, 0, 1, 1], [], []>, transpose_lhs_hint = false} : vector<512x128xf32>, vector<128x128xf32>, vector<512x128xf32> -> vector<512x128xf32>
    %swap3A_23 = arith.constant 0 : index
    %swap3A_24 = arith.constant 0 : index
    %swap3A_25 = arith.constant 0 : index
    %swap3A_26 = vector.load %arg5[%swap3A_23, %swap3A_24, %swap3A_25] : memref<1x512x128xf32, #tpu.memory_space<vmem>>, vector<1x512x128xf32>
    %swap3A_27 = vector.shape_cast %swap3A_26 : vector<1x512x128xf32> to vector<512x128xf32>
    %swap3A_28 = vector.shape_cast %dot_general3A_22 : vector<512x128xf32> to vector<1x512x128xf32>
    tpu.vector_store %arg5[%swap3A_23, %swap3A_24, %swap3A_25], %swap3A_28 {strides = array<i32>} : memref<1x512x128xf32, #tpu.memory_space<vmem>>, vector<1x512x128xf32>,
    return
  }
  func.func @transform_0(%arg0: i32) -> (i32, i32, i32) {
    %c0_i32 = arith.constant 0 : i32
    %c0_i32_0 = arith.constant 0 : i32
    %c0_i32_1 = arith.constant 0 : i32
    return %arg0, %c0_i32, %c0_i32_0 : i32, i32, i32
  }
  func.func @transform_1(%arg0: i32) -> (i32, i32) {
    %c0_i32 = arith.constant 0 : i32
    %c0_i32_0 = arith.constant 0 : i32
    %c0_i32_1 = arith.constant 0 : i32
    return %c0_i32, %c0_i32_0 : i32, i32
  }
  func.func @transform_2(%arg0: i32) -> (i32, i32) {
    %c0_i32 = arith.constant 0 : i32
    %c0_i32_0 = arith.constant 0 : i32
    %c0_i32_1 = arith.constant 0 : i32
    return %c0_i32, %c0_i32_0 : i32, i32
  }
  func.func @transform_3(%arg0: i32) -> (i32, i32, i32) {
    %c0_i32 = arith.constant 0 : i32
    %c0_i32_0 = arith.constant 0 : i32
    %c0_i32_1 = arith.constant 0 : i32
    return %arg0, %c0_i32, %c0_i32_0 : i32, i32, i32
  }
  func.func @transform_4(%arg0: i32) -> (i32, i32, i32) {
    %c0_i32 = arith.constant 0 : i32
    %c0_i32_0 = arith.constant 0 : i32
    %c0_i32_1 = arith.constant 0 : i32
    return %arg0, %c0_i32, %c0_i32_0 : i32, i32, i32
  }
}

module attributes {stable_mosaic.version = 14 : i64} {
  func.func @_att_body(%arg0: i32, %arg1: memref<1x512x128xf32, #tpu.memory_space<vmem>>, %arg2: memref<1x512x128xf32, #tpu.memory_space<vmem>>, %arg3: memref<128x128xf32, #tpu.memory_space<vmem>>, %arg4: memref<128x128xf32, #tpu.memory_space<vmem>>, %arg5: memref<128x128xf32, #tpu.memory_space<vmem>>, %arg6: memref<1x512x128xf32, #tpu.memory_space<vmem>>) attributes {dimension_semantics = [#tpu.dimension_semantics<arbitrary>], iteration_bounds = array<i64: 16>, scalar_prefetch = 0 : i64, scratch_operands = 0 : i64, tpu.core_type = #tpu.core_type<tc>, window_params = [{transform_indices = @transform_0, window_bounds = array<i64: 1, 512, 128>}, {transform_indices = @transform_1, window_bounds = array<i64: 1, 512, 128>}, {pipeline_mode = #tpu.pipeline_mode<synchronous>, transform_indices = @transform_2, window_bounds = array<i64: 128, 128>}, {pipeline_mode = #tpu.pipeline_mode<synchronous>, transform_indices = @transform_3, window_bounds = array<i64: 128, 128>}, {pipeline_mode = #tpu.pipeline_mode<synchronous>, transform_indices = @transform_4, window_bounds = array<i64: 128, 128>}, {transform_indices = @transform_5, window_bounds = array<i64: 1, 512, 128>}]} {
    %get3A = arith.constant 0 : index
    %get3A_0 = arith.constant 0 : index
    %get3A_1 = arith.constant 0 : index
    %get3A_2 = vector.load %arg1[%get3A, %get3A_0, %get3A_1] : memref<1x512x128xf32, #tpu.memory_space<vmem>>, vector<1x512x128xf32>
    %get3A_3 = vector.shape_cast %get3A_2 : vector<1x512x128xf32> to vector<512x128xf32>
    %get3A_4 = arith.constant 0 : index
    %get3A_5 = arith.constant 0 : index
    %get3A_6 = vector.load %arg3[%get3A_4, %get3A_5] : memref<128x128xf32, #tpu.memory_space<vmem>>, vector<128x128xf32>
    %dot_general3A = arith.constant dense<0.000000e+00> : vector<512x128xf32>
    %dot_general3A_7 = tpu.matmul %get3A_3, %get3A_6, %dot_general3A {dimension_numbers = #tpu.dot_dimension_numbers<[1], [0], [0], [1], [0, 0, 1, 1], [], []>, transpose_lhs_hint = false} : vector<512x128xf32>, vector<128x128xf32>, vector<512x128xf32> -> vector<512x128xf32>
    %ge3A = arith.constant 0.000000e+00 : f32
    %ge3A_8 = vector.broadcast %ge3A : f32 to vector<512x128xf32>
    %ge3A_9 = arith.cmpf oge, %dot_general3A_7, %ge3A_8 : vector<512x128xf32>
    %mul3A = arith.constant 0.00999999977 : f32
    %mul3A_10 = vector.broadcast %mul3A : f32 to vector<512x128xf32>
    %mul3A_11 = arith.mulf %mul3A_10, %dot_general3A_7 : vector<512x128xf32>
    %select_n3A = arith.select %ge3A_9, %dot_general3A_7, %mul3A_11 : vector<512x128xi1>, vector<512x128xf32>
    %get3A_12 = arith.constant 0 : index
    %get3A_13 = arith.constant 0 : index
    %get3A_14 = arith.constant 0 : index
    %get3A_15 = vector.load %arg2[%get3A_12, %get3A_13, %get3A_14] : memref<1x512x128xf32, #tpu.memory_space<vmem>>, vector<1x512x128xf32>
    %get3A_16 = vector.shape_cast %get3A_15 : vector<1x512x128xf32> to vector<512x128xf32>
    %get3A_17 = arith.constant 0 : index
    %get3A_18 = arith.constant 0 : index
    %get3A_19 = vector.load %arg4[%get3A_17, %get3A_18] : memref<128x128xf32, #tpu.memory_space<vmem>>, vector<128x128xf32>
    %dot_general3A_20 = arith.constant dense<0.000000e+00> : vector<512x128xf32>
    %dot_general3A_21 = tpu.matmul %get3A_16, %get3A_19, %dot_general3A_20 {dimension_numbers = #tpu.dot_dimension_numbers<[1], [0], [0], [1], [0, 0, 1, 1], [], []>, transpose_lhs_hint = false} : vector<512x128xf32>, vector<128x128xf32>, vector<512x128xf32> -> vector<512x128xf32>
    %ge3A_22 = arith.constant 0.000000e+00 : f32
    %ge3A_23 = vector.broadcast %ge3A_22 : f32 to vector<512x128xf32>
    %ge3A_24 = arith.cmpf oge, %dot_general3A_21, %ge3A_23 : vector<512x128xf32>
    %mul3A_25 = arith.constant 0.00999999977 : f32
    %mul3A_26 = vector.broadcast %mul3A_25 : f32 to vector<512x128xf32>
    %mul3A_27 = arith.mulf %mul3A_26, %dot_general3A_21 : vector<512x128xf32>
    %select_n3A_28 = arith.select %ge3A_24, %dot_general3A_21, %mul3A_27 : vector<512x128xi1>, vector<512x128xf32>
    %get3A_29 = arith.constant 0 : index
    %get3A_30 = arith.constant 0 : index
    %get3A_31 = arith.constant 0 : index
    %get3A_32 = vector.load %arg2[%get3A_29, %get3A_30, %get3A_31] : memref<1x512x128xf32, #tpu.memory_space<vmem>>, vector<1x512x128xf32>
    %get3A_33 = vector.shape_cast %get3A_32 : vector<1x512x128xf32> to vector<512x128xf32>
    %get3A_34 = arith.constant 0 : index
    %get3A_35 = arith.constant 0 : index
    %get3A_36 = vector.load %arg5[%get3A_34, %get3A_35] : memref<128x128xf32, #tpu.memory_space<vmem>>, vector<128x128xf32>
    %dot_general3A_37 = arith.constant dense<0.000000e+00> : vector<512x128xf32>
    %dot_general3A_38 = tpu.matmul %get3A_33, %get3A_36, %dot_general3A_37 {dimension_numbers = #tpu.dot_dimension_numbers<[1], [0], [0], [1], [0, 0, 1, 1], [], []>, transpose_lhs_hint = false} : vector<512x128xf32>, vector<128x128xf32>, vector<512x128xf32> -> vector<512x128xf32>
    %dot_general3A_39 = arith.constant dense<0.000000e+00> : vector<512x512xf32>
    %dot_general3A_40 = tpu.matmul %select_n3A, %select_n3A_28, %dot_general3A_39 {dimension_numbers = #tpu.dot_dimension_numbers<[1], [1], [0], [0], [0, 0, 1, 0], [], []>, transpose_lhs_hint = false} : vector<512x128xf32>, vector<512x128xf32>, vector<512x512xf32> -> vector<512x512xf32>
    %reduce_max3A = arith.constant dense<0xFF800000> : vector<512xf32>
    %reduce_max3A_41 = vector.multi_reduction <maximumf>, %dot_general3A_40, %reduce_max3A [1] : vector<512x512xf32> to vector<512xf32>
    %broadcast_in_dim3A = vector.shape_cast %reduce_max3A_41 : vector<512xf32> to vector<512x1xf32>
    %sub3A = vector.broadcast %broadcast_in_dim3A : vector<512x1xf32> to vector<512x512xf32>
    %sub3A_42 = arith.subf %dot_general3A_40, %sub3A : vector<512x512xf32>
    %exp3A = math.exp %sub3A_42 : vector<512x512xf32>
    %reduce_sum3A = arith.constant dense<0.000000e+00> : vector<512xf32>
    %reduce_sum3A_43 = vector.multi_reduction <add>, %exp3A, %reduce_sum3A [1] : vector<512x512xf32> to vector<512xf32>
    %broadcast_in_dim3A_44 = vector.shape_cast %reduce_sum3A_43 : vector<512xf32> to vector<512x1xf32>
    %div3A = vector.broadcast %broadcast_in_dim3A_44 : vector<512x1xf32> to vector<512x512xf32>
    %div3A_45 = arith.divf %exp3A, %div3A : vector<512x512xf32>
    %dot_general3A_46 = arith.constant dense<0.000000e+00> : vector<512x128xf32>
    %dot_general3A_47 = tpu.matmul %div3A_45, %dot_general3A_38, %dot_general3A_46 {dimension_numbers = #tpu.dot_dimension_numbers<[1], [0], [0], [1], [0, 0, 1, 1], [], []>, transpose_lhs_hint = false} : vector<512x512xf32>, vector<512x128xf32>, vector<512x128xf32> -> vector<512x128xf32>
    %swap3A = arith.constant 0 : index
    %swap3A_48 = arith.constant 0 : index
    %swap3A_49 = arith.constant 0 : index
    %swap3A_50 = vector.load %arg6[%swap3A, %swap3A_48, %swap3A_49] : memref<1x512x128xf32, #tpu.memory_space<vmem>>, vector<1x512x128xf32>
    %swap3A_51 = vector.shape_cast %swap3A_50 : vector<1x512x128xf32> to vector<512x128xf32>
    %swap3A_52 = vector.shape_cast %dot_general3A_47 : vector<512x128xf32> to vector<1x512x128xf32>
    tpu.vector_store %arg6[%swap3A, %swap3A_48, %swap3A_49], %swap3A_52 {strides = array<i32>} : memref<1x512x128xf32, #tpu.memory_space<vmem>>, vector<1x512x128xf32>,
    return
  }
  func.func @transform_0(%arg0: i32) -> (i32, i32, i32) {
    %c0_i32 = arith.constant 0 : i32
    %c0_i32_0 = arith.constant 0 : i32
    %c0_i32_1 = arith.constant 0 : i32
    return %arg0, %c0_i32, %c0_i32_0 : i32, i32, i32
  }
  func.func @transform_1(%arg0: i32) -> (i32, i32, i32) {
    %c0_i32 = arith.constant 0 : i32
    %c0_i32_0 = arith.constant 0 : i32
    %c0_i32_1 = arith.constant 0 : i32
    return %arg0, %c0_i32, %c0_i32_0 : i32, i32, i32
  }
  func.func @transform_2(%arg0: i32) -> (i32, i32) {
    %c0_i32 = arith.constant 0 : i32
    %c0_i32_0 = arith.constant 0 : i32
    %c0_i32_1 = arith.constant 0 : i32
    return %c0_i32, %c0_i32_0 : i32, i32
  }
  func.func @transform_3(%arg0: i32) -> (i32, i32) {
    %c0_i32 = arith.constant 0 : i32
    %c0_i32_0 = arith.constant 0 : i32
    %c0_i32_1 = arith.constant 0 : i32
    return %c0_i32, %c0_i32_0 : i32, i32
  }
  func.func @transform_4(%arg0: i32) -> (i32, i32) {
    %c0_i32 = arith.constant 0 : i32
    %c0_i32_0 = arith.constant 0 : i32
    %c0_i32_1 = arith.constant 0 : i32
    return %c0_i32, %c0_i32_0 : i32, i32
  }
  func.func @transform_5(%arg0: i32) -> (i32, i32, i32) {
    %c0_i32 = arith.constant 0 : i32
    %c0_i32_0 = arith.constant 0 : i32
    %c0_i32_1 = arith.constant 0 : i32
    return %arg0, %c0_i32, %c0_i32_0 : i32, i32, i32
  }
}

module attributes {stable_mosaic.version = 14 : i64} {
  func.func @_edge_body(%arg0: i32, %arg1: i32, %arg2: memref<1x1x1x5120xi32, #tpu.memory_space<vmem>>, %arg3: memref<1x1x8x5120xf32, #tpu.memory_space<vmem>>, %arg4: memref<8x8xf32, #tpu.memory_space<vmem>>, %arg5: memref<1x5120x128xf32, #tpu.memory_space<vmem>>, %arg6: memref<1x5120x128xf32, #tpu.memory_space<vmem>>, %arg7: memref<1x5120x32xf32, #tpu.memory_space<vmem>>, %arg8: memref<16x128xbf16, #tpu.memory_space<vmem>>, %arg9: memref<32x128xbf16, #tpu.memory_space<vmem>>, %arg10: memref<1x16xf32, #tpu.memory_space<vmem>>, %arg11: memref<1x128xf32, #tpu.memory_space<vmem>>, %arg12: memref<1x128xf32, #tpu.memory_space<vmem>>, %arg13: memref<1x128xf32, #tpu.memory_space<vmem>>, %arg14: memref<128x128xbf16, #tpu.memory_space<vmem>>, %arg15: memref<1x128xf32, #tpu.memory_space<vmem>>, %arg16: memref<128x128xbf16, #tpu.memory_space<vmem>>, %arg17: memref<1x128xf32, #tpu.memory_space<vmem>>, %arg18: memref<1x128xf32, #tpu.memory_space<vmem>>, %arg19: memref<1x128xf32, #tpu.memory_space<vmem>>, %arg20: memref<128x8xbf16, #tpu.memory_space<vmem>>, %arg21: memref<1x8xf32, #tpu.memory_space<vmem>>, %arg22: memref<1x512x128xf32, #tpu.memory_space<vmem>>, %arg23: memref<1x512x8xf32, #tpu.memory_space<vmem>>) attributes {dimension_semantics = [#tpu.dimension_semantics<arbitrary>, #tpu.dimension_semantics<arbitrary>], iteration_bounds = array<i64: 4, 1>, scalar_prefetch = 0 : i64, scratch_operands = 0 : i64, tpu.core_type = #tpu.core_type<tc>, window_params = [{transform_indices = @transform_0, window_bounds = array<i64: 1, 1, 1, 5120>}, {transform_indices = @transform_1, window_bounds = array<i64: 1, 1, 8, 5120>}, {pipeline_mode = #tpu.pipeline_mode<synchronous>, transform_indices = @transform_2, window_bounds = array<i64: 8, 8>}, {transform_indices = @transform_3, window_bounds = array<i64: 1, 5120, 128>}, {transform_indices = @transform_4, window_bounds = array<i64: 1, 5120, 128>}, {transform_indices = @transform_5, window_bounds = array<i64: 1, 5120, 32>}, {pipeline_mode = #tpu.pipeline_mode<synchronous>, transform_indices = @transform_6, window_bounds = array<i64: 16, 128>}, {pipeline_mode = #tpu.pipeline_mode<synchronous>, transform_indices = @transform_7, window_bounds = array<i64: 32, 128>}, {pipeline_mode = #tpu.pipeline_mode<synchronous>, transform_indices = @transform_8, window_bounds = array<i64: 1, 16>}, {pipeline_mode = #tpu.pipeline_mode<synchronous>, transform_indices = @transform_9, window_bounds = array<i64: 1, 128>}, {pipeline_mode = #tpu.pipeline_mode<synchronous>, transform_indices = @transform_10, window_bounds = array<i64: 1, 128>}, {pipeline_mode = #tpu.pipeline_mode<synchronous>, transform_indices = @transform_11, window_bounds = array<i64: 1, 128>}, {pipeline_mode = #tpu.pipeline_mode<synchronous>, transform_indices = @transform_12, window_bounds = array<i64: 128, 128>}, {pipeline_mode = #tpu.pipeline_mode<synchronous>, transform_indices = @transform_13, window_bounds = array<i64: 1, 128>}, {pipeline_mode = #tpu.pipeline_mode<synchronous>, transform_indices = @transform_14, window_bounds = array<i64: 128, 128>}, {pipeline_mode = #tpu.pipeline_mode<synchronous>, transform_indices = @transform_15, window_bounds = array<i64: 1, 128>}, {pipeline_mode = #tpu.pipeline_mode<synchronous>, transform_indices = @transform_16, window_bounds = array<i64: 1, 128>}, {pipeline_mode = #tpu.pipeline_mode<synchronous>, transform_indices = @transform_17, window_bounds = array<i64: 1, 128>}, {pipeline_mode = #tpu.pipeline_mode<synchronous>, transform_indices = @transform_18, window_bounds = array<i64: 128, 8>}, {pipeline_mode = #tpu.pipeline_mode<synchronous>, transform_indices = @transform_19, window_bounds = array<i64: 1, 8>}, {transform_indices = @transform_20, window_bounds = array<i64: 1, 512, 128>}, {transform_indices = @transform_21, window_bounds = array<i64: 1, 512, 8>}]} {
    %get3A = arith.constant 0 : index
    %get3A_0 = arith.constant 0 : index
    %get3A_1 = arith.constant 0 : index
    %get3A_2 = arith.constant 0 : index
    %get3A_3 = vector.load %arg2[%get3A, %get3A_0, %get3A_1, %get3A_2] : memref<1x1x1x5120xi32, #tpu.memory_space<vmem>>, vector<1x1x1x5120xi32>
    %get3A_4 = vector.shape_cast %get3A_3 : vector<1x1x1x5120xi32> to vector<1x5120xi32>
    %get3A_5 = arith.constant 0 : index
    %get3A_6 = arith.constant 0 : index
    %get3A_7 = arith.constant 0 : index
    %get3A_8 = arith.constant 0 : index
    %get3A_9 = vector.load %arg3[%get3A_5, %get3A_6, %get3A_7, %get3A_8] : memref<1x1x8x5120xf32, #tpu.memory_space<vmem>>, vector<1x1x8x5120xf32>
    %get3A_10 = vector.shape_cast %get3A_9 : vector<1x1x8x5120xf32> to vector<8x5120xf32>
    %get3A_11 = arith.constant 0 : index
    %get3A_12 = arith.constant 0 : index
    %get3A_13 = vector.load %arg4[%get3A_11, %get3A_12] : memref<8x8xf32, #tpu.memory_space<vmem>>, vector<8x8xf32>
    %dot_general3A = arith.constant dense<0.000000e+00> : vector<5120x8xf32>
    %dot_general3A_14 = tpu.matmul %get3A_10, %get3A_13, %dot_general3A {dimension_numbers = #tpu.dot_dimension_numbers<[0], [0], [1], [1], [0, 1, 1, 1], [], []>, transpose_lhs_hint = false} : vector<8x5120xf32>, vector<8x8xf32>, vector<5120x8xf32> -> vector<5120x8xf32>
    %iota3A = tpu.iota {dimensions = array<i32: 1>} : vector<5120x8xi32>
    %slice3A = vector.extract_strided_slice %dot_general3A_14 {offsets = [0, 4], sizes = [5120, 1], strides = [1, 1]} : vector<5120x8xf32> to vector<5120x1xf32>
    %neg3A = arith.constant 0.000000e+00 : f32
    %neg3A_15 = vector.broadcast %neg3A : f32 to vector<5120x1xf32>
    %neg3A_16 = arith.subf %neg3A_15, %slice3A : vector<5120x1xf32>
    %get3A_17 = arith.constant 0 : index
    %get3A_18 = arith.constant 0 : index
    %get3A_19 = vector.load %arg10[%get3A_17, %get3A_18] : memref<1x16xf32, #tpu.memory_space<vmem>>, vector<1x16xf32>
    %mul3A = vector.broadcast %neg3A_16 : vector<5120x1xf32> to vector<5120x16xf32>
    %mul3A_20 = vector.broadcast %get3A_19 : vector<1x16xf32> to vector<5120x16xf32>
    %mul3A_21 = arith.mulf %mul3A, %mul3A_20 : vector<5120x16xf32>
    %exp3A = math.exp %mul3A_21 : vector<5120x16xf32>
    %get3A_22 = arith.constant 0 : index
    %get3A_23 = arith.constant 0 : index
    %get3A_24 = arith.constant 0 : index
    %get3A_25 = vector.load %arg5[%get3A_22, %get3A_23, %get3A_24] : memref<1x5120x128xf32, #tpu.memory_space<vmem>>, vector<1x5120x128xf32>
    %get3A_26 = vector.shape_cast %get3A_25 : vector<1x5120x128xf32> to vector<5120x128xf32>
    %get3A_27 = arith.constant 0 : index
    %get3A_28 = arith.constant 0 : index
    %get3A_29 = arith.constant 0 : index
    %get3A_30 = vector.load %arg6[%get3A_27, %get3A_28, %get3A_29] : memref<1x5120x128xf32, #tpu.memory_space<vmem>>, vector<1x5120x128xf32>
    %get3A_31 = vector.shape_cast %get3A_30 : vector<1x5120x128xf32> to vector<5120x128xf32>
    %add3A = arith.addf %get3A_26, %get3A_31 : vector<5120x128xf32>
    %get3A_32 = arith.constant 0 : index
    %get3A_33 = arith.constant 0 : index
    %get3A_34 = vector.load %arg8[%get3A_32, %get3A_33] : memref<16x128xbf16, #tpu.memory_space<vmem>>, vector<16x128xbf16>
    %convert_element_type3A = arith.truncf %exp3A : vector<5120x16xf32> to vector<5120x16xbf16>
    %dot_general3A_35 = arith.constant dense<0.000000e+00> : vector<5120x128xf32>
    %dot_general3A_36 = tpu.matmul %convert_element_type3A, %get3A_34, %dot_general3A_35 {dimension_numbers = #tpu.dot_dimension_numbers<[1], [0], [0], [1], [0, 0, 1, 1], [], []>, transpose_lhs_hint = false} : vector<5120x16xbf16>, vector<16x128xbf16>, vector<5120x128xf32> -> vector<5120x128xf32>
    %add3A_37 = arith.addf %add3A, %dot_general3A_36 : vector<5120x128xf32>
    %get3A_38 = arith.constant 0 : index
    %get3A_39 = arith.constant 0 : index
    %get3A_40 = arith.constant 0 : index
    %get3A_41 = vector.load %arg7[%get3A_38, %get3A_39, %get3A_40] : memref<1x5120x32xf32, #tpu.memory_space<vmem>>, vector<1x5120x32xf32>
    %get3A_42 = vector.shape_cast %get3A_41 : vector<1x5120x32xf32> to vector<5120x32xf32>
    %get3A_43 = arith.constant 0 : index
    %get3A_44 = arith.constant 0 : index
    %get3A_45 = vector.load %arg9[%get3A_43, %get3A_44] : memref<32x128xbf16, #tpu.memory_space<vmem>>, vector<32x128xbf16>
    %convert_element_type3A_46 = arith.truncf %get3A_42 : vector<5120x32xf32> to vector<5120x32xbf16>
    %dot_general3A_47 = arith.constant dense<0.000000e+00> : vector<5120x128xf32>
    %dot_general3A_48 = tpu.matmul %convert_element_type3A_46, %get3A_45, %dot_general3A_47 {dimension_numbers = #tpu.dot_dimension_numbers<[1], [0], [0], [1], [0, 0, 1, 1], [], []>, transpose_lhs_hint = false} : vector<5120x32xbf16>, vector<32x128xbf16>, vector<5120x128xf32> -> vector<5120x128xf32>
    %add3A_49 = arith.addf %add3A_37, %dot_general3A_48 : vector<5120x128xf32>
    %get3A_50 = arith.constant 0 : index
    %get3A_51 = arith.constant 0 : index
    %get3A_52 = vector.load %arg11[%get3A_50, %get3A_51] : memref<1x128xf32, #tpu.memory_space<vmem>>, vector<1x128xf32>
    %add3A_53 = vector.broadcast %get3A_52 : vector<1x128xf32> to vector<5120x128xf32>
    %add3A_54 = arith.addf %add3A_49, %add3A_53 : vector<5120x128xf32>
    %ge3A = arith.constant 0.000000e+00 : f32
    %ge3A_55 = vector.broadcast %ge3A : f32 to vector<5120x128xf32>
    %ge3A_56 = arith.cmpf oge, %add3A_54, %ge3A_55 : vector<5120x128xf32>
    %mul3A_57 = arith.constant 0.00999999977 : f32
    %mul3A_58 = vector.broadcast %mul3A_57 : f32 to vector<5120x128xf32>
    %mul3A_59 = arith.mulf %mul3A_58, %add3A_54 : vector<5120x128xf32>
    %select_n3A = arith.select %ge3A_56, %add3A_54, %mul3A_59 : vector<5120x128xi1>, vector<5120x128xf32>
    %get3A_60 = arith.constant 0 : index
    %get3A_61 = arith.constant 0 : index
    %get3A_62 = vector.load %arg12[%get3A_60, %get3A_61] : memref<1x128xf32, #tpu.memory_space<vmem>>, vector<1x128xf32>
    %get3A_63 = arith.constant 0 : index
    %get3A_64 = arith.constant 0 : index
    %get3A_65 = vector.load %arg13[%get3A_63, %get3A_64] : memref<1x128xf32, #tpu.memory_space<vmem>>, vector<1x128xf32>
    %reduce_sum3A = arith.constant dense<0.000000e+00> : vector<5120xf32>
    %reduce_sum3A_66 = vector.multi_reduction <add>, %select_n3A, %reduce_sum3A [1] : vector<5120x128xf32> to vector<5120xf32>
    %broadcast_in_dim3A = vector.shape_cast %reduce_sum3A_66 : vector<5120xf32> to vector<5120x1xf32>
    %div3A = arith.constant 1.280000e+02 : f32
    %div3A_67 = vector.broadcast %div3A : f32 to vector<5120x1xf32>
    %div3A_68 = arith.divf %broadcast_in_dim3A, %div3A_67 : vector<5120x1xf32>
    %sub3A = vector.broadcast %div3A_68 : vector<5120x1xf32> to vector<5120x128xf32>
    %sub3A_69 = arith.subf %select_n3A, %sub3A : vector<5120x128xf32>
    %sub3A_70 = vector.broadcast %div3A_68 : vector<5120x1xf32> to vector<5120x128xf32>
    %sub3A_71 = arith.subf %select_n3A, %sub3A_70 : vector<5120x128xf32>
    %mul3A_72 = arith.mulf %sub3A_69, %sub3A_71 : vector<5120x128xf32>
    %reduce_sum3A_73 = arith.constant dense<0.000000e+00> : vector<5120xf32>
    %reduce_sum3A_74 = vector.multi_reduction <add>, %mul3A_72, %reduce_sum3A_73 [1] : vector<5120x128xf32> to vector<5120xf32>
    %broadcast_in_dim3A_75 = vector.shape_cast %reduce_sum3A_74 : vector<5120xf32> to vector<5120x1xf32>
    %div3A_76 = arith.constant 1.280000e+02 : f32
    %div3A_77 = vector.broadcast %div3A_76 : f32 to vector<5120x1xf32>
    %div3A_78 = arith.divf %broadcast_in_dim3A_75, %div3A_77 : vector<5120x1xf32>
    %sub3A_79 = vector.broadcast %div3A_68 : vector<5120x1xf32> to vector<5120x128xf32>
    %sub3A_80 = arith.subf %select_n3A, %sub3A_79 : vector<5120x128xf32>
    %add3A_81 = arith.constant 9.99999974E-6 : f32
    %add3A_82 = vector.broadcast %add3A_81 : f32 to vector<5120x1xf32>
    %add3A_83 = arith.addf %div3A_78, %add3A_82 : vector<5120x1xf32>
    %rsqrt3A = math.rsqrt %add3A_83 : vector<5120x1xf32>
    %mul3A_84 = vector.broadcast %rsqrt3A : vector<5120x1xf32> to vector<5120x128xf32>
    %mul3A_85 = arith.mulf %sub3A_80, %mul3A_84 : vector<5120x128xf32>
    %mul3A_86 = vector.broadcast %get3A_62 : vector<1x128xf32> to vector<5120x128xf32>
    %mul3A_87 = arith.mulf %mul3A_85, %mul3A_86 : vector<5120x128xf32>
    %add3A_88 = vector.broadcast %get3A_65 : vector<1x128xf32> to vector<5120x128xf32>
    %add3A_89 = arith.addf %mul3A_87, %add3A_88 : vector<5120x128xf32>
    %get3A_90 = arith.constant 0 : index
    %get3A_91 = arith.constant 0 : index
    %get3A_92 = vector.load %arg14[%get3A_90, %get3A_91] : memref<128x128xbf16, #tpu.memory_space<vmem>>, vector<128x128xbf16>
    %convert_element_type3A_93 = arith.truncf %add3A_89 : vector<5120x128xf32> to vector<5120x128xbf16>
    %dot_general3A_94 = arith.constant dense<0.000000e+00> : vector<5120x128xf32>
    %dot_general3A_95 = tpu.matmul %convert_element_type3A_93, %get3A_92, %dot_general3A_94 {dimension_numbers = #tpu.dot_dimension_numbers<[1], [0], [0], [1], [0, 0, 1, 1], [], []>, transpose_lhs_hint = false} : vector<5120x128xbf16>, vector<128x128xbf16>, vector<5120x128xf32> -> vector<5120x128xf32>
    %get3A_96 = arith.constant 0 : index
    %get3A_97 = arith.constant 0 : index
    %get3A_98 = vector.load %arg15[%get3A_96, %get3A_97] : memref<1x128xf32, #tpu.memory_space<vmem>>, vector<1x128xf32>
    %add3A_99 = vector.broadcast %get3A_98 : vector<1x128xf32> to vector<5120x128xf32>
    %add3A_100 = arith.addf %dot_general3A_95, %add3A_99 : vector<5120x128xf32>
    %get3A_101 = arith.constant 0 : index
    %get3A_102 = arith.constant 0 : index
    %get3A_103 = vector.load %arg16[%get3A_101, %get3A_102] : memref<128x128xbf16, #tpu.memory_space<vmem>>, vector<128x128xbf16>
    %convert_element_type3A_104 = arith.truncf %add3A_100 : vector<5120x128xf32> to vector<5120x128xbf16>
    %dot_general3A_105 = arith.constant dense<0.000000e+00> : vector<5120x128xf32>
    %dot_general3A_106 = tpu.matmul %convert_element_type3A_104, %get3A_103, %dot_general3A_105 {dimension_numbers = #tpu.dot_dimension_numbers<[1], [0], [0], [1], [0, 0, 1, 1], [], []>, transpose_lhs_hint = false} : vector<5120x128xbf16>, vector<128x128xbf16>, vector<5120x128xf32> -> vector<5120x128xf32>
    %get3A_107 = arith.constant 0 : index
    %get3A_108 = arith.constant 0 : index
    %get3A_109 = vector.load %arg17[%get3A_107, %get3A_108] : memref<1x128xf32, #tpu.memory_space<vmem>>, vector<1x128xf32>
    %add3A_110 = vector.broadcast %get3A_109 : vector<1x128xf32> to vector<5120x128xf32>
    %add3A_111 = arith.addf %dot_general3A_106, %add3A_110 : vector<5120x128xf32>
    %ge3A_112 = arith.constant 0.000000e+00 : f32
    %ge3A_113 = vector.broadcast %ge3A_112 : f32 to vector<5120x128xf32>
    %ge3A_114 = arith.cmpf oge, %add3A_111, %ge3A_113 : vector<5120x128xf32>
    %mul3A_115 = arith.constant 0.00999999977 : f32
    %mul3A_116 = vector.broadcast %mul3A_115 : f32 to vector<5120x128xf32>
    %mul3A_117 = arith.mulf %mul3A_116, %add3A_111 : vector<5120x128xf32>
    %select_n3A_118 = arith.select %ge3A_114, %add3A_111, %mul3A_117 : vector<5120x128xi1>, vector<5120x128xf32>
    %get3A_119 = arith.constant 0 : index
    %get3A_120 = arith.constant 0 : index
    %get3A_121 = vector.load %arg18[%get3A_119, %get3A_120] : memref<1x128xf32, #tpu.memory_space<vmem>>, vector<1x128xf32>
    %get3A_122 = arith.constant 0 : index
    %get3A_123 = arith.constant 0 : index
    %get3A_124 = vector.load %arg19[%get3A_122, %get3A_123] : memref<1x128xf32, #tpu.memory_space<vmem>>, vector<1x128xf32>
    %reduce_sum3A_125 = arith.constant dense<0.000000e+00> : vector<5120xf32>
    %reduce_sum3A_126 = vector.multi_reduction <add>, %select_n3A_118, %reduce_sum3A_125 [1] : vector<5120x128xf32> to vector<5120xf32>
    %broadcast_in_dim3A_127 = vector.shape_cast %reduce_sum3A_126 : vector<5120xf32> to vector<5120x1xf32>
    %div3A_128 = arith.constant 1.280000e+02 : f32
    %div3A_129 = vector.broadcast %div3A_128 : f32 to vector<5120x1xf32>
    %div3A_130 = arith.divf %broadcast_in_dim3A_127, %div3A_129 : vector<5120x1xf32>
    %sub3A_131 = vector.broadcast %div3A_130 : vector<5120x1xf32> to vector<5120x128xf32>
    %sub3A_132 = arith.subf %select_n3A_118, %sub3A_131 : vector<5120x128xf32>
    %sub3A_133 = vector.broadcast %div3A_130 : vector<5120x1xf32> to vector<5120x128xf32>
    %sub3A_134 = arith.subf %select_n3A_118, %sub3A_133 : vector<5120x128xf32>
    %mul3A_135 = arith.mulf %sub3A_132, %sub3A_134 : vector<5120x128xf32>
    %reduce_sum3A_136 = arith.constant dense<0.000000e+00> : vector<5120xf32>
    %reduce_sum3A_137 = vector.multi_reduction <add>, %mul3A_135, %reduce_sum3A_136 [1] : vector<5120x128xf32> to vector<5120xf32>
    %broadcast_in_dim3A_138 = vector.shape_cast %reduce_sum3A_137 : vector<5120xf32> to vector<5120x1xf32>
    %div3A_139 = arith.constant 1.280000e+02 : f32
    %div3A_140 = vector.broadcast %div3A_139 : f32 to vector<5120x1xf32>
    %div3A_141 = arith.divf %broadcast_in_dim3A_138, %div3A_140 : vector<5120x1xf32>
    %sub3A_142 = vector.broadcast %div3A_130 : vector<5120x1xf32> to vector<5120x128xf32>
    %sub3A_143 = arith.subf %select_n3A_118, %sub3A_142 : vector<5120x128xf32>
    %add3A_144 = arith.constant 9.99999974E-6 : f32
    %add3A_145 = vector.broadcast %add3A_144 : f32 to vector<5120x1xf32>
    %add3A_146 = arith.addf %div3A_141, %add3A_145 : vector<5120x1xf32>
    %rsqrt3A_147 = math.rsqrt %add3A_146 : vector<5120x1xf32>
    %mul3A_148 = vector.broadcast %rsqrt3A_147 : vector<5120x1xf32> to vector<5120x128xf32>
    %mul3A_149 = arith.mulf %sub3A_143, %mul3A_148 : vector<5120x128xf32>
    %mul3A_150 = vector.broadcast %get3A_121 : vector<1x128xf32> to vector<5120x128xf32>
    %mul3A_151 = arith.mulf %mul3A_149, %mul3A_150 : vector<5120x128xf32>
    %add3A_152 = vector.broadcast %get3A_124 : vector<1x128xf32> to vector<5120x128xf32>
    %add3A_153 = arith.addf %mul3A_151, %add3A_152 : vector<5120x128xf32>
    %get3A_154 = arith.constant 0 : index
    %get3A_155 = arith.constant 0 : index
    %get3A_156 = vector.load %arg20[%get3A_154, %get3A_155] : memref<128x8xbf16, #tpu.memory_space<vmem>>, vector<128x8xbf16>
    %convert_element_type3A_157 = arith.truncf %add3A_153 : vector<5120x128xf32> to vector<5120x128xbf16>
    %dot_general3A_158 = arith.constant dense<0.000000e+00> : vector<5120x8xf32>
    %dot_general3A_159 = tpu.matmul %convert_element_type3A_157, %get3A_156, %dot_general3A_158 {dimension_numbers = #tpu.dot_dimension_numbers<[1], [0], [0], [1], [0, 0, 1, 1], [], []>, transpose_lhs_hint = false} : vector<5120x128xbf16>, vector<128x8xbf16>, vector<5120x8xf32> -> vector<5120x8xf32>
    %get3A_160 = arith.constant 0 : index
    %get3A_161 = arith.constant 0 : index
    %get3A_162 = vector.load %arg21[%get3A_160, %get3A_161] : memref<1x8xf32, #tpu.memory_space<vmem>>, vector<1x8xf32>
    %add3A_163 = vector.broadcast %get3A_162 : vector<1x8xf32> to vector<5120x8xf32>
    %add3A_164 = arith.addf %dot_general3A_159, %add3A_163 : vector<5120x8xf32>
    %slice3A_165 = vector.extract_strided_slice %add3A_164 {offsets = [0, 0], sizes = [5120, 1], strides = [1, 1]} : vector<5120x8xf32> to vector<5120x1xf32>
    %lt3A = arith.constant 3 : i32
    %lt3A_166 = vector.broadcast %lt3A : i32 to vector<5120x8xi32>
    %lt3A_167 = arith.cmpi slt, %iota3A, %lt3A_166 : vector<5120x8xi32>
    %convert_element_type3A_168 = arith.extui %lt3A_167 : vector<5120x8xi1> to vector<5120x8xi32>
    %convert_element_type3A_169 = arith.sitofp %convert_element_type3A_168 : vector<5120x8xi32> to vector<5120x8xf32>
    %mul3A_170 = vector.broadcast %slice3A_165 : vector<5120x1xf32> to vector<5120x8xf32>
    %mul3A_171 = arith.mulf %mul3A_170, %convert_element_type3A_169 : vector<5120x8xf32>
    %eq3A = arith.constant 3 : i32
    %eq3A_172 = vector.broadcast %eq3A : i32 to vector<5120x8xi32>
    %eq3A_173 = arith.cmpi eq, %iota3A, %eq3A_172 : vector<5120x8xi32>
    %convert_element_type3A_174 = arith.extui %eq3A_173 : vector<5120x8xi1> to vector<5120x8xi32>
    %convert_element_type3A_175 = arith.sitofp %convert_element_type3A_174 : vector<5120x8xi32> to vector<5120x8xf32>
    %add3A_176 = arith.addf %mul3A_171, %convert_element_type3A_175 : vector<5120x8xf32>
    %mul3A_177 = arith.mulf %dot_general3A_14, %add3A_176 : vector<5120x8xf32>
    %iota3A_178 = tpu.iota {dimensions = array<i32: 0>} : vector<512x5120xi32>
    %eq3A_179 = vector.broadcast %get3A_4 : vector<1x5120xi32> to vector<512x5120xi32>
    %eq3A_180 = arith.cmpi eq, %iota3A_178, %eq3A_179 : vector<512x5120xi32>
    %convert_element_type3A_181 = arith.extui %eq3A_180 : vector<512x5120xi1> to vector<512x5120xi32>
    %convert_element_type3A_182 = arith.sitofp %convert_element_type3A_181 : vector<512x5120xi32> to vector<512x5120xf32>
    %convert_element_type3A_183 = arith.truncf %convert_element_type3A_182 : vector<512x5120xf32> to vector<512x5120xbf16>
    %convert_element_type3A_184 = arith.truncf %add3A_100 : vector<5120x128xf32> to vector<5120x128xbf16>
    %dot_general3A_185 = arith.constant dense<0.000000e+00> : vector<512x128xf32>
    %dot_general3A_186 = tpu.matmul %convert_element_type3A_183, %convert_element_type3A_184, %dot_general3A_185 {dimension_numbers = #tpu.dot_dimension_numbers<[1], [0], [0], [1], [0, 0, 1, 1], [], []>, transpose_lhs_hint = false} : vector<512x5120xbf16>, vector<5120x128xbf16>, vector<512x128xf32> -> vector<512x128xf32>
    %convert_element_type3A_187 = arith.truncf %mul3A_177 : vector<5120x8xf32> to vector<5120x8xbf16>
    %dot_general3A_188 = arith.constant dense<0.000000e+00> : vector<512x8xf32>
    %dot_general3A_189 = tpu.matmul %convert_element_type3A_183, %convert_element_type3A_187, %dot_general3A_188 {dimension_numbers = #tpu.dot_dimension_numbers<[1], [0], [0], [1], [0, 0, 1, 1], [], []>, transpose_lhs_hint = false} : vector<512x5120xbf16>, vector<5120x8xbf16>, vector<512x8xf32> -> vector<512x8xf32>
    %eq3A_190 = arith.constant 0 : i32
    %eq3A_191 = arith.cmpi eq, %arg1, %eq3A_190 : i32
    %convert_element_type3A_192 = arith.extui %eq3A_191 : i1 to i32
    %cond3A = arith.constant 0 : i32
    %cond3A_193 = arith.cmpi ne, %convert_element_type3A_192, %cond3A : i32
    scf.if %cond3A_193 {
      %swap3A = arith.constant 0 : index
      %swap3A_198 = arith.constant 0 : index
      %swap3A_199 = arith.constant 0 : index
      %swap3A_200 = vector.load %arg22[%swap3A, %swap3A_198, %swap3A_199] : memref<1x512x128xf32, #tpu.memory_space<vmem>>, vector<1x512x128xf32>
      %swap3A_201 = vector.shape_cast %swap3A_200 : vector<1x512x128xf32> to vector<512x128xf32>
      %swap3A_202 = vector.shape_cast %dot_general3A_186 : vector<512x128xf32> to vector<1x512x128xf32>
      tpu.vector_store %arg22[%swap3A, %swap3A_198, %swap3A_199], %swap3A_202 {strides = array<i32>} : memref<1x512x128xf32, #tpu.memory_space<vmem>>, vector<1x512x128xf32>,
      %swap3A_203 = arith.constant 0 : index
      %swap3A_204 = arith.constant 0 : index
      %swap3A_205 = arith.constant 0 : index
      %swap3A_206 = vector.load %arg23[%swap3A_203, %swap3A_204, %swap3A_205] : memref<1x512x8xf32, #tpu.memory_space<vmem>>, vector<1x512x8xf32>
      %swap3A_207 = vector.shape_cast %swap3A_206 : vector<1x512x8xf32> to vector<512x8xf32>
      %swap3A_208 = vector.shape_cast %dot_general3A_189 : vector<512x8xf32> to vector<1x512x8xf32>
      tpu.vector_store %arg23[%swap3A_203, %swap3A_204, %swap3A_205], %swap3A_208 {strides = array<i32>} : memref<1x512x8xf32, #tpu.memory_space<vmem>>, vector<1x512x8xf32>,
    } else {
    }
    %ne3A = arith.constant 0 : i32
    %ne3A_194 = arith.cmpi ne, %arg1, %ne3A : i32
    %convert_element_type3A_195 = arith.extui %ne3A_194 : i1 to i32
    %cond3A_196 = arith.constant 0 : i32
    %cond3A_197 = arith.cmpi ne, %convert_element_type3A_195, %cond3A_196 : i32
    scf.if %cond3A_197 {
      %get3A_198 = arith.constant 0 : index
      %get3A_199 = arith.constant 0 : index
      %get3A_200 = arith.constant 0 : index
      %get3A_201 = vector.load %arg22[%get3A_198, %get3A_199, %get3A_200] : memref<1x512x128xf32, #tpu.memory_space<vmem>>, vector<1x512x128xf32>
      %get3A_202 = vector.shape_cast %get3A_201 : vector<1x512x128xf32> to vector<512x128xf32>
      %add3A_203 = arith.addf %get3A_202, %dot_general3A_186 : vector<512x128xf32>
      %swap3A = arith.constant 0 : index
      %swap3A_204 = arith.constant 0 : index
      %swap3A_205 = arith.constant 0 : index
      %swap3A_206 = vector.load %arg22[%swap3A, %swap3A_204, %swap3A_205] : memref<1x512x128xf32, #tpu.memory_space<vmem>>, vector<1x512x128xf32>
      %swap3A_207 = vector.shape_cast %swap3A_206 : vector<1x512x128xf32> to vector<512x128xf32>
      %swap3A_208 = vector.shape_cast %add3A_203 : vector<512x128xf32> to vector<1x512x128xf32>
      tpu.vector_store %arg22[%swap3A, %swap3A_204, %swap3A_205], %swap3A_208 {strides = array<i32>} : memref<1x512x128xf32, #tpu.memory_space<vmem>>, vector<1x512x128xf32>,
      %get3A_209 = arith.constant 0 : index
      %get3A_210 = arith.constant 0 : index
      %get3A_211 = arith.constant 0 : index
      %get3A_212 = vector.load %arg23[%get3A_209, %get3A_210, %get3A_211] : memref<1x512x8xf32, #tpu.memory_space<vmem>>, vector<1x512x8xf32>
      %get3A_213 = vector.shape_cast %get3A_212 : vector<1x512x8xf32> to vector<512x8xf32>
      %add3A_214 = arith.addf %get3A_213, %dot_general3A_189 : vector<512x8xf32>
      %swap3A_215 = arith.constant 0 : index
      %swap3A_216 = arith.constant 0 : index
      %swap3A_217 = arith.constant 0 : index
      %swap3A_218 = vector.load %arg23[%swap3A_215, %swap3A_216, %swap3A_217] : memref<1x512x8xf32, #tpu.memory_space<vmem>>, vector<1x512x8xf32>
      %swap3A_219 = vector.shape_cast %swap3A_218 : vector<1x512x8xf32> to vector<512x8xf32>
      %swap3A_220 = vector.shape_cast %add3A_214 : vector<512x8xf32> to vector<1x512x8xf32>
      tpu.vector_store %arg23[%swap3A_215, %swap3A_216, %swap3A_217], %swap3A_220 {strides = array<i32>} : memref<1x512x8xf32, #tpu.memory_space<vmem>>, vector<1x512x8xf32>,
    } else {
    }
    return
  }
  func.func @transform_0(%arg0: i32, %arg1: i32) -> (i32, i32, i32, i32) {
    %c0_i32 = arith.constant 0 : i32
    %c0_i32_0 = arith.constant 0 : i32
    %c0_i32_1 = arith.constant 0 : i32
    return %arg0, %arg1, %c0_i32, %c0_i32_0 : i32, i32, i32, i32
  }
  func.func @transform_1(%arg0: i32, %arg1: i32) -> (i32, i32, i32, i32) {
    %c0_i32 = arith.constant 0 : i32
    %c0_i32_0 = arith.constant 0 : i32
    %c0_i32_1 = arith.constant 0 : i32
    return %arg0, %arg1, %c0_i32, %c0_i32_0 : i32, i32, i32, i32
  }
  func.func @transform_2(%arg0: i32, %arg1: i32) -> (i32, i32) {
    %c0_i32 = arith.constant 0 : i32
    %c0_i32_0 = arith.constant 0 : i32
    %c0_i32_1 = arith.constant 0 : i32
    return %c0_i32, %c0_i32_0 : i32, i32
  }
  func.func @transform_3(%arg0: i32, %arg1: i32) -> (i32, i32, i32) {
    %c0_i32 = arith.constant 0 : i32
    %c0_i32_0 = arith.constant 0 : i32
    return %arg0, %arg1, %c0_i32 : i32, i32, i32
  }
  func.func @transform_4(%arg0: i32, %arg1: i32) -> (i32, i32, i32) {
    %c0_i32 = arith.constant 0 : i32
    %c0_i32_0 = arith.constant 0 : i32
    return %arg0, %arg1, %c0_i32 : i32, i32, i32
  }
  func.func @transform_5(%arg0: i32, %arg1: i32) -> (i32, i32, i32) {
    %c0_i32 = arith.constant 0 : i32
    %c0_i32_0 = arith.constant 0 : i32
    return %arg0, %arg1, %c0_i32 : i32, i32, i32
  }
  func.func @transform_6(%arg0: i32, %arg1: i32) -> (i32, i32) {
    %c0_i32 = arith.constant 0 : i32
    %c0_i32_0 = arith.constant 0 : i32
    %c0_i32_1 = arith.constant 0 : i32
    return %c0_i32, %c0_i32_0 : i32, i32
  }
  func.func @transform_7(%arg0: i32, %arg1: i32) -> (i32, i32) {
    %c0_i32 = arith.constant 0 : i32
    %c0_i32_0 = arith.constant 0 : i32
    %c0_i32_1 = arith.constant 0 : i32
    return %c0_i32, %c0_i32_0 : i32, i32
  }
  func.func @transform_8(%arg0: i32, %arg1: i32) -> (i32, i32) {
    %c0_i32 = arith.constant 0 : i32
    %c0_i32_0 = arith.constant 0 : i32
    %c0_i32_1 = arith.constant 0 : i32
    return %c0_i32, %c0_i32_0 : i32, i32
  }
  func.func @transform_9(%arg0: i32, %arg1: i32) -> (i32, i32) {
    %c0_i32 = arith.constant 0 : i32
    %c0_i32_0 = arith.constant 0 : i32
    %c0_i32_1 = arith.constant 0 : i32
    return %c0_i32, %c0_i32_0 : i32, i32
  }
  func.func @transform_10(%arg0: i32, %arg1: i32) -> (i32, i32) {
    %c0_i32 = arith.constant 0 : i32
    %c0_i32_0 = arith.constant 0 : i32
    %c0_i32_1 = arith.constant 0 : i32
    return %c0_i32, %c0_i32_0 : i32, i32
  }
  func.func @transform_11(%arg0: i32, %arg1: i32) -> (i32, i32) {
    %c0_i32 = arith.constant 0 : i32
    %c0_i32_0 = arith.constant 0 : i32
    %c0_i32_1 = arith.constant 0 : i32
    return %c0_i32, %c0_i32_0 : i32, i32
  }
  func.func @transform_12(%arg0: i32, %arg1: i32) -> (i32, i32) {
    %c0_i32 = arith.constant 0 : i32
    %c0_i32_0 = arith.constant 0 : i32
    %c0_i32_1 = arith.constant 0 : i32
    return %c0_i32, %c0_i32_0 : i32, i32
  }
  func.func @transform_13(%arg0: i32, %arg1: i32) -> (i32, i32) {
    %c0_i32 = arith.constant 0 : i32
    %c0_i32_0 = arith.constant 0 : i32
    %c0_i32_1 = arith.constant 0 : i32
    return %c0_i32, %c0_i32_0 : i32, i32
  }
  func.func @transform_14(%arg0: i32, %arg1: i32) -> (i32, i32) {
    %c0_i32 = arith.constant 0 : i32
    %c0_i32_0 = arith.constant 0 : i32
    %c0_i32_1 = arith.constant 0 : i32
    return %c0_i32, %c0_i32_0 : i32, i32
  }
  func.func @transform_15(%arg0: i32, %arg1: i32) -> (i32, i32) {
    %c0_i32 = arith.constant 0 : i32
    %c0_i32_0 = arith.constant 0 : i32
    %c0_i32_1 = arith.constant 0 : i32
    return %c0_i32, %c0_i32_0 : i32, i32
  }
  func.func @transform_16(%arg0: i32, %arg1: i32) -> (i32, i32) {
    %c0_i32 = arith.constant 0 : i32
    %c0_i32_0 = arith.constant 0 : i32
    %c0_i32_1 = arith.constant 0 : i32
    return %c0_i32, %c0_i32_0 : i32, i32
  }
  func.func @transform_17(%arg0: i32, %arg1: i32) -> (i32, i32) {
    %c0_i32 = arith.constant 0 : i32
    %c0_i32_0 = arith.constant 0 : i32
    %c0_i32_1 = arith.constant 0 : i32
    return %c0_i32, %c0_i32_0 : i32, i32
  }
  func.func @transform_18(%arg0: i32, %arg1: i32) -> (i32, i32) {
    %c0_i32 = arith.constant 0 : i32
    %c0_i32_0 = arith.constant 0 : i32
    %c0_i32_1 = arith.constant 0 : i32
    return %c0_i32, %c0_i32_0 : i32, i32
  }
  func.func @transform_19(%arg0: i32, %arg1: i32) -> (i32, i32) {
    %c0_i32 = arith.constant 0 : i32
    %c0_i32_0 = arith.constant 0 : i32
    %c0_i32_1 = arith.constant 0 : i32
    return %c0_i32, %c0_i32_0 : i32, i32
  }
  func.func @transform_20(%arg0: i32, %arg1: i32) -> (i32, i32, i32) {
    %c0_i32 = arith.constant 0 : i32
    %c0_i32_0 = arith.constant 0 : i32
    %c0_i32_1 = arith.constant 0 : i32
    return %arg0, %c0_i32, %c0_i32_0 : i32, i32, i32
  }
  func.func @transform_21(%arg0: i32, %arg1: i32) -> (i32, i32, i32) {
    %c0_i32 = arith.constant 0 : i32
    %c0_i32_0 = arith.constant 0 : i32
    %c0_i32_1 = arith.constant 0 : i32
    return %arg0, %c0_i32, %c0_i32_0 : i32, i32, i32
  }
}

module attributes {stable_mosaic.version = 14 : i64} {
  func.func @_node_body(%arg0: i32, %arg1: memref<1x512x8xf32, #tpu.memory_space<vmem>>, %arg2: memref<1x512x128xf32, #tpu.memory_space<vmem>>, %arg3: memref<1x512x128xf32, #tpu.memory_space<vmem>>, %arg4: memref<1x512x1xf32, #tpu.memory_space<vmem>>, %arg5: memref<1x512x128xf32, #tpu.memory_space<vmem>>, %arg6: memref<1x512x128xf32, #tpu.memory_space<vmem>>, %arg7: memref<1x512x8xf32, #tpu.memory_space<vmem>>, %arg8: memref<1x128xf32, #tpu.memory_space<vmem>>, %arg9: memref<1x128xf32, #tpu.memory_space<vmem>>, %arg10: memref<128x128xf32, #tpu.memory_space<vmem>>, %arg11: memref<128x128xf32, #tpu.memory_space<vmem>>, %arg12: memref<128x128xf32, #tpu.memory_space<vmem>>, %arg13: memref<128x128xf32, #tpu.memory_space<vmem>>, %arg14: memref<1x128xf32, #tpu.memory_space<vmem>>, %arg15: memref<1x128xf32, #tpu.memory_space<vmem>>, %arg16: memref<1x128xf32, #tpu.memory_space<vmem>>, %arg17: memref<128x128xf32, #tpu.memory_space<vmem>>, %arg18: memref<1x128xf32, #tpu.memory_space<vmem>>, %arg19: memref<1x128xf32, #tpu.memory_space<vmem>>, %arg20: memref<1x128xf32, #tpu.memory_space<vmem>>, %arg21: memref<1x512x8xf32, #tpu.memory_space<vmem>>, %arg22: memref<1x512x128xf32, #tpu.memory_space<vmem>>) attributes {dimension_semantics = [#tpu.dimension_semantics<arbitrary>], iteration_bounds = array<i64: 16>, scalar_prefetch = 0 : i64, scratch_operands = 0 : i64, tpu.core_type = #tpu.core_type<tc>, window_params = [{transform_indices = @transform_0, window_bounds = array<i64: 1, 512, 8>}, {transform_indices = @transform_1, window_bounds = array<i64: 1, 512, 128>}, {transform_indices = @transform_2, window_bounds = array<i64: 1, 512, 128>}, {transform_indices = @transform_3, window_bounds = array<i64: 1, 512, 1>}, {transform_indices = @transform_4, window_bounds = array<i64: 1, 512, 128>}, {transform_indices = @transform_5, window_bounds = array<i64: 1, 512, 128>}, {transform_indices = @transform_6, window_bounds = array<i64: 1, 512, 8>}, {pipeline_mode = #tpu.pipeline_mode<synchronous>, transform_indices = @transform_7, window_bounds = array<i64: 1, 128>}, {pipeline_mode = #tpu.pipeline_mode<synchronous>, transform_indices = @transform_8, window_bounds = array<i64: 1, 128>}, {pipeline_mode = #tpu.pipeline_mode<synchronous>, transform_indices = @transform_9, window_bounds = array<i64: 128, 128>}, {pipeline_mode = #tpu.pipeline_mode<synchronous>, transform_indices = @transform_10, window_bounds = array<i64: 128, 128>}, {pipeline_mode = #tpu.pipeline_mode<synchronous>, transform_indices = @transform_11, window_bounds = array<i64: 128, 128>}, {pipeline_mode = #tpu.pipeline_mode<synchronous>, transform_indices = @transform_12, window_bounds = array<i64: 128, 128>}, {pipeline_mode = #tpu.pipeline_mode<synchronous>, transform_indices = @transform_13, window_bounds = array<i64: 1, 128>}, {pipeline_mode = #tpu.pipeline_mode<synchronous>, transform_indices = @transform_14, window_bounds = array<i64: 1, 128>}, {pipeline_mode = #tpu.pipeline_mode<synchronous>, transform_indices = @transform_15, window_bounds = array<i64: 1, 128>}, {pipeline_mode = #tpu.pipeline_mode<synchronous>, transform_indices = @transform_16, window_bounds = array<i64: 128, 128>}, {pipeline_mode = #tpu.pipeline_mode<synchronous>, transform_indices = @transform_17, window_bounds = array<i64: 1, 128>}, {pipeline_mode = #tpu.pipeline_mode<synchronous>, transform_indices = @transform_18, window_bounds = array<i64: 1, 128>}, {pipeline_mode = #tpu.pipeline_mode<synchronous>, transform_indices = @transform_19, window_bounds = array<i64: 1, 128>}, {transform_indices = @transform_20, window_bounds = array<i64: 1, 512, 8>}, {transform_indices = @transform_21, window_bounds = array<i64: 1, 512, 128>}]} {
    %get3A = arith.constant 0 : index
    %get3A_0 = arith.constant 0 : index
    %get3A_1 = arith.constant 0 : index
    %get3A_2 = vector.load %arg7[%get3A, %get3A_0, %get3A_1] : memref<1x512x8xf32, #tpu.memory_space<vmem>>, vector<1x512x8xf32>
    %get3A_3 = vector.shape_cast %get3A_2 : vector<1x512x8xf32> to vector<512x8xf32>
    %slice3A = vector.extract_strided_slice %get3A_3 {offsets = [0, 3], sizes = [512, 1], strides = [1, 1]} : vector<512x8xf32> to vector<512x1xf32>
    %max3A = arith.constant 1.000000e+00 : f32
    %max3A_4 = vector.broadcast %max3A : f32 to vector<512x1xf32>
    %max3A_5 = arith.maximumf %slice3A, %max3A_4 : vector<512x1xf32>
    %get3A_6 = arith.constant 0 : index
    %get3A_7 = arith.constant 0 : index
    %get3A_8 = arith.constant 0 : index
    %get3A_9 = vector.load %arg6[%get3A_6, %get3A_7, %get3A_8] : memref<1x512x128xf32, #tpu.memory_space<vmem>>, vector<1x512x128xf32>
    %get3A_10 = vector.shape_cast %get3A_9 : vector<1x512x128xf32> to vector<512x128xf32>
    %div3A = vector.broadcast %max3A_5 : vector<512x1xf32> to vector<512x128xf32>
    %div3A_11 = arith.divf %get3A_10, %div3A : vector<512x128xf32>
    %get3A_12 = arith.constant 0 : index
    %get3A_13 = arith.constant 0 : index
    %get3A_14 = vector.load %arg8[%get3A_12, %get3A_13] : memref<1x128xf32, #tpu.memory_space<vmem>>, vector<1x128xf32>
    %get3A_15 = arith.constant 0 : index
    %get3A_16 = arith.constant 0 : index
    %get3A_17 = vector.load %arg9[%get3A_15, %get3A_16] : memref<1x128xf32, #tpu.memory_space<vmem>>, vector<1x128xf32>
    %reduce_sum3A = arith.constant dense<0.000000e+00> : vector<512xf32>
    %reduce_sum3A_18 = vector.multi_reduction <add>, %div3A_11, %reduce_sum3A [1] : vector<512x128xf32> to vector<512xf32>
    %broadcast_in_dim3A = vector.shape_cast %reduce_sum3A_18 : vector<512xf32> to vector<512x1xf32>
    %div3A_19 = arith.constant 1.280000e+02 : f32
    %div3A_20 = vector.broadcast %div3A_19 : f32 to vector<512x1xf32>
    %div3A_21 = arith.divf %broadcast_in_dim3A, %div3A_20 : vector<512x1xf32>
    %sub3A = vector.broadcast %div3A_21 : vector<512x1xf32> to vector<512x128xf32>
    %sub3A_22 = arith.subf %div3A_11, %sub3A : vector<512x128xf32>
    %sub3A_23 = vector.broadcast %div3A_21 : vector<512x1xf32> to vector<512x128xf32>
    %sub3A_24 = arith.subf %div3A_11, %sub3A_23 : vector<512x128xf32>
    %mul3A = arith.mulf %sub3A_22, %sub3A_24 : vector<512x128xf32>
    %reduce_sum3A_25 = arith.constant dense<0.000000e+00> : vector<512xf32>
    %reduce_sum3A_26 = vector.multi_reduction <add>, %mul3A, %reduce_sum3A_25 [1] : vector<512x128xf32> to vector<512xf32>
    %broadcast_in_dim3A_27 = vector.shape_cast %reduce_sum3A_26 : vector<512xf32> to vector<512x1xf32>
    %div3A_28 = arith.constant 1.280000e+02 : f32
    %div3A_29 = vector.broadcast %div3A_28 : f32 to vector<512x1xf32>
    %div3A_30 = arith.divf %broadcast_in_dim3A_27, %div3A_29 : vector<512x1xf32>
    %sub3A_31 = vector.broadcast %div3A_21 : vector<512x1xf32> to vector<512x128xf32>
    %sub3A_32 = arith.subf %div3A_11, %sub3A_31 : vector<512x128xf32>
    %add3A = arith.constant 9.99999974E-6 : f32
    %add3A_33 = vector.broadcast %add3A : f32 to vector<512x1xf32>
    %add3A_34 = arith.addf %div3A_30, %add3A_33 : vector<512x1xf32>
    %rsqrt3A = math.rsqrt %add3A_34 : vector<512x1xf32>
    %mul3A_35 = vector.broadcast %rsqrt3A : vector<512x1xf32> to vector<512x128xf32>
    %mul3A_36 = arith.mulf %sub3A_32, %mul3A_35 : vector<512x128xf32>
    %mul3A_37 = vector.broadcast %get3A_14 : vector<1x128xf32> to vector<512x128xf32>
    %mul3A_38 = arith.mulf %mul3A_36, %mul3A_37 : vector<512x128xf32>
    %add3A_39 = vector.broadcast %get3A_17 : vector<1x128xf32> to vector<512x128xf32>
    %add3A_40 = arith.addf %mul3A_38, %add3A_39 : vector<512x128xf32>
    %get3A_41 = arith.constant 0 : index
    %get3A_42 = arith.constant 0 : index
    %get3A_43 = arith.constant 0 : index
    %get3A_44 = vector.load %arg7[%get3A_41, %get3A_42, %get3A_43] : memref<1x512x8xf32, #tpu.memory_space<vmem>>, vector<1x512x8xf32>
    %get3A_45 = vector.shape_cast %get3A_44 : vector<1x512x8xf32> to vector<512x8xf32>
    %div3A_46 = vector.broadcast %max3A_5 : vector<512x1xf32> to vector<512x8xf32>
    %div3A_47 = arith.divf %get3A_45, %div3A_46 : vector<512x8xf32>
    %get3A_48 = arith.constant 0 : index
    %get3A_49 = arith.constant 0 : index
    %get3A_50 = arith.constant 0 : index
    %get3A_51 = vector.load %arg1[%get3A_48, %get3A_49, %get3A_50] : memref<1x512x8xf32, #tpu.memory_space<vmem>>, vector<1x512x8xf32>
    %get3A_52 = vector.shape_cast %get3A_51 : vector<1x512x8xf32> to vector<512x8xf32>
    %mul3A_53 = arith.constant 3.000000e-01 : f32
    %mul3A_54 = vector.broadcast %mul3A_53 : f32 to vector<512x8xf32>
    %mul3A_55 = arith.mulf %mul3A_54, %div3A_47 : vector<512x8xf32>
    %add3A_56 = arith.addf %get3A_52, %mul3A_55 : vector<512x8xf32>
    %get3A_57 = arith.constant 0 : index
    %get3A_58 = arith.constant 0 : index
    %get3A_59 = arith.constant 0 : index
    %get3A_60 = vector.load %arg4[%get3A_57, %get3A_58, %get3A_59] : memref<1x512x1xf32, #tpu.memory_space<vmem>>, vector<1x512x1xf32>
    %get3A_61 = vector.shape_cast %get3A_60 : vector<1x512x1xf32> to vector<512x1xf32>
    %mul3A_62 = vector.broadcast %get3A_61 : vector<512x1xf32> to vector<512x8xf32>
    %mul3A_63 = arith.mulf %add3A_56, %mul3A_62 : vector<512x8xf32>
    %swap3A = arith.constant 0 : index
    %swap3A_64 = arith.constant 0 : index
    %swap3A_65 = arith.constant 0 : index
    %swap3A_66 = vector.load %arg21[%swap3A, %swap3A_64, %swap3A_65] : memref<1x512x8xf32, #tpu.memory_space<vmem>>, vector<1x512x8xf32>
    %swap3A_67 = vector.shape_cast %swap3A_66 : vector<1x512x8xf32> to vector<512x8xf32>
    %swap3A_68 = vector.shape_cast %mul3A_63 : vector<512x8xf32> to vector<1x512x8xf32>
    tpu.vector_store %arg21[%swap3A, %swap3A_64, %swap3A_65], %swap3A_68 {strides = array<i32>} : memref<1x512x8xf32, #tpu.memory_space<vmem>>, vector<1x512x8xf32>,
    %get3A_69 = arith.constant 0 : index
    %get3A_70 = arith.constant 0 : index
    %get3A_71 = arith.constant 0 : index
    %get3A_72 = vector.load %arg2[%get3A_69, %get3A_70, %get3A_71] : memref<1x512x128xf32, #tpu.memory_space<vmem>>, vector<1x512x128xf32>
    %get3A_73 = vector.shape_cast %get3A_72 : vector<1x512x128xf32> to vector<512x128xf32>
    %get3A_74 = arith.constant 0 : index
    %get3A_75 = arith.constant 0 : index
    %get3A_76 = vector.load %arg10[%get3A_74, %get3A_75] : memref<128x128xf32, #tpu.memory_space<vmem>>, vector<128x128xf32>
    %dot_general3A = arith.constant dense<0.000000e+00> : vector<512x128xf32>
    %dot_general3A_77 = tpu.matmul %get3A_73, %get3A_76, %dot_general3A {dimension_numbers = #tpu.dot_dimension_numbers<[1], [0], [0], [1], [0, 0, 1, 1], [], []>, transpose_lhs_hint = false} : vector<512x128xf32>, vector<128x128xf32>, vector<512x128xf32> -> vector<512x128xf32>
    %get3A_78 = arith.constant 0 : index
    %get3A_79 = arith.constant 0 : index
    %get3A_80 = vector.load %arg11[%get3A_78, %get3A_79] : memref<128x128xf32, #tpu.memory_space<vmem>>, vector<128x128xf32>
    %dot_general3A_81 = arith.constant dense<0.000000e+00> : vector<512x128xf32>
    %dot_general3A_82 = tpu.matmul %add3A_40, %get3A_80, %dot_general3A_81 {dimension_numbers = #tpu.dot_dimension_numbers<[1], [0], [0], [1], [0, 0, 1, 1], [], []>, transpose_lhs_hint = false} : vector<512x128xf32>, vector<128x128xf32>, vector<512x128xf32> -> vector<512x128xf32>
    %add3A_83 = arith.addf %dot_general3A_77, %dot_general3A_82 : vector<512x128xf32>
    %get3A_84 = arith.constant 0 : index
    %get3A_85 = arith.constant 0 : index
    %get3A_86 = arith.constant 0 : index
    %get3A_87 = vector.load %arg5[%get3A_84, %get3A_85, %get3A_86] : memref<1x512x128xf32, #tpu.memory_space<vmem>>, vector<1x512x128xf32>
    %get3A_88 = vector.shape_cast %get3A_87 : vector<1x512x128xf32> to vector<512x128xf32>
    %get3A_89 = arith.constant 0 : index
    %get3A_90 = arith.constant 0 : index
    %get3A_91 = vector.load %arg12[%get3A_89, %get3A_90] : memref<128x128xf32, #tpu.memory_space<vmem>>, vector<128x128xf32>
    %dot_general3A_92 = arith.constant dense<0.000000e+00> : vector<512x128xf32>
    %dot_general3A_93 = tpu.matmul %get3A_88, %get3A_91, %dot_general3A_92 {dimension_numbers = #tpu.dot_dimension_numbers<[1], [0], [0], [1], [0, 0, 1, 1], [], []>, transpose_lhs_hint = false} : vector<512x128xf32>, vector<128x128xf32>, vector<512x128xf32> -> vector<512x128xf32>
    %add3A_94 = arith.addf %add3A_83, %dot_general3A_93 : vector<512x128xf32>
    %get3A_95 = arith.constant 0 : index
    %get3A_96 = arith.constant 0 : index
    %get3A_97 = arith.constant 0 : index
    %get3A_98 = vector.load %arg3[%get3A_95, %get3A_96, %get3A_97] : memref<1x512x128xf32, #tpu.memory_space<vmem>>, vector<1x512x128xf32>
    %get3A_99 = vector.shape_cast %get3A_98 : vector<1x512x128xf32> to vector<512x128xf32>
    %get3A_100 = arith.constant 0 : index
    %get3A_101 = arith.constant 0 : index
    %get3A_102 = vector.load %arg13[%get3A_100, %get3A_101] : memref<128x128xf32, #tpu.memory_space<vmem>>, vector<128x128xf32>
    %dot_general3A_103 = arith.constant dense<0.000000e+00> : vector<512x128xf32>
    %dot_general3A_104 = tpu.matmul %get3A_99, %get3A_102, %dot_general3A_103 {dimension_numbers = #tpu.dot_dimension_numbers<[1], [0], [0], [1], [0, 0, 1, 1], [], []>, transpose_lhs_hint = false} : vector<512x128xf32>, vector<128x128xf32>, vector<512x128xf32> -> vector<512x128xf32>
    %add3A_105 = arith.addf %add3A_94, %dot_general3A_104 : vector<512x128xf32>
    %get3A_106 = arith.constant 0 : index
    %get3A_107 = arith.constant 0 : index
    %get3A_108 = vector.load %arg14[%get3A_106, %get3A_107] : memref<1x128xf32, #tpu.memory_space<vmem>>, vector<1x128xf32>
    %add3A_109 = vector.broadcast %get3A_108 : vector<1x128xf32> to vector<512x128xf32>
    %add3A_110 = arith.addf %add3A_105, %add3A_109 : vector<512x128xf32>
    %ge3A = arith.constant 0.000000e+00 : f32
    %ge3A_111 = vector.broadcast %ge3A : f32 to vector<512x128xf32>
    %ge3A_112 = arith.cmpf oge, %add3A_110, %ge3A_111 : vector<512x128xf32>
    %mul3A_113 = arith.constant 0.00999999977 : f32
    %mul3A_114 = vector.broadcast %mul3A_113 : f32 to vector<512x128xf32>
    %mul3A_115 = arith.mulf %mul3A_114, %add3A_110 : vector<512x128xf32>
    %select_n3A = arith.select %ge3A_112, %add3A_110, %mul3A_115 : vector<512x128xi1>, vector<512x128xf32>
    %get3A_116 = arith.constant 0 : index
    %get3A_117 = arith.constant 0 : index
    %get3A_118 = vector.load %arg15[%get3A_116, %get3A_117] : memref<1x128xf32, #tpu.memory_space<vmem>>, vector<1x128xf32>
    %get3A_119 = arith.constant 0 : index
    %get3A_120 = arith.constant 0 : index
    %get3A_121 = vector.load %arg16[%get3A_119, %get3A_120] : memref<1x128xf32, #tpu.memory_space<vmem>>, vector<1x128xf32>
    %reduce_sum3A_122 = arith.constant dense<0.000000e+00> : vector<512xf32>
    %reduce_sum3A_123 = vector.multi_reduction <add>, %select_n3A, %reduce_sum3A_122 [1] : vector<512x128xf32> to vector<512xf32>
    %broadcast_in_dim3A_124 = vector.shape_cast %reduce_sum3A_123 : vector<512xf32> to vector<512x1xf32>
    %div3A_125 = arith.constant 1.280000e+02 : f32
    %div3A_126 = vector.broadcast %div3A_125 : f32 to vector<512x1xf32>
    %div3A_127 = arith.divf %broadcast_in_dim3A_124, %div3A_126 : vector<512x1xf32>
    %sub3A_128 = vector.broadcast %div3A_127 : vector<512x1xf32> to vector<512x128xf32>
    %sub3A_129 = arith.subf %select_n3A, %sub3A_128 : vector<512x128xf32>
    %sub3A_130 = vector.broadcast %div3A_127 : vector<512x1xf32> to vector<512x128xf32>
    %sub3A_131 = arith.subf %select_n3A, %sub3A_130 : vector<512x128xf32>
    %mul3A_132 = arith.mulf %sub3A_129, %sub3A_131 : vector<512x128xf32>
    %reduce_sum3A_133 = arith.constant dense<0.000000e+00> : vector<512xf32>
    %reduce_sum3A_134 = vector.multi_reduction <add>, %mul3A_132, %reduce_sum3A_133 [1] : vector<512x128xf32> to vector<512xf32>
    %broadcast_in_dim3A_135 = vector.shape_cast %reduce_sum3A_134 : vector<512xf32> to vector<512x1xf32>
    %div3A_136 = arith.constant 1.280000e+02 : f32
    %div3A_137 = vector.broadcast %div3A_136 : f32 to vector<512x1xf32>
    %div3A_138 = arith.divf %broadcast_in_dim3A_135, %div3A_137 : vector<512x1xf32>
    %sub3A_139 = vector.broadcast %div3A_127 : vector<512x1xf32> to vector<512x128xf32>
    %sub3A_140 = arith.subf %select_n3A, %sub3A_139 : vector<512x128xf32>
    %add3A_141 = arith.constant 9.99999974E-6 : f32
    %add3A_142 = vector.broadcast %add3A_141 : f32 to vector<512x1xf32>
    %add3A_143 = arith.addf %div3A_138, %add3A_142 : vector<512x1xf32>
    %rsqrt3A_144 = math.rsqrt %add3A_143 : vector<512x1xf32>
    %mul3A_145 = vector.broadcast %rsqrt3A_144 : vector<512x1xf32> to vector<512x128xf32>
    %mul3A_146 = arith.mulf %sub3A_140, %mul3A_145 : vector<512x128xf32>
    %mul3A_147 = vector.broadcast %get3A_118 : vector<1x128xf32> to vector<512x128xf32>
    %mul3A_148 = arith.mulf %mul3A_146, %mul3A_147 : vector<512x128xf32>
    %add3A_149 = vector.broadcast %get3A_121 : vector<1x128xf32> to vector<512x128xf32>
    %add3A_150 = arith.addf %mul3A_148, %add3A_149 : vector<512x128xf32>
    %get3A_151 = arith.constant 0 : index
    %get3A_152 = arith.constant 0 : index
    %get3A_153 = vector.load %arg17[%get3A_151, %get3A_152] : memref<128x128xf32, #tpu.memory_space<vmem>>, vector<128x128xf32>
    %dot_general3A_154 = arith.constant dense<0.000000e+00> : vector<512x128xf32>
    %dot_general3A_155 = tpu.matmul %add3A_150, %get3A_153, %dot_general3A_154 {dimension_numbers = #tpu.dot_dimension_numbers<[1], [0], [0], [1], [0, 0, 1, 1], [], []>, transpose_lhs_hint = false} : vector<512x128xf32>, vector<128x128xf32>, vector<512x128xf32> -> vector<512x128xf32>
    %get3A_156 = arith.constant 0 : index
    %get3A_157 = arith.constant 0 : index
    %get3A_158 = vector.load %arg18[%get3A_156, %get3A_157] : memref<1x128xf32, #tpu.memory_space<vmem>>, vector<1x128xf32>
    %add3A_159 = vector.broadcast %get3A_158 : vector<1x128xf32> to vector<512x128xf32>
    %add3A_160 = arith.addf %dot_general3A_155, %add3A_159 : vector<512x128xf32>
    %get3A_161 = arith.constant 0 : index
    %get3A_162 = arith.constant 0 : index
    %get3A_163 = vector.load %arg19[%get3A_161, %get3A_162] : memref<1x128xf32, #tpu.memory_space<vmem>>, vector<1x128xf32>
    %get3A_164 = arith.constant 0 : index
    %get3A_165 = arith.constant 0 : index
    %get3A_166 = vector.load %arg20[%get3A_164, %get3A_165] : memref<1x128xf32, #tpu.memory_space<vmem>>, vector<1x128xf32>
    %reduce_sum3A_167 = arith.constant dense<0.000000e+00> : vector<512xf32>
    %reduce_sum3A_168 = vector.multi_reduction <add>, %add3A_160, %reduce_sum3A_167 [1] : vector<512x128xf32> to vector<512xf32>
    %broadcast_in_dim3A_169 = vector.shape_cast %reduce_sum3A_168 : vector<512xf32> to vector<512x1xf32>
    %div3A_170 = arith.constant 1.280000e+02 : f32
    %div3A_171 = vector.broadcast %div3A_170 : f32 to vector<512x1xf32>
    %div3A_172 = arith.divf %broadcast_in_dim3A_169, %div3A_171 : vector<512x1xf32>
    %sub3A_173 = vector.broadcast %div3A_172 : vector<512x1xf32> to vector<512x128xf32>
    %sub3A_174 = arith.subf %add3A_160, %sub3A_173 : vector<512x128xf32>
    %sub3A_175 = vector.broadcast %div3A_172 : vector<512x1xf32> to vector<512x128xf32>
    %sub3A_176 = arith.subf %add3A_160, %sub3A_175 : vector<512x128xf32>
    %mul3A_177 = arith.mulf %sub3A_174, %sub3A_176 : vector<512x128xf32>
    %reduce_sum3A_178 = arith.constant dense<0.000000e+00> : vector<512xf32>
    %reduce_sum3A_179 = vector.multi_reduction <add>, %mul3A_177, %reduce_sum3A_178 [1] : vector<512x128xf32> to vector<512xf32>
    %broadcast_in_dim3A_180 = vector.shape_cast %reduce_sum3A_179 : vector<512xf32> to vector<512x1xf32>
    %div3A_181 = arith.constant 1.280000e+02 : f32
    %div3A_182 = vector.broadcast %div3A_181 : f32 to vector<512x1xf32>
    %div3A_183 = arith.divf %broadcast_in_dim3A_180, %div3A_182 : vector<512x1xf32>
    %sub3A_184 = vector.broadcast %div3A_172 : vector<512x1xf32> to vector<512x128xf32>
    %sub3A_185 = arith.subf %add3A_160, %sub3A_184 : vector<512x128xf32>
    %add3A_186 = arith.constant 9.99999974E-6 : f32
    %add3A_187 = vector.broadcast %add3A_186 : f32 to vector<512x1xf32>
    %add3A_188 = arith.addf %div3A_183, %add3A_187 : vector<512x1xf32>
    %rsqrt3A_189 = math.rsqrt %add3A_188 : vector<512x1xf32>
    %mul3A_190 = vector.broadcast %rsqrt3A_189 : vector<512x1xf32> to vector<512x128xf32>
    %mul3A_191 = arith.mulf %sub3A_185, %mul3A_190 : vector<512x128xf32>
    %mul3A_192 = vector.broadcast %get3A_163 : vector<1x128xf32> to vector<512x128xf32>
    %mul3A_193 = arith.mulf %mul3A_191, %mul3A_192 : vector<512x128xf32>
    %add3A_194 = vector.broadcast %get3A_166 : vector<1x128xf32> to vector<512x128xf32>
    %add3A_195 = arith.addf %mul3A_193, %add3A_194 : vector<512x128xf32>
    %mul3A_196 = arith.constant 3.000000e-01 : f32
    %mul3A_197 = vector.broadcast %mul3A_196 : f32 to vector<512x128xf32>
    %mul3A_198 = arith.mulf %mul3A_197, %add3A_195 : vector<512x128xf32>
    %get3A_199 = arith.constant 0 : index
    %get3A_200 = arith.constant 0 : index
    %get3A_201 = arith.constant 0 : index
    %get3A_202 = vector.load %arg2[%get3A_199, %get3A_200, %get3A_201] : memref<1x512x128xf32, #tpu.memory_space<vmem>>, vector<1x512x128xf32>
    %get3A_203 = vector.shape_cast %get3A_202 : vector<1x512x128xf32> to vector<512x128xf32>
    %mul3A_204 = arith.constant 0.699999988 : f32
    %mul3A_205 = vector.broadcast %mul3A_204 : f32 to vector<512x128xf32>
    %mul3A_206 = arith.mulf %mul3A_205, %get3A_203 : vector<512x128xf32>
    %add3A_207 = arith.addf %mul3A_198, %mul3A_206 : vector<512x128xf32>
    %get3A_208 = arith.constant 0 : index
    %get3A_209 = arith.constant 0 : index
    %get3A_210 = arith.constant 0 : index
    %get3A_211 = vector.load %arg4[%get3A_208, %get3A_209, %get3A_210] : memref<1x512x1xf32, #tpu.memory_space<vmem>>, vector<1x512x1xf32>
    %get3A_212 = vector.shape_cast %get3A_211 : vector<1x512x1xf32> to vector<512x1xf32>
    %mul3A_213 = vector.broadcast %get3A_212 : vector<512x1xf32> to vector<512x128xf32>
    %mul3A_214 = arith.mulf %add3A_207, %mul3A_213 : vector<512x128xf32>
    %swap3A_215 = arith.constant 0 : index
    %swap3A_216 = arith.constant 0 : index
    %swap3A_217 = arith.constant 0 : index
    %swap3A_218 = vector.load %arg22[%swap3A_215, %swap3A_216, %swap3A_217] : memref<1x512x128xf32, #tpu.memory_space<vmem>>, vector<1x512x128xf32>
    %swap3A_219 = vector.shape_cast %swap3A_218 : vector<1x512x128xf32> to vector<512x128xf32>
    %swap3A_220 = vector.shape_cast %mul3A_214 : vector<512x128xf32> to vector<1x512x128xf32>
    tpu.vector_store %arg22[%swap3A_215, %swap3A_216, %swap3A_217], %swap3A_220 {strides = array<i32>} : memref<1x512x128xf32, #tpu.memory_space<vmem>>, vector<1x512x128xf32>,
    return
  }
  func.func @transform_0(%arg0: i32) -> (i32, i32, i32) {
    %c0_i32 = arith.constant 0 : i32
    %c0_i32_0 = arith.constant 0 : i32
    %c0_i32_1 = arith.constant 0 : i32
    return %arg0, %c0_i32, %c0_i32_0 : i32, i32, i32
  }
  func.func @transform_1(%arg0: i32) -> (i32, i32, i32) {
    %c0_i32 = arith.constant 0 : i32
    %c0_i32_0 = arith.constant 0 : i32
    %c0_i32_1 = arith.constant 0 : i32
    return %arg0, %c0_i32, %c0_i32_0 : i32, i32, i32
  }
  func.func @transform_2(%arg0: i32) -> (i32, i32, i32) {
    %c0_i32 = arith.constant 0 : i32
    %c0_i32_0 = arith.constant 0 : i32
    %c0_i32_1 = arith.constant 0 : i32
    return %arg0, %c0_i32, %c0_i32_0 : i32, i32, i32
  }
  func.func @transform_3(%arg0: i32) -> (i32, i32, i32) {
    %c0_i32 = arith.constant 0 : i32
    %c0_i32_0 = arith.constant 0 : i32
    %c0_i32_1 = arith.constant 0 : i32
    return %arg0, %c0_i32, %c0_i32_0 : i32, i32, i32
  }
  func.func @transform_4(%arg0: i32) -> (i32, i32, i32) {
    %c0_i32 = arith.constant 0 : i32
    %c0_i32_0 = arith.constant 0 : i32
    %c0_i32_1 = arith.constant 0 : i32
    return %arg0, %c0_i32, %c0_i32_0 : i32, i32, i32
  }
  func.func @transform_5(%arg0: i32) -> (i32, i32, i32) {
    %c0_i32 = arith.constant 0 : i32
    %c0_i32_0 = arith.constant 0 : i32
    %c0_i32_1 = arith.constant 0 : i32
    return %arg0, %c0_i32, %c0_i32_0 : i32, i32, i32
  }
  func.func @transform_6(%arg0: i32) -> (i32, i32, i32) {
    %c0_i32 = arith.constant 0 : i32
    %c0_i32_0 = arith.constant 0 : i32
    %c0_i32_1 = arith.constant 0 : i32
    return %arg0, %c0_i32, %c0_i32_0 : i32, i32, i32
  }
  func.func @transform_7(%arg0: i32) -> (i32, i32) {
    %c0_i32 = arith.constant 0 : i32
    %c0_i32_0 = arith.constant 0 : i32
    %c0_i32_1 = arith.constant 0 : i32
    return %c0_i32, %c0_i32_0 : i32, i32
  }
  func.func @transform_8(%arg0: i32) -> (i32, i32) {
    %c0_i32 = arith.constant 0 : i32
    %c0_i32_0 = arith.constant 0 : i32
    %c0_i32_1 = arith.constant 0 : i32
    return %c0_i32, %c0_i32_0 : i32, i32
  }
  func.func @transform_9(%arg0: i32) -> (i32, i32) {
    %c0_i32 = arith.constant 0 : i32
    %c0_i32_0 = arith.constant 0 : i32
    %c0_i32_1 = arith.constant 0 : i32
    return %c0_i32, %c0_i32_0 : i32, i32
  }
  func.func @transform_10(%arg0: i32) -> (i32, i32) {
    %c0_i32 = arith.constant 0 : i32
    %c0_i32_0 = arith.constant 0 : i32
    %c0_i32_1 = arith.constant 0 : i32
    return %c0_i32, %c0_i32_0 : i32, i32
  }
  func.func @transform_11(%arg0: i32) -> (i32, i32) {
    %c0_i32 = arith.constant 0 : i32
    %c0_i32_0 = arith.constant 0 : i32
    %c0_i32_1 = arith.constant 0 : i32
    return %c0_i32, %c0_i32_0 : i32, i32
  }
  func.func @transform_12(%arg0: i32) -> (i32, i32) {
    %c0_i32 = arith.constant 0 : i32
    %c0_i32_0 = arith.constant 0 : i32
    %c0_i32_1 = arith.constant 0 : i32
    return %c0_i32, %c0_i32_0 : i32, i32
  }
  func.func @transform_13(%arg0: i32) -> (i32, i32) {
    %c0_i32 = arith.constant 0 : i32
    %c0_i32_0 = arith.constant 0 : i32
    %c0_i32_1 = arith.constant 0 : i32
    return %c0_i32, %c0_i32_0 : i32, i32
  }
  func.func @transform_14(%arg0: i32) -> (i32, i32) {
    %c0_i32 = arith.constant 0 : i32
    %c0_i32_0 = arith.constant 0 : i32
    %c0_i32_1 = arith.constant 0 : i32
    return %c0_i32, %c0_i32_0 : i32, i32
  }
  func.func @transform_15(%arg0: i32) -> (i32, i32) {
    %c0_i32 = arith.constant 0 : i32
    %c0_i32_0 = arith.constant 0 : i32
    %c0_i32_1 = arith.constant 0 : i32
    return %c0_i32, %c0_i32_0 : i32, i32
  }
  func.func @transform_16(%arg0: i32) -> (i32, i32) {
    %c0_i32 = arith.constant 0 : i32
    %c0_i32_0 = arith.constant 0 : i32
    %c0_i32_1 = arith.constant 0 : i32
    return %c0_i32, %c0_i32_0 : i32, i32
  }
  func.func @transform_17(%arg0: i32) -> (i32, i32) {
    %c0_i32 = arith.constant 0 : i32
    %c0_i32_0 = arith.constant 0 : i32
    %c0_i32_1 = arith.constant 0 : i32
    return %c0_i32, %c0_i32_0 : i32, i32
  }
  func.func @transform_18(%arg0: i32) -> (i32, i32) {
    %c0_i32 = arith.constant 0 : i32
    %c0_i32_0 = arith.constant 0 : i32
    %c0_i32_1 = arith.constant 0 : i32
    return %c0_i32, %c0_i32_0 : i32, i32
  }
  func.func @transform_19(%arg0: i32) -> (i32, i32) {
    %c0_i32 = arith.constant 0 : i32
    %c0_i32_0 = arith.constant 0 : i32
    %c0_i32_1 = arith.constant 0 : i32
    return %c0_i32, %c0_i32_0 : i32, i32
  }
  func.func @transform_20(%arg0: i32) -> (i32, i32, i32) {
    %c0_i32 = arith.constant 0 : i32
    %c0_i32_0 = arith.constant 0 : i32
    %c0_i32_1 = arith.constant 0 : i32
    return %arg0, %c0_i32, %c0_i32_0 : i32, i32, i32
  }
  func.func @transform_21(%arg0: i32) -> (i32, i32, i32) {
    %c0_i32 = arith.constant 0 : i32
    %c0_i32_0 = arith.constant 0 : i32
    %c0_i32_1 = arith.constant 0 : i32
    return %arg0, %c0_i32, %c0_i32_0 : i32, i32, i32
  }
}

</mosaic_0001>

<sc_bundles>
// kernel: kernel.13.cloned.1.call-start
scs
__scs_entry_jumppad:
0x0: {  	(pc) =	sbr.rel $0x88, $3  }
0x1: {  	(tag) =	ssettag $0x0;
	lr =	simm.s32 $0x1  }
0x2: {  	[smem:$0x3F7A] =	sst lr;
	_ =	strace $0xD0000000  }
0x3: {  	_ = 	snop  }
0x4: {  	_ = 	snop  }
0x5: {  	_ = 	snop  }
0x6: {  	_ = 	snop  }
0x7: {  	_ = 	snop  }
__scs_overlays_trampoline_lowered:
0x8: {  	[smem:$0x3F89] =	sst s0  }
0x9: {  	[smem:$0x3F8A] =	sst s1  }
0xa: {  	[smem:$0x3F8B] =	sst s2  }
0xb: {  	[smem:$0x3F8C] =	sst s3  }
0xc: {  	[smem:$0x3F8D] =	sst s4  }
0xd: {  	[smem:$0x3F8E] =	sst s5  }
0xe: {  	[smem:$0x3F8F] =	sst s6  }
0xf: {  	[smem:$0x3F90] =	sst s7  }
0x10: {  	[smem:$0x3F91] =	sst s8  }
0x11: {  	[smem:$0x3F92] =	sst s9;
	s0 =	simm.s32 @!p0 $0x0  }
0x12: {  	s1 =	sld [smem:$0x3F78];
	s0 =	simm.s32 @p0 $0x1  }
0x13: {  	[smem:$0x3F93] =	sst s0;
	s0 =	simm.s32 @!p1 $0x0  }
0x14: {  	s2 =	sld [smem:$0x3F77];
	s0 =	simm.s32 @p1 $0x1  }
0x15: {  	[smem:$0x3F94] =	sst s0;
	s0 =	simm.s32 @!p2 $0x0  }
0x16: {  	s3 =	sld [smem:$0x3FDB];
	s0 =	simm.s32 @p2 $0x1  }
0x17: {  	s4 =	simm.s32 $0x1BF5;
	[smem:$0x3F96] =	sst s0  }
0x18: {  	s0 =	sld [smem:$0x3F79];
	_ =	swait.ge [sflag:s4], $0x0  }
0x19: {  	s7 =	sld [smem:$0x3F7A]  }
0x1a: {  	s8 =	sadd.s32 $0xFFFFE003, lr  }
0x1b: {  	s9 =	sadd.s32 $0xFFFFFEF7, lr;
	s5 =	simm.s32 $0xFFFFFFFF;
	p2 =	slt.u32 s8, $0xFFFFF086  }
0x1c: {  	p1 =	slt.u32 s9, $0xF7A;
	s5 =	simm.s32 @!p2 $0x0  }
0x1d: {  	s5 =	simm.s32 @p1 $0x1;
	p0 =	seq.s32 s7, s2  }
0x1e: {  	s7 =	smul.u32 @!p0 $0xF7A, s2;
	p2 =	seq.s32 @!p0 s5, $0x0  }
0x1f: {  	s9 =	smul.u32 $0xF7A, s1;
	s8 =	simm.s32 @!p0 $0x1BF5;
	p2 =	por !p2, p0  }
0x20: {  	[sflag:s8] =	ssyncset.s32 @!p0 $0xFFFFF086;
	s6 =	sadd.s32 @!p0 s3, s7;
	s7 =	simm.s32 @!p0 $0x108  }
0x21: {  	s3 =	sadd.s32 s3, s9;
	s6 =	sadd.s32 @!p0 $0x88, s6;
	s7 =	simm.s32 @p2 $0x1082  }
0x22: {  	[simem:s7], [sflag:s8] =	dma.local @!p0 [hbm:s6], $0xF7A  }
0x23: {  	s9 =	sor.u32 $0xD0000000, s2;
	s6 =	simm.s32 $0x108;
	_ =	swait.ge @!p0 [sflag:s8], $0x0  }
0x24: {  	s3 =	sadd.s32 $0x88, s3;
	s6 =	simm.s32 @!p1 $0x1082;
	[sflag:s4] =	ssyncset.s32 $0xFFFFF086  }
0x25: {  	[simem:s6], [sflag:s4] =	dma.local [hbm:s3], $0xF7A  }
0x26: {  	[smem:$0x3F7A] =	sst s1;
	(tag) =	ssettag s2;
	_ =	strace s9  }
0x27: {  	s1 =	sld [smem:$0x3F8A]  }
0x28: {  	s2 =	sld [smem:$0x3F8B]  }
0x29: {  	s4 =	sld [smem:$0x3F8D]  }
0x2a: {  	p0 =	seq.s32 s5, $0x0;
	s5 =	sld [smem:$0x3F8E]  }
0x2b: {  	s6 =	sld [smem:$0x3F8F]  }
0x2c: {  	s7 =	sld [smem:$0x3F90]  }
0x2d: {  	s3 =	simm.s32 $0x108;
	s8 =	sld [smem:$0x3F91]  }
0x2e: {  	s3 =	simm.s32 @!p0 $0x1082;
	s9 =	sld [smem:$0x3F92]  }
0x2f: {  	lr =	sadd.s32 s0, s3;
	s0 =	sld [smem:$0x3F89]  }
0x30: {  	s3 =	sld [smem:$0x3F8C]  }
0x31: {  	[smem:$0x3F95] =	sst s10  }
0x32: {  	s10 =	sld [smem:$0x3F93];
	_ =	sdelay $0x3  }
0x33: {  	p0 =	seq.s32 s10, $0x1;
	s10 =	sld [smem:$0x3F95];
	_ =	sdelay $0x3  }
0x34: {  	[smem:$0x3F95] =	sst s10  }
0x35: {  	s10 =	sld [smem:$0x3F94];
	_ =	sdelay $0x3  }
0x36: {  	p1 =	seq.s32 s10, $0x1;
	s10 =	sld [smem:$0x3F95];
	_ =	sdelay $0x3  }
0x37: {  	[smem:$0x3F95] =	sst s10  }
0x38: {  	s10 =	sld [smem:$0x3F96]  }
0x39: {  	_ = 	snop;
	(pc) =	sbr.ind lr, $3  }
0x3a: {  	_ = 	snop  }
0x3b: {  	_ = 	snop  }
0x3c: {  	p2 =	seq.s32 s10, $0x1;
	s10 =	sld [smem:$0x3F95]  }
0x3d: {  	_ =	shalt  }
0x3e: {  	_ =	shalt  }
0x3f: {  	_ =	shalt  }
0x40: {  	_ =	shalt  }
0x41: {  	_ =	shalt  }
0x42: {  	_ =	shalt  }
0x43: {  	_ =	shalt  }
0x44: {  	_ =	shalt  }
0x45: {  	_ =	shalt  }
0x46: {  	_ =	shalt  }
0x47: {  	_ =	shalt  }
0x48: {  	_ =	shalt  }
0x49: {  	_ =	shalt  }
0x4a: {  	_ =	shalt  }
0x4b: {  	_ =	shalt  }
0x4c: {  	_ =	shalt  }
0x4d: {  	_ =	shalt  }
0x4e: {  	_ =	shalt  }
0x4f: {  	_ =	shalt  }
0x50: {  	_ =	shalt  }
0x51: {  	_ =	shalt  }
0x52: {  	_ =	shalt  }
0x53: {  	_ =	shalt  }
0x54: {  	_ =	shalt  }
0x55: {  	_ =	shalt  }
0x56: {  	_ =	shalt  }
0x57: {  	_ =	shalt  }
0x58: {  	_ =	shalt  }
0x59: {  	_ =	shalt  }
0x5a: {  	_ =	shalt  }
0x5b: {  	_ =	shalt  }
0x5c: {  	_ =	shalt  }
0x5d: {  	_ =	shalt  }
0x5e: {  	_ =	shalt  }
0x5f: {  	_ =	shalt  }
0x60: {  	_ =	shalt  }
0x61: {  	_ =	shalt  }
0x62: {  	_ =	shalt  }
0x63: {  	_ =	shalt  }
0x64: {  	_ =	shalt  }
0x65: {  	_ =	shalt  }
0x66: {  	_ =	shalt  }
0x67: {  	_ =	shalt  }
0x68: {  	_ =	shalt  }
0x69: {  	_ =	shalt  }
0x6a: {  	_ =	shalt  }
0x6b: {  	_ =	shalt  }
0x6c: {  	_ =	shalt  }
0x6d: {  	_ =	shalt  }
0x6e: {  	_ =	shalt  }
0x6f: {  	_ =	shalt  }
0x70: {  	_ =	shalt  }
0x71: {  	_ =	shalt  }
0x72: {  	_ =	shalt  }
0x73: {  	_ =	shalt  }
0x74: {  	_ =	shalt  }
0x75: {  	_ =	shalt  }
0x76: {  	_ =	shalt  }
0x77: {  	_ =	shalt  }
0x78: {  	_ =	shalt  }
0x79: {  	_ =	shalt  }
0x7a: {  	_ =	shalt  }
0x7b: {  	_ =	shalt  }
0x7c: {  	_ =	shalt  }
0x7d: {  	_ =	shalt  }
0x7e: {  	_ =	shalt  }
0x7f: {  	_ =	shalt  }
0x80: {  	_ =	shalt  }
0x81: {  	_ =	shalt  }
0x82: {  	_ =	shalt  }
0x83: {  	_ =	shalt  }
0x84: {  	_ =	shalt  }
0x85: {  	_ =	shalt  }
0x86: {  	_ =	shalt  }
0x87: {  	_ =	shalt  }
.Lfunc_end0:
.L_simem_size_0:
called_computation_lowered:
.L_overlay_start_0:
0x88: {  	s2 =	sld [smem:$0x3FD9]  }
0x89: {  	s3 =	sld [smem:$0x3FFE];
	_ =	sdelay $0x1  }
0x8a: {  	s1 =	srdreg.scid  }
0x8b: {  	s0 =	sand.u32 $0x1, s1  }
0x8c: {  	s14 =	sshll.u32 s0, $0xA;
	s2 =	sadd.s32 s3, s2  }
0x8d: {  	s2 =	sadd.s32 s2, s14  }
0x8e: {  	[smem:$0x3FA1] =	sst s2  }
0x8f: {  	_ = 	snop  }
0x90: {  	s2 =	sld [smem:$0x3FD0];
	_ =	sdelay $0x2  }
0x91: {  	s15 =	simm.s32 $0xD;
	s4 =	simm.s32 $0x10  }
0x92: {  	[smem:s4], [sflag:s15] =	dma.local [hbm:s2], $0x1  }
0x93: {  	_ =	swait.eq [sflag:s15], $0x1  }
0x94: {  	[sflag:s15] =	ssyncset.done $0x0  }
0x95: {  	s16 =	sld [smem:$0x10];
	[sflag:s15] =	ssyncadd.s32 $0xFFFFFFFF  }
0x96: {  	s17 =	sld [smem:$0x12];
	(tm) =	ssettm $0x1  }
0x97: {  	s18 =	sld [smem:$0x3FFB];
	_ =	sdelay $0x3  }
0x98: {  	_ =	strace s18  }
0x99: {  	s4 =	sld [smem:$0x3FFC];
	_ =	sdelay $0x3  }
0x9a: {  	_ =	strace s4  }
0x9b: {  	s4 =	sld [smem:$0x3FFD];
	_ =	sdelay $0x3  }
0x9c: {  	_ =	strace s4  }
0x9d: {  	_ =	strace $0x8FFFFFFF  }
0x9e: {  	s19 =	sld [smem:$0x3FDB];
	_ =	sdelay $0x1  }
0x9f: {  	s5 =	simm.s32 $_scs_section_size  }
0xa0: {  	s6 =	simm.s32 $_size__tile_overlayer_lowered;
	s7 =	simm.s32 $_tile_overlayer_lowered  }
0xa1: {  	s22 =	simm.s32 $0x1BFF;
	s21 =	sshll.u32 s7, $0x1;
	s4 =	sadd.s32 s5, s19  }
0xa2: {  	s8 =	simm.s32 $0x0;
	s20 =	sshll.u32 s6, $0x1;
	s6 =	sadd.s32 s21, s4  }
0xa3: {  	[timem:s8], [sflag:s22] =	dma.local [hbm:s6], s20  }
0xa4: {  	_ =	swait.ge [sflag:s22], s20  }
0xa5: {  	s5 =	ssub.s32 $0x0, s20;
	[sflag:s22] =	ssyncset.done $0x0  }
0xa6: {  	[sflag:s22] =	ssyncadd.s32 s5;
	_ =	sdelay $0x1  }
0xa7: {  	s23 =	simm.s32 $0x1B8B  }
0xa8: {  	_ =	swait.ge [sflag:s23], $0x1  }
0xa9: {  	[sflag:s23] =	ssyncset.done $0x0  }
0xaa: {  	s25 =	simm.s32 $0x1B8E;
	s24 =	sld [smem:$0x3FFE];
	[sflag:s23] =	ssyncadd.s32 $0xFFFFFFFF  }
0xab: {  	s26 =	simm.s32 $execute0_lowered;
	[smem:$0x3FD2] =	sst s25  }
0xac: {  	s6 =	sshll.u32 s26, $0x1;
	_ =	strace $0x80000046;
	[dreg:$0x1] =	wrdreg $0xFFFFFFFF  }
0xad: {  	s28 =	simm.s32 $_size_execute0_lowered;
	s4 =	sadd.s32 s4, s6;
	[dreg:$0x0] =	wrdreg $0x0  }
0xae: {  	s6 =	sshll.u32 s28, $0x1;
	[dreg:$0x2] =	wrdreg s4  }
0xaf: {  	[dreg:$0x3] =	wrdreg s6  }
0xb0: {  	[dreg:$0x4] =	wrdreg $0xC0  }
0xb1: {  	_ =	task [dreg:s8], $0x5FFFF  }
0xb2: {  	[dreg:$0x1] =	wrdreg $0xFFFFFFFF  }
0xb3: {  	[dreg:$0x0] =	wrdreg $0x60  }
0xb4: {  	[dreg:$0x2] =	wrdreg s24  }
0xb5: {  	[dreg:$0x3] =	wrdreg s16  }
0xb6: {  	[dreg:$0x4] =	wrdreg s17  }
0xb7: {  	[dreg:$0x5] =	wrdreg $0x9  }
0xb8: {  	_ =	task.clear_ibuf [dreg:s8], $0x6FFFF;
	_ =	strace $0x90000046  }
0xb9: {  	s29 =	simm.s32 $0x9;
	_ =	strace $0x80000048  }
0xba: {  	_ =	swait.ge [sflag:s29], $0x1  }
0xbb: {  	[sflag:s29] =	ssyncadd.s32 $0xFFFFFFFF  }
0xbc: {  	_ =	strace $0x90000048  }
0xbd: {  	_ =	sfence  }
0xbe: {  	s30 =	sld [smem:$0x0];
	_ =	sdelay $0x2  }
0xbf: {  	s31 =	sshll.u32 s1, $0xD;
	s1 =	sshrl.u32 s1, $0x2  }
0xc0: {  	s3 =	sand.u32 $0x4000, s31;
	s1 =	sadd.s32 s1, s30  }
0xc1: {  	s0 =	sor.u32 s3, s0;
	s1 =	sshll.u32 s1, $0x11  }
0xc2: {  	s0 =	sor.u32 s1, s0  }
0xc3: {  	s0 =	sadd.s32 $0x8F2B, s0  }
0xc4: {  	[sflag:s0] =	ssyncadd.remote.s32 $0x1  }
0xc5: {  	_ =	sfence.sel $0xFFFF  }
0xc6: {  	[dreg:$0x0] =	wrdreg $0xFFFFFFFF;
	(pc) =	sbr.abs _section_cstart, $3  }
0xc7: {  	[dreg:$0x1] =	wrdreg $0xFFFFFFFF  }
0xc8: {  	_ =	task.clear_ibuf [dreg:s8], $0x2FFFF;
	_ =	strace $0x9FFFFFFF  }
0xc9: {  	(tm) =	ssettm $0x7FFFFFFF  }
tec
execute0_lowered:
.L_overlay_start_1:
0x0: {  	(tag) =	ssettag $0x1  }
0x1: {  	s6 =	rddreg [dreg:$0x0]  }
0x2: {  	s1 =	rddreg [dreg:$0x1]  }
0x3: {  	s2 =	rddreg [dreg:$0x2]  }
0x4: {  	s3 =	simm.s32 $0x0;
	s5 =	srdreg.scid;
	s0 =	stileid.u32  }
0x5: {  	s30 =	simm.s32 $0x8800;
	s14 =	simm.s32 $0x8880;
	s15 =	simm.s32 $0x8900  }
0x6: {  	s31 =	simm.s32 $0x8980;
	s16 =	simm.s32 $0x8A80;
	s17 =	simm.s32 $0x3  }
0x7: {  	s18 =	simm.s32 $0x4;
	[smem:$0x7FF] =	sst s3;
	s4 =	sadd.s32 $0xD000, s6  }
0x8: {  	s7 =	sadd.s32 $0x2D000, s6;
	_ =	strace $0x80000047;
	[dreg:$0x4] =	wrdreg s4  }
0x9: {  	s8 =	sand.u32 $0x1, s5;
	s9 =	smul.u32 $0x500, s0;
	[dreg:$0x5] =	wrdreg s7  }
0xa: {  	s5 =	sadd.s32 $0xAC00, s6;
	s20 =	smul.u32 $0x5000, s0;
	[dreg:$0xa] =	wrdreg s30  }
0xb: {  	s10 =	sshll.u32 s0, $0x8;
	s19 =	smul.u32 $0x280, s8;
	[dreg:$0xb] =	wrdreg s14  }
0xc: {  	s11 =	sshll.u32 s8, $0x7;
	s22 =	ssub.s32 $0x2, s8;
	[dreg:$0xc] =	wrdreg s15  }
0xd: {  	s13 =	smul.u32 $0x2800, s8;
	s14 =	simm.s32 $0x4800;
	[dreg:$0xd] =	wrdreg s31  }
0xe: {  	s15 =	simm.s32 $0x8A00;
	s10 =	sor.u32 s11, s10;
	s11 =	sadd.s32 s20, s6  }
0xf: {  	s23 =	sshrl.u32 s22, $0x1;
	s20 =	simm.s32 $0x8B80;
	s7 =	sadd.s32 s19, s9  }
0x10: {  	s21 =	sadd.s32 s10, s6;
	s10 =	ssub.s32 s22, s23;
	s25 =	sadd.s32 s13, s11  }
0x11: {  	s11 =	simm.s32 $0x5;
	s13 =	simm.s32 $0x800;
	s19 =	simm.s32 $0x8B00  }
0x12: {  	s22 =	simm.s32 $0x8C80;
	s23 =	simm.s32 $0x1;
	s7 =	sshrl.u32 s7, $0x3  }
0x13: {  	s8 =	smax.u32 s10, $0x1;
	s9 =	sadd.s32 $0x4F800, s25;
	s12 =	sadd.s32 s7, s6  }
0x14: {  	s10 =	sadd.s32 $0x9F800, s25;
	s25 =	simm.s32 $0x0;
	s24 =	sadd.s32 $0x4EE00, s12  }
0x15: {  	s6 =	sadd.s32 $0xB000, s21;
	s26 =	sadd.s32 $0x4E400, s12;
	[dreg:$0x6] =	wrdreg s24  }
0x16: {  	s7 =	sadd.s32 $0xC000, s21;
	s28 =	sadd.s32 $0x4DA00, s12;
	[dreg:$0x7] =	wrdreg s26  }
0x17: {  	s21 =	simm.s32 $0x8C00;
	s29 =	sadd.s32 $0x4D000, s12;
	[dreg:$0x8] =	wrdreg s28  }
0x18: {  	s12 =	simm.s32 $0x80;
	[dreg:$0x9] =	wrdreg s29;
	s24 =	simm.s32 $0x2  }
.LBB2_1:
0x19: {  	[tilespmem:s3], [sflag:$0x5] =	stream.linear.gather [hbm4b:s6+s3], $0x280, $0x38;
	[tilespmem:$0x8D00] =	vst v63  }
0x1a: {  	_ =	swait.ge [sflag:s11], $0x280  }
0x1b: {  	[sflag:s11] =	ssyncset.done $0x0  }
0x1c: {  	s26 =	simm.s32 $0x400;
	[sflag:s11] =	ssyncadd.s32 $0xFFFFFD80  }
0x1d: {  	[tilespmem:s26], [sflag:$0x5] =	stream.linear.gather [hbm4b:s7+s3], $0x280, $0x38;
	[tilespmem:$0x8D00] =	vst v63  }
0x1e: {  	_ =	swait.ge [sflag:s11], $0x280  }
0x1f: {  	s28 =	smov.u32 s10;
	s29 =	smov.u32 s9;
	[sflag:s11] =	ssyncset.done $0x0  }
0x20: {  	s30 =	simm.s32 $0x0;
	s31 =	simm.s32 $0x0;
	[sflag:s11] =	ssyncadd.s32 $0xFFFFFD80  }
.LBB2_2:
0x21: {  	s0 =	rddreg [dreg:$0x4]  }
0x22: {  	[tilespmem:s13], [sflag:$0x1] =	stream.indirect.gather [hbm4b:s0+s12], $0x80, s30, s12, $0xb8;
	[tilespmem:$0x8D00] =	vst v63  }
0x23: {  	s4 =	rddreg [dreg:$0x5]  }
0x24: {  	[tilespmem:s14], [sflag:$0x2] =	stream.indirect.gather [hbm4b:s4+s12], $0x80, s26, s12, $0xb8;
	[tilespmem:$0x8D00] =	vst v63  }
0x25: {  	s0 =	rddreg [dreg:$0xa]  }
0x26: {  	[tilespmem:s0], [sflag:$0x3] =	stream.indirect.gather [hbm4b:s5+s12], $0x1, s30, s12, $0xb8;
	[tilespmem:$0x8D00] =	vst v63  }
0x27: {  	s4 =	rddreg [dreg:$0xb]  }
0x28: {  	[tilespmem:s4], [sflag:$0x3] =	stream.indirect.gather [hbm4b:s1+s12], $0x1, s30, s12, $0xb8;
	[tilespmem:$0x8D00] =	vst v63  }
0x29: {  	s0 =	rddreg [dreg:$0xc]  }
0x2a: {  	[tilespmem:s0], [sflag:$0x3] =	stream.indirect.gather [hbm4b:s2+s12], $0x1, s30, s12, $0xb8;
	[tilespmem:$0x8D00] =	vst v63  }
0x2b: {  	s4 =	rddreg [dreg:$0xd]  }
0x2c: {  	[tilespmem:s4], [sflag:$0x4] =	stream.indirect.gather [hbm4b:s5+s12], $0x1, s26, s12, $0xb8;
	[tilespmem:$0x8D00] =	vst v63  }
0x2d: {  	_ = 	snop  }
0x2e: {  	[tilespmem:s15], [sflag:$0x4] =	stream.indirect.gather [hbm4b:s1+s12], $0x1, s26, s12, $0xb8;
	[tilespmem:$0x8D00] =	vst v63  }
0x2f: {  	_ = 	snop  }
0x30: {  	[tilespmem:s16], [sflag:$0x4] =	stream.indirect.gather [hbm4b:s2+s12], $0x1, s26, s12, $0xb8;
	[tilespmem:$0x8D00] =	vst v63  }
0x31: {  	_ =	swait.ge [sflag:s17], $0x80  }
0x32: {  	[sflag:s17] =	ssyncset.done $0x0  }
0x33: {  	[sflag:s17] =	ssyncadd.s32 $0xFFFFFF80  }
0x34: {  	_ =	swait.ge [sflag:s17], $0x80  }
0x35: {  	[sflag:s17] =	ssyncset.done $0x0  }
0x36: {  	[sflag:s17] =	ssyncadd.s32 $0xFFFFFF80  }
0x37: {  	_ =	swait.ge [sflag:s17], $0x80  }
0x38: {  	[sflag:s17] =	ssyncset.done $0x0  }
0x39: {  	[sflag:s17] =	ssyncadd.s32 $0xFFFFFF80  }
0x3a: {  	_ =	swait.ge [sflag:s18], $0x80  }
0x3b: {  	[sflag:s18] =	ssyncset.done $0x0  }
0x3c: {  	[sflag:s18] =	ssyncadd.s32 $0xFFFFFF80  }
0x3d: {  	_ =	swait.ge [sflag:s18], $0x80  }
0x3e: {  	[sflag:s18] =	ssyncset.done $0x0  }
0x3f: {  	[sflag:s18] =	ssyncadd.s32 $0xFFFFFF80  }
0x40: {  	_ =	swait.ge [sflag:s18], $0x80  }
0x41: {  	[sflag:s18] =	ssyncset.done $0x0  }
0x42: {  	[sflag:s18] =	ssyncadd.s32 $0xFFFFFF80  }
0x43: {  	v0 =	vld [tilespmem:$0x8800]  }
0x44: {  	v1 =	vld [tilespmem:$0x8980]  }
0x45: {  	v2 =	vld [tilespmem:$0x8880]  }
0x46: {  	v3 =	vld [tilespmem:$0x8A00]  }
0x47: {  	v4 =	vld [tilespmem:$0x8900]  }
0x48: {  	v5 =	vld [tilespmem:$0x8A80]  }
0x49: {  	v6 =	vld [tilespmem:$0x8810]  }
0x4a: {  	v7 =	vld [tilespmem:$0x8990]  }
0x4b: {  	v8 =	vld [tilespmem:$0x8890]  }
0x4c: {  	v9 =	vld [tilespmem:$0x8A10]  }
0x4d: {  	v10 =	vld [tilespmem:$0x8910]  }
0x4e: {  	v11 =	vld [tilespmem:$0x8A90]  }
0x4f: {  	v12 =	vld [tilespmem:$0x8820]  }
0x50: {  	v13 =	vld [tilespmem:$0x89A0]  }
0x51: {  	v14 =	vld [tilespmem:$0x88A0]  }
0x52: {  	v15 =	vld [tilespmem:$0x8A20]  }
0x53: {  	v16 =	vld [tilespmem:$0x8920]  }
0x54: {  	v17 =	vld [tilespmem:$0x8AA0]  }
0x55: {  	v18 =	vld [tilespmem:$0x8830]  }
0x56: {  	v19 =	vld [tilespmem:$0x89B0]  }
0x57: {  	v20 =	vld [tilespmem:$0x88B0]  }
0x58: {  	v36 =	vld [tilespmem:$0x8A30]  }
0x59: {  	v37 =	vld [tilespmem:$0x8930]  }
0x5a: {  	v22 =	vld [tilespmem:$0x8AB0]  }
0x5b: {  	v23 =	vld [tilespmem:$0x8840]  }
0x5c: {  	v24 =	vld [tilespmem:$0x89C0]  }
0x5d: {  	v41 =	vld [tilespmem:$0x88C0]  }
0x5e: {  	v43 =	vld [tilespmem:$0x8A40];
	v0 =	vsub.f32 v0, v1  }
0x5f: {  	v47 =	vld [tilespmem:$0x8940];
	v35 =	vsub.f32 v2, v3  }
0x60: {  	v50 =	vld [tilespmem:$0x8AC0];
	v4 =	vsub.f32 v4, v5;
	[tilespmem:$0x8B00] =	vst v0  }
0x61: {  	v53 =	vld [tilespmem:$0x8850];
	v6 =	vsub.f32 v6, v7;
	[tilespmem:$0x8B80] =	vst v35  }
0x62: {  	v56 =	vld [tilespmem:$0x89D0];
	v40 =	vsub.f32 v8, v9;
	[tilespmem:$0x8C00] =	vst v4  }
0x63: {  	v57 =	vld [tilespmem:$0x88D0];
	v44 =	vsub.f32 v10, v11;
	[tilespmem:$0x8B10] =	vst v6  }
0x64: {  	v60 =	vld [tilespmem:$0x8A50];
	v48 =	vsub.f32 v12, v13;
	[tilespmem:$0x8B90] =	vst v40  }
0x65: {  	v62 =	vld [tilespmem:$0x8950];
	v49 =	vsub.f32 v14, v15;
	[tilespmem:$0x8C10] =	vst v44  }
0x66: {  	v63 =	vld [tilespmem:$0x8AD0];
	v54 =	vsub.f32 v16, v17;
	[tilespmem:$0x8B20] =	vst v48  }
0x67: {  	v25 =	vld [tilespmem:$0x8860];
	v61 =	vsub.f32 v18, v19;
	[tilespmem:$0x8BA0] =	vst v49  }
0x68: {  	v27 =	vld [tilespmem:$0x89E0];
	v2 =	vsub.f32 v20, v36;
	[tilespmem:$0x8C20] =	vst v54  }
0x69: {  	v30 =	vld [tilespmem:$0x88E0];
	v3 =	vsub.f32 v37, v22;
	[tilespmem:$0x8B30] =	vst v61  }
0x6a: {  	v34 =	vld [tilespmem:$0x8A60];
	v26 =	vsub.f32 v23, v24;
	v38 =	vmul.f32 v0, v0;
	[tilespmem:$0x8BB0] =	vst v2  }
0x6b: {  	v31 =	vsub.f32 v47, v50;
	v47 =	vld [tilespmem:$0x8A70];
	v21 =	vmul.f32 v35, v35;
	v39 =	vmul.f32 v4, v4;
	[tilespmem:$0x8C30] =	vst v3  }
0x6c: {  	v7 =	vsub.f32 v57, v60;
	v50 =	vld [tilespmem:$0x8970];
	v45 =	vmul.f32 v6, v6;
	v46 =	vmul.f32 v40, v40;
	[tilespmem:$0x8B40] =	vst v26  }
0x6d: {  	v55 =	vmul.f32 v48, v48;
	v35 =	vld [tilespmem:$0x8960];
	v4 =	vsub.f32 v62, v63;
	[tilespmem:$0x8C40] =	vst v31;
	v5 =	vadd.f32 v21, v38  }
0x6e: {  	v15 =	vmul.f32 v49, v49;
	v40 =	vld [tilespmem:$0x8870];
	[tilespmem:$0x8BD0] =	vst v7;
	v51 =	vadd.f32 v46, v45;
	v45 =	vsub.f32 v25, v27  }
0x6f: {  	v52 =	vmul.f32 v44, v44;
	v44 =	vld [tilespmem:$0x88F0];
	v46 =	vsub.f32 v30, v34;
	[tilespmem:$0x8C50] =	vst v4  }
0x70: {  	v59 =	vmul.f32 v54, v54;
	v54 =	vld [tilespmem:$0x8AF0];
	v58 =	vadd.f32 v15, v55;
	v42 =	vadd.f32 v39, v5;
	[tilespmem:$0x8B60] =	vst v45  }
0x71: {  	v22 =	vmul.f32 v2, v2;
	v38 =	vld [tilespmem:$0x8AE0];
	v0 =	vadd.f32 v52, v51;
	[tilespmem:$0x8BE0] =	vst v46  }
0x72: {  	v21 =	vmul.f32 v61, v61;
	v1 =	vadd.f32 v59, v58;
	v5 =	vsub.f32 v41, v43;
	v41 =	vld [tilespmem:$0x89F0];
	[tilespmem:$0x8C80] =	vst v42  }
0x73: {  	v29 =	vmul.f32 v3, v3;
	v32 =	vmul.f32 v26, v26;
	[tilespmem:$0x8C90] =	vst v0  }
0x74: {  	v37 =	vmul.f32 v31, v31;
	v28 =	vadd.f32 v22, v21;
	v39 =	vsub.f32 v53, v56;
	[tilespmem:$0x8CA0] =	vst v1  }
0x75: {  	v43 =	vmul.f32 v7, v7;
	v52 =	vmul.f32 v45, v45;
	v57 =	vsub.f32 v44, v47;
	[tilespmem:$0x8BC0] =	vst v5  }
0x76: {  	v59 =	vsub.f32 v50, v54;
	v33 =	vmul.f32 v5, v5;
	v1 =	vadd.f32 v29, v28;
	[tilespmem:$0x8B50] =	vst v39  }
0x77: {  	v53 =	vmul.f32 v46, v46;
	v51 =	vsub.f32 v35, v38;
	[tilespmem:$0x8BF0] =	vst v57;
	v56 =	vsub.f32 v40, v41  }
0x78: {  	v42 =	vmul.f32 v39, v39;
	v61 =	vmul.f32 v57, v57;
	[tilespmem:$0x8C70] =	vst v59;
	v36 =	vadd.f32 v33, v32  }
0x79: {  	v2 =	vadd.f32 v53, v52;
	[tilespmem:$0x8CB0] =	vst v1;
	v55 =	vmul.f32 v51, v51;
	v60 =	vmul.f32 v56, v56  }
0x7a: {  	v49 =	vmul.f32 v4, v4;
	v48 =	vadd.f32 v43, v42;
	[tilespmem:$0x8C60] =	vst v51;
	v3 =	vadd.f32 v37, v36  }
0x7b: {  	v63 =	vmul.f32 v59, v59;
	v58 =	vadd.f32 v55, v2;
	[tilespmem:$0x8B70] =	vst v56;
	v62 =	vadd.f32 v61, v60  }
0x7c: {  	[tilespmem:$0x8CC0] =	vst v3;
	v3 =	vadd.f32 v49, v48  }
0x7d: {  	[tilespmem:$0x8CE0] =	vst v58;
	v0 =	vadd.f32 v63, v62  }
0x7e: {  	s4 =	rddreg [dreg:$0x9];
	[tilespmem:$0x8CD0] =	vst v3  }
0x7f: {  	s0 =	sadd.s32 s31, s4;
	[tilespmem:$0x8CF0] =	vst v0  }
0x80: {  	[hbm4b:s0+s3] =	stream.linear.scatter [tilespmem:s19], [sflag:$0x5], $0x80, $0x38;
	[tilespmem:$0x8D00] =	vst v63  }
0x81: {  	_ =	swait.ge [sflag:s11], $0x80  }
0x82: {  	s4 =	rddreg [dreg:$0x8];
	[sflag:s11] =	ssyncset.done $0x0  }
0x83: {  	[sflag:s11] =	ssyncadd.s32 $0xFFFFFF80;
	s0 =	sadd.s32 s31, s4  }
0x84: {  	[hbm4b:s0+s3] =	stream.linear.scatter [tilespmem:s20], [sflag:$0x5], $0x80, $0x38;
	[tilespmem:$0x8D00] =	vst v63  }
0x85: {  	_ =	swait.ge [sflag:s11], $0x80  }
0x86: {  	s4 =	rddreg [dreg:$0x7];
	[sflag:s11] =	ssyncset.done $0x0  }
0x87: {  	[sflag:s11] =	ssyncadd.s32 $0xFFFFFF80;
	s0 =	sadd.s32 s31, s4  }
0x88: {  	[hbm4b:s0+s3] =	stream.linear.scatter [tilespmem:s21], [sflag:$0x5], $0x80, $0x38;
	[tilespmem:$0x8D00] =	vst v63  }
0x89: {  	_ =	swait.ge [sflag:s11], $0x80  }
0x8a: {  	s4 =	rddreg [dreg:$0x6];
	[sflag:s11] =	ssyncset.done $0x0  }
0x8b: {  	[sflag:s11] =	ssyncadd.s32 $0xFFFFFF80;
	s0 =	sadd.s32 s31, s4  }
0x8c: {  	[hbm4b:s0+s3] =	stream.linear.scatter [tilespmem:s22], [sflag:$0x5], $0x80, $0x38;
	[tilespmem:$0x8D00] =	vst v63  }
0x8d: {  	_ =	swait.ge [sflag:s11], $0x80  }
0x8e: {  	[sflag:s11] =	ssyncset.done $0x0  }
0x8f: {  	[sflag:s11] =	ssyncadd.s32 $0xFFFFFF80  }
0x90: {  	_ =	swait.ge [sflag:s23], $0x4000  }
0x91: {  	[sflag:s23] =	ssyncset.done $0x0  }
0x92: {  	[sflag:s23] =	ssyncadd.s32 $0xFFFFC000  }
0x93: {  	_ =	swait.ge [sflag:s24], $0x4000  }
0x94: {  	[sflag:s24] =	ssyncset.done $0x0  }
0x95: {  	[sflag:s24] =	ssyncadd.s32 $0xFFFFC000  }
0x96: {  	[hbm4b:s29+s3] =	stream.linear.scatter [tilespmem:s13], [sflag:$0x5], $0x4000, $0x38;
	[tilespmem:$0x8D00] =	vst v63  }
0x97: {  	_ =	swait.ge [sflag:s11], $0x4000  }
0x98: {  	p0 =	sne.s32 s31, $0x40;
	[sflag:s11] =	ssyncset.done $0x0  }
.Ltmp0:
0x99: {  	[sflag:s11] =	ssyncadd.s32 $0xFFFFC000;
	(pc) =	sbr.rel @p0 .LBB2_2-.Ltmp0, $4  }
0x9a: {  	[hbm4b:s28+s3] =	stream.linear.scatter [tilespmem:s14], [sflag:$0x5], $0x4000, $0x38;
	[tilespmem:$0x8D00] =	vst v63  }
0x9b: {  	s30 =	sadd.s32 $0x80, s30;
	_ =	swait.ge [sflag:s11], $0x4000  }
0x9c: {  	s26 =	sadd.s32 $0x80, s26;
	s31 =	sadd.s32 $0x10, s31;
	[sflag:s11] =	ssyncset.done $0x0  }
0x9d: {  	s29 =	sadd.s32 $0x800, s29;
	s28 =	sadd.s32 $0x800, s28;
	[sflag:s11] =	ssyncadd.s32 $0xFFFFC000  }
0x9e: {  	s25 =	sadd.s32 $0x1, s25  }
0x9f: {  	p0 =	sne.s32 s25, s8  }
.Ltmp1:
0xa0: {  	_ = 	snop;
	(pc) =	sbr.rel @p0 .LBB2_1-.Ltmp1, $1  }
0xa1: {  	_ =	sdelay $0x3  }
0xa2: {  	_ =	sfence.sel $0x180000  }
0xa3: {  	[bflag:$0x0] =	sbarrier.arrive $0xFFFF  }
0xa4: {  	_ =	strace $0x90000047  }
0xa5: {  	s0 =	stileid.u32;
	[bflag:$0x2] =	sbarrier.arrive $0xFFFF  }
0xa6: {  	p0 =	sne.s32 s0, $0x0;
	s0 =	rddreg [dreg:$0x3]  }
0xa7: {  	s0 =	sadd.s32 @!p0 $0x100000, s0  }
0xa8: {  	[sflag:s0] =	ssyncadd.tile.s32 @!p0 $0x1;
	_ =	shalt  }
.Lfunc_end2:
_tile_overlayer_lowered:
.L_overlay_start_2:
0xa9: {  	(tag) =	ssettag $0x2  }
0xaa: {  	s0 =	rddreg [dreg:$0x0];
	s2 =	stileid.u32  }
0xab: {  	s1 =	rddreg [dreg:$0x1];
	p0 =	sne.s32 s2, $0x0  }
0xac: {  	s3 =	rddreg [dreg:$0x2];
	[bflag:$0x3] =	sbarrier.arrive $0xFFFF;
	s2 =	simm.s32 @!p0 $0x1C05  }
0xad: {  	[timem:s3], [sflag:s2] =	dma.local @!p0 [hbm:s0], s1  }
0xae: {  	s0 =	simm.s32 @!p0 $0x5  }
0xaf: {  	_ =	swait.ge @!p0 [sflag:s0], s1  }
0xb0: {  	s1 =	ssub.s32 @!p0 $0x0, s1;
	[sflag:s0] =	ssyncset.done @!p0 $0x0  }
0xb1: {  	[sflag:s0] =	ssyncadd.s32 @!p0 s1  }
0xb2: {  	[bflag:$0x3] =	sbarrier.arrive $0xFFFF  }
0xb3: {  	_ =	shalt  }

// kernel: kernel.16.cloned.1.call-start
scs
__scs_entry_jumppad:
0x0: {  	(pc) =	sbr.rel $0x88, $3  }
0x1: {  	(tag) =	ssettag $0x0;
	lr =	simm.s32 $0x1  }
0x2: {  	[smem:$0x3F7A] =	sst lr;
	_ =	strace $0xD0000000  }
0x3: {  	_ = 	snop  }
0x4: {  	_ = 	snop  }
0x5: {  	_ = 	snop  }
0x6: {  	_ = 	snop  }
0x7: {  	_ = 	snop  }
__scs_overlays_trampoline_lowered:
0x8: {  	[smem:$0x3F89] =	sst s0  }
0x9: {  	[smem:$0x3F8A] =	sst s1  }
0xa: {  	[smem:$0x3F8B] =	sst s2  }
0xb: {  	[smem:$0x3F8C] =	sst s3  }
0xc: {  	[smem:$0x3F8D] =	sst s4  }
0xd: {  	[smem:$0x3F8E] =	sst s5  }
0xe: {  	[smem:$0x3F8F] =	sst s6  }
0xf: {  	[smem:$0x3F90] =	sst s7  }
0x10: {  	[smem:$0x3F91] =	sst s8  }
0x11: {  	[smem:$0x3F92] =	sst s9;
	s0 =	simm.s32 @!p0 $0x0  }
0x12: {  	s1 =	sld [smem:$0x3F78];
	s0 =	simm.s32 @p0 $0x1  }
0x13: {  	[smem:$0x3F93] =	sst s0;
	s0 =	simm.s32 @!p1 $0x0  }
0x14: {  	s2 =	sld [smem:$0x3F77];
	s0 =	simm.s32 @p1 $0x1  }
0x15: {  	[smem:$0x3F94] =	sst s0;
	s0 =	simm.s32 @!p2 $0x0  }
0x16: {  	s3 =	sld [smem:$0x3FDB];
	s0 =	simm.s32 @p2 $0x1  }
0x17: {  	s4 =	simm.s32 $0x1BF5;
	[smem:$0x3F96] =	sst s0  }
0x18: {  	s0 =	sld [smem:$0x3F79];
	_ =	swait.ge [sflag:s4], $0x0  }
0x19: {  	s7 =	sld [smem:$0x3F7A]  }
0x1a: {  	s8 =	sadd.s32 $0xFFFFE003, lr  }
0x1b: {  	s9 =	sadd.s32 $0xFFFFFEF7, lr;
	s5 =	simm.s32 $0xFFFFFFFF;
	p2 =	slt.u32 s8, $0xFFFFF086  }
0x1c: {  	p1 =	slt.u32 s9, $0xF7A;
	s5 =	simm.s32 @!p2 $0x0  }
0x1d: {  	s5 =	simm.s32 @p1 $0x1;
	p0 =	seq.s32 s7, s2  }
0x1e: {  	s7 =	smul.u32 @!p0 $0xF7A, s2;
	p2 =	seq.s32 @!p0 s5, $0x0  }
0x1f: {  	s9 =	smul.u32 $0xF7A, s1;
	s8 =	simm.s32 @!p0 $0x1BF5;
	p2 =	por !p2, p0  }
0x20: {  	[sflag:s8] =	ssyncset.s32 @!p0 $0xFFFFF086;
	s6 =	sadd.s32 @!p0 s3, s7;
	s7 =	simm.s32 @!p0 $0x108  }
0x21: {  	s3 =	sadd.s32 s3, s9;
	s6 =	sadd.s32 @!p0 $0x88, s6;
	s7 =	simm.s32 @p2 $0x1082  }
0x22: {  	[simem:s7], [sflag:s8] =	dma.local @!p0 [hbm:s6], $0xF7A  }
0x23: {  	s9 =	sor.u32 $0xD0000000, s2;
	s6 =	simm.s32 $0x108;
	_ =	swait.ge @!p0 [sflag:s8], $0x0  }
0x24: {  	s3 =	sadd.s32 $0x88, s3;
	s6 =	simm.s32 @!p1 $0x1082;
	[sflag:s4] =	ssyncset.s32 $0xFFFFF086  }
0x25: {  	[simem:s6], [sflag:s4] =	dma.local [hbm:s3], $0xF7A  }
0x26: {  	[smem:$0x3F7A] =	sst s1;
	(tag) =	ssettag s2;
	_ =	strace s9  }
0x27: {  	s1 =	sld [smem:$0x3F8A]  }
0x28: {  	s2 =	sld [smem:$0x3F8B]  }
0x29: {  	s4 =	sld [smem:$0x3F8D]  }
0x2a: {  	p0 =	seq.s32 s5, $0x0;
	s5 =	sld [smem:$0x3F8E]  }
0x2b: {  	s6 =	sld [smem:$0x3F8F]  }
0x2c: {  	s7 =	sld [smem:$0x3F90]  }
0x2d: {  	s3 =	simm.s32 $0x108;
	s8 =	sld [smem:$0x3F91]  }
0x2e: {  	s3 =	simm.s32 @!p0 $0x1082;
	s9 =	sld [smem:$0x3F92]  }
0x2f: {  	lr =	sadd.s32 s0, s3;
	s0 =	sld [smem:$0x3F89]  }
0x30: {  	s3 =	sld [smem:$0x3F8C]  }
0x31: {  	[smem:$0x3F95] =	sst s10  }
0x32: {  	s10 =	sld [smem:$0x3F93];
	_ =	sdelay $0x3  }
0x33: {  	p0 =	seq.s32 s10, $0x1;
	s10 =	sld [smem:$0x3F95];
	_ =	sdelay $0x3  }
0x34: {  	[smem:$0x3F95] =	sst s10  }
0x35: {  	s10 =	sld [smem:$0x3F94];
	_ =	sdelay $0x3  }
0x36: {  	p1 =	seq.s32 s10, $0x1;
	s10 =	sld [smem:$0x3F95];
	_ =	sdelay $0x3  }
0x37: {  	[smem:$0x3F95] =	sst s10  }
0x38: {  	s10 =	sld [smem:$0x3F96]  }
0x39: {  	_ = 	snop;
	(pc) =	sbr.ind lr, $3  }
0x3a: {  	_ = 	snop  }
0x3b: {  	_ = 	snop  }
0x3c: {  	p2 =	seq.s32 s10, $0x1;
	s10 =	sld [smem:$0x3F95]  }
0x3d: {  	_ =	shalt  }
0x3e: {  	_ =	shalt  }
0x3f: {  	_ =	shalt  }
0x40: {  	_ =	shalt  }
0x41: {  	_ =	shalt  }
0x42: {  	_ =	shalt  }
0x43: {  	_ =	shalt  }
0x44: {  	_ =	shalt  }
0x45: {  	_ =	shalt  }
0x46: {  	_ =	shalt  }
0x47: {  	_ =	shalt  }
0x48: {  	_ =	shalt  }
0x49: {  	_ =	shalt  }
0x4a: {  	_ =	shalt  }
0x4b: {  	_ =	shalt  }
0x4c: {  	_ =	shalt  }
0x4d: {  	_ =	shalt  }
0x4e: {  	_ =	shalt  }
0x4f: {  	_ =	shalt  }
0x50: {  	_ =	shalt  }
0x51: {  	_ =	shalt  }
0x52: {  	_ =	shalt  }
0x53: {  	_ =	shalt  }
0x54: {  	_ =	shalt  }
0x55: {  	_ =	shalt  }
0x56: {  	_ =	shalt  }
0x57: {  	_ =	shalt  }
0x58: {  	_ =	shalt  }
0x59: {  	_ =	shalt  }
0x5a: {  	_ =	shalt  }
0x5b: {  	_ =	shalt  }
0x5c: {  	_ =	shalt  }
0x5d: {  	_ =	shalt  }
0x5e: {  	_ =	shalt  }
0x5f: {  	_ =	shalt  }
0x60: {  	_ =	shalt  }
0x61: {  	_ =	shalt  }
0x62: {  	_ =	shalt  }
0x63: {  	_ =	shalt  }
0x64: {  	_ =	shalt  }
0x65: {  	_ =	shalt  }
0x66: {  	_ =	shalt  }
0x67: {  	_ =	shalt  }
0x68: {  	_ =	shalt  }
0x69: {  	_ =	shalt  }
0x6a: {  	_ =	shalt  }
0x6b: {  	_ =	shalt  }
0x6c: {  	_ =	shalt  }
0x6d: {  	_ =	shalt  }
0x6e: {  	_ =	shalt  }
0x6f: {  	_ =	shalt  }
0x70: {  	_ =	shalt  }
0x71: {  	_ =	shalt  }
0x72: {  	_ =	shalt  }
0x73: {  	_ =	shalt  }
0x74: {  	_ =	shalt  }
0x75: {  	_ =	shalt  }
0x76: {  	_ =	shalt  }
0x77: {  	_ =	shalt  }
0x78: {  	_ =	shalt  }
0x79: {  	_ =	shalt  }
0x7a: {  	_ =	shalt  }
0x7b: {  	_ =	shalt  }
0x7c: {  	_ =	shalt  }
0x7d: {  	_ =	shalt  }
0x7e: {  	_ =	shalt  }
0x7f: {  	_ =	shalt  }
0x80: {  	_ =	shalt  }
0x81: {  	_ =	shalt  }
0x82: {  	_ =	shalt  }
0x83: {  	_ =	shalt  }
0x84: {  	_ =	shalt  }
0x85: {  	_ =	shalt  }
0x86: {  	_ =	shalt  }
0x87: {  	_ =	shalt  }
.Lfunc_end0:
.L_simem_size_0:
called_computation.1_lowered:
.L_overlay_start_0:
0x88: {  	s2 =	sld [smem:$0x3FD9]  }
0x89: {  	s3 =	sld [smem:$0x3FFE];
	_ =	sdelay $0x1  }
0x8a: {  	s1 =	srdreg.scid  }
0x8b: {  	s0 =	sand.u32 $0x1, s1  }
0x8c: {  	s15 =	sshll.u32 s0, $0xA;
	s2 =	sadd.s32 s3, s2  }
0x8d: {  	s2 =	sadd.s32 s2, s15  }
0x8e: {  	[smem:$0x3FA1] =	sst s2  }
0x8f: {  	_ = 	snop  }
0x90: {  	s2 =	sld [smem:$0x3FD0];
	_ =	sdelay $0x2  }
0x91: {  	s5 =	simm.s32 $0xD;
	s16 =	simm.s32 $0x10  }
0x92: {  	[smem:s16], [sflag:s5] =	dma.local [hbm:s2], $0x1  }
0x93: {  	_ =	swait.eq [sflag:s5], $0x1  }
0x94: {  	s4 =	sld [smem:$0x10];
	[sflag:s5] =	ssyncset.done $0x0  }
0x95: {  	s17 =	sld [smem:$0x11];
	[sflag:s5] =	ssyncadd.s32 $0xFFFFFFFF  }
0x96: {  	s18 =	sld [smem:$0x12];
	(tm) =	ssettm $0x1  }
0x97: {  	s19 =	sld [smem:$0x3FFB];
	_ =	sdelay $0x3  }
0x98: {  	_ =	strace s19  }
0x99: {  	s2 =	sld [smem:$0x3FFC];
	_ =	sdelay $0x3  }
0x9a: {  	_ =	strace s2  }
0x9b: {  	s2 =	sld [smem:$0x3FFD];
	_ =	sdelay $0x3  }
0x9c: {  	_ =	strace s2  }
0x9d: {  	_ =	strace $0x8FFFFFFF  }
0x9e: {  	s20 =	sld [smem:$0x3FDB];
	_ =	sdelay $0x1  }
0x9f: {  	s6 =	simm.s32 $_scs_section_size  }
0xa0: {  	s7 =	simm.s32 $_size__tile_overlayer_lowered;
	s8 =	simm.s32 $_tile_overlayer_lowered  }
0xa1: {  	s9 =	simm.s32 $0x1BFF;
	s21 =	sshll.u32 s8, $0x1;
	s6 =	sadd.s32 s6, s20  }
0xa2: {  	s22 =	simm.s32 $0x0;
	s7 =	sshll.u32 s7, $0x1;
	s8 =	sadd.s32 s21, s6  }
0xa3: {  	[timem:s22], [sflag:s9] =	dma.local [hbm:s8], s7  }
0xa4: {  	_ =	swait.ge [sflag:s9], s7  }
0xa5: {  	s7 =	ssub.s32 $0x0, s7;
	[sflag:s9] =	ssyncset.done $0x0  }
0xa6: {  	[sflag:s9] =	ssyncadd.s32 s7;
	_ =	sdelay $0x1  }
0xa7: {  	s23 =	simm.s32 $0x1B8B  }
0xa8: {  	_ =	swait.ge [sflag:s23], $0x1  }
0xa9: {  	[sflag:s23] =	ssyncset.done $0x0  }
0xaa: {  	[sflag:s23] =	ssyncadd.s32 $0xFFFFFFFF  }
0xab: {  	s7 =	sld [smem:$0x0]  }
0xac: {  	s8 =	sand.u32 $0xFFFFFFFE, s1  }
0xad: {  	p0 =	sne.s32 s1, s8  }
0xae: {  	s8 =	sshll.u32 @p0 s8, $0xE  }
0xaf: {  	s8 =	sadd.s32 @p0 $0x11B8D, s8;
	s9 =	sshll.u32 @p0 s7, $0x11  }
0xb0: {  	s8 =	sor.u32 @p0 s9, s8  }
0xb1: {  	[sflag:s8] =	ssyncadd.remote.s32 @p0 $0x1;
	_ =	sdelay $0x1  }
0xb2: {  	s8 =	simm.s32 @p0 $0x1B8D  }
0xb3: {  	_ =	swait.eq @p0 [sflag:s8], $0x1  }
0xb4: {  	[sflag:s8] =	ssyncadd.s32 @p0 $0xFFFFFFFF  }
0xb5: {  	s9 =	sshll.u32 @!p0 s1, $0xE  }
0xb6: {  	s9 =	sor.u32 @!p0 $0x4000, s9;
	s8 =	simm.s32 @!p0 $0x1B8D  }
0xb7: {  	s7 =	sshll.u32 @!p0 s7, $0x11;
	s9 =	sadd.s32 @!p0 $0x11B8D, s9;
	_ =	swait.eq @!p0 [sflag:s8], $0x1  }
0xb8: {  	s7 =	sor.u32 @!p0 s7, s9;
	[sflag:s8] =	ssyncadd.s32 @!p0 $0xFFFFFFFF  }
0xb9: {  	s25 =	simm.s32 $0x1B8E;
	s24 =	sld [smem:$0x3FFE];
	[sflag:s7] =	ssyncadd.remote.s32 @!p0 $0x1  }
0xba: {  	s26 =	simm.s32 $execute0_lowered;
	[smem:$0x3FD2] =	sst s25  }
0xbb: {  	s8 =	sshll.u32 s26, $0x1;
	_ =	strace $0x80000049;
	[dreg:$0x1] =	wrdreg $0xFFFFFFFF  }
0xbc: {  	s28 =	simm.s32 $_size_execute0_lowered;
	s6 =	sadd.s32 s6, s8;
	[dreg:$0x0] =	wrdreg $0x0  }
0xbd: {  	s8 =	sshll.u32 s28, $0x1;
	[dreg:$0x2] =	wrdreg s6  }
0xbe: {  	[dreg:$0x3] =	wrdreg s8  }
0xbf: {  	[dreg:$0x4] =	wrdreg $0xC0  }
0xc0: {  	_ =	task [dreg:s22], $0x5FFFF  }
0xc1: {  	[dreg:$0x1] =	wrdreg $0xFFFFFFFF  }
0xc2: {  	[dreg:$0x0] =	wrdreg $0x60  }
0xc3: {  	[dreg:$0x2] =	wrdreg s24  }
0xc4: {  	[dreg:$0x3] =	wrdreg s4  }
0xc5: {  	[dreg:$0x4] =	wrdreg s18  }
0xc6: {  	[dreg:$0x5] =	wrdreg s17  }
0xc7: {  	[dreg:$0x6] =	wrdreg $0xA  }
0xc8: {  	_ =	task.clear_ibuf [dreg:s22], $0x7FFFF;
	_ =	strace $0x90000049  }
0xc9: {  	s29 =	simm.s32 $0xA;
	_ =	strace $0x8000004B  }
0xca: {  	_ =	swait.ge [sflag:s29], $0x1  }
0xcb: {  	[sflag:s29] =	ssyncadd.s32 $0xFFFFFFFF  }
0xcc: {  	_ =	strace $0x9000004B  }
0xcd: {  	_ =	sfence  }
0xce: {  	s30 =	sld [smem:$0x0];
	_ =	sdelay $0x2  }
0xcf: {  	s31 =	sshll.u32 s1, $0xD;
	s1 =	sshrl.u32 s1, $0x2  }
0xd0: {  	s4 =	sand.u32 $0x4000, s31;
	s1 =	sadd.s32 s1, s30  }
0xd1: {  	s0 =	sor.u32 s4, s0;
	s1 =	sshll.u32 s1, $0x11  }
0xd2: {  	s0 =	sor.u32 s1, s0  }
0xd3: {  	s0 =	sadd.s32 $0x8F2B, s0  }
0xd4: {  	[sflag:s0] =	ssyncadd.remote.s32 $0x1  }
0xd5: {  	_ =	sfence.sel $0xFFFF  }
0xd6: {  	[dreg:$0x0] =	wrdreg $0xFFFFFFFF;
	(pc) =	sbr.abs _section_cstart, $3  }
0xd7: {  	[dreg:$0x1] =	wrdreg $0xFFFFFFFF  }
0xd8: {  	_ =	task.clear_ibuf [dreg:s22], $0x2FFFF;
	_ =	strace $0x9FFFFFFF  }
0xd9: {  	(tm) =	ssettm $0x7FFFFFFF  }
tec
execute0_lowered:
.L_overlay_start_1:
0x0: {  	(tag) =	ssettag $0x1  }
0x1: {  	s6 =	rddreg [dreg:$0x0]  }
0x2: {  	s1 =	rddreg [dreg:$0x1]  }
0x3: {  	s2 =	rddreg [dreg:$0x2]  }
0x4: {  	s7 =	rddreg [dreg:$0x3]  }
0x5: {  	s3 =	simm.s32 $0x0;
	s5 =	srdreg.scid;
	s0 =	stileid.u32  }
0x6: {  	s29 =	simm.s32 $0x8800;
	s30 =	simm.s32 $0x8880;
	s15 =	simm.s32 $0x8900  }
0x7: {  	s31 =	simm.s32 $0x8980;
	s16 =	simm.s32 $0x8A80;
	s17 =	simm.s32 $0x3  }
0x8: {  	[smem:$0x7FF] =	sst s3;
	s4 =	sadd.s32 $0xD000, s6;
	s8 =	sadd.s32 $0x2D000, s6  }
0x9: {  	s9 =	sand.u32 $0x1, s5;
	_ =	strace $0x8000004A;
	[dreg:$0x5] =	wrdreg s4  }
0xa: {  	s10 =	smul.u32 $0x500, s0;
	s5 =	sadd.s32 $0xAC00, s6;
	[dreg:$0x6] =	wrdreg s8  }
0xb: {  	s11 =	sshll.u32 s0, $0x8;
	s19 =	smul.u32 $0x5000, s0;
	[dreg:$0xb] =	wrdreg s29  }
0xc: {  	s18 =	smul.u32 $0x280, s9;
	s12 =	sshll.u32 s9, $0x7;
	[dreg:$0xc] =	wrdreg s30  }
0xd: {  	s13 =	ssub.s32 $0x2, s9;
	s9 =	smul.u32 $0x2800, s9;
	[dreg:$0xd] =	wrdreg s15  }
0xe: {  	[dreg:$0xe] =	wrdreg s31;
	s15 =	simm.s32 $0x8A00;
	s11 =	sor.u32 s12, s11  }
0xf: {  	s12 =	sadd.s32 s19, s6;
	s21 =	sshrl.u32 s13, $0x1;
	s19 =	simm.s32 $0x8B00  }
0x10: {  	s8 =	sadd.s32 s18, s10;
	s20 =	sadd.s32 s11, s6;
	s22 =	ssub.s32 s13, s21  }
0x11: {  	s7 =	sadd.s32 s7, s11;
	s24 =	sadd.s32 s9, s12;
	s11 =	simm.s32 $0x5  }
0x12: {  	s12 =	simm.s32 $0x80;
	s13 =	simm.s32 $0x800;
	s18 =	simm.s32 $0x4  }
0x13: {  	s21 =	simm.s32 $0x8C00;
	s8 =	sshrl.u32 s8, $0x3;
	s9 =	sadd.s32 $0xF6000, s24  }
0x14: {  	s10 =	sadd.s32 $0x146000, s24;
	s24 =	simm.s32 $0x2;
	s14 =	sadd.s32 s8, s6  }
0x15: {  	s6 =	sadd.s32 $0xEF800, s20;
	s8 =	smax.u32 s22, $0x1;
	s23 =	sadd.s32 $0xF5600, s14  }
0x16: {  	s20 =	simm.s32 $0x8B80;
	s25 =	sadd.s32 $0xF4C00, s14;
	[dreg:$0x7] =	wrdreg s23  }
0x17: {  	s22 =	simm.s32 $0x8C80;
	s26 =	sadd.s32 $0xF4200, s14;
	[dreg:$0x8] =	wrdreg s25  }
0x18: {  	s28 =	sadd.s32 $0xF3800, s14;
	s14 =	simm.s32 $0x4800;
	[dreg:$0x9] =	wrdreg s26  }
0x19: {  	[dreg:$0xa] =	wrdreg s28;
	s23 =	simm.s32 $0x1;
	s25 =	simm.s32 $0x0  }
.LBB2_1:
0x1a: {  	[tilespmem:s3], [sflag:$0x5] =	stream.linear.gather [hbm4b:s6+s3], $0x280, $0x38;
	[tilespmem:$0x8D00] =	vst v63  }
0x1b: {  	_ =	swait.ge [sflag:s11], $0x280  }
0x1c: {  	[sflag:s11] =	ssyncset.done $0x0  }
0x1d: {  	s26 =	simm.s32 $0x400;
	[sflag:s11] =	ssyncadd.s32 $0xFFFFFD80  }
0x1e: {  	[tilespmem:s26], [sflag:$0x5] =	stream.linear.gather [hbm4b:s7+s3], $0x280, $0x38;
	[tilespmem:$0x8D00] =	vst v63  }
0x1f: {  	_ =	swait.ge [sflag:s11], $0x280  }
0x20: {  	s28 =	smov.u32 s10;
	s29 =	smov.u32 s9;
	[sflag:s11] =	ssyncset.done $0x0  }
0x21: {  	s30 =	simm.s32 $0x0;
	s31 =	simm.s32 $0x0;
	[sflag:s11] =	ssyncadd.s32 $0xFFFFFD80  }
.LBB2_2:
0x22: {  	s0 =	rddreg [dreg:$0x5]  }
0x23: {  	[tilespmem:s13], [sflag:$0x1] =	stream.indirect.gather [hbm4b:s0+s12], $0x80, s30, s12, $0xb8;
	[tilespmem:$0x8D00] =	vst v63  }
0x24: {  	s4 =	rddreg [dreg:$0x6]  }
0x25: {  	[tilespmem:s14], [sflag:$0x2] =	stream.indirect.gather [hbm4b:s4+s12], $0x80, s26, s12, $0xb8;
	[tilespmem:$0x8D00] =	vst v63  }
0x26: {  	s0 =	rddreg [dreg:$0xb]  }
0x27: {  	[tilespmem:s0], [sflag:$0x3] =	stream.indirect.gather [hbm4b:s5+s12], $0x1, s30, s12, $0xb8;
	[tilespmem:$0x8D00] =	vst v63  }
0x28: {  	s4 =	rddreg [dreg:$0xc]  }
0x29: {  	[tilespmem:s4], [sflag:$0x3] =	stream.indirect.gather [hbm4b:s1+s12], $0x1, s30, s12, $0xb8;
	[tilespmem:$0x8D00] =	vst v63  }
0x2a: {  	s0 =	rddreg [dreg:$0xd]  }
0x2b: {  	[tilespmem:s0], [sflag:$0x3] =	stream.indirect.gather [hbm4b:s2+s12], $0x1, s30, s12, $0xb8;
	[tilespmem:$0x8D00] =	vst v63  }
0x2c: {  	s4 =	rddreg [dreg:$0xe]  }
0x2d: {  	[tilespmem:s4], [sflag:$0x4] =	stream.indirect.gather [hbm4b:s5+s12], $0x1, s26, s12, $0xb8;
	[tilespmem:$0x8D00] =	vst v63  }
0x2e: {  	_ = 	snop  }
0x2f: {  	[tilespmem:s15], [sflag:$0x4] =	stream.indirect.gather [hbm4b:s1+s12], $0x1, s26, s12, $0xb8;
	[tilespmem:$0x8D00] =	vst v63  }
0x30: {  	_ = 	snop  }
0x31: {  	[tilespmem:s16], [sflag:$0x4] =	stream.indirect.gather [hbm4b:s2+s12], $0x1, s26, s12, $0xb8;
	[tilespmem:$0x8D00] =	vst v63  }
0x32: {  	_ =	swait.ge [sflag:s17], $0x80  }
0x33: {  	[sflag:s17] =	ssyncset.done $0x0  }
0x34: {  	[sflag:s17] =	ssyncadd.s32 $0xFFFFFF80  }
0x35: {  	_ =	swait.ge [sflag:s17], $0x80  }
0x36: {  	[sflag:s17] =	ssyncset.done $0x0  }
0x37: {  	[sflag:s17] =	ssyncadd.s32 $0xFFFFFF80  }
0x38: {  	_ =	swait.ge [sflag:s17], $0x80  }
0x39: {  	[sflag:s17] =	ssyncset.done $0x0  }
0x3a: {  	[sflag:s17] =	ssyncadd.s32 $0xFFFFFF80  }
0x3b: {  	_ =	swait.ge [sflag:s18], $0x80  }
0x3c: {  	[sflag:s18] =	ssyncset.done $0x0  }
0x3d: {  	[sflag:s18] =	ssyncadd.s32 $0xFFFFFF80  }
0x3e: {  	_ =	swait.ge [sflag:s18], $0x80  }
0x3f: {  	[sflag:s18] =	ssyncset.done $0x0  }
0x40: {  	[sflag:s18] =	ssyncadd.s32 $0xFFFFFF80  }
0x41: {  	_ =	swait.ge [sflag:s18], $0x80  }
0x42: {  	[sflag:s18] =	ssyncset.done $0x0  }
0x43: {  	[sflag:s18] =	ssyncadd.s32 $0xFFFFFF80  }
0x44: {  	v0 =	vld [tilespmem:$0x8800]  }
0x45: {  	v1 =	vld [tilespmem:$0x8980]  }
0x46: {  	v2 =	vld [tilespmem:$0x8880]  }
0x47: {  	v3 =	vld [tilespmem:$0x8A00]  }
0x48: {  	v4 =	vld [tilespmem:$0x8900]  }
0x49: {  	v5 =	vld [tilespmem:$0x8A80]  }
0x4a: {  	v6 =	vld [tilespmem:$0x8810]  }
0x4b: {  	v7 =	vld [tilespmem:$0x8990]  }
0x4c: {  	v8 =	vld [tilespmem:$0x8890]  }
0x4d: {  	v9 =	vld [tilespmem:$0x8A10]  }
0x4e: {  	v10 =	vld [tilespmem:$0x8910]  }
0x4f: {  	v11 =	vld [tilespmem:$0x8A90]  }
0x50: {  	v12 =	vld [tilespmem:$0x8820]  }
0x51: {  	v13 =	vld [tilespmem:$0x89A0]  }
0x52: {  	v14 =	vld [tilespmem:$0x88A0]  }
0x53: {  	v15 =	vld [tilespmem:$0x8A20]  }
0x54: {  	v16 =	vld [tilespmem:$0x8920]  }
0x55: {  	v17 =	vld [tilespmem:$0x8AA0]  }
0x56: {  	v18 =	vld [tilespmem:$0x8830]  }
0x57: {  	v19 =	vld [tilespmem:$0x89B0]  }
0x58: {  	v20 =	vld [tilespmem:$0x88B0]  }
0x59: {  	v36 =	vld [tilespmem:$0x8A30]  }
0x5a: {  	v37 =	vld [tilespmem:$0x8930]  }
0x5b: {  	v22 =	vld [tilespmem:$0x8AB0]  }
0x5c: {  	v23 =	vld [tilespmem:$0x8840]  }
0x5d: {  	v24 =	vld [tilespmem:$0x89C0]  }
0x5e: {  	v41 =	vld [tilespmem:$0x88C0]  }
0x5f: {  	v43 =	vld [tilespmem:$0x8A40];
	v0 =	vsub.f32 v0, v1  }
0x60: {  	v47 =	vld [tilespmem:$0x8940];
	v35 =	vsub.f32 v2, v3  }
0x61: {  	v50 =	vld [tilespmem:$0x8AC0];
	v4 =	vsub.f32 v4, v5;
	[tilespmem:$0x8B00] =	vst v0  }
0x62: {  	v53 =	vld [tilespmem:$0x8850];
	v6 =	vsub.f32 v6, v7;
	[tilespmem:$0x8B80] =	vst v35  }
0x63: {  	v56 =	vld [tilespmem:$0x89D0];
	v40 =	vsub.f32 v8, v9;
	[tilespmem:$0x8C00] =	vst v4  }
0x64: {  	v57 =	vld [tilespmem:$0x88D0];
	v44 =	vsub.f32 v10, v11;
	[tilespmem:$0x8B10] =	vst v6  }
0x65: {  	v60 =	vld [tilespmem:$0x8A50];
	v48 =	vsub.f32 v12, v13;
	[tilespmem:$0x8B90] =	vst v40  }
0x66: {  	v62 =	vld [tilespmem:$0x8950];
	v49 =	vsub.f32 v14, v15;
	[tilespmem:$0x8C10] =	vst v44  }
0x67: {  	v63 =	vld [tilespmem:$0x8AD0];
	v54 =	vsub.f32 v16, v17;
	[tilespmem:$0x8B20] =	vst v48  }
0x68: {  	v25 =	vld [tilespmem:$0x8860];
	v61 =	vsub.f32 v18, v19;
	[tilespmem:$0x8BA0] =	vst v49  }
0x69: {  	v27 =	vld [tilespmem:$0x89E0];
	v2 =	vsub.f32 v20, v36;
	[tilespmem:$0x8C20] =	vst v54  }
0x6a: {  	v30 =	vld [tilespmem:$0x88E0];
	v3 =	vsub.f32 v37, v22;
	[tilespmem:$0x8B30] =	vst v61  }
0x6b: {  	v34 =	vld [tilespmem:$0x8A60];
	v26 =	vsub.f32 v23, v24;
	v38 =	vmul.f32 v0, v0;
	[tilespmem:$0x8BB0] =	vst v2  }
0x6c: {  	v31 =	vsub.f32 v47, v50;
	v47 =	vld [tilespmem:$0x8A70];
	v21 =	vmul.f32 v35, v35;
	v39 =	vmul.f32 v4, v4;
	[tilespmem:$0x8C30] =	vst v3  }
0x6d: {  	v7 =	vsub.f32 v57, v60;
	v50 =	vld [tilespmem:$0x8970];
	v45 =	vmul.f32 v6, v6;
	v46 =	vmul.f32 v40, v40;
	[tilespmem:$0x8B40] =	vst v26  }
0x6e: {  	v55 =	vmul.f32 v48, v48;
	v35 =	vld [tilespmem:$0x8960];
	v4 =	vsub.f32 v62, v63;
	[tilespmem:$0x8C40] =	vst v31;
	v5 =	vadd.f32 v21, v38  }
0x6f: {  	v15 =	vmul.f32 v49, v49;
	v40 =	vld [tilespmem:$0x8870];
	[tilespmem:$0x8BD0] =	vst v7;
	v51 =	vadd.f32 v46, v45;
	v45 =	vsub.f32 v25, v27  }
0x70: {  	v52 =	vmul.f32 v44, v44;
	v44 =	vld [tilespmem:$0x88F0];
	v46 =	vsub.f32 v30, v34;
	[tilespmem:$0x8C50] =	vst v4  }
0x71: {  	v59 =	vmul.f32 v54, v54;
	v54 =	vld [tilespmem:$0x8AF0];
	v58 =	vadd.f32 v15, v55;
	v42 =	vadd.f32 v39, v5;
	[tilespmem:$0x8B60] =	vst v45  }
0x72: {  	v22 =	vmul.f32 v2, v2;
	v38 =	vld [tilespmem:$0x8AE0];
	v0 =	vadd.f32 v52, v51;
	[tilespmem:$0x8BE0] =	vst v46  }
0x73: {  	v21 =	vmul.f32 v61, v61;
	v1 =	vadd.f32 v59, v58;
	v5 =	vsub.f32 v41, v43;
	v41 =	vld [tilespmem:$0x89F0];
	[tilespmem:$0x8C80] =	vst v42  }
0x74: {  	v29 =	vmul.f32 v3, v3;
	v32 =	vmul.f32 v26, v26;
	[tilespmem:$0x8C90] =	vst v0  }
0x75: {  	v37 =	vmul.f32 v31, v31;
	v28 =	vadd.f32 v22, v21;
	v39 =	vsub.f32 v53, v56;
	[tilespmem:$0x8CA0] =	vst v1  }
0x76: {  	v43 =	vmul.f32 v7, v7;
	v52 =	vmul.f32 v45, v45;
	v57 =	vsub.f32 v44, v47;
	[tilespmem:$0x8BC0] =	vst v5  }
0x77: {  	v59 =	vsub.f32 v50, v54;
	v33 =	vmul.f32 v5, v5;
	v1 =	vadd.f32 v29, v28;
	[tilespmem:$0x8B50] =	vst v39  }
0x78: {  	v53 =	vmul.f32 v46, v46;
	v51 =	vsub.f32 v35, v38;
	[tilespmem:$0x8BF0] =	vst v57;
	v56 =	vsub.f32 v40, v41  }
0x79: {  	v42 =	vmul.f32 v39, v39;
	v61 =	vmul.f32 v57, v57;
	[tilespmem:$0x8C70] =	vst v59;
	v36 =	vadd.f32 v33, v32  }
0x7a: {  	v2 =	vadd.f32 v53, v52;
	[tilespmem:$0x8CB0] =	vst v1;
	v55 =	vmul.f32 v51, v51;
	v60 =	vmul.f32 v56, v56  }
0x7b: {  	v49 =	vmul.f32 v4, v4;
	v48 =	vadd.f32 v43, v42;
	[tilespmem:$0x8C60] =	vst v51;
	v3 =	vadd.f32 v37, v36  }
0x7c: {  	v63 =	vmul.f32 v59, v59;
	v58 =	vadd.f32 v55, v2;
	[tilespmem:$0x8B70] =	vst v56;
	v62 =	vadd.f32 v61, v60  }
0x7d: {  	[tilespmem:$0x8CC0] =	vst v3;
	v3 =	vadd.f32 v49, v48  }
0x7e: {  	[tilespmem:$0x8CE0] =	vst v58;
	v0 =	vadd.f32 v63, v62  }
0x7f: {  	s4 =	rddreg [dreg:$0xa];
	[tilespmem:$0x8CD0] =	vst v3  }
0x80: {  	s0 =	sadd.s32 s31, s4;
	[tilespmem:$0x8CF0] =	vst v0  }
0x81: {  	[hbm4b:s0+s3] =	stream.linear.scatter [tilespmem:s19], [sflag:$0x5], $0x80, $0x38;
	[tilespmem:$0x8D00] =	vst v63  }
0x82: {  	_ =	swait.ge [sflag:s11], $0x80  }
0x83: {  	s4 =	rddreg [dreg:$0x9];
	[sflag:s11] =	ssyncset.done $0x0  }
0x84: {  	[sflag:s11] =	ssyncadd.s32 $0xFFFFFF80;
	s0 =	sadd.s32 s31, s4  }
0x85: {  	[hbm4b:s0+s3] =	stream.linear.scatter [tilespmem:s20], [sflag:$0x5], $0x80, $0x38;
	[tilespmem:$0x8D00] =	vst v63  }
0x86: {  	_ =	swait.ge [sflag:s11], $0x80  }
0x87: {  	s4 =	rddreg [dreg:$0x8];
	[sflag:s11] =	ssyncset.done $0x0  }
0x88: {  	[sflag:s11] =	ssyncadd.s32 $0xFFFFFF80;
	s0 =	sadd.s32 s31, s4  }
0x89: {  	[hbm4b:s0+s3] =	stream.linear.scatter [tilespmem:s21], [sflag:$0x5], $0x80, $0x38;
	[tilespmem:$0x8D00] =	vst v63  }
0x8a: {  	_ =	swait.ge [sflag:s11], $0x80  }
0x8b: {  	s4 =	rddreg [dreg:$0x7];
	[sflag:s11] =	ssyncset.done $0x0  }
0x8c: {  	[sflag:s11] =	ssyncadd.s32 $0xFFFFFF80;
	s0 =	sadd.s32 s31, s4  }
0x8d: {  	[hbm4b:s0+s3] =	stream.linear.scatter [tilespmem:s22], [sflag:$0x5], $0x80, $0x38;
	[tilespmem:$0x8D00] =	vst v63  }
0x8e: {  	_ =	swait.ge [sflag:s11], $0x80  }
0x8f: {  	[sflag:s11] =	ssyncset.done $0x0  }
0x90: {  	[sflag:s11] =	ssyncadd.s32 $0xFFFFFF80  }
0x91: {  	_ =	swait.ge [sflag:s23], $0x4000  }
0x92: {  	[sflag:s23] =	ssyncset.done $0x0  }
0x93: {  	[sflag:s23] =	ssyncadd.s32 $0xFFFFC000  }
0x94: {  	_ =	swait.ge [sflag:s24], $0x4000  }
0x95: {  	[sflag:s24] =	ssyncset.done $0x0  }
0x96: {  	[sflag:s24] =	ssyncadd.s32 $0xFFFFC000  }
0x97: {  	[hbm4b:s29+s3] =	stream.linear.scatter [tilespmem:s13], [sflag:$0x5], $0x4000, $0x38;
	[tilespmem:$0x8D00] =	vst v63  }
0x98: {  	_ =	swait.ge [sflag:s11], $0x4000  }
0x99: {  	p0 =	sne.s32 s31, $0x40;
	[sflag:s11] =	ssyncset.done $0x0  }
.Ltmp0:
0x9a: {  	[sflag:s11] =	ssyncadd.s32 $0xFFFFC000;
	(pc) =	sbr.rel @p0 .LBB2_2-.Ltmp0, $4  }
0x9b: {  	[hbm4b:s28+s3] =	stream.linear.scatter [tilespmem:s14], [sflag:$0x5], $0x4000, $0x38;
	[tilespmem:$0x8D00] =	vst v63  }
0x9c: {  	s30 =	sadd.s32 $0x80, s30;
	_ =	swait.ge [sflag:s11], $0x4000  }
0x9d: {  	s26 =	sadd.s32 $0x80, s26;
	s31 =	sadd.s32 $0x10, s31;
	[sflag:s11] =	ssyncset.done $0x0  }
0x9e: {  	s29 =	sadd.s32 $0x800, s29;
	s28 =	sadd.s32 $0x800, s28;
	[sflag:s11] =	ssyncadd.s32 $0xFFFFC000  }
0x9f: {  	s25 =	sadd.s32 $0x1, s25  }
0xa0: {  	p0 =	sne.s32 s25, s8  }
.Ltmp1:
0xa1: {  	_ = 	snop;
	(pc) =	sbr.rel @p0 .LBB2_1-.Ltmp1, $1  }
0xa2: {  	_ =	sdelay $0x3  }
0xa3: {  	_ =	sfence.sel $0x180000  }
0xa4: {  	[bflag:$0x0] =	sbarrier.arrive $0xFFFF  }
0xa5: {  	_ =	strace $0x9000004A  }
0xa6: {  	s0 =	stileid.u32;
	[bflag:$0x2] =	sbarrier.arrive $0xFFFF  }
0xa7: {  	p0 =	sne.s32 s0, $0x0;
	s0 =	rddreg [dreg:$0x4]  }
0xa8: {  	s0 =	sadd.s32 @!p0 $0x100000, s0  }
0xa9: {  	[sflag:s0] =	ssyncadd.tile.s32 @!p0 $0x1;
	_ =	shalt  }
.Lfunc_end2:
_tile_overlayer_lowered:
.L_overlay_start_2:
0xaa: {  	(tag) =	ssettag $0x2  }
0xab: {  	s0 =	rddreg [dreg:$0x0];
	s2 =	stileid.u32  }
0xac: {  	s1 =	rddreg [dreg:$0x1];
	p0 =	sne.s32 s2, $0x0  }
0xad: {  	s3 =	rddreg [dreg:$0x2];
	[bflag:$0x3] =	sbarrier.arrive $0xFFFF;
	s2 =	simm.s32 @!p0 $0x1C05  }
0xae: {  	[timem:s3], [sflag:s2] =	dma.local @!p0 [hbm:s0], s1  }
0xaf: {  	s0 =	simm.s32 @!p0 $0x5  }
0xb0: {  	_ =	swait.ge @!p0 [sflag:s0], s1  }
0xb1: {  	s1 =	ssub.s32 @!p0 $0x0, s1;
	[sflag:s0] =	ssyncset.done @!p0 $0x0  }
0xb2: {  	[sflag:s0] =	ssyncadd.s32 @!p0 s1  }
0xb3: {  	[bflag:$0x3] =	sbarrier.arrive $0xFFFF  }
0xb4: {  	_ =	shalt  }

// kernel: kernel.19.cloned.1.call-start
scs
__scs_entry_jumppad:
0x0: {  	(pc) =	sbr.rel $0x88, $3  }
0x1: {  	(tag) =	ssettag $0x0;
	lr =	simm.s32 $0x1  }
0x2: {  	[smem:$0x3F7A] =	sst lr;
	_ =	strace $0xD0000000  }
0x3: {  	_ = 	snop  }
0x4: {  	_ = 	snop  }
0x5: {  	_ = 	snop  }
0x6: {  	_ = 	snop  }
0x7: {  	_ = 	snop  }
__scs_overlays_trampoline_lowered:
0x8: {  	[smem:$0x3F89] =	sst s0  }
0x9: {  	[smem:$0x3F8A] =	sst s1  }
0xa: {  	[smem:$0x3F8B] =	sst s2  }
0xb: {  	[smem:$0x3F8C] =	sst s3  }
0xc: {  	[smem:$0x3F8D] =	sst s4  }
0xd: {  	[smem:$0x3F8E] =	sst s5  }
0xe: {  	[smem:$0x3F8F] =	sst s6  }
0xf: {  	[smem:$0x3F90] =	sst s7  }
0x10: {  	[smem:$0x3F91] =	sst s8  }
0x11: {  	[smem:$0x3F92] =	sst s9;
	s0 =	simm.s32 @!p0 $0x0  }
0x12: {  	s1 =	sld [smem:$0x3F78];
	s0 =	simm.s32 @p0 $0x1  }
0x13: {  	[smem:$0x3F93] =	sst s0;
	s0 =	simm.s32 @!p1 $0x0  }
0x14: {  	s2 =	sld [smem:$0x3F77];
	s0 =	simm.s32 @p1 $0x1  }
0x15: {  	[smem:$0x3F94] =	sst s0;
	s0 =	simm.s32 @!p2 $0x0  }
0x16: {  	s3 =	sld [smem:$0x3FDB];
	s0 =	simm.s32 @p2 $0x1  }
0x17: {  	s4 =	simm.s32 $0x1BF5;
	[smem:$0x3F96] =	sst s0  }
0x18: {  	s0 =	sld [smem:$0x3F79];
	_ =	swait.ge [sflag:s4], $0x0  }
0x19: {  	s7 =	sld [smem:$0x3F7A]  }
0x1a: {  	s8 =	sadd.s32 $0xFFFFE003, lr  }
0x1b: {  	s9 =	sadd.s32 $0xFFFFFEF7, lr;
	s5 =	simm.s32 $0xFFFFFFFF;
	p2 =	slt.u32 s8, $0xFFFFF086  }
0x1c: {  	p1 =	slt.u32 s9, $0xF7A;
	s5 =	simm.s32 @!p2 $0x0  }
0x1d: {  	s5 =	simm.s32 @p1 $0x1;
	p0 =	seq.s32 s7, s2  }
0x1e: {  	s7 =	smul.u32 @!p0 $0xF7A, s2;
	p2 =	seq.s32 @!p0 s5, $0x0  }
0x1f: {  	s9 =	smul.u32 $0xF7A, s1;
	s8 =	simm.s32 @!p0 $0x1BF5;
	p2 =	por !p2, p0  }
0x20: {  	[sflag:s8] =	ssyncset.s32 @!p0 $0xFFFFF086;
	s6 =	sadd.s32 @!p0 s3, s7;
	s7 =	simm.s32 @!p0 $0x108  }
0x21: {  	s3 =	sadd.s32 s3, s9;
	s6 =	sadd.s32 @!p0 $0x88, s6;
	s7 =	simm.s32 @p2 $0x1082  }
0x22: {  	[simem:s7], [sflag:s8] =	dma.local @!p0 [hbm:s6], $0xF7A  }
0x23: {  	s9 =	sor.u32 $0xD0000000, s2;
	s6 =	simm.s32 $0x108;
	_ =	swait.ge @!p0 [sflag:s8], $0x0  }
0x24: {  	s3 =	sadd.s32 $0x88, s3;
	s6 =	simm.s32 @!p1 $0x1082;
	[sflag:s4] =	ssyncset.s32 $0xFFFFF086  }
0x25: {  	[simem:s6], [sflag:s4] =	dma.local [hbm:s3], $0xF7A  }
0x26: {  	[smem:$0x3F7A] =	sst s1;
	(tag) =	ssettag s2;
	_ =	strace s9  }
0x27: {  	s1 =	sld [smem:$0x3F8A]  }
0x28: {  	s2 =	sld [smem:$0x3F8B]  }
0x29: {  	s4 =	sld [smem:$0x3F8D]  }
0x2a: {  	p0 =	seq.s32 s5, $0x0;
	s5 =	sld [smem:$0x3F8E]  }
0x2b: {  	s6 =	sld [smem:$0x3F8F]  }
0x2c: {  	s7 =	sld [smem:$0x3F90]  }
0x2d: {  	s3 =	simm.s32 $0x108;
	s8 =	sld [smem:$0x3F91]  }
0x2e: {  	s3 =	simm.s32 @!p0 $0x1082;
	s9 =	sld [smem:$0x3F92]  }
0x2f: {  	lr =	sadd.s32 s0, s3;
	s0 =	sld [smem:$0x3F89]  }
0x30: {  	s3 =	sld [smem:$0x3F8C]  }
0x31: {  	[smem:$0x3F95] =	sst s10  }
0x32: {  	s10 =	sld [smem:$0x3F93];
	_ =	sdelay $0x3  }
0x33: {  	p0 =	seq.s32 s10, $0x1;
	s10 =	sld [smem:$0x3F95];
	_ =	sdelay $0x3  }
0x34: {  	[smem:$0x3F95] =	sst s10  }
0x35: {  	s10 =	sld [smem:$0x3F94];
	_ =	sdelay $0x3  }
0x36: {  	p1 =	seq.s32 s10, $0x1;
	s10 =	sld [smem:$0x3F95];
	_ =	sdelay $0x3  }
0x37: {  	[smem:$0x3F95] =	sst s10  }
0x38: {  	s10 =	sld [smem:$0x3F96]  }
0x39: {  	_ = 	snop;
	(pc) =	sbr.ind lr, $3  }
0x3a: {  	_ = 	snop  }
0x3b: {  	_ = 	snop  }
0x3c: {  	p2 =	seq.s32 s10, $0x1;
	s10 =	sld [smem:$0x3F95]  }
0x3d: {  	_ =	shalt  }
0x3e: {  	_ =	shalt  }
0x3f: {  	_ =	shalt  }
0x40: {  	_ =	shalt  }
0x41: {  	_ =	shalt  }
0x42: {  	_ =	shalt  }
0x43: {  	_ =	shalt  }
0x44: {  	_ =	shalt  }
0x45: {  	_ =	shalt  }
0x46: {  	_ =	shalt  }
0x47: {  	_ =	shalt  }
0x48: {  	_ =	shalt  }
0x49: {  	_ =	shalt  }
0x4a: {  	_ =	shalt  }
0x4b: {  	_ =	shalt  }
0x4c: {  	_ =	shalt  }
0x4d: {  	_ =	shalt  }
0x4e: {  	_ =	shalt  }
0x4f: {  	_ =	shalt  }
0x50: {  	_ =	shalt  }
0x51: {  	_ =	shalt  }
0x52: {  	_ =	shalt  }
0x53: {  	_ =	shalt  }
0x54: {  	_ =	shalt  }
0x55: {  	_ =	shalt  }
0x56: {  	_ =	shalt  }
0x57: {  	_ =	shalt  }
0x58: {  	_ =	shalt  }
0x59: {  	_ =	shalt  }
0x5a: {  	_ =	shalt  }
0x5b: {  	_ =	shalt  }
0x5c: {  	_ =	shalt  }
0x5d: {  	_ =	shalt  }
0x5e: {  	_ =	shalt  }
0x5f: {  	_ =	shalt  }
0x60: {  	_ =	shalt  }
0x61: {  	_ =	shalt  }
0x62: {  	_ =	shalt  }
0x63: {  	_ =	shalt  }
0x64: {  	_ =	shalt  }
0x65: {  	_ =	shalt  }
0x66: {  	_ =	shalt  }
0x67: {  	_ =	shalt  }
0x68: {  	_ =	shalt  }
0x69: {  	_ =	shalt  }
0x6a: {  	_ =	shalt  }
0x6b: {  	_ =	shalt  }
0x6c: {  	_ =	shalt  }
0x6d: {  	_ =	shalt  }
0x6e: {  	_ =	shalt  }
0x6f: {  	_ =	shalt  }
0x70: {  	_ =	shalt  }
0x71: {  	_ =	shalt  }
0x72: {  	_ =	shalt  }
0x73: {  	_ =	shalt  }
0x74: {  	_ =	shalt  }
0x75: {  	_ =	shalt  }
0x76: {  	_ =	shalt  }
0x77: {  	_ =	shalt  }
0x78: {  	_ =	shalt  }
0x79: {  	_ =	shalt  }
0x7a: {  	_ =	shalt  }
0x7b: {  	_ =	shalt  }
0x7c: {  	_ =	shalt  }
0x7d: {  	_ =	shalt  }
0x7e: {  	_ =	shalt  }
0x7f: {  	_ =	shalt  }
0x80: {  	_ =	shalt  }
0x81: {  	_ =	shalt  }
0x82: {  	_ =	shalt  }
0x83: {  	_ =	shalt  }
0x84: {  	_ =	shalt  }
0x85: {  	_ =	shalt  }
0x86: {  	_ =	shalt  }
0x87: {  	_ =	shalt  }
.Lfunc_end0:
.L_simem_size_0:
called_computation.2_lowered:
.L_overlay_start_0:
0x88: {  	s2 =	sld [smem:$0x3FD9]  }
0x89: {  	s3 =	sld [smem:$0x3FFE];
	_ =	sdelay $0x1  }
0x8a: {  	s1 =	srdreg.scid  }
0x8b: {  	s0 =	sand.u32 $0x1, s1  }
0x8c: {  	s15 =	sshll.u32 s0, $0xA;
	s2 =	sadd.s32 s3, s2  }
0x8d: {  	s2 =	sadd.s32 s2, s15  }
0x8e: {  	[smem:$0x3FA1] =	sst s2  }
0x8f: {  	_ = 	snop  }
0x90: {  	s2 =	sld [smem:$0x3FD0];
	_ =	sdelay $0x2  }
0x91: {  	s5 =	simm.s32 $0xD;
	s16 =	simm.s32 $0x10  }
0x92: {  	[smem:s16], [sflag:s5] =	dma.local [hbm:s2], $0x1  }
0x93: {  	_ =	swait.eq [sflag:s5], $0x1  }
0x94: {  	s17 =	sld [smem:$0x10];
	[sflag:s5] =	ssyncset.done $0x0  }
0x95: {  	s4 =	sld [smem:$0x12];
	[sflag:s5] =	ssyncadd.s32 $0xFFFFFFFF  }
0x96: {  	s18 =	sld [smem:$0x13];
	(tm) =	ssettm $0x1  }
0x97: {  	s19 =	sld [smem:$0x3FFB];
	_ =	sdelay $0x3  }
0x98: {  	_ =	strace s19  }
0x99: {  	s2 =	sld [smem:$0x3FFC];
	_ =	sdelay $0x3  }
0x9a: {  	_ =	strace s2  }
0x9b: {  	s2 =	sld [smem:$0x3FFD];
	_ =	sdelay $0x3  }
0x9c: {  	_ =	strace s2  }
0x9d: {  	_ =	strace $0x8FFFFFFF  }
0x9e: {  	s20 =	sld [smem:$0x3FDB];
	_ =	sdelay $0x1  }
0x9f: {  	s6 =	simm.s32 $_scs_section_size  }
0xa0: {  	s7 =	simm.s32 $_size__tile_overlayer_lowered;
	s8 =	simm.s32 $_tile_overlayer_lowered  }
0xa1: {  	s9 =	simm.s32 $0x1BFF;
	s21 =	sshll.u32 s8, $0x1;
	s6 =	sadd.s32 s6, s20  }
0xa2: {  	s22 =	simm.s32 $0x0;
	s7 =	sshll.u32 s7, $0x1;
	s8 =	sadd.s32 s21, s6  }
0xa3: {  	[timem:s22], [sflag:s9] =	dma.local [hbm:s8], s7  }
0xa4: {  	_ =	swait.ge [sflag:s9], s7  }
0xa5: {  	s7 =	ssub.s32 $0x0, s7;
	[sflag:s9] =	ssyncset.done $0x0  }
0xa6: {  	[sflag:s9] =	ssyncadd.s32 s7;
	_ =	sdelay $0x1  }
0xa7: {  	s23 =	simm.s32 $0x1B8B  }
0xa8: {  	_ =	swait.ge [sflag:s23], $0x1  }
0xa9: {  	[sflag:s23] =	ssyncset.done $0x0  }
0xaa: {  	[sflag:s23] =	ssyncadd.s32 $0xFFFFFFFF  }
0xab: {  	s7 =	sld [smem:$0x0]  }
0xac: {  	s8 =	sand.u32 $0xFFFFFFFE, s1  }
0xad: {  	p0 =	sne.s32 s1, s8  }
0xae: {  	s8 =	sshll.u32 @p0 s8, $0xE  }
0xaf: {  	s8 =	sadd.s32 @p0 $0x11B8D, s8;
	s9 =	sshll.u32 @p0 s7, $0x11  }
0xb0: {  	s8 =	sor.u32 @p0 s9, s8  }
0xb1: {  	[sflag:s8] =	ssyncadd.remote.s32 @p0 $0x1;
	_ =	sdelay $0x1  }
0xb2: {  	s8 =	simm.s32 @p0 $0x1B8D  }
0xb3: {  	_ =	swait.eq @p0 [sflag:s8], $0x1  }
0xb4: {  	[sflag:s8] =	ssyncadd.s32 @p0 $0xFFFFFFFF  }
0xb5: {  	s9 =	sshll.u32 @!p0 s1, $0xE  }
0xb6: {  	s9 =	sor.u32 @!p0 $0x4000, s9;
	s8 =	simm.s32 @!p0 $0x1B8D  }
0xb7: {  	s7 =	sshll.u32 @!p0 s7, $0x11;
	s9 =	sadd.s32 @!p0 $0x11B8D, s9;
	_ =	swait.eq @!p0 [sflag:s8], $0x1  }
0xb8: {  	s7 =	sor.u32 @!p0 s7, s9;
	[sflag:s8] =	ssyncadd.s32 @!p0 $0xFFFFFFFF  }
0xb9: {  	s25 =	simm.s32 $0x1B8E;
	s24 =	sld [smem:$0x3FFE];
	[sflag:s7] =	ssyncadd.remote.s32 @!p0 $0x1  }
0xba: {  	s26 =	simm.s32 $execute0_lowered;
	[smem:$0x3FD2] =	sst s25  }
0xbb: {  	s8 =	sshll.u32 s26, $0x1;
	_ =	strace $0x8000004C;
	[dreg:$0x1] =	wrdreg $0xFFFFFFFF  }
0xbc: {  	s28 =	simm.s32 $_size_execute0_lowered;
	s6 =	sadd.s32 s6, s8;
	[dreg:$0x0] =	wrdreg $0x0  }
0xbd: {  	s8 =	sshll.u32 s28, $0x1;
	[dreg:$0x2] =	wrdreg s6  }
0xbe: {  	[dreg:$0x3] =	wrdreg s8  }
0xbf: {  	[dreg:$0x4] =	wrdreg $0xC0  }
0xc0: {  	_ =	task [dreg:s22], $0x5FFFF  }
0xc1: {  	[dreg:$0x1] =	wrdreg $0xFFFFFFFF  }
0xc2: {  	[dreg:$0x0] =	wrdreg $0x60  }
0xc3: {  	[dreg:$0x2] =	wrdreg s24  }
0xc4: {  	[dreg:$0x3] =	wrdreg s17  }
0xc5: {  	[dreg:$0x4] =	wrdreg s4  }
0xc6: {  	[dreg:$0x5] =	wrdreg s18  }
0xc7: {  	[dreg:$0x6] =	wrdreg $0xB  }
0xc8: {  	_ =	task.clear_ibuf [dreg:s22], $0x7FFFF;
	_ =	strace $0x9000004C  }
0xc9: {  	s29 =	simm.s32 $0xB;
	_ =	strace $0x8000004E  }
0xca: {  	_ =	swait.ge [sflag:s29], $0x1  }
0xcb: {  	[sflag:s29] =	ssyncadd.s32 $0xFFFFFFFF  }
0xcc: {  	_ =	strace $0x9000004E  }
0xcd: {  	_ =	sfence  }
0xce: {  	s30 =	sld [smem:$0x0];
	_ =	sdelay $0x2  }
0xcf: {  	s31 =	sshll.u32 s1, $0xD;
	s1 =	sshrl.u32 s1, $0x2  }
0xd0: {  	s4 =	sand.u32 $0x4000, s31;
	s1 =	sadd.s32 s1, s30  }
0xd1: {  	s0 =	sor.u32 s4, s0;
	s1 =	sshll.u32 s1, $0x11  }
0xd2: {  	s0 =	sor.u32 s1, s0  }
0xd3: {  	s0 =	sadd.s32 $0x8F2B, s0  }
0xd4: {  	[sflag:s0] =	ssyncadd.remote.s32 $0x1  }
0xd5: {  	_ =	sfence.sel $0xFFFF  }
0xd6: {  	[dreg:$0x0] =	wrdreg $0xFFFFFFFF;
	(pc) =	sbr.abs _section_cstart, $3  }
0xd7: {  	[dreg:$0x1] =	wrdreg $0xFFFFFFFF  }
0xd8: {  	_ =	task.clear_ibuf [dreg:s22], $0x2FFFF;
	_ =	strace $0x9FFFFFFF  }
0xd9: {  	(tm) =	ssettm $0x7FFFFFFF  }
tec
execute0_lowered:
.L_overlay_start_1:
0x0: {  	(tag) =	ssettag $0x1  }
0x1: {  	s6 =	rddreg [dreg:$0x0]  }
0x2: {  	s1 =	rddreg [dreg:$0x1]  }
0x3: {  	s2 =	rddreg [dreg:$0x2]  }
0x4: {  	s7 =	rddreg [dreg:$0x3]  }
0x5: {  	s3 =	simm.s32 $0x0;
	s5 =	srdreg.scid;
	s0 =	stileid.u32  }
0x6: {  	s29 =	simm.s32 $0x8800;
	s30 =	simm.s32 $0x8880;
	s15 =	simm.s32 $0x8900  }
0x7: {  	s31 =	simm.s32 $0x8980;
	s16 =	simm.s32 $0x8A80;
	s17 =	simm.s32 $0x3  }
0x8: {  	[smem:$0x7FF] =	sst s3;
	s4 =	sadd.s32 $0xD000, s6;
	s8 =	sadd.s32 $0x2D000, s6  }
0x9: {  	s9 =	sand.u32 $0x1, s5;
	_ =	strace $0x8000004D;
	[dreg:$0x5] =	wrdreg s4  }
0xa: {  	s10 =	smul.u32 $0x500, s0;
	s5 =	sadd.s32 $0xAC00, s6;
	[dreg:$0x6] =	wrdreg s8  }
0xb: {  	s11 =	sshll.u32 s0, $0x8;
	s19 =	smul.u32 $0x5000, s0;
	[dreg:$0xb] =	wrdreg s29  }
0xc: {  	s18 =	smul.u32 $0x280, s9;
	s12 =	sshll.u32 s9, $0x7;
	[dreg:$0xc] =	wrdreg s30  }
0xd: {  	s13 =	ssub.s32 $0x2, s9;
	s9 =	smul.u32 $0x2800, s9;
	[dreg:$0xd] =	wrdreg s15  }
0xe: {  	[dreg:$0xe] =	wrdreg s31;
	s15 =	simm.s32 $0x8A00;
	s11 =	sor.u32 s12, s11  }
0xf: {  	s12 =	sadd.s32 s19, s6;
	s21 =	sshrl.u32 s13, $0x1;
	s19 =	simm.s32 $0x8B00  }
0x10: {  	s8 =	sadd.s32 s18, s10;
	s20 =	sadd.s32 s11, s6;
	s22 =	ssub.s32 s13, s21  }
0x11: {  	s7 =	sadd.s32 s7, s11;
	s24 =	sadd.s32 s9, s12;
	s11 =	simm.s32 $0x5  }
0x12: {  	s12 =	simm.s32 $0x80;
	s13 =	simm.s32 $0x800;
	s18 =	simm.s32 $0x4  }
0x13: {  	s21 =	simm.s32 $0x8C00;
	s8 =	sshrl.u32 s8, $0x3;
	s9 =	sadd.s32 $0x198800, s24  }
0x14: {  	s10 =	sadd.s32 $0x1E8800, s24;
	s24 =	simm.s32 $0x2;
	s14 =	sadd.s32 s8, s6  }
0x15: {  	s6 =	sadd.s32 $0xF0800, s20;
	s8 =	smax.u32 s22, $0x1;
	s23 =	sadd.s32 $0x197E00, s14  }
0x16: {  	s20 =	simm.s32 $0x8B80;
	s25 =	sadd.s32 $0x197400, s14;
	[dreg:$0x7] =	wrdreg s23  }
0x17: {  	s22 =	simm.s32 $0x8C80;
	s26 =	sadd.s32 $0x196A00, s14;
	[dreg:$0x8] =	wrdreg s25  }
0x18: {  	s28 =	sadd.s32 $0x196000, s14;
	s14 =	simm.s32 $0x4800;
	[dreg:$0x9] =	wrdreg s26  }
0x19: {  	[dreg:$0xa] =	wrdreg s28;
	s23 =	simm.s32 $0x1;
	s25 =	simm.s32 $0x0  }
.LBB2_1:
0x1a: {  	[tilespmem:s3], [sflag:$0x5] =	stream.linear.gather [hbm4b:s6+s3], $0x280, $0x38;
	[tilespmem:$0x8D00] =	vst v63  }
0x1b: {  	_ =	swait.ge [sflag:s11], $0x280  }
0x1c: {  	[sflag:s11] =	ssyncset.done $0x0  }
0x1d: {  	s26 =	simm.s32 $0x400;
	[sflag:s11] =	ssyncadd.s32 $0xFFFFFD80  }
0x1e: {  	[tilespmem:s26], [sflag:$0x5] =	stream.linear.gather [hbm4b:s7+s3], $0x280, $0x38;
	[tilespmem:$0x8D00] =	vst v63  }
0x1f: {  	_ =	swait.ge [sflag:s11], $0x280  }
0x20: {  	s28 =	smov.u32 s10;
	s29 =	smov.u32 s9;
	[sflag:s11] =	ssyncset.done $0x0  }
0x21: {  	s30 =	simm.s32 $0x0;
	s31 =	simm.s32 $0x0;
	[sflag:s11] =	ssyncadd.s32 $0xFFFFFD80  }
.LBB2_2:
0x22: {  	s0 =	rddreg [dreg:$0x5]  }
0x23: {  	[tilespmem:s13], [sflag:$0x1] =	stream.indirect.gather [hbm4b:s0+s12], $0x80, s30, s12, $0xb8;
	[tilespmem:$0x8D00] =	vst v63  }
0x24: {  	s4 =	rddreg [dreg:$0x6]  }
0x25: {  	[tilespmem:s14], [sflag:$0x2] =	stream.indirect.gather [hbm4b:s4+s12], $0x80, s26, s12, $0xb8;
	[tilespmem:$0x8D00] =	vst v63  }
0x26: {  	s0 =	rddreg [dreg:$0xb]  }
0x27: {  	[tilespmem:s0], [sflag:$0x3] =	stream.indirect.gather [hbm4b:s5+s12], $0x1, s30, s12, $0xb8;
	[tilespmem:$0x8D00] =	vst v63  }
0x28: {  	s4 =	rddreg [dreg:$0xc]  }
0x29: {  	[tilespmem:s4], [sflag:$0x3] =	stream.indirect.gather [hbm4b:s1+s12], $0x1, s30, s12, $0xb8;
	[tilespmem:$0x8D00] =	vst v63  }
0x2a: {  	s0 =	rddreg [dreg:$0xd]  }
0x2b: {  	[tilespmem:s0], [sflag:$0x3] =	stream.indirect.gather [hbm4b:s2+s12], $0x1, s30, s12, $0xb8;
	[tilespmem:$0x8D00] =	vst v63  }
0x2c: {  	s4 =	rddreg [dreg:$0xe]  }
0x2d: {  	[tilespmem:s4], [sflag:$0x4] =	stream.indirect.gather [hbm4b:s5+s12], $0x1, s26, s12, $0xb8;
	[tilespmem:$0x8D00] =	vst v63  }
0x2e: {  	_ = 	snop  }
0x2f: {  	[tilespmem:s15], [sflag:$0x4] =	stream.indirect.gather [hbm4b:s1+s12], $0x1, s26, s12, $0xb8;
	[tilespmem:$0x8D00] =	vst v63  }
0x30: {  	_ = 	snop  }
0x31: {  	[tilespmem:s16], [sflag:$0x4] =	stream.indirect.gather [hbm4b:s2+s12], $0x1, s26, s12, $0xb8;
	[tilespmem:$0x8D00] =	vst v63  }
0x32: {  	_ =	swait.ge [sflag:s17], $0x80  }
0x33: {  	[sflag:s17] =	ssyncset.done $0x0  }
0x34: {  	[sflag:s17] =	ssyncadd.s32 $0xFFFFFF80  }
0x35: {  	_ =	swait.ge [sflag:s17], $0x80  }
0x36: {  	[sflag:s17] =	ssyncset.done $0x0  }
0x37: {  	[sflag:s17] =	ssyncadd.s32 $0xFFFFFF80  }
0x38: {  	_ =	swait.ge [sflag:s17], $0x80  }
0x39: {  	[sflag:s17] =	ssyncset.done $0x0  }
0x3a: {  	[sflag:s17] =	ssyncadd.s32 $0xFFFFFF80  }
0x3b: {  	_ =	swait.ge [sflag:s18], $0x80  }
0x3c: {  	[sflag:s18] =	ssyncset.done $0x0  }
0x3d: {  	[sflag:s18] =	ssyncadd.s32 $0xFFFFFF80  }
0x3e: {  	_ =	swait.ge [sflag:s18], $0x80  }
0x3f: {  	[sflag:s18] =	ssyncset.done $0x0  }
0x40: {  	[sflag:s18] =	ssyncadd.s32 $0xFFFFFF80  }
0x41: {  	_ =	swait.ge [sflag:s18], $0x80  }
0x42: {  	[sflag:s18] =	ssyncset.done $0x0  }
0x43: {  	[sflag:s18] =	ssyncadd.s32 $0xFFFFFF80  }
0x44: {  	v0 =	vld [tilespmem:$0x8800]  }
0x45: {  	v1 =	vld [tilespmem:$0x8980]  }
0x46: {  	v2 =	vld [tilespmem:$0x8880]  }
0x47: {  	v3 =	vld [tilespmem:$0x8A00]  }
0x48: {  	v4 =	vld [tilespmem:$0x8900]  }
0x49: {  	v5 =	vld [tilespmem:$0x8A80]  }
0x4a: {  	v6 =	vld [tilespmem:$0x8810]  }
0x4b: {  	v7 =	vld [tilespmem:$0x8990]  }
0x4c: {  	v8 =	vld [tilespmem:$0x8890]  }
0x4d: {  	v9 =	vld [tilespmem:$0x8A10]  }
0x4e: {  	v10 =	vld [tilespmem:$0x8910]  }
0x4f: {  	v11 =	vld [tilespmem:$0x8A90]  }
0x50: {  	v12 =	vld [tilespmem:$0x8820]  }
0x51: {  	v13 =	vld [tilespmem:$0x89A0]  }
0x52: {  	v14 =	vld [tilespmem:$0x88A0]  }
0x53: {  	v15 =	vld [tilespmem:$0x8A20]  }
0x54: {  	v16 =	vld [tilespmem:$0x8920]  }
0x55: {  	v17 =	vld [tilespmem:$0x8AA0]  }
0x56: {  	v18 =	vld [tilespmem:$0x8830]  }
0x57: {  	v19 =	vld [tilespmem:$0x89B0]  }
0x58: {  	v20 =	vld [tilespmem:$0x88B0]  }
0x59: {  	v36 =	vld [tilespmem:$0x8A30]  }
0x5a: {  	v37 =	vld [tilespmem:$0x8930]  }
0x5b: {  	v22 =	vld [tilespmem:$0x8AB0]  }
0x5c: {  	v23 =	vld [tilespmem:$0x8840]  }
0x5d: {  	v24 =	vld [tilespmem:$0x89C0]  }
0x5e: {  	v41 =	vld [tilespmem:$0x88C0]  }
0x5f: {  	v43 =	vld [tilespmem:$0x8A40];
	v0 =	vsub.f32 v0, v1  }
0x60: {  	v47 =	vld [tilespmem:$0x8940];
	v35 =	vsub.f32 v2, v3  }
0x61: {  	v50 =	vld [tilespmem:$0x8AC0];
	v4 =	vsub.f32 v4, v5;
	[tilespmem:$0x8B00] =	vst v0  }
0x62: {  	v53 =	vld [tilespmem:$0x8850];
	v6 =	vsub.f32 v6, v7;
	[tilespmem:$0x8B80] =	vst v35  }
0x63: {  	v56 =	vld [tilespmem:$0x89D0];
	v40 =	vsub.f32 v8, v9;
	[tilespmem:$0x8C00] =	vst v4  }
0x64: {  	v57 =	vld [tilespmem:$0x88D0];
	v44 =	vsub.f32 v10, v11;
	[tilespmem:$0x8B10] =	vst v6  }
0x65: {  	v60 =	vld [tilespmem:$0x8A50];
	v48 =	vsub.f32 v12, v13;
	[tilespmem:$0x8B90] =	vst v40  }
0x66: {  	v62 =	vld [tilespmem:$0x8950];
	v49 =	vsub.f32 v14, v15;
	[tilespmem:$0x8C10] =	vst v44  }
0x67: {  	v63 =	vld [tilespmem:$0x8AD0];
	v54 =	vsub.f32 v16, v17;
	[tilespmem:$0x8B20] =	vst v48  }
0x68: {  	v25 =	vld [tilespmem:$0x8860];
	v61 =	vsub.f32 v18, v19;
	[tilespmem:$0x8BA0] =	vst v49  }
0x69: {  	v27 =	vld [tilespmem:$0x89E0];
	v2 =	vsub.f32 v20, v36;
	[tilespmem:$0x8C20] =	vst v54  }
0x6a: {  	v30 =	vld [tilespmem:$0x88E0];
	v3 =	vsub.f32 v37, v22;
	[tilespmem:$0x8B30] =	vst v61  }
0x6b: {  	v34 =	vld [tilespmem:$0x8A60];
	v26 =	vsub.f32 v23, v24;
	v38 =	vmul.f32 v0, v0;
	[tilespmem:$0x8BB0] =	vst v2  }
0x6c: {  	v31 =	vsub.f32 v47, v50;
	v47 =	vld [tilespmem:$0x8A70];
	v21 =	vmul.f32 v35, v35;
	v39 =	vmul.f32 v4, v4;
	[tilespmem:$0x8C30] =	vst v3  }
0x6d: {  	v7 =	vsub.f32 v57, v60;
	v50 =	vld [tilespmem:$0x8970];
	v45 =	vmul.f32 v6, v6;
	v46 =	vmul.f32 v40, v40;
	[tilespmem:$0x8B40] =	vst v26  }
0x6e: {  	v55 =	vmul.f32 v48, v48;
	v35 =	vld [tilespmem:$0x8960];
	v4 =	vsub.f32 v62, v63;
	[tilespmem:$0x8C40] =	vst v31;
	v5 =	vadd.f32 v21, v38  }
0x6f: {  	v15 =	vmul.f32 v49, v49;
	v40 =	vld [tilespmem:$0x8870];
	[tilespmem:$0x8BD0] =	vst v7;
	v51 =	vadd.f32 v46, v45;
	v45 =	vsub.f32 v25, v27  }
0x70: {  	v52 =	vmul.f32 v44, v44;
	v44 =	vld [tilespmem:$0x88F0];
	v46 =	vsub.f32 v30, v34;
	[tilespmem:$0x8C50] =	vst v4  }
0x71: {  	v59 =	vmul.f32 v54, v54;
	v54 =	vld [tilespmem:$0x8AF0];
	v58 =	vadd.f32 v15, v55;
	v42 =	vadd.f32 v39, v5;
	[tilespmem:$0x8B60] =	vst v45  }
0x72: {  	v22 =	vmul.f32 v2, v2;
	v38 =	vld [tilespmem:$0x8AE0];
	v0 =	vadd.f32 v52, v51;
	[tilespmem:$0x8BE0] =	vst v46  }
0x73: {  	v21 =	vmul.f32 v61, v61;
	v1 =	vadd.f32 v59, v58;
	v5 =	vsub.f32 v41, v43;
	v41 =	vld [tilespmem:$0x89F0];
	[tilespmem:$0x8C80] =	vst v42  }
0x74: {  	v29 =	vmul.f32 v3, v3;
	v32 =	vmul.f32 v26, v26;
	[tilespmem:$0x8C90] =	vst v0  }
0x75: {  	v37 =	vmul.f32 v31, v31;
	v28 =	vadd.f32 v22, v21;
	v39 =	vsub.f32 v53, v56;
	[tilespmem:$0x8CA0] =	vst v1  }
0x76: {  	v43 =	vmul.f32 v7, v7;
	v52 =	vmul.f32 v45, v45;
	v57 =	vsub.f32 v44, v47;
	[tilespmem:$0x8BC0] =	vst v5  }
0x77: {  	v59 =	vsub.f32 v50, v54;
	v33 =	vmul.f32 v5, v5;
	v1 =	vadd.f32 v29, v28;
	[tilespmem:$0x8B50] =	vst v39  }
0x78: {  	v53 =	vmul.f32 v46, v46;
	v51 =	vsub.f32 v35, v38;
	[tilespmem:$0x8BF0] =	vst v57;
	v56 =	vsub.f32 v40, v41  }
0x79: {  	v42 =	vmul.f32 v39, v39;
	v61 =	vmul.f32 v57, v57;
	[tilespmem:$0x8C70] =	vst v59;
	v36 =	vadd.f32 v33, v32  }
0x7a: {  	v2 =	vadd.f32 v53, v52;
	[tilespmem:$0x8CB0] =	vst v1;
	v55 =	vmul.f32 v51, v51;
	v60 =	vmul.f32 v56, v56  }
0x7b: {  	v49 =	vmul.f32 v4, v4;
	v48 =	vadd.f32 v43, v42;
	[tilespmem:$0x8C60] =	vst v51;
	v3 =	vadd.f32 v37, v36  }
0x7c: {  	v63 =	vmul.f32 v59, v59;
	v58 =	vadd.f32 v55, v2;
	[tilespmem:$0x8B70] =	vst v56;
	v62 =	vadd.f32 v61, v60  }
0x7d: {  	[tilespmem:$0x8CC0] =	vst v3;
	v3 =	vadd.f32 v49, v48  }
0x7e: {  	[tilespmem:$0x8CE0] =	vst v58;
	v0 =	vadd.f32 v63, v62  }
0x7f: {  	s4 =	rddreg [dreg:$0xa];
	[tilespmem:$0x8CD0] =	vst v3  }
0x80: {  	s0 =	sadd.s32 s31, s4;
	[tilespmem:$0x8CF0] =	vst v0  }
0x81: {  	[hbm4b:s0+s3] =	stream.linear.scatter [tilespmem:s19], [sflag:$0x5], $0x80, $0x38;
	[tilespmem:$0x8D00] =	vst v63  }
0x82: {  	_ =	swait.ge [sflag:s11], $0x80  }
0x83: {  	s4 =	rddreg [dreg:$0x9];
	[sflag:s11] =	ssyncset.done $0x0  }
0x84: {  	[sflag:s11] =	ssyncadd.s32 $0xFFFFFF80;
	s0 =	sadd.s32 s31, s4  }
0x85: {  	[hbm4b:s0+s3] =	stream.linear.scatter [tilespmem:s20], [sflag:$0x5], $0x80, $0x38;
	[tilespmem:$0x8D00] =	vst v63  }
0x86: {  	_ =	swait.ge [sflag:s11], $0x80  }
0x87: {  	s4 =	rddreg [dreg:$0x8];
	[sflag:s11] =	ssyncset.done $0x0  }
0x88: {  	[sflag:s11] =	ssyncadd.s32 $0xFFFFFF80;
	s0 =	sadd.s32 s31, s4  }
0x89: {  	[hbm4b:s0+s3] =	stream.linear.scatter [tilespmem:s21], [sflag:$0x5], $0x80, $0x38;
	[tilespmem:$0x8D00] =	vst v63  }
0x8a: {  	_ =	swait.ge [sflag:s11], $0x80  }
0x8b: {  	s4 =	rddreg [dreg:$0x7];
	[sflag:s11] =	ssyncset.done $0x0  }
0x8c: {  	[sflag:s11] =	ssyncadd.s32 $0xFFFFFF80;
	s0 =	sadd.s32 s31, s4  }
0x8d: {  	[hbm4b:s0+s3] =	stream.linear.scatter [tilespmem:s22], [sflag:$0x5], $0x80, $0x38;
	[tilespmem:$0x8D00] =	vst v63  }
0x8e: {  	_ =	swait.ge [sflag:s11], $0x80  }
0x8f: {  	[sflag:s11] =	ssyncset.done $0x0  }
0x90: {  	[sflag:s11] =	ssyncadd.s32 $0xFFFFFF80  }
0x91: {  	_ =	swait.ge [sflag:s23], $0x4000  }
0x92: {  	[sflag:s23] =	ssyncset.done $0x0  }
0x93: {  	[sflag:s23] =	ssyncadd.s32 $0xFFFFC000  }
0x94: {  	_ =	swait.ge [sflag:s24], $0x4000  }
0x95: {  	[sflag:s24] =	ssyncset.done $0x0  }
0x96: {  	[sflag:s24] =	ssyncadd.s32 $0xFFFFC000  }
0x97: {  	[hbm4b:s29+s3] =	stream.linear.scatter [tilespmem:s13], [sflag:$0x5], $0x4000, $0x38;
	[tilespmem:$0x8D00] =	vst v63  }
0x98: {  	_ =	swait.ge [sflag:s11], $0x4000  }
0x99: {  	p0 =	sne.s32 s31, $0x40;
	[sflag:s11] =	ssyncset.done $0x0  }
.Ltmp0:
0x9a: {  	[sflag:s11] =	ssyncadd.s32 $0xFFFFC000;
	(pc) =	sbr.rel @p0 .LBB2_2-.Ltmp0, $4  }
0x9b: {  	[hbm4b:s28+s3] =	stream.linear.scatter [tilespmem:s14], [sflag:$0x5], $0x4000, $0x38;
	[tilespmem:$0x8D00] =	vst v63  }
0x9c: {  	s30 =	sadd.s32 $0x80, s30;
	_ =	swait.ge [sflag:s11], $0x4000  }
0x9d: {  	s26 =	sadd.s32 $0x80, s26;
	s31 =	sadd.s32 $0x10, s31;
	[sflag:s11] =	ssyncset.done $0x0  }
0x9e: {  	s29 =	sadd.s32 $0x800, s29;
	s28 =	sadd.s32 $0x800, s28;
	[sflag:s11] =	ssyncadd.s32 $0xFFFFC000  }
0x9f: {  	s25 =	sadd.s32 $0x1, s25  }
0xa0: {  	p0 =	sne.s32 s25, s8  }
.Ltmp1:
0xa1: {  	_ = 	snop;
	(pc) =	sbr.rel @p0 .LBB2_1-.Ltmp1, $1  }
0xa2: {  	_ =	sdelay $0x3  }
0xa3: {  	_ =	sfence.sel $0x180000  }
0xa4: {  	[bflag:$0x0] =	sbarrier.arrive $0xFFFF  }
0xa5: {  	_ =	strace $0x9000004D  }
0xa6: {  	s0 =	stileid.u32;
	[bflag:$0x2] =	sbarrier.arrive $0xFFFF  }
0xa7: {  	p0 =	sne.s32 s0, $0x0;
	s0 =	rddreg [dreg:$0x4]  }
0xa8: {  	s0 =	sadd.s32 @!p0 $0x100000, s0  }
0xa9: {  	[sflag:s0] =	ssyncadd.tile.s32 @!p0 $0x1;
	_ =	shalt  }
.Lfunc_end2:
_tile_overlayer_lowered:
.L_overlay_start_2:
0xaa: {  	(tag) =	ssettag $0x2  }
0xab: {  	s0 =	rddreg [dreg:$0x0];
	s2 =	stileid.u32  }
0xac: {  	s1 =	rddreg [dreg:$0x1];
	p0 =	sne.s32 s2, $0x0  }
0xad: {  	s3 =	rddreg [dreg:$0x2];
	[bflag:$0x3] =	sbarrier.arrive $0xFFFF;
	s2 =	simm.s32 @!p0 $0x1C05  }
0xae: {  	[timem:s3], [sflag:s2] =	dma.local @!p0 [hbm:s0], s1  }
0xaf: {  	s0 =	simm.s32 @!p0 $0x5  }
0xb0: {  	_ =	swait.ge @!p0 [sflag:s0], s1  }
0xb1: {  	s1 =	ssub.s32 @!p0 $0x0, s1;
	[sflag:s0] =	ssyncset.done @!p0 $0x0  }
0xb2: {  	[sflag:s0] =	ssyncadd.s32 @!p0 s1  }
0xb3: {  	[bflag:$0x3] =	sbarrier.arrive $0xFFFF  }
0xb4: {  	_ =	shalt  }

// kernel: kernel.22.cloned.1.call-start
scs
__scs_entry_jumppad:
0x0: {  	(pc) =	sbr.rel $0x88, $3  }
0x1: {  	(tag) =	ssettag $0x0;
	lr =	simm.s32 $0x1  }
0x2: {  	[smem:$0x3F7A] =	sst lr;
	_ =	strace $0xD0000000  }
0x3: {  	_ = 	snop  }
0x4: {  	_ = 	snop  }
0x5: {  	_ = 	snop  }
0x6: {  	_ = 	snop  }
0x7: {  	_ = 	snop  }
__scs_overlays_trampoline_lowered:
0x8: {  	[smem:$0x3F89] =	sst s0  }
0x9: {  	[smem:$0x3F8A] =	sst s1  }
0xa: {  	[smem:$0x3F8B] =	sst s2  }
0xb: {  	[smem:$0x3F8C] =	sst s3  }
0xc: {  	[smem:$0x3F8D] =	sst s4  }
0xd: {  	[smem:$0x3F8E] =	sst s5  }
0xe: {  	[smem:$0x3F8F] =	sst s6  }
0xf: {  	[smem:$0x3F90] =	sst s7  }
0x10: {  	[smem:$0x3F91] =	sst s8  }
0x11: {  	[smem:$0x3F92] =	sst s9;
	s0 =	simm.s32 @!p0 $0x0  }
0x12: {  	s1 =	sld [smem:$0x3F78];
	s0 =	simm.s32 @p0 $0x1  }
0x13: {  	[smem:$0x3F93] =	sst s0;
	s0 =	simm.s32 @!p1 $0x0  }
0x14: {  	s2 =	sld [smem:$0x3F77];
	s0 =	simm.s32 @p1 $0x1  }
0x15: {  	[smem:$0x3F94] =	sst s0;
	s0 =	simm.s32 @!p2 $0x0  }
0x16: {  	s3 =	sld [smem:$0x3FDB];
	s0 =	simm.s32 @p2 $0x1  }
0x17: {  	s4 =	simm.s32 $0x1BF5;
	[smem:$0x3F96] =	sst s0  }
0x18: {  	s0 =	sld [smem:$0x3F79];
	_ =	swait.ge [sflag:s4], $0x0  }
0x19: {  	s7 =	sld [smem:$0x3F7A]  }
0x1a: {  	s8 =	sadd.s32 $0xFFFFE003, lr  }
0x1b: {  	s9 =	sadd.s32 $0xFFFFFEF7, lr;
	s5 =	simm.s32 $0xFFFFFFFF;
	p2 =	slt.u32 s8, $0xFFFFF086  }
0x1c: {  	p1 =	slt.u32 s9, $0xF7A;
	s5 =	simm.s32 @!p2 $0x0  }
0x1d: {  	s5 =	simm.s32 @p1 $0x1;
	p0 =	seq.s32 s7, s2  }
0x1e: {  	s7 =	smul.u32 @!p0 $0xF7A, s2;
	p2 =	seq.s32 @!p0 s5, $0x0  }
0x1f: {  	s9 =	smul.u32 $0xF7A, s1;
	s8 =	simm.s32 @!p0 $0x1BF5;
	p2 =	por !p2, p0  }
0x20: {  	[sflag:s8] =	ssyncset.s32 @!p0 $0xFFFFF086;
	s6 =	sadd.s32 @!p0 s3, s7;
	s7 =	simm.s32 @!p0 $0x108  }
0x21: {  	s3 =	sadd.s32 s3, s9;
	s6 =	sadd.s32 @!p0 $0x88, s6;
	s7 =	simm.s32 @p2 $0x1082  }
0x22: {  	[simem:s7], [sflag:s8] =	dma.local @!p0 [hbm:s6], $0xF7A  }
0x23: {  	s9 =	sor.u32 $0xD0000000, s2;
	s6 =	simm.s32 $0x108;
	_ =	swait.ge @!p0 [sflag:s8], $0x0  }
0x24: {  	s3 =	sadd.s32 $0x88, s3;
	s6 =	simm.s32 @!p1 $0x1082;
	[sflag:s4] =	ssyncset.s32 $0xFFFFF086  }
0x25: {  	[simem:s6], [sflag:s4] =	dma.local [hbm:s3], $0xF7A  }
0x26: {  	[smem:$0x3F7A] =	sst s1;
	(tag) =	ssettag s2;
	_ =	strace s9  }
0x27: {  	s1 =	sld [smem:$0x3F8A]  }
0x28: {  	s2 =	sld [smem:$0x3F8B]  }
0x29: {  	s4 =	sld [smem:$0x3F8D]  }
0x2a: {  	p0 =	seq.s32 s5, $0x0;
	s5 =	sld [smem:$0x3F8E]  }
0x2b: {  	s6 =	sld [smem:$0x3F8F]  }
0x2c: {  	s7 =	sld [smem:$0x3F90]  }
0x2d: {  	s3 =	simm.s32 $0x108;
	s8 =	sld [smem:$0x3F91]  }
0x2e: {  	s3 =	simm.s32 @!p0 $0x1082;
	s9 =	sld [smem:$0x3F92]  }
0x2f: {  	lr =	sadd.s32 s0, s3;
	s0 =	sld [smem:$0x3F89]  }
0x30: {  	s3 =	sld [smem:$0x3F8C]  }
0x31: {  	[smem:$0x3F95] =	sst s10  }
0x32: {  	s10 =	sld [smem:$0x3F93];
	_ =	sdelay $0x3  }
0x33: {  	p0 =	seq.s32 s10, $0x1;
	s10 =	sld [smem:$0x3F95];
	_ =	sdelay $0x3  }
0x34: {  	[smem:$0x3F95] =	sst s10  }
0x35: {  	s10 =	sld [smem:$0x3F94];
	_ =	sdelay $0x3  }
0x36: {  	p1 =	seq.s32 s10, $0x1;
	s10 =	sld [smem:$0x3F95];
	_ =	sdelay $0x3  }
0x37: {  	[smem:$0x3F95] =	sst s10  }
0x38: {  	s10 =	sld [smem:$0x3F96]  }
0x39: {  	_ = 	snop;
	(pc) =	sbr.ind lr, $3  }
0x3a: {  	_ = 	snop  }
0x3b: {  	_ = 	snop  }
0x3c: {  	p2 =	seq.s32 s10, $0x1;
	s10 =	sld [smem:$0x3F95]  }
0x3d: {  	_ =	shalt  }
0x3e: {  	_ =	shalt  }
0x3f: {  	_ =	shalt  }
0x40: {  	_ =	shalt  }
0x41: {  	_ =	shalt  }
0x42: {  	_ =	shalt  }
0x43: {  	_ =	shalt  }
0x44: {  	_ =	shalt  }
0x45: {  	_ =	shalt  }
0x46: {  	_ =	shalt  }
0x47: {  	_ =	shalt  }
0x48: {  	_ =	shalt  }
0x49: {  	_ =	shalt  }
0x4a: {  	_ =	shalt  }
0x4b: {  	_ =	shalt  }
0x4c: {  	_ =	shalt  }
0x4d: {  	_ =	shalt  }
0x4e: {  	_ =	shalt  }
0x4f: {  	_ =	shalt  }
0x50: {  	_ =	shalt  }
0x51: {  	_ =	shalt  }
0x52: {  	_ =	shalt  }
0x53: {  	_ =	shalt  }
0x54: {  	_ =	shalt  }
0x55: {  	_ =	shalt  }
0x56: {  	_ =	shalt  }
0x57: {  	_ =	shalt  }
0x58: {  	_ =	shalt  }
0x59: {  	_ =	shalt  }
0x5a: {  	_ =	shalt  }
0x5b: {  	_ =	shalt  }
0x5c: {  	_ =	shalt  }
0x5d: {  	_ =	shalt  }
0x5e: {  	_ =	shalt  }
0x5f: {  	_ =	shalt  }
0x60: {  	_ =	shalt  }
0x61: {  	_ =	shalt  }
0x62: {  	_ =	shalt  }
0x63: {  	_ =	shalt  }
0x64: {  	_ =	shalt  }
0x65: {  	_ =	shalt  }
0x66: {  	_ =	shalt  }
0x67: {  	_ =	shalt  }
0x68: {  	_ =	shalt  }
0x69: {  	_ =	shalt  }
0x6a: {  	_ =	shalt  }
0x6b: {  	_ =	shalt  }
0x6c: {  	_ =	shalt  }
0x6d: {  	_ =	shalt  }
0x6e: {  	_ =	shalt  }
0x6f: {  	_ =	shalt  }
0x70: {  	_ =	shalt  }
0x71: {  	_ =	shalt  }
0x72: {  	_ =	shalt  }
0x73: {  	_ =	shalt  }
0x74: {  	_ =	shalt  }
0x75: {  	_ =	shalt  }
0x76: {  	_ =	shalt  }
0x77: {  	_ =	shalt  }
0x78: {  	_ =	shalt  }
0x79: {  	_ =	shalt  }
0x7a: {  	_ =	shalt  }
0x7b: {  	_ =	shalt  }
0x7c: {  	_ =	shalt  }
0x7d: {  	_ =	shalt  }
0x7e: {  	_ =	shalt  }
0x7f: {  	_ =	shalt  }
0x80: {  	_ =	shalt  }
0x81: {  	_ =	shalt  }
0x82: {  	_ =	shalt  }
0x83: {  	_ =	shalt  }
0x84: {  	_ =	shalt  }
0x85: {  	_ =	shalt  }
0x86: {  	_ =	shalt  }
0x87: {  	_ =	shalt  }
.Lfunc_end0:
.L_simem_size_0:
called_computation.3_lowered:
.L_overlay_start_0:
0x88: {  	s2 =	sld [smem:$0x3FD9]  }
0x89: {  	s3 =	sld [smem:$0x3FFE];
	_ =	sdelay $0x1  }
0x8a: {  	s1 =	srdreg.scid  }
0x8b: {  	s0 =	sand.u32 $0x1, s1  }
0x8c: {  	s15 =	sshll.u32 s0, $0xA;
	s2 =	sadd.s32 s3, s2  }
0x8d: {  	s2 =	sadd.s32 s2, s15  }
0x8e: {  	[smem:$0x3FA1] =	sst s2  }
0x8f: {  	_ = 	snop  }
0x90: {  	s2 =	sld [smem:$0x3FD0];
	_ =	sdelay $0x2  }
0x91: {  	s4 =	simm.s32 $0xD;
	s16 =	simm.s32 $0x10  }
0x92: {  	[smem:s16], [sflag:s4] =	dma.local [hbm:s2], $0x1  }
0x93: {  	_ =	swait.eq [sflag:s4], $0x1  }
0x94: {  	[sflag:s4] =	ssyncset.done $0x0  }
0x95: {  	s17 =	sld [smem:$0x10];
	[sflag:s4] =	ssyncadd.s32 $0xFFFFFFFF  }
0x96: {  	s18 =	sld [smem:$0x12];
	(tm) =	ssettm $0x1  }
0x97: {  	s19 =	sld [smem:$0x3FFB];
	_ =	sdelay $0x3  }
0x98: {  	_ =	strace s19  }
0x99: {  	s2 =	sld [smem:$0x3FFC];
	_ =	sdelay $0x3  }
0x9a: {  	_ =	strace s2  }
0x9b: {  	s2 =	sld [smem:$0x3FFD];
	_ =	sdelay $0x3  }
0x9c: {  	_ =	strace s2  }
0x9d: {  	_ =	strace $0x8FFFFFFF  }
0x9e: {  	s20 =	sld [smem:$0x3FDB];
	_ =	sdelay $0x1  }
0x9f: {  	s5 =	simm.s32 $_scs_section_size  }
0xa0: {  	s6 =	simm.s32 $_size__tile_overlayer_lowered;
	s7 =	simm.s32 $_tile_overlayer_lowered  }
0xa1: {  	s8 =	simm.s32 $0x1BFF;
	s21 =	sshll.u32 s7, $0x1;
	s5 =	sadd.s32 s5, s20  }
0xa2: {  	s22 =	simm.s32 $0x0;
	s6 =	sshll.u32 s6, $0x1;
	s7 =	sadd.s32 s21, s5  }
0xa3: {  	[timem:s22], [sflag:s8] =	dma.local [hbm:s7], s6  }
0xa4: {  	_ =	swait.ge [sflag:s8], s6  }
0xa5: {  	s6 =	ssub.s32 $0x0, s6;
	[sflag:s8] =	ssyncset.done $0x0  }
0xa6: {  	[sflag:s8] =	ssyncadd.s32 s6;
	_ =	sdelay $0x1  }
0xa7: {  	s23 =	simm.s32 $0x1B8B  }
0xa8: {  	_ =	swait.ge [sflag:s23], $0x1  }
0xa9: {  	[sflag:s23] =	ssyncset.done $0x0  }
0xaa: {  	[sflag:s23] =	ssyncadd.s32 $0xFFFFFFFF  }
0xab: {  	s6 =	sld [smem:$0x0]  }
0xac: {  	s7 =	sand.u32 $0xFFFFFFFE, s1  }
0xad: {  	p0 =	sne.s32 s1, s7  }
0xae: {  	s7 =	sshll.u32 @p0 s7, $0xE  }
0xaf: {  	s7 =	sadd.s32 @p0 $0x11B8D, s7;
	s8 =	sshll.u32 @p0 s6, $0x11  }
0xb0: {  	s7 =	sor.u32 @p0 s8, s7  }
0xb1: {  	[sflag:s7] =	ssyncadd.remote.s32 @p0 $0x1;
	_ =	sdelay $0x1  }
0xb2: {  	s7 =	simm.s32 @p0 $0x1B8D  }
0xb3: {  	_ =	swait.eq @p0 [sflag:s7], $0x1  }
0xb4: {  	[sflag:s7] =	ssyncadd.s32 @p0 $0xFFFFFFFF  }
0xb5: {  	s8 =	sshll.u32 @!p0 s1, $0xE  }
0xb6: {  	s8 =	sor.u32 @!p0 $0x4000, s8;
	s7 =	simm.s32 @!p0 $0x1B8D  }
0xb7: {  	s6 =	sshll.u32 @!p0 s6, $0x11;
	s8 =	sadd.s32 @!p0 $0x11B8D, s8;
	_ =	swait.eq @!p0 [sflag:s7], $0x1  }
0xb8: {  	s6 =	sor.u32 @!p0 s6, s8;
	[sflag:s7] =	ssyncadd.s32 @!p0 $0xFFFFFFFF  }
0xb9: {  	s25 =	simm.s32 $0x1B8E;
	s24 =	sld [smem:$0x3FFE];
	[sflag:s6] =	ssyncadd.remote.s32 @!p0 $0x1  }
0xba: {  	s26 =	simm.s32 $execute0_lowered;
	[smem:$0x3FD2] =	sst s25  }
0xbb: {  	s7 =	sshll.u32 s26, $0x1;
	_ =	strace $0x8000004F;
	[dreg:$0x1] =	wrdreg $0xFFFFFFFF  }
0xbc: {  	s28 =	simm.s32 $_size_execute0_lowered;
	s5 =	sadd.s32 s5, s7;
	[dreg:$0x0] =	wrdreg $0x0  }
0xbd: {  	s7 =	sshll.u32 s28, $0x1;
	[dreg:$0x2] =	wrdreg s5  }
0xbe: {  	[dreg:$0x3] =	wrdreg s7  }
0xbf: {  	[dreg:$0x4] =	wrdreg $0xC0  }
0xc0: {  	_ =	task [dreg:s22], $0x5FFFF  }
0xc1: {  	[dreg:$0x1] =	wrdreg $0xFFFFFFFF  }
0xc2: {  	[dreg:$0x0] =	wrdreg $0x60  }
0xc3: {  	[dreg:$0x2] =	wrdreg s24  }
0xc4: {  	[dreg:$0x3] =	wrdreg s17  }
0xc5: {  	[dreg:$0x4] =	wrdreg s18  }
0xc6: {  	[dreg:$0x5] =	wrdreg $0xC  }
0xc7: {  	_ =	task.clear_ibuf [dreg:s22], $0x6FFFF;
	_ =	strace $0x9000004F  }
0xc8: {  	s29 =	simm.s32 $0xC;
	_ =	strace $0x80000051  }
0xc9: {  	_ =	swait.ge [sflag:s29], $0x1  }
0xca: {  	[sflag:s29] =	ssyncadd.s32 $0xFFFFFFFF  }
0xcb: {  	_ =	strace $0x90000051  }
0xcc: {  	_ =	sfence  }
0xcd: {  	s30 =	sld [smem:$0x0];
	_ =	sdelay $0x2  }
0xce: {  	s31 =	sshll.u32 s1, $0xD;
	s1 =	sshrl.u32 s1, $0x2  }
0xcf: {  	s4 =	sand.u32 $0x4000, s31;
	s1 =	sadd.s32 s1, s30  }
0xd0: {  	s0 =	sor.u32 s4, s0;
	s1 =	sshll.u32 s1, $0x11  }
0xd1: {  	s0 =	sor.u32 s1, s0  }
0xd2: {  	s0 =	sadd.s32 $0x8F2B, s0  }
0xd3: {  	[sflag:s0] =	ssyncadd.remote.s32 $0x1  }
0xd4: {  	_ =	sfence.sel $0xFFFF  }
0xd5: {  	[dreg:$0x0] =	wrdreg $0xFFFFFFFF;
	(pc) =	sbr.abs _section_cstart, $3  }
0xd6: {  	[dreg:$0x1] =	wrdreg $0xFFFFFFFF  }
0xd7: {  	_ =	task.clear_ibuf [dreg:s22], $0x2FFFF;
	_ =	strace $0x9FFFFFFF  }
0xd8: {  	(tm) =	ssettm $0x7FFFFFFF  }
0xd9: {  	_ =	shalt  }
tec
execute0_lowered:
.L_overlay_start_1:
0x0: {  	(tag) =	ssettag $0x1  }
0x1: {  	s6 =	rddreg [dreg:$0x0]  }
0x2: {  	s1 =	rddreg [dreg:$0x1]  }
0x3: {  	s2 =	rddreg [dreg:$0x2]  }
0x4: {  	s3 =	simm.s32 $0x0;
	s5 =	srdreg.scid;
	s0 =	stileid.u32  }
0x5: {  	s30 =	simm.s32 $0x8800;
	s14 =	simm.s32 $0x8880;
	s15 =	simm.s32 $0x8900  }
0x6: {  	s31 =	simm.s32 $0x8980;
	s16 =	simm.s32 $0x8A80;
	s17 =	simm.s32 $0x3  }
0x7: {  	s18 =	simm.s32 $0x4;
	[smem:$0x7FF] =	sst s3;
	s4 =	sadd.s32 $0xD000, s6  }
0x8: {  	s7 =	sadd.s32 $0x2D000, s6;
	_ =	strace $0x80000050;
	[dreg:$0x4] =	wrdreg s4  }
0x9: {  	s8 =	sand.u32 $0x1, s5;
	s9 =	smul.u32 $0x500, s0;
	[dreg:$0x5] =	wrdreg s7  }
0xa: {  	s5 =	sadd.s32 $0xAC00, s6;
	s20 =	smul.u32 $0x5000, s0;
	[dreg:$0xa] =	wrdreg s30  }
0xb: {  	s10 =	sshll.u32 s0, $0x8;
	s19 =	smul.u32 $0x280, s8;
	[dreg:$0xb] =	wrdreg s14  }
0xc: {  	s11 =	sshll.u32 s8, $0x7;
	s22 =	ssub.s32 $0x2, s8;
	[dreg:$0xc] =	wrdreg s15  }
0xd: {  	s13 =	smul.u32 $0x2800, s8;
	s14 =	simm.s32 $0x4800;
	[dreg:$0xd] =	wrdreg s31  }
0xe: {  	s15 =	simm.s32 $0x8A00;
	s10 =	sor.u32 s11, s10;
	s11 =	sadd.s32 s20, s6  }
0xf: {  	s23 =	sshrl.u32 s22, $0x1;
	s20 =	simm.s32 $0x8B80;
	s7 =	sadd.s32 s19, s9  }
0x10: {  	s21 =	sadd.s32 s10, s6;
	s10 =	ssub.s32 s22, s23;
	s25 =	sadd.s32 s13, s11  }
0x11: {  	s11 =	simm.s32 $0x5;
	s13 =	simm.s32 $0x800;
	s19 =	simm.s32 $0x8B00  }
0x12: {  	s22 =	simm.s32 $0x8C80;
	s23 =	simm.s32 $0x1;
	s7 =	sshrl.u32 s7, $0x3  }
0x13: {  	s8 =	smax.u32 s10, $0x1;
	s9 =	sadd.s32 $0x23B000, s25;
	s12 =	sadd.s32 s7, s6  }
0x14: {  	s10 =	sadd.s32 $0x28B000, s25;
	s25 =	simm.s32 $0x0;
	s24 =	sadd.s32 $0x23A600, s12  }
0x15: {  	s6 =	sadd.s32 $0xF2800, s21;
	s26 =	sadd.s32 $0x239C00, s12;
	[dreg:$0x6] =	wrdreg s24  }
0x16: {  	s7 =	sadd.s32 $0xF1800, s21;
	s28 =	sadd.s32 $0x239200, s12;
	[dreg:$0x7] =	wrdreg s26  }
0x17: {  	s21 =	simm.s32 $0x8C00;
	s29 =	sadd.s32 $0x238800, s12;
	[dreg:$0x8] =	wrdreg s28  }
0x18: {  	s12 =	simm.s32 $0x80;
	[dreg:$0x9] =	wrdreg s29;
	s24 =	simm.s32 $0x2  }
.LBB2_1:
0x19: {  	[tilespmem:s3], [sflag:$0x5] =	stream.linear.gather [hbm4b:s6+s3], $0x280, $0x38;
	[tilespmem:$0x8D00] =	vst v63  }
0x1a: {  	_ =	swait.ge [sflag:s11], $0x280  }
0x1b: {  	[sflag:s11] =	ssyncset.done $0x0  }
0x1c: {  	s26 =	simm.s32 $0x400;
	[sflag:s11] =	ssyncadd.s32 $0xFFFFFD80  }
0x1d: {  	[tilespmem:s26], [sflag:$0x5] =	stream.linear.gather [hbm4b:s7+s3], $0x280, $0x38;
	[tilespmem:$0x8D00] =	vst v63  }
0x1e: {  	_ =	swait.ge [sflag:s11], $0x280  }
0x1f: {  	s28 =	smov.u32 s10;
	s29 =	smov.u32 s9;
	[sflag:s11] =	ssyncset.done $0x0  }
0x20: {  	s30 =	simm.s32 $0x0;
	s31 =	simm.s32 $0x0;
	[sflag:s11] =	ssyncadd.s32 $0xFFFFFD80  }
.LBB2_2:
0x21: {  	s0 =	rddreg [dreg:$0x4]  }
0x22: {  	[tilespmem:s13], [sflag:$0x1] =	stream.indirect.gather [hbm4b:s0+s12], $0x80, s30, s12, $0xb8;
	[tilespmem:$0x8D00] =	vst v63  }
0x23: {  	s4 =	rddreg [dreg:$0x5]  }
0x24: {  	[tilespmem:s14], [sflag:$0x2] =	stream.indirect.gather [hbm4b:s4+s12], $0x80, s26, s12, $0xb8;
	[tilespmem:$0x8D00] =	vst v63  }
0x25: {  	s0 =	rddreg [dreg:$0xa]  }
0x26: {  	[tilespmem:s0], [sflag:$0x3] =	stream.indirect.gather [hbm4b:s5+s12], $0x1, s30, s12, $0xb8;
	[tilespmem:$0x8D00] =	vst v63  }
0x27: {  	s4 =	rddreg [dreg:$0xb]  }
0x28: {  	[tilespmem:s4], [sflag:$0x3] =	stream.indirect.gather [hbm4b:s1+s12], $0x1, s30, s12, $0xb8;
	[tilespmem:$0x8D00] =	vst v63  }
0x29: {  	s0 =	rddreg [dreg:$0xc]  }
0x2a: {  	[tilespmem:s0], [sflag:$0x3] =	stream.indirect.gather [hbm4b:s2+s12], $0x1, s30, s12, $0xb8;
	[tilespmem:$0x8D00] =	vst v63  }
0x2b: {  	s4 =	rddreg [dreg:$0xd]  }
0x2c: {  	[tilespmem:s4], [sflag:$0x4] =	stream.indirect.gather [hbm4b:s5+s12], $0x1, s26, s12, $0xb8;
	[tilespmem:$0x8D00] =	vst v63  }
0x2d: {  	_ = 	snop  }
0x2e: {  	[tilespmem:s15], [sflag:$0x4] =	stream.indirect.gather [hbm4b:s1+s12], $0x1, s26, s12, $0xb8;
	[tilespmem:$0x8D00] =	vst v63  }
0x2f: {  	_ = 	snop  }
0x30: {  	[tilespmem:s16], [sflag:$0x4] =	stream.indirect.gather [hbm4b:s2+s12], $0x1, s26, s12, $0xb8;
	[tilespmem:$0x8D00] =	vst v63  }
0x31: {  	_ =	swait.ge [sflag:s17], $0x80  }
0x32: {  	[sflag:s17] =	ssyncset.done $0x0  }
0x33: {  	[sflag:s17] =	ssyncadd.s32 $0xFFFFFF80  }
0x34: {  	_ =	swait.ge [sflag:s17], $0x80  }
0x35: {  	[sflag:s17] =	ssyncset.done $0x0  }
0x36: {  	[sflag:s17] =	ssyncadd.s32 $0xFFFFFF80  }
0x37: {  	_ =	swait.ge [sflag:s17], $0x80  }
0x38: {  	[sflag:s17] =	ssyncset.done $0x0  }
0x39: {  	[sflag:s17] =	ssyncadd.s32 $0xFFFFFF80  }
0x3a: {  	_ =	swait.ge [sflag:s18], $0x80  }
0x3b: {  	[sflag:s18] =	ssyncset.done $0x0  }
0x3c: {  	[sflag:s18] =	ssyncadd.s32 $0xFFFFFF80  }
0x3d: {  	_ =	swait.ge [sflag:s18], $0x80  }
0x3e: {  	[sflag:s18] =	ssyncset.done $0x0  }
0x3f: {  	[sflag:s18] =	ssyncadd.s32 $0xFFFFFF80  }
0x40: {  	_ =	swait.ge [sflag:s18], $0x80  }
0x41: {  	[sflag:s18] =	ssyncset.done $0x0  }
0x42: {  	[sflag:s18] =	ssyncadd.s32 $0xFFFFFF80  }
0x43: {  	v0 =	vld [tilespmem:$0x8800]  }
0x44: {  	v1 =	vld [tilespmem:$0x8980]  }
0x45: {  	v2 =	vld [tilespmem:$0x8880]  }
0x46: {  	v3 =	vld [tilespmem:$0x8A00]  }
0x47: {  	v4 =	vld [tilespmem:$0x8900]  }
0x48: {  	v5 =	vld [tilespmem:$0x8A80]  }
0x49: {  	v6 =	vld [tilespmem:$0x8810]  }
0x4a: {  	v7 =	vld [tilespmem:$0x8990]  }
0x4b: {  	v8 =	vld [tilespmem:$0x8890]  }
0x4c: {  	v9 =	vld [tilespmem:$0x8A10]  }
0x4d: {  	v10 =	vld [tilespmem:$0x8910]  }
0x4e: {  	v11 =	vld [tilespmem:$0x8A90]  }
0x4f: {  	v12 =	vld [tilespmem:$0x8820]  }
0x50: {  	v13 =	vld [tilespmem:$0x89A0]  }
0x51: {  	v14 =	vld [tilespmem:$0x88A0]  }
0x52: {  	v15 =	vld [tilespmem:$0x8A20]  }
0x53: {  	v16 =	vld [tilespmem:$0x8920]  }
0x54: {  	v17 =	vld [tilespmem:$0x8AA0]  }
0x55: {  	v18 =	vld [tilespmem:$0x8830]  }
0x56: {  	v19 =	vld [tilespmem:$0x89B0]  }
0x57: {  	v20 =	vld [tilespmem:$0x88B0]  }
0x58: {  	v36 =	vld [tilespmem:$0x8A30]  }
0x59: {  	v37 =	vld [tilespmem:$0x8930]  }
0x5a: {  	v22 =	vld [tilespmem:$0x8AB0]  }
0x5b: {  	v23 =	vld [tilespmem:$0x8840]  }
0x5c: {  	v24 =	vld [tilespmem:$0x89C0]  }
0x5d: {  	v41 =	vld [tilespmem:$0x88C0]  }
0x5e: {  	v43 =	vld [tilespmem:$0x8A40];
	v0 =	vsub.f32 v0, v1  }
0x5f: {  	v47 =	vld [tilespmem:$0x8940];
	v35 =	vsub.f32 v2, v3  }
0x60: {  	v50 =	vld [tilespmem:$0x8AC0];
	v4 =	vsub.f32 v4, v5;
	[tilespmem:$0x8B00] =	vst v0  }
0x61: {  	v53 =	vld [tilespmem:$0x8850];
	v6 =	vsub.f32 v6, v7;
	[tilespmem:$0x8B80] =	vst v35  }
0x62: {  	v56 =	vld [tilespmem:$0x89D0];
	v40 =	vsub.f32 v8, v9;
	[tilespmem:$0x8C00] =	vst v4  }
0x63: {  	v57 =	vld [tilespmem:$0x88D0];
	v44 =	vsub.f32 v10, v11;
	[tilespmem:$0x8B10] =	vst v6  }
0x64: {  	v60 =	vld [tilespmem:$0x8A50];
	v48 =	vsub.f32 v12, v13;
	[tilespmem:$0x8B90] =	vst v40  }
0x65: {  	v62 =	vld [tilespmem:$0x8950];
	v49 =	vsub.f32 v14, v15;
	[tilespmem:$0x8C10] =	vst v44  }
0x66: {  	v63 =	vld [tilespmem:$0x8AD0];
	v54 =	vsub.f32 v16, v17;
	[tilespmem:$0x8B20] =	vst v48  }
0x67: {  	v25 =	vld [tilespmem:$0x8860];
	v61 =	vsub.f32 v18, v19;
	[tilespmem:$0x8BA0] =	vst v49  }
0x68: {  	v27 =	vld [tilespmem:$0x89E0];
	v2 =	vsub.f32 v20, v36;
	[tilespmem:$0x8C20] =	vst v54  }
0x69: {  	v30 =	vld [tilespmem:$0x88E0];
	v3 =	vsub.f32 v37, v22;
	[tilespmem:$0x8B30] =	vst v61  }
0x6a: {  	v34 =	vld [tilespmem:$0x8A60];
	v26 =	vsub.f32 v23, v24;
	v38 =	vmul.f32 v0, v0;
	[tilespmem:$0x8BB0] =	vst v2  }
0x6b: {  	v31 =	vsub.f32 v47, v50;
	v47 =	vld [tilespmem:$0x8A70];
	v21 =	vmul.f32 v35, v35;
	v39 =	vmul.f32 v4, v4;
	[tilespmem:$0x8C30] =	vst v3  }
0x6c: {  	v7 =	vsub.f32 v57, v60;
	v50 =	vld [tilespmem:$0x8970];
	v45 =	vmul.f32 v6, v6;
	v46 =	vmul.f32 v40, v40;
	[tilespmem:$0x8B40] =	vst v26  }
0x6d: {  	v55 =	vmul.f32 v48, v48;
	v35 =	vld [tilespmem:$0x8960];
	v4 =	vsub.f32 v62, v63;
	[tilespmem:$0x8C40] =	vst v31;
	v5 =	vadd.f32 v21, v38  }
0x6e: {  	v15 =	vmul.f32 v49, v49;
	v40 =	vld [tilespmem:$0x8870];
	[tilespmem:$0x8BD0] =	vst v7;
	v51 =	vadd.f32 v46, v45;
	v45 =	vsub.f32 v25, v27  }
0x6f: {  	v52 =	vmul.f32 v44, v44;
	v44 =	vld [tilespmem:$0x88F0];
	v46 =	vsub.f32 v30, v34;
	[tilespmem:$0x8C50] =	vst v4  }
0x70: {  	v59 =	vmul.f32 v54, v54;
	v54 =	vld [tilespmem:$0x8AF0];
	v58 =	vadd.f32 v15, v55;
	v42 =	vadd.f32 v39, v5;
	[tilespmem:$0x8B60] =	vst v45  }
0x71: {  	v22 =	vmul.f32 v2, v2;
	v38 =	vld [tilespmem:$0x8AE0];
	v0 =	vadd.f32 v52, v51;
	[tilespmem:$0x8BE0] =	vst v46  }
0x72: {  	v21 =	vmul.f32 v61, v61;
	v1 =	vadd.f32 v59, v58;
	v5 =	vsub.f32 v41, v43;
	v41 =	vld [tilespmem:$0x89F0];
	[tilespmem:$0x8C80] =	vst v42  }
0x73: {  	v29 =	vmul.f32 v3, v3;
	v32 =	vmul.f32 v26, v26;
	[tilespmem:$0x8C90] =	vst v0  }
0x74: {  	v37 =	vmul.f32 v31, v31;
	v28 =	vadd.f32 v22, v21;
	v39 =	vsub.f32 v53, v56;
	[tilespmem:$0x8CA0] =	vst v1  }
0x75: {  	v43 =	vmul.f32 v7, v7;
	v52 =	vmul.f32 v45, v45;
	v57 =	vsub.f32 v44, v47;
	[tilespmem:$0x8BC0] =	vst v5  }
0x76: {  	v59 =	vsub.f32 v50, v54;
	v33 =	vmul.f32 v5, v5;
	v1 =	vadd.f32 v29, v28;
	[tilespmem:$0x8B50] =	vst v39  }
0x77: {  	v53 =	vmul.f32 v46, v46;
	v51 =	vsub.f32 v35, v38;
	[tilespmem:$0x8BF0] =	vst v57;
	v56 =	vsub.f32 v40, v41  }
0x78: {  	v42 =	vmul.f32 v39, v39;
	v61 =	vmul.f32 v57, v57;
	[tilespmem:$0x8C70] =	vst v59;
	v36 =	vadd.f32 v33, v32  }
0x79: {  	v2 =	vadd.f32 v53, v52;
	[tilespmem:$0x8CB0] =	vst v1;
	v55 =	vmul.f32 v51, v51;
	v60 =	vmul.f32 v56, v56  }
0x7a: {  	v49 =	vmul.f32 v4, v4;
	v48 =	vadd.f32 v43, v42;
	[tilespmem:$0x8C60] =	vst v51;
	v3 =	vadd.f32 v37, v36  }
0x7b: {  	v63 =	vmul.f32 v59, v59;
	v58 =	vadd.f32 v55, v2;
	[tilespmem:$0x8B70] =	vst v56;
	v62 =	vadd.f32 v61, v60  }
0x7c: {  	[tilespmem:$0x8CC0] =	vst v3;
	v3 =	vadd.f32 v49, v48  }
0x7d: {  	[tilespmem:$0x8CE0] =	vst v58;
	v0 =	vadd.f32 v63, v62  }
0x7e: {  	s4 =	rddreg [dreg:$0x9];
	[tilespmem:$0x8CD0] =	vst v3  }
0x7f: {  	s0 =	sadd.s32 s31, s4;
	[tilespmem:$0x8CF0] =	vst v0  }
0x80: {  	[hbm4b:s0+s3] =	stream.linear.scatter [tilespmem:s19], [sflag:$0x5], $0x80, $0x38;
	[tilespmem:$0x8D00] =	vst v63  }
0x81: {  	_ =	swait.ge [sflag:s11], $0x80  }
0x82: {  	s4 =	rddreg [dreg:$0x8];
	[sflag:s11] =	ssyncset.done $0x0  }
0x83: {  	[sflag:s11] =	ssyncadd.s32 $0xFFFFFF80;
	s0 =	sadd.s32 s31, s4  }
0x84: {  	[hbm4b:s0+s3] =	stream.linear.scatter [tilespmem:s20], [sflag:$0x5], $0x80, $0x38;
	[tilespmem:$0x8D00] =	vst v63  }
0x85: {  	_ =	swait.ge [sflag:s11], $0x80  }
0x86: {  	s4 =	rddreg [dreg:$0x7];
	[sflag:s11] =	ssyncset.done $0x0  }
0x87: {  	[sflag:s11] =	ssyncadd.s32 $0xFFFFFF80;
	s0 =	sadd.s32 s31, s4  }
0x88: {  	[hbm4b:s0+s3] =	stream.linear.scatter [tilespmem:s21], [sflag:$0x5], $0x80, $0x38;
	[tilespmem:$0x8D00] =	vst v63  }
0x89: {  	_ =	swait.ge [sflag:s11], $0x80  }
0x8a: {  	s4 =	rddreg [dreg:$0x6];
	[sflag:s11] =	ssyncset.done $0x0  }
0x8b: {  	[sflag:s11] =	ssyncadd.s32 $0xFFFFFF80;
	s0 =	sadd.s32 s31, s4  }
0x8c: {  	[hbm4b:s0+s3] =	stream.linear.scatter [tilespmem:s22], [sflag:$0x5], $0x80, $0x38;
	[tilespmem:$0x8D00] =	vst v63  }
0x8d: {  	_ =	swait.ge [sflag:s11], $0x80  }
0x8e: {  	[sflag:s11] =	ssyncset.done $0x0  }
0x8f: {  	[sflag:s11] =	ssyncadd.s32 $0xFFFFFF80  }
0x90: {  	_ =	swait.ge [sflag:s23], $0x4000  }
0x91: {  	[sflag:s23] =	ssyncset.done $0x0  }
0x92: {  	[sflag:s23] =	ssyncadd.s32 $0xFFFFC000  }
0x93: {  	_ =	swait.ge [sflag:s24], $0x4000  }
0x94: {  	[sflag:s24] =	ssyncset.done $0x0  }
0x95: {  	[sflag:s24] =	ssyncadd.s32 $0xFFFFC000  }
0x96: {  	[hbm4b:s29+s3] =	stream.linear.scatter [tilespmem:s13], [sflag:$0x5], $0x4000, $0x38;
	[tilespmem:$0x8D00] =	vst v63  }
0x97: {  	_ =	swait.ge [sflag:s11], $0x4000  }
0x98: {  	p0 =	sne.s32 s31, $0x40;
	[sflag:s11] =	ssyncset.done $0x0  }
.Ltmp0:
0x99: {  	[sflag:s11] =	ssyncadd.s32 $0xFFFFC000;
	(pc) =	sbr.rel @p0 .LBB2_2-.Ltmp0, $4  }
0x9a: {  	[hbm4b:s28+s3] =	stream.linear.scatter [tilespmem:s14], [sflag:$0x5], $0x4000, $0x38;
	[tilespmem:$0x8D00] =	vst v63  }
0x9b: {  	s30 =	sadd.s32 $0x80, s30;
	_ =	swait.ge [sflag:s11], $0x4000  }
0x9c: {  	s26 =	sadd.s32 $0x80, s26;
	s31 =	sadd.s32 $0x10, s31;
	[sflag:s11] =	ssyncset.done $0x0  }
0x9d: {  	s29 =	sadd.s32 $0x800, s29;
	s28 =	sadd.s32 $0x800, s28;
	[sflag:s11] =	ssyncadd.s32 $0xFFFFC000  }
0x9e: {  	s25 =	sadd.s32 $0x1, s25  }
0x9f: {  	p0 =	sne.s32 s25, s8  }
.Ltmp1:
0xa0: {  	_ = 	snop;
	(pc) =	sbr.rel @p0 .LBB2_1-.Ltmp1, $1  }
0xa1: {  	_ =	sdelay $0x3  }
0xa2: {  	_ =	sfence.sel $0x180000  }
0xa3: {  	[bflag:$0x0] =	sbarrier.arrive $0xFFFF  }
0xa4: {  	_ =	strace $0x90000050  }
0xa5: {  	s0 =	stileid.u32;
	[bflag:$0x2] =	sbarrier.arrive $0xFFFF  }
0xa6: {  	p0 =	sne.s32 s0, $0x0;
	s0 =	rddreg [dreg:$0x3]  }
0xa7: {  	s0 =	sadd.s32 @!p0 $0x100000, s0  }
0xa8: {  	[sflag:s0] =	ssyncadd.tile.s32 @!p0 $0x1;
	_ =	shalt  }
.Lfunc_end2:
_tile_overlayer_lowered:
.L_overlay_start_2:
0xa9: {  	(tag) =	ssettag $0x2  }
0xaa: {  	s0 =	rddreg [dreg:$0x0];
	s2 =	stileid.u32  }
0xab: {  	s1 =	rddreg [dreg:$0x1];
	p0 =	sne.s32 s2, $0x0  }
0xac: {  	s3 =	rddreg [dreg:$0x2];
	[bflag:$0x3] =	sbarrier.arrive $0xFFFF;
	s2 =	simm.s32 @!p0 $0x1C05  }
0xad: {  	[timem:s3], [sflag:s2] =	dma.local @!p0 [hbm:s0], s1  }
0xae: {  	s0 =	simm.s32 @!p0 $0x5  }
0xaf: {  	_ =	swait.ge @!p0 [sflag:s0], s1  }
0xb0: {  	s1 =	ssub.s32 @!p0 $0x0, s1;
	[sflag:s0] =	ssyncset.done @!p0 $0x0  }
0xb1: {  	[sflag:s0] =	ssyncadd.s32 @!p0 s1  }
0xb2: {  	[bflag:$0x3] =	sbarrier.arrive $0xFFFF  }
0xb3: {  	_ =	shalt  }

</sc_bundles>
